<compile_context>
chip_gen: v7x
topology: tpu7x:2x2x1
jax: 0.10.2.dev20260603
libtpu: 0.0.44.dev20260713+nightly
codegen_flags: <defaults>
</compile_context>

<pallas_src>
import functools
import math

import jax
import jax.numpy as jnp
from jax import lax
from jax.experimental import pallas as pl
from jax.experimental.pallas import tpu as pltpu
from jax.experimental.pallas import tpu_sc as plsc

N = 10000
E = 160000
NC = 2
NS = 16
NW = NC * NS
CH = 125
CPW = E // (NW * CH)
NPAD = 10240
RPT = NPAD // NS


def _make_segsum(d):
  mesh = plsc.VectorSubcoreMesh(core_axis_name="c", subcore_axis_name="s")
  nbuf = 2 if d == 128 else 4

  @functools.partial(
      pl.kernel,
      mesh=mesh,
      compiler_params=pltpu.CompilerParams(use_tc_tiling_on_sc=(d == 128)),
      out_type=jax.ShapeDtypeStruct((NC, N, d), jnp.float32),
      scratch_types=[
          pltpu.VMEM((CPW, CH), jnp.int32),
          pltpu.VMEM((CPW, CH), jnp.int32),
          pltpu.VMEM((nbuf, CH, d), jnp.float32),
          pltpu.VMEM_SHARED((NPAD, d), jnp.float32),
          pltpu.SemaphoreType.DMA,
          pltpu.SemaphoreType.DMA,
      ],
  )
  def seg(g_hbm, srcr_hbm, dstr_hbm, zeros_hbm, out_hbm,
          src_v, dst_v, rows_v, acc_sh, sem, sem2):
    c = lax.axis_index("c")
    s = lax.axis_index("s")
    w = s * NC + c
    zc = pltpu.async_copy(zeros_hbm.at[pl.ds(s * RPT, RPT)],
                          acc_sh.at[pl.ds(s * RPT, RPT)], sem)
    ic = pltpu.async_copy(srcr_hbm.at[pl.ds(w * CPW, CPW)], src_v, sem)
    jc = pltpu.async_copy(dstr_hbm.at[pl.ds(w * CPW, CPW)], dst_v, sem)
    zc.wait()
    ic.wait()
    jc.wait()
    plsc.subcore_barrier()

    for k in range(nbuf - 1):
      pltpu.async_copy(g_hbm.at[src_v.at[k]], rows_v.at[k], sem)

    def body(j, carry):
      @pl.when(j > 0)
      def _():
        pltpu.make_async_copy(rows_v.at[(j - 1) % nbuf],
                              acc_sh.at[dst_v.at[j - 1]], sem2).wait()

      @pl.when(j + nbuf - 1 < CPW)
      def _():
        pltpu.async_copy(g_hbm.at[src_v.at[j + nbuf - 1]],
                         rows_v.at[(j + nbuf - 1) % nbuf], sem)
      pltpu.make_async_copy(g_hbm.at[src_v.at[j]],
                            rows_v.at[j % nbuf], sem).wait()
      pltpu.async_copy(rows_v.at[j % nbuf], acc_sh.at[dst_v.at[j]], sem2,
                       add=True)
      return carry

    lax.fori_loop(0, CPW, body, 0)
    pltpu.make_async_copy(rows_v.at[(CPW - 1) % nbuf],
                          acc_sh.at[dst_v.at[CPW - 1]], sem2).wait()
    plsc.subcore_barrier()

    @pl.when(s < NS - 1)
    def _():
      pltpu.sync_copy(acc_sh.at[pl.ds(s * RPT, RPT)],
                      out_hbm.at[c, pl.ds(s * RPT, RPT)])

    @pl.when(s == NS - 1)
    def _():
      pltpu.sync_copy(acc_sh.at[pl.ds((NS - 1) * RPT, N - (NS - 1) * RPT)],
                      out_hbm.at[c, pl.ds((NS - 1) * RPT, N - (NS - 1) * RPT)])

  return seg


_BM = 2000


def _tc_fused(A, Wa, bias, B=None, Wb=None, P=None, Pw=None,
              temb=None, Wt=None, bt=None, relu=True):
  dO = Wa.shape[1] if Wa is not None else A.shape[1]
  grid = (N // _BM,)

  in_specs = [pl.BlockSpec((_BM, A.shape[1]), lambda i: (i, 0))]
  args = [A]
  if Wa is not None:
    in_specs += [pl.BlockSpec(Wa.shape, lambda i: (0, 0))]
    args += [Wa]
  in_specs += [pl.BlockSpec((1, dO), lambda i: (0, 0))]
  args += [bias.reshape(1, dO)]
  if B is not None:
    in_specs += [pl.BlockSpec((_BM, B.shape[1]), lambda i: (i, 0)),
                 pl.BlockSpec(Wb.shape, lambda i: (0, 0))]
    args += [B, Wb]
  if P is not None:
    in_specs += [pl.BlockSpec((2, _BM, P.shape[2]), lambda i: (0, i, 0))]
    args += [P]
    if Pw is not None:
      in_specs += [pl.BlockSpec(Pw.shape, lambda i: (0, 0))]
      args += [Pw]
  if temb is not None:
    in_specs += [pl.BlockSpec(temb.shape, lambda i: (0, 0)),
                 pl.BlockSpec(Wt.shape, lambda i: (0, 0)),
                 pl.BlockSpec((1, dO), lambda i: (0, 0))]
    args += [temb, Wt, bt.reshape(1, dO)]

  has_Wa = Wa is not None
  has_B = B is not None
  has_P = P is not None
  has_Pw = Pw is not None
  has_t = temb is not None

  def body(*refs):
    it = iter(refs)
    a_ref = next(it)
    if has_Wa:
      wa_ref = next(it)
    b_ref = next(it)
    if has_Wa:
      acc = jnp.dot(a_ref[...], wa_ref[...],
                    preferred_element_type=jnp.float32)
    else:
      acc = a_ref[...]
    if has_B:
      bm_ref = next(it); wb_ref = next(it)
      acc += jnp.dot(bm_ref[...], wb_ref[...],
                     preferred_element_type=jnp.float32)
    if has_P:
      p_ref = next(it)
      psum = p_ref[0] + p_ref[1]
      if has_Pw:
        pw_ref = next(it)
        acc += jnp.dot(psum, pw_ref[...], preferred_element_type=jnp.float32)
      else:
        acc += psum
    acc += b_ref[...]
    if relu:
      acc = jnp.maximum(acc, 0.0)
    if has_t:
      t_ref = next(it); wt_ref = next(it); bt_ref = next(it)
      tv = jnp.dot(t_ref[...], wt_ref[...],
                   preferred_element_type=jnp.float32)
      acc += tv[0:1, :] + bt_ref[...]
    out_ref = next(it)
    out_ref[...] = acc

  return pl.pallas_call(
      body,
      grid=grid,
      in_specs=in_specs,
      out_specs=pl.BlockSpec((_BM, dO), lambda i: (i, 0)),
      out_shape=jax.ShapeDtypeStruct((N, dO), jnp.float32),
  )(*args)


def _row(v):
  return v.reshape(1, -1)


def _psum(p_ref):
  return p_ref[0] + p_ref[1]


def _wspec(W):
  return pl.BlockSpec(W.shape, lambda i: tuple(0 for _ in W.shape))


def _mspec(arr):
  return pl.BlockSpec((_BM, arr.shape[1]), lambda i: (i, 0))


def _pspec(P):
  return pl.BlockSpec((2, _BM, P.shape[2]), lambda i: (0, i, 0))


def _oshape(dO):
  return jax.ShapeDtypeStruct((N, dO), jnp.float32)


def _post3_g4(h3, P, Wn3, b3, temb_p, Wt, bt, Wn4):
  def body(h_ref, p_ref, wn3_ref, b3_ref, t_ref, wt_ref, bt_ref, wn4_ref,
           e3_ref, g4_ref):
    acc = h_ref[...] + jnp.dot(_psum(p_ref), wn3_ref[...],
                               preferred_element_type=jnp.float32)
    acc = jnp.maximum(acc + b3_ref[...], 0.0)
    tv = jnp.dot(t_ref[...], wt_ref[...], preferred_element_type=jnp.float32)
    e3 = acc + tv[0:1, :] + bt_ref[...]
    e3_ref[...] = e3
    g4_ref[...] = jnp.dot(e3, wn4_ref[...], preferred_element_type=jnp.float32)

  return pl.pallas_call(
      body, grid=(N // _BM,),
      in_specs=[_mspec(h3), _pspec(P), _wspec(Wn3), _wspec(_row(b3)),
                _wspec(temb_p), _wspec(Wt), _wspec(_row(bt)), _wspec(Wn4)],
      out_specs=[_mspec(h3), pl.BlockSpec((_BM, 128), lambda i: (i, 0))],
      out_shape=[_oshape(256), _oshape(128)],
  )(h3, P, Wn3, _row(b3), temb_p, Wt, _row(bt), Wn4)


def _post4_d4c_g5(h4, P4, b4, Wc4a, e2, Wc4b, bc4, Wn5):
  def body(h_ref, p_ref, b4_ref, wa_ref, e2_ref, wb_ref, bc_ref, wn5_ref,
           d4_ref, g5_ref):
    tmp = jnp.maximum(h_ref[...] + _psum(p_ref) + b4_ref[...], 0.0)
    acc = (jnp.dot(tmp, wa_ref[...], preferred_element_type=jnp.float32)
           + jnp.dot(e2_ref[...], wb_ref[...],
                     preferred_element_type=jnp.float32))
    d4c = jnp.maximum(acc + bc_ref[...], 0.0)
    d4_ref[...] = d4c
    g5_ref[...] = jnp.dot(d4c, wn5_ref[...],
                          preferred_element_type=jnp.float32)

  return pl.pallas_call(
      body, grid=(N // _BM,),
      in_specs=[_mspec(h4), _pspec(P4), _wspec(_row(b4)), _wspec(Wc4a),
                _mspec(e2), _wspec(Wc4b), _wspec(_row(bc4)), _wspec(Wn5)],
      out_specs=[_mspec(h4), pl.BlockSpec((_BM, 96), lambda i: (i, 0))],
      out_shape=[_oshape(128), _oshape(96)],
  )(h4, P4, _row(b4), Wc4a, e2, Wc4b, _row(bc4), Wn5)


def _post5_d5c(h5, P5, b5, Wc5a, e1, Wc5b, bc5):
  def body(h_ref, p_ref, b5_ref, wa_ref, e1_ref, wb_ref, bc_ref, d5_ref):
    tmp = jnp.maximum(h_ref[...] + _psum(p_ref) + b5_ref[...], 0.0)
    acc = (jnp.dot(tmp, wa_ref[...], preferred_element_type=jnp.float32)
           + jnp.dot(e1_ref[...], wb_ref[...],
                     preferred_element_type=jnp.float32))
    d5_ref[...] = jnp.maximum(acc + bc_ref[...], 0.0)

  return pl.pallas_call(
      body, grid=(N // _BM,),
      in_specs=[_mspec(h5), _pspec(P5), _wspec(_row(b5)), _wspec(Wc5a),
                _mspec(e1), _wspec(Wc5b), _wspec(_row(bc5))],
      out_specs=_mspec(h5),
      out_shape=_oshape(96),
  )(h5, P5, _row(b5), Wc5a, e1, Wc5b, _row(bc5))


def _post6_final(h6, P6, Wn6, b6, Wc6a, e0, Wc6b, bc6, Wf, bf):
  def body(h_ref, p_ref, wn6_ref, b6_ref, wa_ref, e0_ref, wb_ref, bc_ref,
           wf_ref, bf_ref, o_ref):
    tmp = h_ref[...] + jnp.dot(_psum(p_ref), wn6_ref[...],
                               preferred_element_type=jnp.float32)
    tmp = jnp.maximum(tmp + b6_ref[...], 0.0)
    acc = (jnp.dot(tmp, wa_ref[...], preferred_element_type=jnp.float32)
           + jnp.dot(e0_ref[...], wb_ref[...],
                     preferred_element_type=jnp.float32))
    u = jnp.maximum(acc + bc_ref[...], 0.0)
    o_ref[...] = jnp.dot(u, wf_ref[...],
                         preferred_element_type=jnp.float32) + bf_ref[...]

  return pl.pallas_call(
      body, grid=(N // _BM,),
      in_specs=[_mspec(h6), _pspec(P6), _wspec(Wn6), _wspec(_row(b6)),
                _wspec(Wc6a), _mspec(e0), _wspec(Wc6b), _wspec(_row(bc6)),
                _wspec(Wf), _wspec(_row(bf))],
      out_specs=pl.BlockSpec((_BM, 256), lambda i: (i, 0)),
      out_shape=_oshape(256),
  )(h6, P6, Wn6, _row(b6), Wc6a, e0, Wc6b, _row(bc6), Wf, _row(bf))


def kernel(x, edge_index, t, W0, Ws1, Wn1, Ws2, Wn2, Ws3, Wn3, Wt, Ws4, Wn4,
           Wc4, Ws5, Wn5, Wc5, Ws6, Wn6, Wc6, Wf, b0, b1, b2, b3, bt, b4,
           bc4, b5, bc5, b6, bc6, bf):
  srcr = edge_index[0].reshape(NW * CPW, CH)
  dstr = edge_index[1].reshape(NW * CPW, CH)

  zeros = {dd: jnp.zeros((NPAD, dd), jnp.float32) for dd in (32, 64, 96, 128)}
  segk = {dd: _make_segsum(dd) for dd in (32, 64, 96, 128)}

  def seg(g, dd):
    return segk[dd](g, srcr, dstr, zeros[dd])

  half = 128 // 2
  freqs = jnp.exp(-math.log(10000.0)
                  * jnp.arange(half, dtype=jnp.float32) / (half - 1))
  a = jnp.float32(t) * freqs
  temb = jnp.concatenate([jnp.sin(a), jnp.cos(a)])
  temb_p = jnp.zeros((8, 128), jnp.float32).at[0].set(temb)

  def z(dd):
    return jnp.zeros((dd,), jnp.float32)

  e0 = _tc_fused(x, W0, b0)
  p1 = seg(e0, 32)
  h1 = _tc_fused(e0, Ws1, z(64), relu=False)
  e1 = _tc_fused(h1, None, b1, P=p1, Pw=Wn1)
  p2 = seg(e1, 64)
  h2 = _tc_fused(e1, Ws2, z(128), relu=False)
  e2 = _tc_fused(h2, None, b2, P=p2, Pw=Wn2)
  p3 = seg(e2, 128)
  h3 = _tc_fused(e2, Ws3, z(256), relu=False)
  e3, g4 = _post3_g4(h3, p3, Wn3, b3, temb_p, Wt, bt, Wn4)
  p4 = seg(g4, 128)
  h4 = _tc_fused(e3, Ws4, z(128), relu=False)
  d4, g5 = _post4_d4c_g5(h4, p4, b4, Wc4[:128], e2, Wc4[128:], bc4, Wn5)
  p5 = seg(g5, 96)
  h5 = _tc_fused(d4, Ws5, z(96), relu=False)
  d5 = _post5_d5c(h5, p5, b5, Wc5[:96], e1, Wc5[96:], bc5)
  p6 = seg(d5, 96)
  h6 = _tc_fused(d5, Ws6, z(96), relu=False)
  return _post6_final(h6, p6, Wn6, b6, Wc6[:96], e0, Wc6[96:], bc6, Wf, bf)

# --- scband reference (transcript-rebuilt; emitter-appended) ---
"""Pipeline reference for scband-mink-unet-multi-resolution-diffusion-70806830842213 (READ-ONLY COPY).

The authoritative reference and input builder live on the scoring server;
editing this copy changes nothing except your own understanding.
"""

import jax, jax.numpy as jnp
import numpy as np
import math

N_NODES = 10000
N_EDGES = 160000
D_IN = 256
D_OUT = 256
TDIM = 128

_W_SPECS = [("W0", (256, 32)), ("Ws1", (32, 64)), ("Wn1", (32, 64)), ("Ws2", (64, 128)), ("Wn2", (64, 128)), ("Ws3", (128, 256)), ("Wn3", (128, 256)), ("Wt", (128, 256)), ("Ws4", (256, 128)), ("Wn4", (256, 128)), ("Wc4", (256, 128)), ("Ws5", (128, 96)), ("Wn5", (128, 96)), ("Wc5", (160, 96)), ("Ws6", (96, 96)), ("Wn6", (96, 96)), ("Wc6", (128, 96)), ("Wf", (96, 256))]
_B_SPECS = [("b0", 32), ("b1", 64), ("b2", 128), ("b3", 256), ("bt", 256), ("b4", 128), ("bc4", 128), ("b5", 96), ("bc5", 96), ("b6", 96), ("bc6", 96), ("bf", 256)]


def setup_inputs(seed: int = 0):
    key = jax.random.key(seed)
    ks = jax.random.split(key, 4 + len(_W_SPECS))
    d = {}
    d["x"] = jax.random.normal(ks[0], (N_NODES, D_IN), dtype=jnp.float32)
    d["edge_index"] = jax.random.randint(ks[1], (2, N_EDGES), 0, N_NODES, dtype=jnp.int32)
    d["t"] = 500
    for i, (name, shp) in enumerate(_W_SPECS):
        d[name] = jax.random.normal(ks[2 + i], shp, dtype=jnp.float32) / np.sqrt(shp[0])
    for name, dim in _B_SPECS:
        d[name] = jnp.zeros((dim,), dtype=jnp.float32)
    return d


def _time_emb(t, dim):
    half = dim // 2
    freqs = jnp.exp(-math.log(10000.0) * jnp.arange(half, dtype=jnp.float32) / (half - 1))
    a = t * freqs
    return jnp.concatenate([jnp.sin(a), jnp.cos(a)])


def _fwd(x, W0, b0, Ws1, Wn1, b1, Ws2, Wn2, b2, Ws3, Wn3, b3, Wt, bt, Ws4, Wn4, b4, Wc4, bc4, Ws5, Wn5, b5, Wc5, bc5, Ws6, Wn6, b6, Wc6, bc6, Wf, bf, edge_index, t):
    src, dst = edge_index[0], edge_index[1]
    N = x.shape[0]

    def mp(h, Ws, Wn, b):
        agg = jax.ops.segment_sum(h[src], dst, num_segments=N)
        return jax.nn.relu(h @ Ws + agg @ Wn + b)

    e0 = jax.nn.relu(x @ W0 + b0)
    e1 = mp(e0, Ws1, Wn1, b1)
    e2 = mp(e1, Ws2, Wn2, b2)
    e3 = mp(e2, Ws3, Wn3, b3)
    temb = _time_emb(jnp.float32(t), TDIM)
    e3 = e3 + (temb @ Wt + bt)[None, :]
    d4 = mp(e3, Ws4, Wn4, b4)
    d4 = jax.nn.relu(jnp.concatenate([d4, e2], axis=-1) @ Wc4 + bc4)
    d5 = mp(d4, Ws5, Wn5, b5)
    d5 = jax.nn.relu(jnp.concatenate([d5, e1], axis=-1) @ Wc5 + bc5)
    d6 = mp(d5, Ws6, Wn6, b6)
    d6 = jax.nn.relu(jnp.concatenate([d6, e0], axis=-1) @ Wc6 + bc6)
    return d6 @ Wf + bf


def reference(x, edge_index, t, W0, Ws1, Wn1, Ws2, Wn2, Ws3, Wn3, Wt, Ws4, Wn4, Wc4, Ws5, Wn5, Wc5, Ws6, Wn6, Wc6, Wf, b0, b1, b2, b3, bt, b4, bc4, b5, bc5, b6, bc6, bf):
    return _fwd(x, W0, b0, Ws1, Wn1, b1, Ws2, Wn2, b2, Ws3, Wn3, b3, Wt, bt, Ws4, Wn4, b4, Wc4, bc4, Ws5, Wn5, b5, Wc5, bc5, Ws6, Wn6, b6, Wc6, bc6, Wf, bf, edge_index, t)

if __name__ == "__main__":
    import jax
    _d = setup_inputs()
    print(jax.jit(kernel)(*tuple(_d.values())))

</pallas_src>

<mosaic_0001>
#map = affine_map<(d0, d1) -> (0, 0)>
#map1 = affine_map<(d0, d1) -> (0, 0, 0)>
module attributes {stable_mosaic.version = 14 : i64} {
  func.func @seg(%arg0: i32, %arg1: i32, %arg2: memref<10000x32xf32, #tpu.memory_space<hbm>>, %arg3: memref<1280x125xi32, #tpu.memory_space<hbm>>, %arg4: memref<1280x125xi32, #tpu.memory_space<hbm>>, %arg5: memref<10240x32xf32, #tpu.memory_space<hbm>>, %arg6: memref<2x10000x32xf32, #tpu.memory_space<hbm>>, %arg7: memref<40x125xi32, #tpu.memory_space<vmem>>, %arg8: memref<40x125xi32, #tpu.memory_space<vmem>>, %arg9: memref<4x125x32xf32, #tpu.memory_space<vmem>>, %arg10: memref<10240x32xf32, #tpu.memory_space<vmem_shared>>, %arg11: memref<!tpu.dma_semaphore, #tpu.memory_space<semaphore_mem>>, %arg12: memref<!tpu.dma_semaphore, #tpu.memory_space<semaphore_mem>>) attributes {dimension_semantics = [#tpu.dimension_semantics<core_parallel>, #tpu.dimension_semantics<subcore_parallel>], iteration_bounds = array<i64: 2, 16>, scalar_prefetch = 0 : i64, scratch_operands = 6 : i64, tpu.core_type = #tpu.core_type<sc_vector_subcore>, window_params = [{transform_indices = #map}, {transform_indices = #map}, {transform_indices = #map}, {transform_indices = #map}, {transform_indices = #map1}]} {
    %mul3A = arith.constant 2 : i32
    %mul3A_0 = arith.muli %arg1, %mul3A : i32
    %add3A = arith.addi %mul3A_0, %arg0 : i32
    %mul3A_1 = arith.constant 640 : i32
    %mul3A_2 = arith.muli %arg1, %mul3A_1 : i32
    %mul3A_3 = arith.constant 640 : i32
    %mul3A_4 = arith.muli %arg1, %mul3A_3 : i32
    %dma_start3A = arith.constant 0 : i32
    %dma_start3A_5 = tpu.memref_slice %arg10[%mul3A_4, %dma_start3A] : memref<10240x32xf32, #tpu.memory_space<vmem_shared>> -> memref<640x32xf32, #tpu.memory_space<vmem_shared>>
    %dma_start3A_6 = arith.constant 0 : i32
    %dma_start3A_7 = tpu.memref_slice %arg5[%mul3A_2, %dma_start3A_6] : memref<10240x32xf32, #tpu.memory_space<hbm>> -> memref<640x32xf32, #tpu.memory_space<hbm>>
    tpu.enqueue_dma source(%dma_start3A_7 : memref<640x32xf32, #tpu.memory_space<hbm>>) target(%dma_start3A_5 : memref<640x32xf32, #tpu.memory_space<vmem_shared>>) target_semaphore(%arg11 : memref<!tpu.dma_semaphore, #tpu.memory_space<semaphore_mem>>)
    %mul3A_8 = arith.constant 40 : i32
    %mul3A_9 = arith.muli %add3A, %mul3A_8 : i32
    %dma_start3A_10 = arith.constant 0 : i32
    %dma_start3A_11 = tpu.memref_slice %arg3[%mul3A_9, %dma_start3A_10] : memref<1280x125xi32, #tpu.memory_space<hbm>> -> memref<40x125xi32, #tpu.memory_space<hbm>>
    %dma_start3A_12 = arith.constant 0 : i32
    %dma_start3A_13 = tpu.memref_slice %arg3[%mul3A_9, %dma_start3A_12] : memref<1280x125xi32, #tpu.memory_space<hbm>> -> memref<40x125xi32, #tpu.memory_space<hbm>>
    tpu.enqueue_dma source(%dma_start3A_13 : memref<40x125xi32, #tpu.memory_space<hbm>>) target(%arg7 : memref<40x125xi32, #tpu.memory_space<vmem>>) target_semaphore(%arg11 : memref<!tpu.dma_semaphore, #tpu.memory_space<semaphore_mem>>)
    %mul3A_14 = arith.constant 40 : i32
    %mul3A_15 = arith.muli %add3A, %mul3A_14 : i32
    %dma_start3A_16 = arith.constant 0 : i32
    %dma_start3A_17 = tpu.memref_slice %arg4[%mul3A_15, %dma_start3A_16] : memref<1280x125xi32, #tpu.memory_space<hbm>> -> memref<40x125xi32, #tpu.memory_space<hbm>>
    %dma_start3A_18 = arith.constant 0 : i32
    %dma_start3A_19 = tpu.memref_slice %arg4[%mul3A_15, %dma_start3A_18] : memref<1280x125xi32, #tpu.memory_space<hbm>> -> memref<40x125xi32, #tpu.memory_space<hbm>>
    tpu.enqueue_dma source(%dma_start3A_19 : memref<40x125xi32, #tpu.memory_space<hbm>>) target(%arg8 : memref<40x125xi32, #tpu.memory_space<vmem>>) target_semaphore(%arg11 : memref<!tpu.dma_semaphore, #tpu.memory_space<semaphore_mem>>)
    %dma_wait3A = arith.constant 0 : i32
    %dma_wait3A_20 = tpu.memref_slice %arg10[%mul3A_4, %dma_wait3A] : memref<10240x32xf32, #tpu.memory_space<vmem_shared>> -> memref<640x32xf32, #tpu.memory_space<vmem_shared>>
    %dma_wait3A_21 = arith.constant 0 : i32
    %dma_wait3A_22 = tpu.memref_slice %arg5[%mul3A_2, %dma_wait3A_21] : memref<10240x32xf32, #tpu.memory_space<hbm>> -> memref<640x32xf32, #tpu.memory_space<hbm>>
    tpu.wait_dma2 semaphore(%arg11 : memref<!tpu.dma_semaphore, #tpu.memory_space<semaphore_mem>>) src(%dma_wait3A_22 : memref<640x32xf32, #tpu.memory_space<hbm>>) dst(%dma_wait3A_20 : memref<640x32xf32, #tpu.memory_space<vmem_shared>>)
    %dma_wait3A_23 = arith.constant 0 : i32
    %dma_wait3A_24 = tpu.memref_slice %arg3[%mul3A_9, %dma_wait3A_23] : memref<1280x125xi32, #tpu.memory_space<hbm>> -> memref<40x125xi32, #tpu.memory_space<hbm>>
    %dma_wait3A_25 = arith.constant 0 : i32
    %dma_wait3A_26 = tpu.memref_slice %arg3[%mul3A_9, %dma_wait3A_25] : memref<1280x125xi32, #tpu.memory_space<hbm>> -> memref<40x125xi32, #tpu.memory_space<hbm>>
    tpu.wait_dma2 semaphore(%arg11 : memref<!tpu.dma_semaphore, #tpu.memory_space<semaphore_mem>>) src(%dma_wait3A_26 : memref<40x125xi32, #tpu.memory_space<hbm>>) dst(%arg7 : memref<40x125xi32, #tpu.memory_space<vmem>>)
    %dma_wait3A_27 = arith.constant 0 : i32
    %dma_wait3A_28 = tpu.memref_slice %arg4[%mul3A_15, %dma_wait3A_27] : memref<1280x125xi32, #tpu.memory_space<hbm>> -> memref<40x125xi32, #tpu.memory_space<hbm>>
    %dma_wait3A_29 = arith.constant 0 : i32
    %dma_wait3A_30 = tpu.memref_slice %arg4[%mul3A_15, %dma_wait3A_29] : memref<1280x125xi32, #tpu.memory_space<hbm>> -> memref<40x125xi32, #tpu.memory_space<hbm>>
    tpu.wait_dma2 semaphore(%arg11 : memref<!tpu.dma_semaphore, #tpu.memory_space<semaphore_mem>>) src(%dma_wait3A_30 : memref<40x125xi32, #tpu.memory_space<hbm>>) dst(%arg8 : memref<40x125xi32, #tpu.memory_space<vmem>>)
    %barrier3A = arith.constant 0 : index
    tpu.barrier barrier_id(%barrier3A)
    %dma_start3A_31 = arith.constant 0 : i32
    %dma_start3A_32 = arith.constant 0 : i32
    %dma_start3A_33 = arith.constant 0 : i32
    %dma_start3A_34 = arith.constant 0 : i32
    %dma_start3A_35 = tpu.memref_slice %arg9[%dma_start3A_32, %dma_start3A_33, %dma_start3A_34] : memref<4x125x32xf32, #tpu.memory_space<vmem>> -> memref<1x125x32xf32, #tpu.memory_space<vmem>>
    %dma_start3A_36 = tpu.memref_squeeze %dma_start3A_35 : memref<1x125x32xf32, #tpu.memory_space<vmem>> -> memref<125x32xf32, #tpu.memory_space<vmem>>
    %dma_start3A_37 = arith.constant 0 : i32
    %dma_start3A_38 = tpu.memref_slice %arg7[%dma_start3A_31, %dma_start3A_37] : memref<40x125xi32, #tpu.memory_space<vmem>> -> memref<1x125xi32, #tpu.memory_space<vmem>>
    %dma_start3A_39 = tpu.memref_squeeze %dma_start3A_38 : memref<1x125xi32, #tpu.memory_space<vmem>> -> memref<125xi32, #tpu.memory_space<vmem>>
    %dma_start3A_40 = arith.constant 0 : i32
    %dma_start3A_41 = arith.constant 0 : i32
    %dma_start3A_42 = tpu.memref_slice %arg2[%dma_start3A_40, %dma_start3A_41] : memref<10000x32xf32, #tpu.memory_space<hbm>> -> memref<10000x32xf32, #tpu.memory_space<hbm>>
    tpu.enqueue_indirect_dma source(%dma_start3A_42 : memref<10000x32xf32, #tpu.memory_space<hbm>>) target(%dma_start3A_36 : memref<125x32xf32, #tpu.memory_space<vmem>>) offsets(%dma_start3A_39 : memref<125xi32, #tpu.memory_space<vmem>>) semaphore(%arg11 : memref<!tpu.dma_semaphore, #tpu.memory_space<semaphore_mem>>)
    %dma_start3A_43 = arith.constant 1 : i32
    %dma_start3A_44 = arith.constant 1 : i32
    %dma_start3A_45 = arith.constant 0 : i32
    %dma_start3A_46 = arith.constant 0 : i32
    %dma_start3A_47 = tpu.memref_slice %arg9[%dma_start3A_44, %dma_start3A_45, %dma_start3A_46] : memref<4x125x32xf32, #tpu.memory_space<vmem>> -> memref<1x125x32xf32, #tpu.memory_space<vmem>>
    %dma_start3A_48 = tpu.memref_squeeze %dma_start3A_47 : memref<1x125x32xf32, #tpu.memory_space<vmem>> -> memref<125x32xf32, #tpu.memory_space<vmem>>
    %dma_start3A_49 = arith.constant 0 : i32
    %dma_start3A_50 = tpu.memref_slice %arg7[%dma_start3A_43, %dma_start3A_49] : memref<40x125xi32, #tpu.memory_space<vmem>> -> memref<1x125xi32, #tpu.memory_space<vmem>>
    %dma_start3A_51 = tpu.memref_squeeze %dma_start3A_50 : memref<1x125xi32, #tpu.memory_space<vmem>> -> memref<125xi32, #tpu.memory_space<vmem>>
    %dma_start3A_52 = arith.constant 0 : i32
    %dma_start3A_53 = arith.constant 0 : i32
    %dma_start3A_54 = tpu.memref_slice %arg2[%dma_start3A_52, %dma_start3A_53] : memref<10000x32xf32, #tpu.memory_space<hbm>> -> memref<10000x32xf32, #tpu.memory_space<hbm>>
    tpu.enqueue_indirect_dma source(%dma_start3A_54 : memref<10000x32xf32, #tpu.memory_space<hbm>>) target(%dma_start3A_48 : memref<125x32xf32, #tpu.memory_space<vmem>>) offsets(%dma_start3A_51 : memref<125xi32, #tpu.memory_space<vmem>>) semaphore(%arg11 : memref<!tpu.dma_semaphore, #tpu.memory_space<semaphore_mem>>)
    %dma_start3A_55 = arith.constant 2 : i32
    %dma_start3A_56 = arith.constant 2 : i32
    %dma_start3A_57 = arith.constant 0 : i32
    %dma_start3A_58 = arith.constant 0 : i32
    %dma_start3A_59 = tpu.memref_slice %arg9[%dma_start3A_56, %dma_start3A_57, %dma_start3A_58] : memref<4x125x32xf32, #tpu.memory_space<vmem>> -> memref<1x125x32xf32, #tpu.memory_space<vmem>>
    %dma_start3A_60 = tpu.memref_squeeze %dma_start3A_59 : memref<1x125x32xf32, #tpu.memory_space<vmem>> -> memref<125x32xf32, #tpu.memory_space<vmem>>
    %dma_start3A_61 = arith.constant 0 : i32
    %dma_start3A_62 = tpu.memref_slice %arg7[%dma_start3A_55, %dma_start3A_61] : memref<40x125xi32, #tpu.memory_space<vmem>> -> memref<1x125xi32, #tpu.memory_space<vmem>>
    %dma_start3A_63 = tpu.memref_squeeze %dma_start3A_62 : memref<1x125xi32, #tpu.memory_space<vmem>> -> memref<125xi32, #tpu.memory_space<vmem>>
    %dma_start3A_64 = arith.constant 0 : i32
    %dma_start3A_65 = arith.constant 0 : i32
    %dma_start3A_66 = tpu.memref_slice %arg2[%dma_start3A_64, %dma_start3A_65] : memref<10000x32xf32, #tpu.memory_space<hbm>> -> memref<10000x32xf32, #tpu.memory_space<hbm>>
    tpu.enqueue_indirect_dma source(%dma_start3A_66 : memref<10000x32xf32, #tpu.memory_space<hbm>>) target(%dma_start3A_60 : memref<125x32xf32, #tpu.memory_space<vmem>>) offsets(%dma_start3A_63 : memref<125xi32, #tpu.memory_space<vmem>>) semaphore(%arg11 : memref<!tpu.dma_semaphore, #tpu.memory_space<semaphore_mem>>)
    %scan3A = arith.constant 0 : i32
    %scan3A_67 = arith.constant 0 : i32
    %scan3A_68 = arith.constant 40 : i32
    %scan3A_69 = arith.addi %scan3A_67, %scan3A_68 : i32
    %scan3A_70 = arith.constant 1 : i32
    scf.for %scan3A_91 = %scan3A_67 to %scan3A_69 step %scan3A_70  : i32 {
      %gt3A = arith.constant 0 : i32
      %gt3A_92 = arith.cmpi sgt, %scan3A_91, %gt3A : i32
      %convert_element_type3A_93 = arith.extui %gt3A_92 : i1 to i32
      %cond3A_94 = arith.constant 0 : i32
      %cond3A_95 = arith.cmpi ne, %convert_element_type3A_93, %cond3A_94 : i32
      scf.if %cond3A_95 {
        %sub3A_151 = arith.constant 1 : i32
        %sub3A_152 = arith.subi %scan3A_91, %sub3A_151 : i32
        %jit3A_153 = arith.constant 4 : i32
        %eq3A_154 = arith.constant 0 : i32
        %eq3A_155 = arith.cmpi eq, %jit3A_153, %eq3A_154 : i32
        %jit3A_156 = arith.constant 1 : i32
        %select_n3A_157 = arith.select %eq3A_155, %jit3A_156, %jit3A_153 : i32
        %rem3A_158 = arith.remsi %sub3A_152, %select_n3A_157 : i32
        %ne3A_159 = arith.constant 0 : i32
        %ne3A_160 = arith.cmpi ne, %rem3A_158, %ne3A_159 : i32
        %lt3A_161 = arith.constant 0 : i32
        %lt3A_162 = arith.cmpi slt, %rem3A_158, %lt3A_161 : i32
        %lt3A_163 = arith.constant 0 : i32
        %lt3A_164 = arith.cmpi slt, %select_n3A_157, %lt3A_163 : i32
        %ne3A_165 = arith.xori %lt3A_162, %lt3A_164 : i1
        %and3A_166 = arith.andi %ne3A_165, %ne3A_160 : i1
        %add3A_167 = arith.addi %rem3A_158, %select_n3A_157 : i32
        %select_n3A_168 = arith.select %and3A_166, %add3A_167, %rem3A_158 : i32
        %sub3A_169 = arith.constant 1 : i32
        %sub3A_170 = arith.subi %scan3A_91, %sub3A_169 : i32
        %dma_wait3A_171 = arith.constant 0 : i32
        %dma_wait3A_172 = arith.constant 0 : i32
        %dma_wait3A_173 = tpu.memref_slice %arg9[%select_n3A_168, %dma_wait3A_171, %dma_wait3A_172] : memref<4x125x32xf32, #tpu.memory_space<vmem>> -> memref<1x125x32xf32, #tpu.memory_space<vmem>>
        %dma_wait3A_174 = tpu.memref_squeeze %dma_wait3A_173 : memref<1x125x32xf32, #tpu.memory_space<vmem>> -> memref<125x32xf32, #tpu.memory_space<vmem>>
        %dma_wait3A_175 = arith.constant 0 : i32
        %dma_wait3A_176 = tpu.memref_slice %arg8[%sub3A_170, %dma_wait3A_175] : memref<40x125xi32, #tpu.memory_space<vmem>> -> memref<1x125xi32, #tpu.memory_space<vmem>>
        %dma_wait3A_177 = tpu.memref_squeeze %dma_wait3A_176 : memref<1x125xi32, #tpu.memory_space<vmem>> -> memref<125xi32, #tpu.memory_space<vmem>>
        %dma_wait3A_178 = arith.constant 0 : i32
        %dma_wait3A_179 = arith.constant 0 : i32
        %dma_wait3A_180 = tpu.memref_slice %arg10[%dma_wait3A_178, %dma_wait3A_179] : memref<10240x32xf32, #tpu.memory_space<vmem_shared>> -> memref<10240x32xf32, #tpu.memory_space<vmem_shared>>
        tpu.wait_indirect_dma semaphore(%arg12 : memref<!tpu.dma_semaphore, #tpu.memory_space<semaphore_mem>>) src(%dma_wait3A_174 : memref<125x32xf32, #tpu.memory_space<vmem>>) dst(%dma_wait3A_180 : memref<10240x32xf32, #tpu.memory_space<vmem_shared>>)
      } else {
      }
      %add3A_96 = arith.constant 4 : i32
      %add3A_97 = arith.addi %scan3A_91, %add3A_96 : i32
      %sub3A = arith.constant 1 : i32
      %sub3A_98 = arith.subi %add3A_97, %sub3A : i32
      %lt3A_99 = arith.constant 40 : i32
      %lt3A_100 = arith.cmpi slt, %sub3A_98, %lt3A_99 : i32
      %convert_element_type3A_101 = arith.extui %lt3A_100 : i1 to i32
      %cond3A_102 = arith.constant 0 : i32
      %cond3A_103 = arith.cmpi ne, %convert_element_type3A_101, %cond3A_102 : i32
      scf.if %cond3A_103 {
        %add3A_151 = arith.constant 4 : i32
        %add3A_152 = arith.addi %scan3A_91, %add3A_151 : i32
        %sub3A_153 = arith.constant 1 : i32
        %sub3A_154 = arith.subi %add3A_152, %sub3A_153 : i32
        %add3A_155 = arith.constant 4 : i32
        %add3A_156 = arith.addi %scan3A_91, %add3A_155 : i32
        %sub3A_157 = arith.constant 1 : i32
        %sub3A_158 = arith.subi %add3A_156, %sub3A_157 : i32
        %jit3A_159 = arith.constant 4 : i32
        %eq3A_160 = arith.constant 0 : i32
        %eq3A_161 = arith.cmpi eq, %jit3A_159, %eq3A_160 : i32
        %jit3A_162 = arith.constant 1 : i32
        %select_n3A_163 = arith.select %eq3A_161, %jit3A_162, %jit3A_159 : i32
        %rem3A_164 = arith.remsi %sub3A_158, %select_n3A_163 : i32
        %ne3A_165 = arith.constant 0 : i32
        %ne3A_166 = arith.cmpi ne, %rem3A_164, %ne3A_165 : i32
        %lt3A_167 = arith.constant 0 : i32
        %lt3A_168 = arith.cmpi slt, %rem3A_164, %lt3A_167 : i32
        %lt3A_169 = arith.constant 0 : i32
        %lt3A_170 = arith.cmpi slt, %select_n3A_163, %lt3A_169 : i32
        %ne3A_171 = arith.xori %lt3A_168, %lt3A_170 : i1
        %and3A_172 = arith.andi %ne3A_171, %ne3A_166 : i1
        %add3A_173 = arith.addi %rem3A_164, %select_n3A_163 : i32
        %select_n3A_174 = arith.select %and3A_172, %add3A_173, %rem3A_164 : i32
        %dma_start3A_175 = arith.constant 0 : i32
        %dma_start3A_176 = arith.constant 0 : i32
        %dma_start3A_177 = tpu.memref_slice %arg9[%select_n3A_174, %dma_start3A_175, %dma_start3A_176] : memref<4x125x32xf32, #tpu.memory_space<vmem>> -> memref<1x125x32xf32, #tpu.memory_space<vmem>>
        %dma_start3A_178 = tpu.memref_squeeze %dma_start3A_177 : memref<1x125x32xf32, #tpu.memory_space<vmem>> -> memref<125x32xf32, #tpu.memory_space<vmem>>
        %dma_start3A_179 = arith.constant 0 : i32
        %dma_start3A_180 = tpu.memref_slice %arg7[%sub3A_154, %dma_start3A_179] : memref<40x125xi32, #tpu.memory_space<vmem>> -> memref<1x125xi32, #tpu.memory_space<vmem>>
        %dma_start3A_181 = tpu.memref_squeeze %dma_start3A_180 : memref<1x125xi32, #tpu.memory_space<vmem>> -> memref<125xi32, #tpu.memory_space<vmem>>
        %dma_start3A_182 = arith.constant 0 : i32
        %dma_start3A_183 = arith.constant 0 : i32
        %dma_start3A_184 = tpu.memref_slice %arg2[%dma_start3A_182, %dma_start3A_183] : memref<10000x32xf32, #tpu.memory_space<hbm>> -> memref<10000x32xf32, #tpu.memory_space<hbm>>
        tpu.enqueue_indirect_dma source(%dma_start3A_184 : memref<10000x32xf32, #tpu.memory_space<hbm>>) target(%dma_start3A_178 : memref<125x32xf32, #tpu.memory_space<vmem>>) offsets(%dma_start3A_181 : memref<125xi32, #tpu.memory_space<vmem>>) semaphore(%arg11 : memref<!tpu.dma_semaphore, #tpu.memory_space<semaphore_mem>>)
      } else {
      }
      %jit3A = arith.constant 4 : i32
      %eq3A_104 = arith.constant 0 : i32
      %eq3A_105 = arith.cmpi eq, %jit3A, %eq3A_104 : i32
      %jit3A_106 = arith.constant 1 : i32
      %select_n3A = arith.select %eq3A_105, %jit3A_106, %jit3A : i32
      %rem3A = arith.remsi %scan3A_91, %select_n3A : i32
      %ne3A = arith.constant 0 : i32
      %ne3A_107 = arith.cmpi ne, %rem3A, %ne3A : i32
      %lt3A_108 = arith.constant 0 : i32
      %lt3A_109 = arith.cmpi slt, %rem3A, %lt3A_108 : i32
      %lt3A_110 = arith.constant 0 : i32
      %lt3A_111 = arith.cmpi slt, %select_n3A, %lt3A_110 : i32
      %ne3A_112 = arith.xori %lt3A_109, %lt3A_111 : i1
      %and3A = arith.andi %ne3A_112, %ne3A_107 : i1
      %add3A_113 = arith.addi %rem3A, %select_n3A : i32
      %select_n3A_114 = arith.select %and3A, %add3A_113, %rem3A : i32
      %dma_wait3A_115 = arith.constant 0 : i32
      %dma_wait3A_116 = arith.constant 0 : i32
      %dma_wait3A_117 = tpu.memref_slice %arg9[%select_n3A_114, %dma_wait3A_115, %dma_wait3A_116] : memref<4x125x32xf32, #tpu.memory_space<vmem>> -> memref<1x125x32xf32, #tpu.memory_space<vmem>>
      %dma_wait3A_118 = tpu.memref_squeeze %dma_wait3A_117 : memref<1x125x32xf32, #tpu.memory_space<vmem>> -> memref<125x32xf32, #tpu.memory_space<vmem>>
      %dma_wait3A_119 = arith.constant 0 : i32
      %dma_wait3A_120 = tpu.memref_slice %arg7[%scan3A_91, %dma_wait3A_119] : memref<40x125xi32, #tpu.memory_space<vmem>> -> memref<1x125xi32, #tpu.memory_space<vmem>>
      %dma_wait3A_121 = tpu.memref_squeeze %dma_wait3A_120 : memref<1x125xi32, #tpu.memory_space<vmem>> -> memref<125xi32, #tpu.memory_space<vmem>>
      %dma_wait3A_122 = arith.constant 0 : i32
      %dma_wait3A_123 = arith.constant 0 : i32
      %dma_wait3A_124 = tpu.memref_slice %arg2[%dma_wait3A_122, %dma_wait3A_123] : memref<10000x32xf32, #tpu.memory_space<hbm>> -> memref<10000x32xf32, #tpu.memory_space<hbm>>
      tpu.wait_indirect_dma semaphore(%arg11 : memref<!tpu.dma_semaphore, #tpu.memory_space<semaphore_mem>>) src(%dma_wait3A_124 : memref<10000x32xf32, #tpu.memory_space<hbm>>) dst(%dma_wait3A_118 : memref<125x32xf32, #tpu.memory_space<vmem>>)
      %jit3A_125 = arith.constant 4 : i32
      %eq3A_126 = arith.constant 0 : i32
      %eq3A_127 = arith.cmpi eq, %jit3A_125, %eq3A_126 : i32
      %jit3A_128 = arith.constant 1 : i32
      %select_n3A_129 = arith.select %eq3A_127, %jit3A_128, %jit3A_125 : i32
      %rem3A_130 = arith.remsi %scan3A_91, %select_n3A_129 : i32
      %ne3A_131 = arith.constant 0 : i32
      %ne3A_132 = arith.cmpi ne, %rem3A_130, %ne3A_131 : i32
      %lt3A_133 = arith.constant 0 : i32
      %lt3A_134 = arith.cmpi slt, %rem3A_130, %lt3A_133 : i32
      %lt3A_135 = arith.constant 0 : i32
      %lt3A_136 = arith.cmpi slt, %select_n3A_129, %lt3A_135 : i32
      %ne3A_137 = arith.xori %lt3A_134, %lt3A_136 : i1
      %and3A_138 = arith.andi %ne3A_137, %ne3A_132 : i1
      %add3A_139 = arith.addi %rem3A_130, %select_n3A_129 : i32
      %select_n3A_140 = arith.select %and3A_138, %add3A_139, %rem3A_130 : i32
      %dma_start3A_141 = arith.constant 0 : i32
      %dma_start3A_142 = arith.constant 0 : i32
      %dma_start3A_143 = tpu.memref_slice %arg9[%select_n3A_140, %dma_start3A_141, %dma_start3A_142] : memref<4x125x32xf32, #tpu.memory_space<vmem>> -> memref<1x125x32xf32, #tpu.memory_space<vmem>>
      %dma_start3A_144 = tpu.memref_squeeze %dma_start3A_143 : memref<1x125x32xf32, #tpu.memory_space<vmem>> -> memref<125x32xf32, #tpu.memory_space<vmem>>
      %dma_start3A_145 = arith.constant 0 : i32
      %dma_start3A_146 = tpu.memref_slice %arg8[%scan3A_91, %dma_start3A_145] : memref<40x125xi32, #tpu.memory_space<vmem>> -> memref<1x125xi32, #tpu.memory_space<vmem>>
      %dma_start3A_147 = tpu.memref_squeeze %dma_start3A_146 : memref<1x125xi32, #tpu.memory_space<vmem>> -> memref<125xi32, #tpu.memory_space<vmem>>
      %dma_start3A_148 = arith.constant 0 : i32
      %dma_start3A_149 = arith.constant 0 : i32
      %dma_start3A_150 = tpu.memref_slice %arg10[%dma_start3A_148, %dma_start3A_149] : memref<10240x32xf32, #tpu.memory_space<vmem_shared>> -> memref<10240x32xf32, #tpu.memory_space<vmem_shared>>
      tpu.enqueue_indirect_dma source(%dma_start3A_144 : memref<125x32xf32, #tpu.memory_space<vmem>>) target(%dma_start3A_150 : memref<10240x32xf32, #tpu.memory_space<vmem_shared>>) offsets(%dma_start3A_147 : memref<125xi32, #tpu.memory_space<vmem>>) semaphore(%arg12 : memref<!tpu.dma_semaphore, #tpu.memory_space<semaphore_mem>>) {add = true}
    }
    %scan3A_71 = arith.constant 40 : i32
    %dma_wait3A_72 = arith.constant 3 : i32
    %dma_wait3A_73 = arith.constant 39 : i32
    %dma_wait3A_74 = arith.constant 0 : i32
    %dma_wait3A_75 = arith.constant 0 : i32
    %dma_wait3A_76 = tpu.memref_slice %arg9[%dma_wait3A_72, %dma_wait3A_74, %dma_wait3A_75] : memref<4x125x32xf32, #tpu.memory_space<vmem>> -> memref<1x125x32xf32, #tpu.memory_space<vmem>>
    %dma_wait3A_77 = tpu.memref_squeeze %dma_wait3A_76 : memref<1x125x32xf32, #tpu.memory_space<vmem>> -> memref<125x32xf32, #tpu.memory_space<vmem>>
    %dma_wait3A_78 = arith.constant 0 : i32
    %dma_wait3A_79 = tpu.memref_slice %arg8[%dma_wait3A_73, %dma_wait3A_78] : memref<40x125xi32, #tpu.memory_space<vmem>> -> memref<1x125xi32, #tpu.memory_space<vmem>>
    %dma_wait3A_80 = tpu.memref_squeeze %dma_wait3A_79 : memref<1x125xi32, #tpu.memory_space<vmem>> -> memref<125xi32, #tpu.memory_space<vmem>>
    %dma_wait3A_81 = arith.constant 0 : i32
    %dma_wait3A_82 = arith.constant 0 : i32
    %dma_wait3A_83 = tpu.memref_slice %arg10[%dma_wait3A_81, %dma_wait3A_82] : memref<10240x32xf32, #tpu.memory_space<vmem_shared>> -> memref<10240x32xf32, #tpu.memory_space<vmem_shared>>
    tpu.wait_indirect_dma semaphore(%arg12 : memref<!tpu.dma_semaphore, #tpu.memory_space<semaphore_mem>>) src(%dma_wait3A_77 : memref<125x32xf32, #tpu.memory_space<vmem>>) dst(%dma_wait3A_83 : memref<10240x32xf32, #tpu.memory_space<vmem_shared>>)
    %barrier3A_84 = arith.constant 0 : index
    tpu.barrier barrier_id(%barrier3A_84)
    %lt3A = arith.constant 15 : i32
    %lt3A_85 = arith.cmpi slt, %arg1, %lt3A : i32
    %convert_element_type3A = arith.extui %lt3A_85 : i1 to i32
    %cond3A = arith.constant 0 : i32
    %cond3A_86 = arith.cmpi ne, %convert_element_type3A, %cond3A : i32
    scf.if %cond3A_86 {
      %mul3A_91 = arith.constant 640 : i32
      %mul3A_92 = arith.muli %arg1, %mul3A_91 : i32
      %mul3A_93 = arith.constant 640 : i32
      %mul3A_94 = arith.muli %arg1, %mul3A_93 : i32
      "tpu.region"() ({
        %run_scoped3A = tpu.sem_alloc : memref<!tpu.dma_semaphore, #tpu.memory_space<semaphore_mem>>
        %dma_start3A_95 = arith.constant 0 : i32
        %dma_start3A_96 = tpu.memref_slice %arg6[%arg0, %mul3A_94, %dma_start3A_95] : memref<2x10000x32xf32, #tpu.memory_space<hbm>> -> memref<1x640x32xf32, #tpu.memory_space<hbm>>
        %dma_start3A_97 = tpu.memref_squeeze %dma_start3A_96 : memref<1x640x32xf32, #tpu.memory_space<hbm>> -> memref<640x32xf32, #tpu.memory_space<hbm>>
        %dma_start3A_98 = arith.constant 0 : i32
        %dma_start3A_99 = tpu.memref_slice %arg10[%mul3A_92, %dma_start3A_98] : memref<10240x32xf32, #tpu.memory_space<vmem_shared>> -> memref<640x32xf32, #tpu.memory_space<vmem_shared>>
        tpu.enqueue_dma source(%dma_start3A_99 : memref<640x32xf32, #tpu.memory_space<vmem_shared>>) target(%dma_start3A_97 : memref<640x32xf32, #tpu.memory_space<hbm>>) target_semaphore(%run_scoped3A : memref<!tpu.dma_semaphore, #tpu.memory_space<semaphore_mem>>)
        %dma_wait3A_100 = arith.constant 0 : i32
        %dma_wait3A_101 = tpu.memref_slice %arg6[%arg0, %mul3A_94, %dma_wait3A_100] : memref<2x10000x32xf32, #tpu.memory_space<hbm>> -> memref<1x640x32xf32, #tpu.memory_space<hbm>>
        %dma_wait3A_102 = tpu.memref_squeeze %dma_wait3A_101 : memref<1x640x32xf32, #tpu.memory_space<hbm>> -> memref<640x32xf32, #tpu.memory_space<hbm>>
        %dma_wait3A_103 = arith.constant 0 : i32
        %dma_wait3A_104 = tpu.memref_slice %arg10[%mul3A_92, %dma_wait3A_103] : memref<10240x32xf32, #tpu.memory_space<vmem_shared>> -> memref<640x32xf32, #tpu.memory_space<vmem_shared>>
        tpu.wait_dma2 semaphore(%run_scoped3A : memref<!tpu.dma_semaphore, #tpu.memory_space<semaphore_mem>>) src(%dma_wait3A_104 : memref<640x32xf32, #tpu.memory_space<vmem_shared>>) dst(%dma_wait3A_102 : memref<640x32xf32, #tpu.memory_space<hbm>>)
        tpu.yield
      }) : () -> ()
    } else {
    }
    %eq3A = arith.constant 15 : i32
    %eq3A_87 = arith.cmpi eq, %arg1, %eq3A : i32
    %convert_element_type3A_88 = arith.extui %eq3A_87 : i1 to i32
    %cond3A_89 = arith.constant 0 : i32
    %cond3A_90 = arith.cmpi ne, %convert_element_type3A_88, %cond3A_89 : i32
    scf.if %cond3A_90 {
      "tpu.region"() ({
        %run_scoped3A = tpu.sem_alloc : memref<!tpu.dma_semaphore, #tpu.memory_space<semaphore_mem>>
        %dma_start3A_91 = arith.constant 9600 : i32
        %dma_start3A_92 = arith.constant 0 : i32
        %dma_start3A_93 = tpu.memref_slice %arg6[%arg0, %dma_start3A_91, %dma_start3A_92] : memref<2x10000x32xf32, #tpu.memory_space<hbm>> -> memref<1x400x32xf32, #tpu.memory_space<hbm>>
        %dma_start3A_94 = tpu.memref_squeeze %dma_start3A_93 : memref<1x400x32xf32, #tpu.memory_space<hbm>> -> memref<400x32xf32, #tpu.memory_space<hbm>>
        %dma_start3A_95 = arith.constant 9600 : i32
        %dma_start3A_96 = arith.constant 0 : i32
        %dma_start3A_97 = tpu.memref_slice %arg10[%dma_start3A_95, %dma_start3A_96] : memref<10240x32xf32, #tpu.memory_space<vmem_shared>> -> memref<400x32xf32, #tpu.memory_space<vmem_shared>>
        tpu.enqueue_dma source(%dma_start3A_97 : memref<400x32xf32, #tpu.memory_space<vmem_shared>>) target(%dma_start3A_94 : memref<400x32xf32, #tpu.memory_space<hbm>>) target_semaphore(%run_scoped3A : memref<!tpu.dma_semaphore, #tpu.memory_space<semaphore_mem>>)
        %dma_wait3A_98 = arith.constant 9600 : i32
        %dma_wait3A_99 = arith.constant 0 : i32
        %dma_wait3A_100 = tpu.memref_slice %arg6[%arg0, %dma_wait3A_98, %dma_wait3A_99] : memref<2x10000x32xf32, #tpu.memory_space<hbm>> -> memref<1x400x32xf32, #tpu.memory_space<hbm>>
        %dma_wait3A_101 = tpu.memref_squeeze %dma_wait3A_100 : memref<1x400x32xf32, #tpu.memory_space<hbm>> -> memref<400x32xf32, #tpu.memory_space<hbm>>
        %dma_wait3A_102 = arith.constant 9600 : i32
        %dma_wait3A_103 = arith.constant 0 : i32
        %dma_wait3A_104 = tpu.memref_slice %arg10[%dma_wait3A_102, %dma_wait3A_103] : memref<10240x32xf32, #tpu.memory_space<vmem_shared>> -> memref<400x32xf32, #tpu.memory_space<vmem_shared>>
        tpu.wait_dma2 semaphore(%run_scoped3A : memref<!tpu.dma_semaphore, #tpu.memory_space<semaphore_mem>>) src(%dma_wait3A_104 : memref<400x32xf32, #tpu.memory_space<vmem_shared>>) dst(%dma_wait3A_101 : memref<400x32xf32, #tpu.memory_space<hbm>>)
        tpu.yield
      }) : () -> ()
    } else {
    }
    return
  }
}

#map = affine_map<(d0, d1) -> (0, 0)>
#map1 = affine_map<(d0, d1) -> (0, 0, 0)>
module attributes {stable_mosaic.version = 14 : i64} {
  func.func @seg(%arg0: i32, %arg1: i32, %arg2: memref<10000x128xf32, #tpu.memory_space<hbm>>, %arg3: memref<1280x125xi32, #tpu.memory_space<hbm>>, %arg4: memref<1280x125xi32, #tpu.memory_space<hbm>>, %arg5: memref<10240x128xf32, #tpu.memory_space<hbm>>, %arg6: memref<2x10000x128xf32, #tpu.memory_space<hbm>>, %arg7: memref<40x125xi32, #tpu.memory_space<vmem>>, %arg8: memref<40x125xi32, #tpu.memory_space<vmem>>, %arg9: memref<2x125x128xf32, #tpu.memory_space<vmem>>, %arg10: memref<10240x128xf32, #tpu.memory_space<vmem_shared>>, %arg11: memref<!tpu.dma_semaphore, #tpu.memory_space<semaphore_mem>>, %arg12: memref<!tpu.dma_semaphore, #tpu.memory_space<semaphore_mem>>) attributes {dimension_semantics = [#tpu.dimension_semantics<core_parallel>, #tpu.dimension_semantics<subcore_parallel>], iteration_bounds = array<i64: 2, 16>, scalar_prefetch = 0 : i64, scratch_operands = 6 : i64, tpu.core_type = #tpu.core_type<sc_vector_subcore>, window_params = [{transform_indices = #map}, {transform_indices = #map}, {transform_indices = #map}, {transform_indices = #map}, {transform_indices = #map1}]} {
    %mul3A = arith.constant 2 : i32
    %mul3A_0 = arith.muli %arg1, %mul3A : i32
    %add3A = arith.addi %mul3A_0, %arg0 : i32
    %mul3A_1 = arith.constant 640 : i32
    %mul3A_2 = arith.muli %arg1, %mul3A_1 : i32
    %mul3A_3 = arith.constant 640 : i32
    %mul3A_4 = arith.muli %arg1, %mul3A_3 : i32
    %dma_start3A = arith.constant 0 : i32
    %dma_start3A_5 = tpu.memref_slice %arg10[%mul3A_4, %dma_start3A] : memref<10240x128xf32, #tpu.memory_space<vmem_shared>> -> memref<640x128xf32, #tpu.memory_space<vmem_shared>>
    %dma_start3A_6 = arith.constant 0 : i32
    %dma_start3A_7 = tpu.memref_slice %arg5[%mul3A_2, %dma_start3A_6] : memref<10240x128xf32, #tpu.memory_space<hbm>> -> memref<640x128xf32, #tpu.memory_space<hbm>>
    tpu.enqueue_dma source(%dma_start3A_7 : memref<640x128xf32, #tpu.memory_space<hbm>>) target(%dma_start3A_5 : memref<640x128xf32, #tpu.memory_space<vmem_shared>>) target_semaphore(%arg11 : memref<!tpu.dma_semaphore, #tpu.memory_space<semaphore_mem>>)
    %mul3A_8 = arith.constant 40 : i32
    %mul3A_9 = arith.muli %add3A, %mul3A_8 : i32
    %dma_start3A_10 = arith.constant 0 : i32
    %dma_start3A_11 = tpu.memref_slice %arg3[%mul3A_9, %dma_start3A_10] : memref<1280x125xi32, #tpu.memory_space<hbm>> -> memref<40x125xi32, #tpu.memory_space<hbm>>
    %dma_start3A_12 = arith.constant 0 : i32
    %dma_start3A_13 = tpu.memref_slice %arg3[%mul3A_9, %dma_start3A_12] : memref<1280x125xi32, #tpu.memory_space<hbm>> -> memref<40x125xi32, #tpu.memory_space<hbm>>
    tpu.enqueue_dma source(%dma_start3A_13 : memref<40x125xi32, #tpu.memory_space<hbm>>) target(%arg7 : memref<40x125xi32, #tpu.memory_space<vmem>>) target_semaphore(%arg11 : memref<!tpu.dma_semaphore, #tpu.memory_space<semaphore_mem>>)
    %mul3A_14 = arith.constant 40 : i32
    %mul3A_15 = arith.muli %add3A, %mul3A_14 : i32
    %dma_start3A_16 = arith.constant 0 : i32
    %dma_start3A_17 = tpu.memref_slice %arg4[%mul3A_15, %dma_start3A_16] : memref<1280x125xi32, #tpu.memory_space<hbm>> -> memref<40x125xi32, #tpu.memory_space<hbm>>
    %dma_start3A_18 = arith.constant 0 : i32
    %dma_start3A_19 = tpu.memref_slice %arg4[%mul3A_15, %dma_start3A_18] : memref<1280x125xi32, #tpu.memory_space<hbm>> -> memref<40x125xi32, #tpu.memory_space<hbm>>
    tpu.enqueue_dma source(%dma_start3A_19 : memref<40x125xi32, #tpu.memory_space<hbm>>) target(%arg8 : memref<40x125xi32, #tpu.memory_space<vmem>>) target_semaphore(%arg11 : memref<!tpu.dma_semaphore, #tpu.memory_space<semaphore_mem>>)
    %dma_wait3A = arith.constant 0 : i32
    %dma_wait3A_20 = tpu.memref_slice %arg10[%mul3A_4, %dma_wait3A] : memref<10240x128xf32, #tpu.memory_space<vmem_shared>> -> memref<640x128xf32, #tpu.memory_space<vmem_shared>>
    %dma_wait3A_21 = arith.constant 0 : i32
    %dma_wait3A_22 = tpu.memref_slice %arg5[%mul3A_2, %dma_wait3A_21] : memref<10240x128xf32, #tpu.memory_space<hbm>> -> memref<640x128xf32, #tpu.memory_space<hbm>>
    tpu.wait_dma2 semaphore(%arg11 : memref<!tpu.dma_semaphore, #tpu.memory_space<semaphore_mem>>) src(%dma_wait3A_22 : memref<640x128xf32, #tpu.memory_space<hbm>>) dst(%dma_wait3A_20 : memref<640x128xf32, #tpu.memory_space<vmem_shared>>)
    %dma_wait3A_23 = arith.constant 0 : i32
    %dma_wait3A_24 = tpu.memref_slice %arg3[%mul3A_9, %dma_wait3A_23] : memref<1280x125xi32, #tpu.memory_space<hbm>> -> memref<40x125xi32, #tpu.memory_space<hbm>>
    %dma_wait3A_25 = arith.constant 0 : i32
    %dma_wait3A_26 = tpu.memref_slice %arg3[%mul3A_9, %dma_wait3A_25] : memref<1280x125xi32, #tpu.memory_space<hbm>> -> memref<40x125xi32, #tpu.memory_space<hbm>>
    tpu.wait_dma2 semaphore(%arg11 : memref<!tpu.dma_semaphore, #tpu.memory_space<semaphore_mem>>) src(%dma_wait3A_26 : memref<40x125xi32, #tpu.memory_space<hbm>>) dst(%arg7 : memref<40x125xi32, #tpu.memory_space<vmem>>)
    %dma_wait3A_27 = arith.constant 0 : i32
    %dma_wait3A_28 = tpu.memref_slice %arg4[%mul3A_15, %dma_wait3A_27] : memref<1280x125xi32, #tpu.memory_space<hbm>> -> memref<40x125xi32, #tpu.memory_space<hbm>>
    %dma_wait3A_29 = arith.constant 0 : i32
    %dma_wait3A_30 = tpu.memref_slice %arg4[%mul3A_15, %dma_wait3A_29] : memref<1280x125xi32, #tpu.memory_space<hbm>> -> memref<40x125xi32, #tpu.memory_space<hbm>>
    tpu.wait_dma2 semaphore(%arg11 : memref<!tpu.dma_semaphore, #tpu.memory_space<semaphore_mem>>) src(%dma_wait3A_30 : memref<40x125xi32, #tpu.memory_space<hbm>>) dst(%arg8 : memref<40x125xi32, #tpu.memory_space<vmem>>)
    %barrier3A = arith.constant 0 : index
    tpu.barrier barrier_id(%barrier3A)
    %dma_start3A_31 = arith.constant 0 : i32
    %dma_start3A_32 = arith.constant 0 : i32
    %dma_start3A_33 = arith.constant 0 : i32
    %dma_start3A_34 = arith.constant 0 : i32
    %dma_start3A_35 = tpu.memref_slice %arg9[%dma_start3A_32, %dma_start3A_33, %dma_start3A_34] : memref<2x125x128xf32, #tpu.memory_space<vmem>> -> memref<1x125x128xf32, #tpu.memory_space<vmem>>
    %dma_start3A_36 = tpu.memref_squeeze %dma_start3A_35 : memref<1x125x128xf32, #tpu.memory_space<vmem>> -> memref<125x128xf32, #tpu.memory_space<vmem>>
    %dma_start3A_37 = arith.constant 0 : i32
    %dma_start3A_38 = tpu.memref_slice %arg7[%dma_start3A_31, %dma_start3A_37] : memref<40x125xi32, #tpu.memory_space<vmem>> -> memref<1x125xi32, #tpu.memory_space<vmem>>
    %dma_start3A_39 = tpu.memref_squeeze %dma_start3A_38 : memref<1x125xi32, #tpu.memory_space<vmem>> -> memref<125xi32, #tpu.memory_space<vmem>>
    %dma_start3A_40 = arith.constant 0 : i32
    %dma_start3A_41 = arith.constant 0 : i32
    %dma_start3A_42 = tpu.memref_slice %arg2[%dma_start3A_40, %dma_start3A_41] : memref<10000x128xf32, #tpu.memory_space<hbm>> -> memref<10000x128xf32, #tpu.memory_space<hbm>>
    tpu.enqueue_indirect_dma source(%dma_start3A_42 : memref<10000x128xf32, #tpu.memory_space<hbm>>) target(%dma_start3A_36 : memref<125x128xf32, #tpu.memory_space<vmem>>) offsets(%dma_start3A_39 : memref<125xi32, #tpu.memory_space<vmem>>) semaphore(%arg11 : memref<!tpu.dma_semaphore, #tpu.memory_space<semaphore_mem>>)
    %scan3A = arith.constant 0 : i32
    %scan3A_43 = arith.constant 0 : i32
    %scan3A_44 = arith.constant 40 : i32
    %scan3A_45 = arith.addi %scan3A_43, %scan3A_44 : i32
    %scan3A_46 = arith.constant 1 : i32
    scf.for %scan3A_67 = %scan3A_43 to %scan3A_45 step %scan3A_46  : i32 {
      %gt3A = arith.constant 0 : i32
      %gt3A_68 = arith.cmpi sgt, %scan3A_67, %gt3A : i32
      %convert_element_type3A_69 = arith.extui %gt3A_68 : i1 to i32
      %cond3A_70 = arith.constant 0 : i32
      %cond3A_71 = arith.cmpi ne, %convert_element_type3A_69, %cond3A_70 : i32
      scf.if %cond3A_71 {
        %sub3A_127 = arith.constant 1 : i32
        %sub3A_128 = arith.subi %scan3A_67, %sub3A_127 : i32
        %jit3A_129 = arith.constant 2 : i32
        %eq3A_130 = arith.constant 0 : i32
        %eq3A_131 = arith.cmpi eq, %jit3A_129, %eq3A_130 : i32
        %jit3A_132 = arith.constant 1 : i32
        %select_n3A_133 = arith.select %eq3A_131, %jit3A_132, %jit3A_129 : i32
        %rem3A_134 = arith.remsi %sub3A_128, %select_n3A_133 : i32
        %ne3A_135 = arith.constant 0 : i32
        %ne3A_136 = arith.cmpi ne, %rem3A_134, %ne3A_135 : i32
        %lt3A_137 = arith.constant 0 : i32
        %lt3A_138 = arith.cmpi slt, %rem3A_134, %lt3A_137 : i32
        %lt3A_139 = arith.constant 0 : i32
        %lt3A_140 = arith.cmpi slt, %select_n3A_133, %lt3A_139 : i32
        %ne3A_141 = arith.xori %lt3A_138, %lt3A_140 : i1
        %and3A_142 = arith.andi %ne3A_141, %ne3A_136 : i1
        %add3A_143 = arith.addi %rem3A_134, %select_n3A_133 : i32
        %select_n3A_144 = arith.select %and3A_142, %add3A_143, %rem3A_134 : i32
        %sub3A_145 = arith.constant 1 : i32
        %sub3A_146 = arith.subi %scan3A_67, %sub3A_145 : i32
        %dma_wait3A_147 = arith.constant 0 : i32
        %dma_wait3A_148 = arith.constant 0 : i32
        %dma_wait3A_149 = tpu.memref_slice %arg9[%select_n3A_144, %dma_wait3A_147, %dma_wait3A_148] : memref<2x125x128xf32, #tpu.memory_space<vmem>> -> memref<1x125x128xf32, #tpu.memory_space<vmem>>
        %dma_wait3A_150 = tpu.memref_squeeze %dma_wait3A_149 : memref<1x125x128xf32, #tpu.memory_space<vmem>> -> memref<125x128xf32, #tpu.memory_space<vmem>>
        %dma_wait3A_151 = arith.constant 0 : i32
        %dma_wait3A_152 = tpu.memref_slice %arg8[%sub3A_146, %dma_wait3A_151] : memref<40x125xi32, #tpu.memory_space<vmem>> -> memref<1x125xi32, #tpu.memory_space<vmem>>
        %dma_wait3A_153 = tpu.memref_squeeze %dma_wait3A_152 : memref<1x125xi32, #tpu.memory_space<vmem>> -> memref<125xi32, #tpu.memory_space<vmem>>
        %dma_wait3A_154 = arith.constant 0 : i32
        %dma_wait3A_155 = arith.constant 0 : i32
        %dma_wait3A_156 = tpu.memref_slice %arg10[%dma_wait3A_154, %dma_wait3A_155] : memref<10240x128xf32, #tpu.memory_space<vmem_shared>> -> memref<10240x128xf32, #tpu.memory_space<vmem_shared>>
        tpu.wait_indirect_dma semaphore(%arg12 : memref<!tpu.dma_semaphore, #tpu.memory_space<semaphore_mem>>) src(%dma_wait3A_150 : memref<125x128xf32, #tpu.memory_space<vmem>>) dst(%dma_wait3A_156 : memref<10240x128xf32, #tpu.memory_space<vmem_shared>>)
      } else {
      }
      %add3A_72 = arith.constant 2 : i32
      %add3A_73 = arith.addi %scan3A_67, %add3A_72 : i32
      %sub3A = arith.constant 1 : i32
      %sub3A_74 = arith.subi %add3A_73, %sub3A : i32
      %lt3A_75 = arith.constant 40 : i32
      %lt3A_76 = arith.cmpi slt, %sub3A_74, %lt3A_75 : i32
      %convert_element_type3A_77 = arith.extui %lt3A_76 : i1 to i32
      %cond3A_78 = arith.constant 0 : i32
      %cond3A_79 = arith.cmpi ne, %convert_element_type3A_77, %cond3A_78 : i32
      scf.if %cond3A_79 {
        %add3A_127 = arith.constant 2 : i32
        %add3A_128 = arith.addi %scan3A_67, %add3A_127 : i32
        %sub3A_129 = arith.constant 1 : i32
        %sub3A_130 = arith.subi %add3A_128, %sub3A_129 : i32
        %add3A_131 = arith.constant 2 : i32
        %add3A_132 = arith.addi %scan3A_67, %add3A_131 : i32
        %sub3A_133 = arith.constant 1 : i32
        %sub3A_134 = arith.subi %add3A_132, %sub3A_133 : i32
        %jit3A_135 = arith.constant 2 : i32
        %eq3A_136 = arith.constant 0 : i32
        %eq3A_137 = arith.cmpi eq, %jit3A_135, %eq3A_136 : i32
        %jit3A_138 = arith.constant 1 : i32
        %select_n3A_139 = arith.select %eq3A_137, %jit3A_138, %jit3A_135 : i32
        %rem3A_140 = arith.remsi %sub3A_134, %select_n3A_139 : i32
        %ne3A_141 = arith.constant 0 : i32
        %ne3A_142 = arith.cmpi ne, %rem3A_140, %ne3A_141 : i32
        %lt3A_143 = arith.constant 0 : i32
        %lt3A_144 = arith.cmpi slt, %rem3A_140, %lt3A_143 : i32
        %lt3A_145 = arith.constant 0 : i32
        %lt3A_146 = arith.cmpi slt, %select_n3A_139, %lt3A_145 : i32
        %ne3A_147 = arith.xori %lt3A_144, %lt3A_146 : i1
        %and3A_148 = arith.andi %ne3A_147, %ne3A_142 : i1
        %add3A_149 = arith.addi %rem3A_140, %select_n3A_139 : i32
        %select_n3A_150 = arith.select %and3A_148, %add3A_149, %rem3A_140 : i32
        %dma_start3A_151 = arith.constant 0 : i32
        %dma_start3A_152 = arith.constant 0 : i32
        %dma_start3A_153 = tpu.memref_slice %arg9[%select_n3A_150, %dma_start3A_151, %dma_start3A_152] : memref<2x125x128xf32, #tpu.memory_space<vmem>> -> memref<1x125x128xf32, #tpu.memory_space<vmem>>
        %dma_start3A_154 = tpu.memref_squeeze %dma_start3A_153 : memref<1x125x128xf32, #tpu.memory_space<vmem>> -> memref<125x128xf32, #tpu.memory_space<vmem>>
        %dma_start3A_155 = arith.constant 0 : i32
        %dma_start3A_156 = tpu.memref_slice %arg7[%sub3A_130, %dma_start3A_155] : memref<40x125xi32, #tpu.memory_space<vmem>> -> memref<1x125xi32, #tpu.memory_space<vmem>>
        %dma_start3A_157 = tpu.memref_squeeze %dma_start3A_156 : memref<1x125xi32, #tpu.memory_space<vmem>> -> memref<125xi32, #tpu.memory_space<vmem>>
        %dma_start3A_158 = arith.constant 0 : i32
        %dma_start3A_159 = arith.constant 0 : i32
        %dma_start3A_160 = tpu.memref_slice %arg2[%dma_start3A_158, %dma_start3A_159] : memref<10000x128xf32, #tpu.memory_space<hbm>> -> memref<10000x128xf32, #tpu.memory_space<hbm>>
        tpu.enqueue_indirect_dma source(%dma_start3A_160 : memref<10000x128xf32, #tpu.memory_space<hbm>>) target(%dma_start3A_154 : memref<125x128xf32, #tpu.memory_space<vmem>>) offsets(%dma_start3A_157 : memref<125xi32, #tpu.memory_space<vmem>>) semaphore(%arg11 : memref<!tpu.dma_semaphore, #tpu.memory_space<semaphore_mem>>)
      } else {
      }
      %jit3A = arith.constant 2 : i32
      %eq3A_80 = arith.constant 0 : i32
      %eq3A_81 = arith.cmpi eq, %jit3A, %eq3A_80 : i32
      %jit3A_82 = arith.constant 1 : i32
      %select_n3A = arith.select %eq3A_81, %jit3A_82, %jit3A : i32
      %rem3A = arith.remsi %scan3A_67, %select_n3A : i32
      %ne3A = arith.constant 0 : i32
      %ne3A_83 = arith.cmpi ne, %rem3A, %ne3A : i32
      %lt3A_84 = arith.constant 0 : i32
      %lt3A_85 = arith.cmpi slt, %rem3A, %lt3A_84 : i32
      %lt3A_86 = arith.constant 0 : i32
      %lt3A_87 = arith.cmpi slt, %select_n3A, %lt3A_86 : i32
      %ne3A_88 = arith.xori %lt3A_85, %lt3A_87 : i1
      %and3A = arith.andi %ne3A_88, %ne3A_83 : i1
      %add3A_89 = arith.addi %rem3A, %select_n3A : i32
      %select_n3A_90 = arith.select %and3A, %add3A_89, %rem3A : i32
      %dma_wait3A_91 = arith.constant 0 : i32
      %dma_wait3A_92 = arith.constant 0 : i32
      %dma_wait3A_93 = tpu.memref_slice %arg9[%select_n3A_90, %dma_wait3A_91, %dma_wait3A_92] : memref<2x125x128xf32, #tpu.memory_space<vmem>> -> memref<1x125x128xf32, #tpu.memory_space<vmem>>
      %dma_wait3A_94 = tpu.memref_squeeze %dma_wait3A_93 : memref<1x125x128xf32, #tpu.memory_space<vmem>> -> memref<125x128xf32, #tpu.memory_space<vmem>>
      %dma_wait3A_95 = arith.constant 0 : i32
      %dma_wait3A_96 = tpu.memref_slice %arg7[%scan3A_67, %dma_wait3A_95] : memref<40x125xi32, #tpu.memory_space<vmem>> -> memref<1x125xi32, #tpu.memory_space<vmem>>
      %dma_wait3A_97 = tpu.memref_squeeze %dma_wait3A_96 : memref<1x125xi32, #tpu.memory_space<vmem>> -> memref<125xi32, #tpu.memory_space<vmem>>
      %dma_wait3A_98 = arith.constant 0 : i32
      %dma_wait3A_99 = arith.constant 0 : i32
      %dma_wait3A_100 = tpu.memref_slice %arg2[%dma_wait3A_98, %dma_wait3A_99] : memref<10000x128xf32, #tpu.memory_space<hbm>> -> memref<10000x128xf32, #tpu.memory_space<hbm>>
      tpu.wait_indirect_dma semaphore(%arg11 : memref<!tpu.dma_semaphore, #tpu.memory_space<semaphore_mem>>) src(%dma_wait3A_100 : memref<10000x128xf32, #tpu.memory_space<hbm>>) dst(%dma_wait3A_94 : memref<125x128xf32, #tpu.memory_space<vmem>>)
      %jit3A_101 = arith.constant 2 : i32
      %eq3A_102 = arith.constant 0 : i32
      %eq3A_103 = arith.cmpi eq, %jit3A_101, %eq3A_102 : i32
      %jit3A_104 = arith.constant 1 : i32
      %select_n3A_105 = arith.select %eq3A_103, %jit3A_104, %jit3A_101 : i32
      %rem3A_106 = arith.remsi %scan3A_67, %select_n3A_105 : i32
      %ne3A_107 = arith.constant 0 : i32
      %ne3A_108 = arith.cmpi ne, %rem3A_106, %ne3A_107 : i32
      %lt3A_109 = arith.constant 0 : i32
      %lt3A_110 = arith.cmpi slt, %rem3A_106, %lt3A_109 : i32
      %lt3A_111 = arith.constant 0 : i32
      %lt3A_112 = arith.cmpi slt, %select_n3A_105, %lt3A_111 : i32
      %ne3A_113 = arith.xori %lt3A_110, %lt3A_112 : i1
      %and3A_114 = arith.andi %ne3A_113, %ne3A_108 : i1
      %add3A_115 = arith.addi %rem3A_106, %select_n3A_105 : i32
      %select_n3A_116 = arith.select %and3A_114, %add3A_115, %rem3A_106 : i32
      %dma_start3A_117 = arith.constant 0 : i32
      %dma_start3A_118 = arith.constant 0 : i32
      %dma_start3A_119 = tpu.memref_slice %arg9[%select_n3A_116, %dma_start3A_117, %dma_start3A_118] : memref<2x125x128xf32, #tpu.memory_space<vmem>> -> memref<1x125x128xf32, #tpu.memory_space<vmem>>
      %dma_start3A_120 = tpu.memref_squeeze %dma_start3A_119 : memref<1x125x128xf32, #tpu.memory_space<vmem>> -> memref<125x128xf32, #tpu.memory_space<vmem>>
      %dma_start3A_121 = arith.constant 0 : i32
      %dma_start3A_122 = tpu.memref_slice %arg8[%scan3A_67, %dma_start3A_121] : memref<40x125xi32, #tpu.memory_space<vmem>> -> memref<1x125xi32, #tpu.memory_space<vmem>>
      %dma_start3A_123 = tpu.memref_squeeze %dma_start3A_122 : memref<1x125xi32, #tpu.memory_space<vmem>> -> memref<125xi32, #tpu.memory_space<vmem>>
      %dma_start3A_124 = arith.constant 0 : i32
      %dma_start3A_125 = arith.constant 0 : i32
      %dma_start3A_126 = tpu.memref_slice %arg10[%dma_start3A_124, %dma_start3A_125] : memref<10240x128xf32, #tpu.memory_space<vmem_shared>> -> memref<10240x128xf32, #tpu.memory_space<vmem_shared>>
      tpu.enqueue_indirect_dma source(%dma_start3A_120 : memref<125x128xf32, #tpu.memory_space<vmem>>) target(%dma_start3A_126 : memref<10240x128xf32, #tpu.memory_space<vmem_shared>>) offsets(%dma_start3A_123 : memref<125xi32, #tpu.memory_space<vmem>>) semaphore(%arg12 : memref<!tpu.dma_semaphore, #tpu.memory_space<semaphore_mem>>) {add = true}
    }
    %scan3A_47 = arith.constant 40 : i32
    %dma_wait3A_48 = arith.constant 1 : i32
    %dma_wait3A_49 = arith.constant 39 : i32
    %dma_wait3A_50 = arith.constant 0 : i32
    %dma_wait3A_51 = arith.constant 0 : i32
    %dma_wait3A_52 = tpu.memref_slice %arg9[%dma_wait3A_48, %dma_wait3A_50, %dma_wait3A_51] : memref<2x125x128xf32, #tpu.memory_space<vmem>> -> memref<1x125x128xf32, #tpu.memory_space<vmem>>
    %dma_wait3A_53 = tpu.memref_squeeze %dma_wait3A_52 : memref<1x125x128xf32, #tpu.memory_space<vmem>> -> memref<125x128xf32, #tpu.memory_space<vmem>>
    %dma_wait3A_54 = arith.constant 0 : i32
    %dma_wait3A_55 = tpu.memref_slice %arg8[%dma_wait3A_49, %dma_wait3A_54] : memref<40x125xi32, #tpu.memory_space<vmem>> -> memref<1x125xi32, #tpu.memory_space<vmem>>
    %dma_wait3A_56 = tpu.memref_squeeze %dma_wait3A_55 : memref<1x125xi32, #tpu.memory_space<vmem>> -> memref<125xi32, #tpu.memory_space<vmem>>
    %dma_wait3A_57 = arith.constant 0 : i32
    %dma_wait3A_58 = arith.constant 0 : i32
    %dma_wait3A_59 = tpu.memref_slice %arg10[%dma_wait3A_57, %dma_wait3A_58] : memref<10240x128xf32, #tpu.memory_space<vmem_shared>> -> memref<10240x128xf32, #tpu.memory_space<vmem_shared>>
    tpu.wait_indirect_dma semaphore(%arg12 : memref<!tpu.dma_semaphore, #tpu.memory_space<semaphore_mem>>) src(%dma_wait3A_53 : memref<125x128xf32, #tpu.memory_space<vmem>>) dst(%dma_wait3A_59 : memref<10240x128xf32, #tpu.memory_space<vmem_shared>>)
    %barrier3A_60 = arith.constant 0 : index
    tpu.barrier barrier_id(%barrier3A_60)
    %lt3A = arith.constant 15 : i32
    %lt3A_61 = arith.cmpi slt, %arg1, %lt3A : i32
    %convert_element_type3A = arith.extui %lt3A_61 : i1 to i32
    %cond3A = arith.constant 0 : i32
    %cond3A_62 = arith.cmpi ne, %convert_element_type3A, %cond3A : i32
    scf.if %cond3A_62 {
      %mul3A_67 = arith.constant 640 : i32
      %mul3A_68 = arith.muli %arg1, %mul3A_67 : i32
      %mul3A_69 = arith.constant 640 : i32
      %mul3A_70 = arith.muli %arg1, %mul3A_69 : i32
      "tpu.region"() ({
        %run_scoped3A = tpu.sem_alloc : memref<!tpu.dma_semaphore, #tpu.memory_space<semaphore_mem>>
        %dma_start3A_71 = arith.constant 0 : i32
        %dma_start3A_72 = tpu.memref_slice %arg6[%arg0, %mul3A_70, %dma_start3A_71] : memref<2x10000x128xf32, #tpu.memory_space<hbm>> -> memref<1x640x128xf32, #tpu.memory_space<hbm>>
        %dma_start3A_73 = tpu.memref_squeeze %dma_start3A_72 : memref<1x640x128xf32, #tpu.memory_space<hbm>> -> memref<640x128xf32, #tpu.memory_space<hbm>>
        %dma_start3A_74 = arith.constant 0 : i32
        %dma_start3A_75 = tpu.memref_slice %arg10[%mul3A_68, %dma_start3A_74] : memref<10240x128xf32, #tpu.memory_space<vmem_shared>> -> memref<640x128xf32, #tpu.memory_space<vmem_shared>>
        tpu.enqueue_dma source(%dma_start3A_75 : memref<640x128xf32, #tpu.memory_space<vmem_shared>>) target(%dma_start3A_73 : memref<640x128xf32, #tpu.memory_space<hbm>>) target_semaphore(%run_scoped3A : memref<!tpu.dma_semaphore, #tpu.memory_space<semaphore_mem>>)
        %dma_wait3A_76 = arith.constant 0 : i32
        %dma_wait3A_77 = tpu.memref_slice %arg6[%arg0, %mul3A_70, %dma_wait3A_76] : memref<2x10000x128xf32, #tpu.memory_space<hbm>> -> memref<1x640x128xf32, #tpu.memory_space<hbm>>
        %dma_wait3A_78 = tpu.memref_squeeze %dma_wait3A_77 : memref<1x640x128xf32, #tpu.memory_space<hbm>> -> memref<640x128xf32, #tpu.memory_space<hbm>>
        %dma_wait3A_79 = arith.constant 0 : i32
        %dma_wait3A_80 = tpu.memref_slice %arg10[%mul3A_68, %dma_wait3A_79] : memref<10240x128xf32, #tpu.memory_space<vmem_shared>> -> memref<640x128xf32, #tpu.memory_space<vmem_shared>>
        tpu.wait_dma2 semaphore(%run_scoped3A : memref<!tpu.dma_semaphore, #tpu.memory_space<semaphore_mem>>) src(%dma_wait3A_80 : memref<640x128xf32, #tpu.memory_space<vmem_shared>>) dst(%dma_wait3A_78 : memref<640x128xf32, #tpu.memory_space<hbm>>)
        tpu.yield
      }) : () -> ()
    } else {
    }
    %eq3A = arith.constant 15 : i32
    %eq3A_63 = arith.cmpi eq, %arg1, %eq3A : i32
    %convert_element_type3A_64 = arith.extui %eq3A_63 : i1 to i32
    %cond3A_65 = arith.constant 0 : i32
    %cond3A_66 = arith.cmpi ne, %convert_element_type3A_64, %cond3A_65 : i32
    scf.if %cond3A_66 {
      "tpu.region"() ({
        %run_scoped3A = tpu.sem_alloc : memref<!tpu.dma_semaphore, #tpu.memory_space<semaphore_mem>>
        %dma_start3A_67 = arith.constant 9600 : i32
        %dma_start3A_68 = arith.constant 0 : i32
        %dma_start3A_69 = tpu.memref_slice %arg6[%arg0, %dma_start3A_67, %dma_start3A_68] : memref<2x10000x128xf32, #tpu.memory_space<hbm>> -> memref<1x400x128xf32, #tpu.memory_space<hbm>>
        %dma_start3A_70 = tpu.memref_squeeze %dma_start3A_69 : memref<1x400x128xf32, #tpu.memory_space<hbm>> -> memref<400x128xf32, #tpu.memory_space<hbm>>
        %dma_start3A_71 = arith.constant 9600 : i32
        %dma_start3A_72 = arith.constant 0 : i32
        %dma_start3A_73 = tpu.memref_slice %arg10[%dma_start3A_71, %dma_start3A_72] : memref<10240x128xf32, #tpu.memory_space<vmem_shared>> -> memref<400x128xf32, #tpu.memory_space<vmem_shared>>
        tpu.enqueue_dma source(%dma_start3A_73 : memref<400x128xf32, #tpu.memory_space<vmem_shared>>) target(%dma_start3A_70 : memref<400x128xf32, #tpu.memory_space<hbm>>) target_semaphore(%run_scoped3A : memref<!tpu.dma_semaphore, #tpu.memory_space<semaphore_mem>>)
        %dma_wait3A_74 = arith.constant 9600 : i32
        %dma_wait3A_75 = arith.constant 0 : i32
        %dma_wait3A_76 = tpu.memref_slice %arg6[%arg0, %dma_wait3A_74, %dma_wait3A_75] : memref<2x10000x128xf32, #tpu.memory_space<hbm>> -> memref<1x400x128xf32, #tpu.memory_space<hbm>>
        %dma_wait3A_77 = tpu.memref_squeeze %dma_wait3A_76 : memref<1x400x128xf32, #tpu.memory_space<hbm>> -> memref<400x128xf32, #tpu.memory_space<hbm>>
        %dma_wait3A_78 = arith.constant 9600 : i32
        %dma_wait3A_79 = arith.constant 0 : i32
        %dma_wait3A_80 = tpu.memref_slice %arg10[%dma_wait3A_78, %dma_wait3A_79] : memref<10240x128xf32, #tpu.memory_space<vmem_shared>> -> memref<400x128xf32, #tpu.memory_space<vmem_shared>>
        tpu.wait_dma2 semaphore(%run_scoped3A : memref<!tpu.dma_semaphore, #tpu.memory_space<semaphore_mem>>) src(%dma_wait3A_80 : memref<400x128xf32, #tpu.memory_space<vmem_shared>>) dst(%dma_wait3A_77 : memref<400x128xf32, #tpu.memory_space<hbm>>)
        tpu.yield
      }) : () -> ()
    } else {
    }
    return
  }
}

#map = affine_map<(d0, d1) -> (0, 0)>
#map1 = affine_map<(d0, d1) -> (0, 0, 0)>
module attributes {stable_mosaic.version = 14 : i64} {
  func.func @seg(%arg0: i32, %arg1: i32, %arg2: memref<10000x128xf32, #tpu.memory_space<hbm>>, %arg3: memref<1280x125xi32, #tpu.memory_space<hbm>>, %arg4: memref<1280x125xi32, #tpu.memory_space<hbm>>, %arg5: memref<10240x128xf32, #tpu.memory_space<hbm>>, %arg6: memref<2x10000x128xf32, #tpu.memory_space<hbm>>, %arg7: memref<40x125xi32, #tpu.memory_space<vmem>>, %arg8: memref<40x125xi32, #tpu.memory_space<vmem>>, %arg9: memref<2x125x128xf32, #tpu.memory_space<vmem>>, %arg10: memref<10240x128xf32, #tpu.memory_space<vmem_shared>>, %arg11: memref<!tpu.dma_semaphore, #tpu.memory_space<semaphore_mem>>, %arg12: memref<!tpu.dma_semaphore, #tpu.memory_space<semaphore_mem>>) attributes {dimension_semantics = [#tpu.dimension_semantics<core_parallel>, #tpu.dimension_semantics<subcore_parallel>], iteration_bounds = array<i64: 2, 16>, scalar_prefetch = 0 : i64, scratch_operands = 6 : i64, tpu.core_type = #tpu.core_type<sc_vector_subcore>, window_params = [{transform_indices = #map}, {transform_indices = #map}, {transform_indices = #map}, {transform_indices = #map}, {transform_indices = #map1}]} {
    %mul3A = arith.constant 2 : i32
    %mul3A_0 = arith.muli %arg1, %mul3A : i32
    %add3A = arith.addi %mul3A_0, %arg0 : i32
    %mul3A_1 = arith.constant 640 : i32
    %mul3A_2 = arith.muli %arg1, %mul3A_1 : i32
    %mul3A_3 = arith.constant 640 : i32
    %mul3A_4 = arith.muli %arg1, %mul3A_3 : i32
    %dma_start3A = arith.constant 0 : i32
    %dma_start3A_5 = tpu.memref_slice %arg10[%mul3A_4, %dma_start3A] : memref<10240x128xf32, #tpu.memory_space<vmem_shared>> -> memref<640x128xf32, #tpu.memory_space<vmem_shared>>
    %dma_start3A_6 = arith.constant 0 : i32
    %dma_start3A_7 = tpu.memref_slice %arg5[%mul3A_2, %dma_start3A_6] : memref<10240x128xf32, #tpu.memory_space<hbm>> -> memref<640x128xf32, #tpu.memory_space<hbm>>
    tpu.enqueue_dma source(%dma_start3A_7 : memref<640x128xf32, #tpu.memory_space<hbm>>) target(%dma_start3A_5 : memref<640x128xf32, #tpu.memory_space<vmem_shared>>) target_semaphore(%arg11 : memref<!tpu.dma_semaphore, #tpu.memory_space<semaphore_mem>>)
    %mul3A_8 = arith.constant 40 : i32
    %mul3A_9 = arith.muli %add3A, %mul3A_8 : i32
    %dma_start3A_10 = arith.constant 0 : i32
    %dma_start3A_11 = tpu.memref_slice %arg3[%mul3A_9, %dma_start3A_10] : memref<1280x125xi32, #tpu.memory_space<hbm>> -> memref<40x125xi32, #tpu.memory_space<hbm>>
    %dma_start3A_12 = arith.constant 0 : i32
    %dma_start3A_13 = tpu.memref_slice %arg3[%mul3A_9, %dma_start3A_12] : memref<1280x125xi32, #tpu.memory_space<hbm>> -> memref<40x125xi32, #tpu.memory_space<hbm>>
    tpu.enqueue_dma source(%dma_start3A_13 : memref<40x125xi32, #tpu.memory_space<hbm>>) target(%arg7 : memref<40x125xi32, #tpu.memory_space<vmem>>) target_semaphore(%arg11 : memref<!tpu.dma_semaphore, #tpu.memory_space<semaphore_mem>>)
    %mul3A_14 = arith.constant 40 : i32
    %mul3A_15 = arith.muli %add3A, %mul3A_14 : i32
    %dma_start3A_16 = arith.constant 0 : i32
    %dma_start3A_17 = tpu.memref_slice %arg4[%mul3A_15, %dma_start3A_16] : memref<1280x125xi32, #tpu.memory_space<hbm>> -> memref<40x125xi32, #tpu.memory_space<hbm>>
    %dma_start3A_18 = arith.constant 0 : i32
    %dma_start3A_19 = tpu.memref_slice %arg4[%mul3A_15, %dma_start3A_18] : memref<1280x125xi32, #tpu.memory_space<hbm>> -> memref<40x125xi32, #tpu.memory_space<hbm>>
    tpu.enqueue_dma source(%dma_start3A_19 : memref<40x125xi32, #tpu.memory_space<hbm>>) target(%arg8 : memref<40x125xi32, #tpu.memory_space<vmem>>) target_semaphore(%arg11 : memref<!tpu.dma_semaphore, #tpu.memory_space<semaphore_mem>>)
    %dma_wait3A = arith.constant 0 : i32
    %dma_wait3A_20 = tpu.memref_slice %arg10[%mul3A_4, %dma_wait3A] : memref<10240x128xf32, #tpu.memory_space<vmem_shared>> -> memref<640x128xf32, #tpu.memory_space<vmem_shared>>
    %dma_wait3A_21 = arith.constant 0 : i32
    %dma_wait3A_22 = tpu.memref_slice %arg5[%mul3A_2, %dma_wait3A_21] : memref<10240x128xf32, #tpu.memory_space<hbm>> -> memref<640x128xf32, #tpu.memory_space<hbm>>
    tpu.wait_dma2 semaphore(%arg11 : memref<!tpu.dma_semaphore, #tpu.memory_space<semaphore_mem>>) src(%dma_wait3A_22 : memref<640x128xf32, #tpu.memory_space<hbm>>) dst(%dma_wait3A_20 : memref<640x128xf32, #tpu.memory_space<vmem_shared>>)
    %dma_wait3A_23 = arith.constant 0 : i32
    %dma_wait3A_24 = tpu.memref_slice %arg3[%mul3A_9, %dma_wait3A_23] : memref<1280x125xi32, #tpu.memory_space<hbm>> -> memref<40x125xi32, #tpu.memory_space<hbm>>
    %dma_wait3A_25 = arith.constant 0 : i32
    %dma_wait3A_26 = tpu.memref_slice %arg3[%mul3A_9, %dma_wait3A_25] : memref<1280x125xi32, #tpu.memory_space<hbm>> -> memref<40x125xi32, #tpu.memory_space<hbm>>
    tpu.wait_dma2 semaphore(%arg11 : memref<!tpu.dma_semaphore, #tpu.memory_space<semaphore_mem>>) src(%dma_wait3A_26 : memref<40x125xi32, #tpu.memory_space<hbm>>) dst(%arg7 : memref<40x125xi32, #tpu.memory_space<vmem>>)
    %dma_wait3A_27 = arith.constant 0 : i32
    %dma_wait3A_28 = tpu.memref_slice %arg4[%mul3A_15, %dma_wait3A_27] : memref<1280x125xi32, #tpu.memory_space<hbm>> -> memref<40x125xi32, #tpu.memory_space<hbm>>
    %dma_wait3A_29 = arith.constant 0 : i32
    %dma_wait3A_30 = tpu.memref_slice %arg4[%mul3A_15, %dma_wait3A_29] : memref<1280x125xi32, #tpu.memory_space<hbm>> -> memref<40x125xi32, #tpu.memory_space<hbm>>
    tpu.wait_dma2 semaphore(%arg11 : memref<!tpu.dma_semaphore, #tpu.memory_space<semaphore_mem>>) src(%dma_wait3A_30 : memref<40x125xi32, #tpu.memory_space<hbm>>) dst(%arg8 : memref<40x125xi32, #tpu.memory_space<vmem>>)
    %barrier3A = arith.constant 0 : index
    tpu.barrier barrier_id(%barrier3A)
    %dma_start3A_31 = arith.constant 0 : i32
    %dma_start3A_32 = arith.constant 0 : i32
    %dma_start3A_33 = arith.constant 0 : i32
    %dma_start3A_34 = arith.constant 0 : i32
    %dma_start3A_35 = tpu.memref_slice %arg9[%dma_start3A_32, %dma_start3A_33, %dma_start3A_34] : memref<2x125x128xf32, #tpu.memory_space<vmem>> -> memref<1x125x128xf32, #tpu.memory_space<vmem>>
    %dma_start3A_36 = tpu.memref_squeeze %dma_start3A_35 : memref<1x125x128xf32, #tpu.memory_space<vmem>> -> memref<125x128xf32, #tpu.memory_space<vmem>>
    %dma_start3A_37 = arith.constant 0 : i32
    %dma_start3A_38 = tpu.memref_slice %arg7[%dma_start3A_31, %dma_start3A_37] : memref<40x125xi32, #tpu.memory_space<vmem>> -> memref<1x125xi32, #tpu.memory_space<vmem>>
    %dma_start3A_39 = tpu.memref_squeeze %dma_start3A_38 : memref<1x125xi32, #tpu.memory_space<vmem>> -> memref<125xi32, #tpu.memory_space<vmem>>
    %dma_start3A_40 = arith.constant 0 : i32
    %dma_start3A_41 = arith.constant 0 : i32
    %dma_start3A_42 = tpu.memref_slice %arg2[%dma_start3A_40, %dma_start3A_41] : memref<10000x128xf32, #tpu.memory_space<hbm>> -> memref<10000x128xf32, #tpu.memory_space<hbm>>
    tpu.enqueue_indirect_dma source(%dma_start3A_42 : memref<10000x128xf32, #tpu.memory_space<hbm>>) target(%dma_start3A_36 : memref<125x128xf32, #tpu.memory_space<vmem>>) offsets(%dma_start3A_39 : memref<125xi32, #tpu.memory_space<vmem>>) semaphore(%arg11 : memref<!tpu.dma_semaphore, #tpu.memory_space<semaphore_mem>>)
    %scan3A = arith.constant 0 : i32
    %scan3A_43 = arith.constant 0 : i32
    %scan3A_44 = arith.constant 40 : i32
    %scan3A_45 = arith.addi %scan3A_43, %scan3A_44 : i32
    %scan3A_46 = arith.constant 1 : i32
    scf.for %scan3A_67 = %scan3A_43 to %scan3A_45 step %scan3A_46  : i32 {
      %gt3A = arith.constant 0 : i32
      %gt3A_68 = arith.cmpi sgt, %scan3A_67, %gt3A : i32
      %convert_element_type3A_69 = arith.extui %gt3A_68 : i1 to i32
      %cond3A_70 = arith.constant 0 : i32
      %cond3A_71 = arith.cmpi ne, %convert_element_type3A_69, %cond3A_70 : i32
      scf.if %cond3A_71 {
        %sub3A_127 = arith.constant 1 : i32
        %sub3A_128 = arith.subi %scan3A_67, %sub3A_127 : i32
        %jit3A_129 = arith.constant 2 : i32
        %eq3A_130 = arith.constant 0 : i32
        %eq3A_131 = arith.cmpi eq, %jit3A_129, %eq3A_130 : i32
        %jit3A_132 = arith.constant 1 : i32
        %select_n3A_133 = arith.select %eq3A_131, %jit3A_132, %jit3A_129 : i32
        %rem3A_134 = arith.remsi %sub3A_128, %select_n3A_133 : i32
        %ne3A_135 = arith.constant 0 : i32
        %ne3A_136 = arith.cmpi ne, %rem3A_134, %ne3A_135 : i32
        %lt3A_137 = arith.constant 0 : i32
        %lt3A_138 = arith.cmpi slt, %rem3A_134, %lt3A_137 : i32
        %lt3A_139 = arith.constant 0 : i32
        %lt3A_140 = arith.cmpi slt, %select_n3A_133, %lt3A_139 : i32
        %ne3A_141 = arith.xori %lt3A_138, %lt3A_140 : i1
        %and3A_142 = arith.andi %ne3A_141, %ne3A_136 : i1
        %add3A_143 = arith.addi %rem3A_134, %select_n3A_133 : i32
        %select_n3A_144 = arith.select %and3A_142, %add3A_143, %rem3A_134 : i32
        %sub3A_145 = arith.constant 1 : i32
        %sub3A_146 = arith.subi %scan3A_67, %sub3A_145 : i32
        %dma_wait3A_147 = arith.constant 0 : i32
        %dma_wait3A_148 = arith.constant 0 : i32
        %dma_wait3A_149 = tpu.memref_slice %arg9[%select_n3A_144, %dma_wait3A_147, %dma_wait3A_148] : memref<2x125x128xf32, #tpu.memory_space<vmem>> -> memref<1x125x128xf32, #tpu.memory_space<vmem>>
        %dma_wait3A_150 = tpu.memref_squeeze %dma_wait3A_149 : memref<1x125x128xf32, #tpu.memory_space<vmem>> -> memref<125x128xf32, #tpu.memory_space<vmem>>
        %dma_wait3A_151 = arith.constant 0 : i32
        %dma_wait3A_152 = tpu.memref_slice %arg8[%sub3A_146, %dma_wait3A_151] : memref<40x125xi32, #tpu.memory_space<vmem>> -> memref<1x125xi32, #tpu.memory_space<vmem>>
        %dma_wait3A_153 = tpu.memref_squeeze %dma_wait3A_152 : memref<1x125xi32, #tpu.memory_space<vmem>> -> memref<125xi32, #tpu.memory_space<vmem>>
        %dma_wait3A_154 = arith.constant 0 : i32
        %dma_wait3A_155 = arith.constant 0 : i32
        %dma_wait3A_156 = tpu.memref_slice %arg10[%dma_wait3A_154, %dma_wait3A_155] : memref<10240x128xf32, #tpu.memory_space<vmem_shared>> -> memref<10240x128xf32, #tpu.memory_space<vmem_shared>>
        tpu.wait_indirect_dma semaphore(%arg12 : memref<!tpu.dma_semaphore, #tpu.memory_space<semaphore_mem>>) src(%dma_wait3A_150 : memref<125x128xf32, #tpu.memory_space<vmem>>) dst(%dma_wait3A_156 : memref<10240x128xf32, #tpu.memory_space<vmem_shared>>)
      } else {
      }
      %add3A_72 = arith.constant 2 : i32
      %add3A_73 = arith.addi %scan3A_67, %add3A_72 : i32
      %sub3A = arith.constant 1 : i32
      %sub3A_74 = arith.subi %add3A_73, %sub3A : i32
      %lt3A_75 = arith.constant 40 : i32
      %lt3A_76 = arith.cmpi slt, %sub3A_74, %lt3A_75 : i32
      %convert_element_type3A_77 = arith.extui %lt3A_76 : i1 to i32
      %cond3A_78 = arith.constant 0 : i32
      %cond3A_79 = arith.cmpi ne, %convert_element_type3A_77, %cond3A_78 : i32
      scf.if %cond3A_79 {
        %add3A_127 = arith.constant 2 : i32
        %add3A_128 = arith.addi %scan3A_67, %add3A_127 : i32
        %sub3A_129 = arith.constant 1 : i32
        %sub3A_130 = arith.subi %add3A_128, %sub3A_129 : i32
        %add3A_131 = arith.constant 2 : i32
        %add3A_132 = arith.addi %scan3A_67, %add3A_131 : i32
        %sub3A_133 = arith.constant 1 : i32
        %sub3A_134 = arith.subi %add3A_132, %sub3A_133 : i32
        %jit3A_135 = arith.constant 2 : i32
        %eq3A_136 = arith.constant 0 : i32
        %eq3A_137 = arith.cmpi eq, %jit3A_135, %eq3A_136 : i32
        %jit3A_138 = arith.constant 1 : i32
        %select_n3A_139 = arith.select %eq3A_137, %jit3A_138, %jit3A_135 : i32
        %rem3A_140 = arith.remsi %sub3A_134, %select_n3A_139 : i32
        %ne3A_141 = arith.constant 0 : i32
        %ne3A_142 = arith.cmpi ne, %rem3A_140, %ne3A_141 : i32
        %lt3A_143 = arith.constant 0 : i32
        %lt3A_144 = arith.cmpi slt, %rem3A_140, %lt3A_143 : i32
        %lt3A_145 = arith.constant 0 : i32
        %lt3A_146 = arith.cmpi slt, %select_n3A_139, %lt3A_145 : i32
        %ne3A_147 = arith.xori %lt3A_144, %lt3A_146 : i1
        %and3A_148 = arith.andi %ne3A_147, %ne3A_142 : i1
        %add3A_149 = arith.addi %rem3A_140, %select_n3A_139 : i32
        %select_n3A_150 = arith.select %and3A_148, %add3A_149, %rem3A_140 : i32
        %dma_start3A_151 = arith.constant 0 : i32
        %dma_start3A_152 = arith.constant 0 : i32
        %dma_start3A_153 = tpu.memref_slice %arg9[%select_n3A_150, %dma_start3A_151, %dma_start3A_152] : memref<2x125x128xf32, #tpu.memory_space<vmem>> -> memref<1x125x128xf32, #tpu.memory_space<vmem>>
        %dma_start3A_154 = tpu.memref_squeeze %dma_start3A_153 : memref<1x125x128xf32, #tpu.memory_space<vmem>> -> memref<125x128xf32, #tpu.memory_space<vmem>>
        %dma_start3A_155 = arith.constant 0 : i32
        %dma_start3A_156 = tpu.memref_slice %arg7[%sub3A_130, %dma_start3A_155] : memref<40x125xi32, #tpu.memory_space<vmem>> -> memref<1x125xi32, #tpu.memory_space<vmem>>
        %dma_start3A_157 = tpu.memref_squeeze %dma_start3A_156 : memref<1x125xi32, #tpu.memory_space<vmem>> -> memref<125xi32, #tpu.memory_space<vmem>>
        %dma_start3A_158 = arith.constant 0 : i32
        %dma_start3A_159 = arith.constant 0 : i32
        %dma_start3A_160 = tpu.memref_slice %arg2[%dma_start3A_158, %dma_start3A_159] : memref<10000x128xf32, #tpu.memory_space<hbm>> -> memref<10000x128xf32, #tpu.memory_space<hbm>>
        tpu.enqueue_indirect_dma source(%dma_start3A_160 : memref<10000x128xf32, #tpu.memory_space<hbm>>) target(%dma_start3A_154 : memref<125x128xf32, #tpu.memory_space<vmem>>) offsets(%dma_start3A_157 : memref<125xi32, #tpu.memory_space<vmem>>) semaphore(%arg11 : memref<!tpu.dma_semaphore, #tpu.memory_space<semaphore_mem>>)
      } else {
      }
      %jit3A = arith.constant 2 : i32
      %eq3A_80 = arith.constant 0 : i32
      %eq3A_81 = arith.cmpi eq, %jit3A, %eq3A_80 : i32
      %jit3A_82 = arith.constant 1 : i32
      %select_n3A = arith.select %eq3A_81, %jit3A_82, %jit3A : i32
      %rem3A = arith.remsi %scan3A_67, %select_n3A : i32
      %ne3A = arith.constant 0 : i32
      %ne3A_83 = arith.cmpi ne, %rem3A, %ne3A : i32
      %lt3A_84 = arith.constant 0 : i32
      %lt3A_85 = arith.cmpi slt, %rem3A, %lt3A_84 : i32
      %lt3A_86 = arith.constant 0 : i32
      %lt3A_87 = arith.cmpi slt, %select_n3A, %lt3A_86 : i32
      %ne3A_88 = arith.xori %lt3A_85, %lt3A_87 : i1
      %and3A = arith.andi %ne3A_88, %ne3A_83 : i1
      %add3A_89 = arith.addi %rem3A, %select_n3A : i32
      %select_n3A_90 = arith.select %and3A, %add3A_89, %rem3A : i32
      %dma_wait3A_91 = arith.constant 0 : i32
      %dma_wait3A_92 = arith.constant 0 : i32
      %dma_wait3A_93 = tpu.memref_slice %arg9[%select_n3A_90, %dma_wait3A_91, %dma_wait3A_92] : memref<2x125x128xf32, #tpu.memory_space<vmem>> -> memref<1x125x128xf32, #tpu.memory_space<vmem>>
      %dma_wait3A_94 = tpu.memref_squeeze %dma_wait3A_93 : memref<1x125x128xf32, #tpu.memory_space<vmem>> -> memref<125x128xf32, #tpu.memory_space<vmem>>
      %dma_wait3A_95 = arith.constant 0 : i32
      %dma_wait3A_96 = tpu.memref_slice %arg7[%scan3A_67, %dma_wait3A_95] : memref<40x125xi32, #tpu.memory_space<vmem>> -> memref<1x125xi32, #tpu.memory_space<vmem>>
      %dma_wait3A_97 = tpu.memref_squeeze %dma_wait3A_96 : memref<1x125xi32, #tpu.memory_space<vmem>> -> memref<125xi32, #tpu.memory_space<vmem>>
      %dma_wait3A_98 = arith.constant 0 : i32
      %dma_wait3A_99 = arith.constant 0 : i32
      %dma_wait3A_100 = tpu.memref_slice %arg2[%dma_wait3A_98, %dma_wait3A_99] : memref<10000x128xf32, #tpu.memory_space<hbm>> -> memref<10000x128xf32, #tpu.memory_space<hbm>>
      tpu.wait_indirect_dma semaphore(%arg11 : memref<!tpu.dma_semaphore, #tpu.memory_space<semaphore_mem>>) src(%dma_wait3A_100 : memref<10000x128xf32, #tpu.memory_space<hbm>>) dst(%dma_wait3A_94 : memref<125x128xf32, #tpu.memory_space<vmem>>)
      %jit3A_101 = arith.constant 2 : i32
      %eq3A_102 = arith.constant 0 : i32
      %eq3A_103 = arith.cmpi eq, %jit3A_101, %eq3A_102 : i32
      %jit3A_104 = arith.constant 1 : i32
      %select_n3A_105 = arith.select %eq3A_103, %jit3A_104, %jit3A_101 : i32
      %rem3A_106 = arith.remsi %scan3A_67, %select_n3A_105 : i32
      %ne3A_107 = arith.constant 0 : i32
      %ne3A_108 = arith.cmpi ne, %rem3A_106, %ne3A_107 : i32
      %lt3A_109 = arith.constant 0 : i32
      %lt3A_110 = arith.cmpi slt, %rem3A_106, %lt3A_109 : i32
      %lt3A_111 = arith.constant 0 : i32
      %lt3A_112 = arith.cmpi slt, %select_n3A_105, %lt3A_111 : i32
      %ne3A_113 = arith.xori %lt3A_110, %lt3A_112 : i1
      %and3A_114 = arith.andi %ne3A_113, %ne3A_108 : i1
      %add3A_115 = arith.addi %rem3A_106, %select_n3A_105 : i32
      %select_n3A_116 = arith.select %and3A_114, %add3A_115, %rem3A_106 : i32
      %dma_start3A_117 = arith.constant 0 : i32
      %dma_start3A_118 = arith.constant 0 : i32
      %dma_start3A_119 = tpu.memref_slice %arg9[%select_n3A_116, %dma_start3A_117, %dma_start3A_118] : memref<2x125x128xf32, #tpu.memory_space<vmem>> -> memref<1x125x128xf32, #tpu.memory_space<vmem>>
      %dma_start3A_120 = tpu.memref_squeeze %dma_start3A_119 : memref<1x125x128xf32, #tpu.memory_space<vmem>> -> memref<125x128xf32, #tpu.memory_space<vmem>>
      %dma_start3A_121 = arith.constant 0 : i32
      %dma_start3A_122 = tpu.memref_slice %arg8[%scan3A_67, %dma_start3A_121] : memref<40x125xi32, #tpu.memory_space<vmem>> -> memref<1x125xi32, #tpu.memory_space<vmem>>
      %dma_start3A_123 = tpu.memref_squeeze %dma_start3A_122 : memref<1x125xi32, #tpu.memory_space<vmem>> -> memref<125xi32, #tpu.memory_space<vmem>>
      %dma_start3A_124 = arith.constant 0 : i32
      %dma_start3A_125 = arith.constant 0 : i32
      %dma_start3A_126 = tpu.memref_slice %arg10[%dma_start3A_124, %dma_start3A_125] : memref<10240x128xf32, #tpu.memory_space<vmem_shared>> -> memref<10240x128xf32, #tpu.memory_space<vmem_shared>>
      tpu.enqueue_indirect_dma source(%dma_start3A_120 : memref<125x128xf32, #tpu.memory_space<vmem>>) target(%dma_start3A_126 : memref<10240x128xf32, #tpu.memory_space<vmem_shared>>) offsets(%dma_start3A_123 : memref<125xi32, #tpu.memory_space<vmem>>) semaphore(%arg12 : memref<!tpu.dma_semaphore, #tpu.memory_space<semaphore_mem>>) {add = true}
    }
    %scan3A_47 = arith.constant 40 : i32
    %dma_wait3A_48 = arith.constant 1 : i32
    %dma_wait3A_49 = arith.constant 39 : i32
    %dma_wait3A_50 = arith.constant 0 : i32
    %dma_wait3A_51 = arith.constant 0 : i32
    %dma_wait3A_52 = tpu.memref_slice %arg9[%dma_wait3A_48, %dma_wait3A_50, %dma_wait3A_51] : memref<2x125x128xf32, #tpu.memory_space<vmem>> -> memref<1x125x128xf32, #tpu.memory_space<vmem>>
    %dma_wait3A_53 = tpu.memref_squeeze %dma_wait3A_52 : memref<1x125x128xf32, #tpu.memory_space<vmem>> -> memref<125x128xf32, #tpu.memory_space<vmem>>
    %dma_wait3A_54 = arith.constant 0 : i32
    %dma_wait3A_55 = tpu.memref_slice %arg8[%dma_wait3A_49, %dma_wait3A_54] : memref<40x125xi32, #tpu.memory_space<vmem>> -> memref<1x125xi32, #tpu.memory_space<vmem>>
    %dma_wait3A_56 = tpu.memref_squeeze %dma_wait3A_55 : memref<1x125xi32, #tpu.memory_space<vmem>> -> memref<125xi32, #tpu.memory_space<vmem>>
    %dma_wait3A_57 = arith.constant 0 : i32
    %dma_wait3A_58 = arith.constant 0 : i32
    %dma_wait3A_59 = tpu.memref_slice %arg10[%dma_wait3A_57, %dma_wait3A_58] : memref<10240x128xf32, #tpu.memory_space<vmem_shared>> -> memref<10240x128xf32, #tpu.memory_space<vmem_shared>>
    tpu.wait_indirect_dma semaphore(%arg12 : memref<!tpu.dma_semaphore, #tpu.memory_space<semaphore_mem>>) src(%dma_wait3A_53 : memref<125x128xf32, #tpu.memory_space<vmem>>) dst(%dma_wait3A_59 : memref<10240x128xf32, #tpu.memory_space<vmem_shared>>)
    %barrier3A_60 = arith.constant 0 : index
    tpu.barrier barrier_id(%barrier3A_60)
    %lt3A = arith.constant 15 : i32
    %lt3A_61 = arith.cmpi slt, %arg1, %lt3A : i32
    %convert_element_type3A = arith.extui %lt3A_61 : i1 to i32
    %cond3A = arith.constant 0 : i32
    %cond3A_62 = arith.cmpi ne, %convert_element_type3A, %cond3A : i32
    scf.if %cond3A_62 {
      %mul3A_67 = arith.constant 640 : i32
      %mul3A_68 = arith.muli %arg1, %mul3A_67 : i32
      %mul3A_69 = arith.constant 640 : i32
      %mul3A_70 = arith.muli %arg1, %mul3A_69 : i32
      "tpu.region"() ({
        %run_scoped3A = tpu.sem_alloc : memref<!tpu.dma_semaphore, #tpu.memory_space<semaphore_mem>>
        %dma_start3A_71 = arith.constant 0 : i32
        %dma_start3A_72 = tpu.memref_slice %arg6[%arg0, %mul3A_70, %dma_start3A_71] : memref<2x10000x128xf32, #tpu.memory_space<hbm>> -> memref<1x640x128xf32, #tpu.memory_space<hbm>>
        %dma_start3A_73 = tpu.memref_squeeze %dma_start3A_72 : memref<1x640x128xf32, #tpu.memory_space<hbm>> -> memref<640x128xf32, #tpu.memory_space<hbm>>
        %dma_start3A_74 = arith.constant 0 : i32
        %dma_start3A_75 = tpu.memref_slice %arg10[%mul3A_68, %dma_start3A_74] : memref<10240x128xf32, #tpu.memory_space<vmem_shared>> -> memref<640x128xf32, #tpu.memory_space<vmem_shared>>
        tpu.enqueue_dma source(%dma_start3A_75 : memref<640x128xf32, #tpu.memory_space<vmem_shared>>) target(%dma_start3A_73 : memref<640x128xf32, #tpu.memory_space<hbm>>) target_semaphore(%run_scoped3A : memref<!tpu.dma_semaphore, #tpu.memory_space<semaphore_mem>>)
        %dma_wait3A_76 = arith.constant 0 : i32
        %dma_wait3A_77 = tpu.memref_slice %arg6[%arg0, %mul3A_70, %dma_wait3A_76] : memref<2x10000x128xf32, #tpu.memory_space<hbm>> -> memref<1x640x128xf32, #tpu.memory_space<hbm>>
        %dma_wait3A_78 = tpu.memref_squeeze %dma_wait3A_77 : memref<1x640x128xf32, #tpu.memory_space<hbm>> -> memref<640x128xf32, #tpu.memory_space<hbm>>
        %dma_wait3A_79 = arith.constant 0 : i32
        %dma_wait3A_80 = tpu.memref_slice %arg10[%mul3A_68, %dma_wait3A_79] : memref<10240x128xf32, #tpu.memory_space<vmem_shared>> -> memref<640x128xf32, #tpu.memory_space<vmem_shared>>
        tpu.wait_dma2 semaphore(%run_scoped3A : memref<!tpu.dma_semaphore, #tpu.memory_space<semaphore_mem>>) src(%dma_wait3A_80 : memref<640x128xf32, #tpu.memory_space<vmem_shared>>) dst(%dma_wait3A_78 : memref<640x128xf32, #tpu.memory_space<hbm>>)
        tpu.yield
      }) : () -> ()
    } else {
    }
    %eq3A = arith.constant 15 : i32
    %eq3A_63 = arith.cmpi eq, %arg1, %eq3A : i32
    %convert_element_type3A_64 = arith.extui %eq3A_63 : i1 to i32
    %cond3A_65 = arith.constant 0 : i32
    %cond3A_66 = arith.cmpi ne, %convert_element_type3A_64, %cond3A_65 : i32
    scf.if %cond3A_66 {
      "tpu.region"() ({
        %run_scoped3A = tpu.sem_alloc : memref<!tpu.dma_semaphore, #tpu.memory_space<semaphore_mem>>
        %dma_start3A_67 = arith.constant 9600 : i32
        %dma_start3A_68 = arith.constant 0 : i32
        %dma_start3A_69 = tpu.memref_slice %arg6[%arg0, %dma_start3A_67, %dma_start3A_68] : memref<2x10000x128xf32, #tpu.memory_space<hbm>> -> memref<1x400x128xf32, #tpu.memory_space<hbm>>
        %dma_start3A_70 = tpu.memref_squeeze %dma_start3A_69 : memref<1x400x128xf32, #tpu.memory_space<hbm>> -> memref<400x128xf32, #tpu.memory_space<hbm>>
        %dma_start3A_71 = arith.constant 9600 : i32
        %dma_start3A_72 = arith.constant 0 : i32
        %dma_start3A_73 = tpu.memref_slice %arg10[%dma_start3A_71, %dma_start3A_72] : memref<10240x128xf32, #tpu.memory_space<vmem_shared>> -> memref<400x128xf32, #tpu.memory_space<vmem_shared>>
        tpu.enqueue_dma source(%dma_start3A_73 : memref<400x128xf32, #tpu.memory_space<vmem_shared>>) target(%dma_start3A_70 : memref<400x128xf32, #tpu.memory_space<hbm>>) target_semaphore(%run_scoped3A : memref<!tpu.dma_semaphore, #tpu.memory_space<semaphore_mem>>)
        %dma_wait3A_74 = arith.constant 9600 : i32
        %dma_wait3A_75 = arith.constant 0 : i32
        %dma_wait3A_76 = tpu.memref_slice %arg6[%arg0, %dma_wait3A_74, %dma_wait3A_75] : memref<2x10000x128xf32, #tpu.memory_space<hbm>> -> memref<1x400x128xf32, #tpu.memory_space<hbm>>
        %dma_wait3A_77 = tpu.memref_squeeze %dma_wait3A_76 : memref<1x400x128xf32, #tpu.memory_space<hbm>> -> memref<400x128xf32, #tpu.memory_space<hbm>>
        %dma_wait3A_78 = arith.constant 9600 : i32
        %dma_wait3A_79 = arith.constant 0 : i32
        %dma_wait3A_80 = tpu.memref_slice %arg10[%dma_wait3A_78, %dma_wait3A_79] : memref<10240x128xf32, #tpu.memory_space<vmem_shared>> -> memref<400x128xf32, #tpu.memory_space<vmem_shared>>
        tpu.wait_dma2 semaphore(%run_scoped3A : memref<!tpu.dma_semaphore, #tpu.memory_space<semaphore_mem>>) src(%dma_wait3A_80 : memref<400x128xf32, #tpu.memory_space<vmem_shared>>) dst(%dma_wait3A_77 : memref<400x128xf32, #tpu.memory_space<hbm>>)
        tpu.yield
      }) : () -> ()
    } else {
    }
    return
  }
}

#map = affine_map<(d0, d1) -> (0, 0)>
#map1 = affine_map<(d0, d1) -> (0, 0, 0)>
module attributes {stable_mosaic.version = 14 : i64} {
  func.func @seg(%arg0: i32, %arg1: i32, %arg2: memref<10000x64xf32, #tpu.memory_space<hbm>>, %arg3: memref<1280x125xi32, #tpu.memory_space<hbm>>, %arg4: memref<1280x125xi32, #tpu.memory_space<hbm>>, %arg5: memref<10240x64xf32, #tpu.memory_space<hbm>>, %arg6: memref<2x10000x64xf32, #tpu.memory_space<hbm>>, %arg7: memref<40x125xi32, #tpu.memory_space<vmem>>, %arg8: memref<40x125xi32, #tpu.memory_space<vmem>>, %arg9: memref<4x125x64xf32, #tpu.memory_space<vmem>>, %arg10: memref<10240x64xf32, #tpu.memory_space<vmem_shared>>, %arg11: memref<!tpu.dma_semaphore, #tpu.memory_space<semaphore_mem>>, %arg12: memref<!tpu.dma_semaphore, #tpu.memory_space<semaphore_mem>>) attributes {dimension_semantics = [#tpu.dimension_semantics<core_parallel>, #tpu.dimension_semantics<subcore_parallel>], iteration_bounds = array<i64: 2, 16>, scalar_prefetch = 0 : i64, scratch_operands = 6 : i64, tpu.core_type = #tpu.core_type<sc_vector_subcore>, window_params = [{transform_indices = #map}, {transform_indices = #map}, {transform_indices = #map}, {transform_indices = #map}, {transform_indices = #map1}]} {
    %mul3A = arith.constant 2 : i32
    %mul3A_0 = arith.muli %arg1, %mul3A : i32
    %add3A = arith.addi %mul3A_0, %arg0 : i32
    %mul3A_1 = arith.constant 640 : i32
    %mul3A_2 = arith.muli %arg1, %mul3A_1 : i32
    %mul3A_3 = arith.constant 640 : i32
    %mul3A_4 = arith.muli %arg1, %mul3A_3 : i32
    %dma_start3A = arith.constant 0 : i32
    %dma_start3A_5 = tpu.memref_slice %arg10[%mul3A_4, %dma_start3A] : memref<10240x64xf32, #tpu.memory_space<vmem_shared>> -> memref<640x64xf32, #tpu.memory_space<vmem_shared>>
    %dma_start3A_6 = arith.constant 0 : i32
    %dma_start3A_7 = tpu.memref_slice %arg5[%mul3A_2, %dma_start3A_6] : memref<10240x64xf32, #tpu.memory_space<hbm>> -> memref<640x64xf32, #tpu.memory_space<hbm>>
    tpu.enqueue_dma source(%dma_start3A_7 : memref<640x64xf32, #tpu.memory_space<hbm>>) target(%dma_start3A_5 : memref<640x64xf32, #tpu.memory_space<vmem_shared>>) target_semaphore(%arg11 : memref<!tpu.dma_semaphore, #tpu.memory_space<semaphore_mem>>)
    %mul3A_8 = arith.constant 40 : i32
    %mul3A_9 = arith.muli %add3A, %mul3A_8 : i32
    %dma_start3A_10 = arith.constant 0 : i32
    %dma_start3A_11 = tpu.memref_slice %arg3[%mul3A_9, %dma_start3A_10] : memref<1280x125xi32, #tpu.memory_space<hbm>> -> memref<40x125xi32, #tpu.memory_space<hbm>>
    %dma_start3A_12 = arith.constant 0 : i32
    %dma_start3A_13 = tpu.memref_slice %arg3[%mul3A_9, %dma_start3A_12] : memref<1280x125xi32, #tpu.memory_space<hbm>> -> memref<40x125xi32, #tpu.memory_space<hbm>>
    tpu.enqueue_dma source(%dma_start3A_13 : memref<40x125xi32, #tpu.memory_space<hbm>>) target(%arg7 : memref<40x125xi32, #tpu.memory_space<vmem>>) target_semaphore(%arg11 : memref<!tpu.dma_semaphore, #tpu.memory_space<semaphore_mem>>)
    %mul3A_14 = arith.constant 40 : i32
    %mul3A_15 = arith.muli %add3A, %mul3A_14 : i32
    %dma_start3A_16 = arith.constant 0 : i32
    %dma_start3A_17 = tpu.memref_slice %arg4[%mul3A_15, %dma_start3A_16] : memref<1280x125xi32, #tpu.memory_space<hbm>> -> memref<40x125xi32, #tpu.memory_space<hbm>>
    %dma_start3A_18 = arith.constant 0 : i32
    %dma_start3A_19 = tpu.memref_slice %arg4[%mul3A_15, %dma_start3A_18] : memref<1280x125xi32, #tpu.memory_space<hbm>> -> memref<40x125xi32, #tpu.memory_space<hbm>>
    tpu.enqueue_dma source(%dma_start3A_19 : memref<40x125xi32, #tpu.memory_space<hbm>>) target(%arg8 : memref<40x125xi32, #tpu.memory_space<vmem>>) target_semaphore(%arg11 : memref<!tpu.dma_semaphore, #tpu.memory_space<semaphore_mem>>)
    %dma_wait3A = arith.constant 0 : i32
    %dma_wait3A_20 = tpu.memref_slice %arg10[%mul3A_4, %dma_wait3A] : memref<10240x64xf32, #tpu.memory_space<vmem_shared>> -> memref<640x64xf32, #tpu.memory_space<vmem_shared>>
    %dma_wait3A_21 = arith.constant 0 : i32
    %dma_wait3A_22 = tpu.memref_slice %arg5[%mul3A_2, %dma_wait3A_21] : memref<10240x64xf32, #tpu.memory_space<hbm>> -> memref<640x64xf32, #tpu.memory_space<hbm>>
    tpu.wait_dma2 semaphore(%arg11 : memref<!tpu.dma_semaphore, #tpu.memory_space<semaphore_mem>>) src(%dma_wait3A_22 : memref<640x64xf32, #tpu.memory_space<hbm>>) dst(%dma_wait3A_20 : memref<640x64xf32, #tpu.memory_space<vmem_shared>>)
    %dma_wait3A_23 = arith.constant 0 : i32
    %dma_wait3A_24 = tpu.memref_slice %arg3[%mul3A_9, %dma_wait3A_23] : memref<1280x125xi32, #tpu.memory_space<hbm>> -> memref<40x125xi32, #tpu.memory_space<hbm>>
    %dma_wait3A_25 = arith.constant 0 : i32
    %dma_wait3A_26 = tpu.memref_slice %arg3[%mul3A_9, %dma_wait3A_25] : memref<1280x125xi32, #tpu.memory_space<hbm>> -> memref<40x125xi32, #tpu.memory_space<hbm>>
    tpu.wait_dma2 semaphore(%arg11 : memref<!tpu.dma_semaphore, #tpu.memory_space<semaphore_mem>>) src(%dma_wait3A_26 : memref<40x125xi32, #tpu.memory_space<hbm>>) dst(%arg7 : memref<40x125xi32, #tpu.memory_space<vmem>>)
    %dma_wait3A_27 = arith.constant 0 : i32
    %dma_wait3A_28 = tpu.memref_slice %arg4[%mul3A_15, %dma_wait3A_27] : memref<1280x125xi32, #tpu.memory_space<hbm>> -> memref<40x125xi32, #tpu.memory_space<hbm>>
    %dma_wait3A_29 = arith.constant 0 : i32
    %dma_wait3A_30 = tpu.memref_slice %arg4[%mul3A_15, %dma_wait3A_29] : memref<1280x125xi32, #tpu.memory_space<hbm>> -> memref<40x125xi32, #tpu.memory_space<hbm>>
    tpu.wait_dma2 semaphore(%arg11 : memref<!tpu.dma_semaphore, #tpu.memory_space<semaphore_mem>>) src(%dma_wait3A_30 : memref<40x125xi32, #tpu.memory_space<hbm>>) dst(%arg8 : memref<40x125xi32, #tpu.memory_space<vmem>>)
    %barrier3A = arith.constant 0 : index
    tpu.barrier barrier_id(%barrier3A)
    %dma_start3A_31 = arith.constant 0 : i32
    %dma_start3A_32 = arith.constant 0 : i32
    %dma_start3A_33 = arith.constant 0 : i32
    %dma_start3A_34 = arith.constant 0 : i32
    %dma_start3A_35 = tpu.memref_slice %arg9[%dma_start3A_32, %dma_start3A_33, %dma_start3A_34] : memref<4x125x64xf32, #tpu.memory_space<vmem>> -> memref<1x125x64xf32, #tpu.memory_space<vmem>>
    %dma_start3A_36 = tpu.memref_squeeze %dma_start3A_35 : memref<1x125x64xf32, #tpu.memory_space<vmem>> -> memref<125x64xf32, #tpu.memory_space<vmem>>
    %dma_start3A_37 = arith.constant 0 : i32
    %dma_start3A_38 = tpu.memref_slice %arg7[%dma_start3A_31, %dma_start3A_37] : memref<40x125xi32, #tpu.memory_space<vmem>> -> memref<1x125xi32, #tpu.memory_space<vmem>>
    %dma_start3A_39 = tpu.memref_squeeze %dma_start3A_38 : memref<1x125xi32, #tpu.memory_space<vmem>> -> memref<125xi32, #tpu.memory_space<vmem>>
    %dma_start3A_40 = arith.constant 0 : i32
    %dma_start3A_41 = arith.constant 0 : i32
    %dma_start3A_42 = tpu.memref_slice %arg2[%dma_start3A_40, %dma_start3A_41] : memref<10000x64xf32, #tpu.memory_space<hbm>> -> memref<10000x64xf32, #tpu.memory_space<hbm>>
    tpu.enqueue_indirect_dma source(%dma_start3A_42 : memref<10000x64xf32, #tpu.memory_space<hbm>>) target(%dma_start3A_36 : memref<125x64xf32, #tpu.memory_space<vmem>>) offsets(%dma_start3A_39 : memref<125xi32, #tpu.memory_space<vmem>>) semaphore(%arg11 : memref<!tpu.dma_semaphore, #tpu.memory_space<semaphore_mem>>)
    %dma_start3A_43 = arith.constant 1 : i32
    %dma_start3A_44 = arith.constant 1 : i32
    %dma_start3A_45 = arith.constant 0 : i32
    %dma_start3A_46 = arith.constant 0 : i32
    %dma_start3A_47 = tpu.memref_slice %arg9[%dma_start3A_44, %dma_start3A_45, %dma_start3A_46] : memref<4x125x64xf32, #tpu.memory_space<vmem>> -> memref<1x125x64xf32, #tpu.memory_space<vmem>>
    %dma_start3A_48 = tpu.memref_squeeze %dma_start3A_47 : memref<1x125x64xf32, #tpu.memory_space<vmem>> -> memref<125x64xf32, #tpu.memory_space<vmem>>
    %dma_start3A_49 = arith.constant 0 : i32
    %dma_start3A_50 = tpu.memref_slice %arg7[%dma_start3A_43, %dma_start3A_49] : memref<40x125xi32, #tpu.memory_space<vmem>> -> memref<1x125xi32, #tpu.memory_space<vmem>>
    %dma_start3A_51 = tpu.memref_squeeze %dma_start3A_50 : memref<1x125xi32, #tpu.memory_space<vmem>> -> memref<125xi32, #tpu.memory_space<vmem>>
    %dma_start3A_52 = arith.constant 0 : i32
    %dma_start3A_53 = arith.constant 0 : i32
    %dma_start3A_54 = tpu.memref_slice %arg2[%dma_start3A_52, %dma_start3A_53] : memref<10000x64xf32, #tpu.memory_space<hbm>> -> memref<10000x64xf32, #tpu.memory_space<hbm>>
    tpu.enqueue_indirect_dma source(%dma_start3A_54 : memref<10000x64xf32, #tpu.memory_space<hbm>>) target(%dma_start3A_48 : memref<125x64xf32, #tpu.memory_space<vmem>>) offsets(%dma_start3A_51 : memref<125xi32, #tpu.memory_space<vmem>>) semaphore(%arg11 : memref<!tpu.dma_semaphore, #tpu.memory_space<semaphore_mem>>)
    %dma_start3A_55 = arith.constant 2 : i32
    %dma_start3A_56 = arith.constant 2 : i32
    %dma_start3A_57 = arith.constant 0 : i32
    %dma_start3A_58 = arith.constant 0 : i32
    %dma_start3A_59 = tpu.memref_slice %arg9[%dma_start3A_56, %dma_start3A_57, %dma_start3A_58] : memref<4x125x64xf32, #tpu.memory_space<vmem>> -> memref<1x125x64xf32, #tpu.memory_space<vmem>>
    %dma_start3A_60 = tpu.memref_squeeze %dma_start3A_59 : memref<1x125x64xf32, #tpu.memory_space<vmem>> -> memref<125x64xf32, #tpu.memory_space<vmem>>
    %dma_start3A_61 = arith.constant 0 : i32
    %dma_start3A_62 = tpu.memref_slice %arg7[%dma_start3A_55, %dma_start3A_61] : memref<40x125xi32, #tpu.memory_space<vmem>> -> memref<1x125xi32, #tpu.memory_space<vmem>>
    %dma_start3A_63 = tpu.memref_squeeze %dma_start3A_62 : memref<1x125xi32, #tpu.memory_space<vmem>> -> memref<125xi32, #tpu.memory_space<vmem>>
    %dma_start3A_64 = arith.constant 0 : i32
    %dma_start3A_65 = arith.constant 0 : i32
    %dma_start3A_66 = tpu.memref_slice %arg2[%dma_start3A_64, %dma_start3A_65] : memref<10000x64xf32, #tpu.memory_space<hbm>> -> memref<10000x64xf32, #tpu.memory_space<hbm>>
    tpu.enqueue_indirect_dma source(%dma_start3A_66 : memref<10000x64xf32, #tpu.memory_space<hbm>>) target(%dma_start3A_60 : memref<125x64xf32, #tpu.memory_space<vmem>>) offsets(%dma_start3A_63 : memref<125xi32, #tpu.memory_space<vmem>>) semaphore(%arg11 : memref<!tpu.dma_semaphore, #tpu.memory_space<semaphore_mem>>)
    %scan3A = arith.constant 0 : i32
    %scan3A_67 = arith.constant 0 : i32
    %scan3A_68 = arith.constant 40 : i32
    %scan3A_69 = arith.addi %scan3A_67, %scan3A_68 : i32
    %scan3A_70 = arith.constant 1 : i32
    scf.for %scan3A_91 = %scan3A_67 to %scan3A_69 step %scan3A_70  : i32 {
      %gt3A = arith.constant 0 : i32
      %gt3A_92 = arith.cmpi sgt, %scan3A_91, %gt3A : i32
      %convert_element_type3A_93 = arith.extui %gt3A_92 : i1 to i32
      %cond3A_94 = arith.constant 0 : i32
      %cond3A_95 = arith.cmpi ne, %convert_element_type3A_93, %cond3A_94 : i32
      scf.if %cond3A_95 {
        %sub3A_151 = arith.constant 1 : i32
        %sub3A_152 = arith.subi %scan3A_91, %sub3A_151 : i32
        %jit3A_153 = arith.constant 4 : i32
        %eq3A_154 = arith.constant 0 : i32
        %eq3A_155 = arith.cmpi eq, %jit3A_153, %eq3A_154 : i32
        %jit3A_156 = arith.constant 1 : i32
        %select_n3A_157 = arith.select %eq3A_155, %jit3A_156, %jit3A_153 : i32
        %rem3A_158 = arith.remsi %sub3A_152, %select_n3A_157 : i32
        %ne3A_159 = arith.constant 0 : i32
        %ne3A_160 = arith.cmpi ne, %rem3A_158, %ne3A_159 : i32
        %lt3A_161 = arith.constant 0 : i32
        %lt3A_162 = arith.cmpi slt, %rem3A_158, %lt3A_161 : i32
        %lt3A_163 = arith.constant 0 : i32
        %lt3A_164 = arith.cmpi slt, %select_n3A_157, %lt3A_163 : i32
        %ne3A_165 = arith.xori %lt3A_162, %lt3A_164 : i1
        %and3A_166 = arith.andi %ne3A_165, %ne3A_160 : i1
        %add3A_167 = arith.addi %rem3A_158, %select_n3A_157 : i32
        %select_n3A_168 = arith.select %and3A_166, %add3A_167, %rem3A_158 : i32
        %sub3A_169 = arith.constant 1 : i32
        %sub3A_170 = arith.subi %scan3A_91, %sub3A_169 : i32
        %dma_wait3A_171 = arith.constant 0 : i32
        %dma_wait3A_172 = arith.constant 0 : i32
        %dma_wait3A_173 = tpu.memref_slice %arg9[%select_n3A_168, %dma_wait3A_171, %dma_wait3A_172] : memref<4x125x64xf32, #tpu.memory_space<vmem>> -> memref<1x125x64xf32, #tpu.memory_space<vmem>>
        %dma_wait3A_174 = tpu.memref_squeeze %dma_wait3A_173 : memref<1x125x64xf32, #tpu.memory_space<vmem>> -> memref<125x64xf32, #tpu.memory_space<vmem>>
        %dma_wait3A_175 = arith.constant 0 : i32
        %dma_wait3A_176 = tpu.memref_slice %arg8[%sub3A_170, %dma_wait3A_175] : memref<40x125xi32, #tpu.memory_space<vmem>> -> memref<1x125xi32, #tpu.memory_space<vmem>>
        %dma_wait3A_177 = tpu.memref_squeeze %dma_wait3A_176 : memref<1x125xi32, #tpu.memory_space<vmem>> -> memref<125xi32, #tpu.memory_space<vmem>>
        %dma_wait3A_178 = arith.constant 0 : i32
        %dma_wait3A_179 = arith.constant 0 : i32
        %dma_wait3A_180 = tpu.memref_slice %arg10[%dma_wait3A_178, %dma_wait3A_179] : memref<10240x64xf32, #tpu.memory_space<vmem_shared>> -> memref<10240x64xf32, #tpu.memory_space<vmem_shared>>
        tpu.wait_indirect_dma semaphore(%arg12 : memref<!tpu.dma_semaphore, #tpu.memory_space<semaphore_mem>>) src(%dma_wait3A_174 : memref<125x64xf32, #tpu.memory_space<vmem>>) dst(%dma_wait3A_180 : memref<10240x64xf32, #tpu.memory_space<vmem_shared>>)
      } else {
      }
      %add3A_96 = arith.constant 4 : i32
      %add3A_97 = arith.addi %scan3A_91, %add3A_96 : i32
      %sub3A = arith.constant 1 : i32
      %sub3A_98 = arith.subi %add3A_97, %sub3A : i32
      %lt3A_99 = arith.constant 40 : i32
      %lt3A_100 = arith.cmpi slt, %sub3A_98, %lt3A_99 : i32
      %convert_element_type3A_101 = arith.extui %lt3A_100 : i1 to i32
      %cond3A_102 = arith.constant 0 : i32
      %cond3A_103 = arith.cmpi ne, %convert_element_type3A_101, %cond3A_102 : i32
      scf.if %cond3A_103 {
        %add3A_151 = arith.constant 4 : i32
        %add3A_152 = arith.addi %scan3A_91, %add3A_151 : i32
        %sub3A_153 = arith.constant 1 : i32
        %sub3A_154 = arith.subi %add3A_152, %sub3A_153 : i32
        %add3A_155 = arith.constant 4 : i32
        %add3A_156 = arith.addi %scan3A_91, %add3A_155 : i32
        %sub3A_157 = arith.constant 1 : i32
        %sub3A_158 = arith.subi %add3A_156, %sub3A_157 : i32
        %jit3A_159 = arith.constant 4 : i32
        %eq3A_160 = arith.constant 0 : i32
        %eq3A_161 = arith.cmpi eq, %jit3A_159, %eq3A_160 : i32
        %jit3A_162 = arith.constant 1 : i32
        %select_n3A_163 = arith.select %eq3A_161, %jit3A_162, %jit3A_159 : i32
        %rem3A_164 = arith.remsi %sub3A_158, %select_n3A_163 : i32
        %ne3A_165 = arith.constant 0 : i32
        %ne3A_166 = arith.cmpi ne, %rem3A_164, %ne3A_165 : i32
        %lt3A_167 = arith.constant 0 : i32
        %lt3A_168 = arith.cmpi slt, %rem3A_164, %lt3A_167 : i32
        %lt3A_169 = arith.constant 0 : i32
        %lt3A_170 = arith.cmpi slt, %select_n3A_163, %lt3A_169 : i32
        %ne3A_171 = arith.xori %lt3A_168, %lt3A_170 : i1
        %and3A_172 = arith.andi %ne3A_171, %ne3A_166 : i1
        %add3A_173 = arith.addi %rem3A_164, %select_n3A_163 : i32
        %select_n3A_174 = arith.select %and3A_172, %add3A_173, %rem3A_164 : i32
        %dma_start3A_175 = arith.constant 0 : i32
        %dma_start3A_176 = arith.constant 0 : i32
        %dma_start3A_177 = tpu.memref_slice %arg9[%select_n3A_174, %dma_start3A_175, %dma_start3A_176] : memref<4x125x64xf32, #tpu.memory_space<vmem>> -> memref<1x125x64xf32, #tpu.memory_space<vmem>>
        %dma_start3A_178 = tpu.memref_squeeze %dma_start3A_177 : memref<1x125x64xf32, #tpu.memory_space<vmem>> -> memref<125x64xf32, #tpu.memory_space<vmem>>
        %dma_start3A_179 = arith.constant 0 : i32
        %dma_start3A_180 = tpu.memref_slice %arg7[%sub3A_154, %dma_start3A_179] : memref<40x125xi32, #tpu.memory_space<vmem>> -> memref<1x125xi32, #tpu.memory_space<vmem>>
        %dma_start3A_181 = tpu.memref_squeeze %dma_start3A_180 : memref<1x125xi32, #tpu.memory_space<vmem>> -> memref<125xi32, #tpu.memory_space<vmem>>
        %dma_start3A_182 = arith.constant 0 : i32
        %dma_start3A_183 = arith.constant 0 : i32
        %dma_start3A_184 = tpu.memref_slice %arg2[%dma_start3A_182, %dma_start3A_183] : memref<10000x64xf32, #tpu.memory_space<hbm>> -> memref<10000x64xf32, #tpu.memory_space<hbm>>
        tpu.enqueue_indirect_dma source(%dma_start3A_184 : memref<10000x64xf32, #tpu.memory_space<hbm>>) target(%dma_start3A_178 : memref<125x64xf32, #tpu.memory_space<vmem>>) offsets(%dma_start3A_181 : memref<125xi32, #tpu.memory_space<vmem>>) semaphore(%arg11 : memref<!tpu.dma_semaphore, #tpu.memory_space<semaphore_mem>>)
      } else {
      }
      %jit3A = arith.constant 4 : i32
      %eq3A_104 = arith.constant 0 : i32
      %eq3A_105 = arith.cmpi eq, %jit3A, %eq3A_104 : i32
      %jit3A_106 = arith.constant 1 : i32
      %select_n3A = arith.select %eq3A_105, %jit3A_106, %jit3A : i32
      %rem3A = arith.remsi %scan3A_91, %select_n3A : i32
      %ne3A = arith.constant 0 : i32
      %ne3A_107 = arith.cmpi ne, %rem3A, %ne3A : i32
      %lt3A_108 = arith.constant 0 : i32
      %lt3A_109 = arith.cmpi slt, %rem3A, %lt3A_108 : i32
      %lt3A_110 = arith.constant 0 : i32
      %lt3A_111 = arith.cmpi slt, %select_n3A, %lt3A_110 : i32
      %ne3A_112 = arith.xori %lt3A_109, %lt3A_111 : i1
      %and3A = arith.andi %ne3A_112, %ne3A_107 : i1
      %add3A_113 = arith.addi %rem3A, %select_n3A : i32
      %select_n3A_114 = arith.select %and3A, %add3A_113, %rem3A : i32
      %dma_wait3A_115 = arith.constant 0 : i32
      %dma_wait3A_116 = arith.constant 0 : i32
      %dma_wait3A_117 = tpu.memref_slice %arg9[%select_n3A_114, %dma_wait3A_115, %dma_wait3A_116] : memref<4x125x64xf32, #tpu.memory_space<vmem>> -> memref<1x125x64xf32, #tpu.memory_space<vmem>>
      %dma_wait3A_118 = tpu.memref_squeeze %dma_wait3A_117 : memref<1x125x64xf32, #tpu.memory_space<vmem>> -> memref<125x64xf32, #tpu.memory_space<vmem>>
      %dma_wait3A_119 = arith.constant 0 : i32
      %dma_wait3A_120 = tpu.memref_slice %arg7[%scan3A_91, %dma_wait3A_119] : memref<40x125xi32, #tpu.memory_space<vmem>> -> memref<1x125xi32, #tpu.memory_space<vmem>>
      %dma_wait3A_121 = tpu.memref_squeeze %dma_wait3A_120 : memref<1x125xi32, #tpu.memory_space<vmem>> -> memref<125xi32, #tpu.memory_space<vmem>>
      %dma_wait3A_122 = arith.constant 0 : i32
      %dma_wait3A_123 = arith.constant 0 : i32
      %dma_wait3A_124 = tpu.memref_slice %arg2[%dma_wait3A_122, %dma_wait3A_123] : memref<10000x64xf32, #tpu.memory_space<hbm>> -> memref<10000x64xf32, #tpu.memory_space<hbm>>
      tpu.wait_indirect_dma semaphore(%arg11 : memref<!tpu.dma_semaphore, #tpu.memory_space<semaphore_mem>>) src(%dma_wait3A_124 : memref<10000x64xf32, #tpu.memory_space<hbm>>) dst(%dma_wait3A_118 : memref<125x64xf32, #tpu.memory_space<vmem>>)
      %jit3A_125 = arith.constant 4 : i32
      %eq3A_126 = arith.constant 0 : i32
      %eq3A_127 = arith.cmpi eq, %jit3A_125, %eq3A_126 : i32
      %jit3A_128 = arith.constant 1 : i32
      %select_n3A_129 = arith.select %eq3A_127, %jit3A_128, %jit3A_125 : i32
      %rem3A_130 = arith.remsi %scan3A_91, %select_n3A_129 : i32
      %ne3A_131 = arith.constant 0 : i32
      %ne3A_132 = arith.cmpi ne, %rem3A_130, %ne3A_131 : i32
      %lt3A_133 = arith.constant 0 : i32
      %lt3A_134 = arith.cmpi slt, %rem3A_130, %lt3A_133 : i32
      %lt3A_135 = arith.constant 0 : i32
      %lt3A_136 = arith.cmpi slt, %select_n3A_129, %lt3A_135 : i32
      %ne3A_137 = arith.xori %lt3A_134, %lt3A_136 : i1
      %and3A_138 = arith.andi %ne3A_137, %ne3A_132 : i1
      %add3A_139 = arith.addi %rem3A_130, %select_n3A_129 : i32
      %select_n3A_140 = arith.select %and3A_138, %add3A_139, %rem3A_130 : i32
      %dma_start3A_141 = arith.constant 0 : i32
      %dma_start3A_142 = arith.constant 0 : i32
      %dma_start3A_143 = tpu.memref_slice %arg9[%select_n3A_140, %dma_start3A_141, %dma_start3A_142] : memref<4x125x64xf32, #tpu.memory_space<vmem>> -> memref<1x125x64xf32, #tpu.memory_space<vmem>>
      %dma_start3A_144 = tpu.memref_squeeze %dma_start3A_143 : memref<1x125x64xf32, #tpu.memory_space<vmem>> -> memref<125x64xf32, #tpu.memory_space<vmem>>
      %dma_start3A_145 = arith.constant 0 : i32
      %dma_start3A_146 = tpu.memref_slice %arg8[%scan3A_91, %dma_start3A_145] : memref<40x125xi32, #tpu.memory_space<vmem>> -> memref<1x125xi32, #tpu.memory_space<vmem>>
      %dma_start3A_147 = tpu.memref_squeeze %dma_start3A_146 : memref<1x125xi32, #tpu.memory_space<vmem>> -> memref<125xi32, #tpu.memory_space<vmem>>
      %dma_start3A_148 = arith.constant 0 : i32
      %dma_start3A_149 = arith.constant 0 : i32
      %dma_start3A_150 = tpu.memref_slice %arg10[%dma_start3A_148, %dma_start3A_149] : memref<10240x64xf32, #tpu.memory_space<vmem_shared>> -> memref<10240x64xf32, #tpu.memory_space<vmem_shared>>
      tpu.enqueue_indirect_dma source(%dma_start3A_144 : memref<125x64xf32, #tpu.memory_space<vmem>>) target(%dma_start3A_150 : memref<10240x64xf32, #tpu.memory_space<vmem_shared>>) offsets(%dma_start3A_147 : memref<125xi32, #tpu.memory_space<vmem>>) semaphore(%arg12 : memref<!tpu.dma_semaphore, #tpu.memory_space<semaphore_mem>>) {add = true}
    }
    %scan3A_71 = arith.constant 40 : i32
    %dma_wait3A_72 = arith.constant 3 : i32
    %dma_wait3A_73 = arith.constant 39 : i32
    %dma_wait3A_74 = arith.constant 0 : i32
    %dma_wait3A_75 = arith.constant 0 : i32
    %dma_wait3A_76 = tpu.memref_slice %arg9[%dma_wait3A_72, %dma_wait3A_74, %dma_wait3A_75] : memref<4x125x64xf32, #tpu.memory_space<vmem>> -> memref<1x125x64xf32, #tpu.memory_space<vmem>>
    %dma_wait3A_77 = tpu.memref_squeeze %dma_wait3A_76 : memref<1x125x64xf32, #tpu.memory_space<vmem>> -> memref<125x64xf32, #tpu.memory_space<vmem>>
    %dma_wait3A_78 = arith.constant 0 : i32
    %dma_wait3A_79 = tpu.memref_slice %arg8[%dma_wait3A_73, %dma_wait3A_78] : memref<40x125xi32, #tpu.memory_space<vmem>> -> memref<1x125xi32, #tpu.memory_space<vmem>>
    %dma_wait3A_80 = tpu.memref_squeeze %dma_wait3A_79 : memref<1x125xi32, #tpu.memory_space<vmem>> -> memref<125xi32, #tpu.memory_space<vmem>>
    %dma_wait3A_81 = arith.constant 0 : i32
    %dma_wait3A_82 = arith.constant 0 : i32
    %dma_wait3A_83 = tpu.memref_slice %arg10[%dma_wait3A_81, %dma_wait3A_82] : memref<10240x64xf32, #tpu.memory_space<vmem_shared>> -> memref<10240x64xf32, #tpu.memory_space<vmem_shared>>
    tpu.wait_indirect_dma semaphore(%arg12 : memref<!tpu.dma_semaphore, #tpu.memory_space<semaphore_mem>>) src(%dma_wait3A_77 : memref<125x64xf32, #tpu.memory_space<vmem>>) dst(%dma_wait3A_83 : memref<10240x64xf32, #tpu.memory_space<vmem_shared>>)
    %barrier3A_84 = arith.constant 0 : index
    tpu.barrier barrier_id(%barrier3A_84)
    %lt3A = arith.constant 15 : i32
    %lt3A_85 = arith.cmpi slt, %arg1, %lt3A : i32
    %convert_element_type3A = arith.extui %lt3A_85 : i1 to i32
    %cond3A = arith.constant 0 : i32
    %cond3A_86 = arith.cmpi ne, %convert_element_type3A, %cond3A : i32
    scf.if %cond3A_86 {
      %mul3A_91 = arith.constant 640 : i32
      %mul3A_92 = arith.muli %arg1, %mul3A_91 : i32
      %mul3A_93 = arith.constant 640 : i32
      %mul3A_94 = arith.muli %arg1, %mul3A_93 : i32
      "tpu.region"() ({
        %run_scoped3A = tpu.sem_alloc : memref<!tpu.dma_semaphore, #tpu.memory_space<semaphore_mem>>
        %dma_start3A_95 = arith.constant 0 : i32
        %dma_start3A_96 = tpu.memref_slice %arg6[%arg0, %mul3A_94, %dma_start3A_95] : memref<2x10000x64xf32, #tpu.memory_space<hbm>> -> memref<1x640x64xf32, #tpu.memory_space<hbm>>
        %dma_start3A_97 = tpu.memref_squeeze %dma_start3A_96 : memref<1x640x64xf32, #tpu.memory_space<hbm>> -> memref<640x64xf32, #tpu.memory_space<hbm>>
        %dma_start3A_98 = arith.constant 0 : i32
        %dma_start3A_99 = tpu.memref_slice %arg10[%mul3A_92, %dma_start3A_98] : memref<10240x64xf32, #tpu.memory_space<vmem_shared>> -> memref<640x64xf32, #tpu.memory_space<vmem_shared>>
        tpu.enqueue_dma source(%dma_start3A_99 : memref<640x64xf32, #tpu.memory_space<vmem_shared>>) target(%dma_start3A_97 : memref<640x64xf32, #tpu.memory_space<hbm>>) target_semaphore(%run_scoped3A : memref<!tpu.dma_semaphore, #tpu.memory_space<semaphore_mem>>)
        %dma_wait3A_100 = arith.constant 0 : i32
        %dma_wait3A_101 = tpu.memref_slice %arg6[%arg0, %mul3A_94, %dma_wait3A_100] : memref<2x10000x64xf32, #tpu.memory_space<hbm>> -> memref<1x640x64xf32, #tpu.memory_space<hbm>>
        %dma_wait3A_102 = tpu.memref_squeeze %dma_wait3A_101 : memref<1x640x64xf32, #tpu.memory_space<hbm>> -> memref<640x64xf32, #tpu.memory_space<hbm>>
        %dma_wait3A_103 = arith.constant 0 : i32
        %dma_wait3A_104 = tpu.memref_slice %arg10[%mul3A_92, %dma_wait3A_103] : memref<10240x64xf32, #tpu.memory_space<vmem_shared>> -> memref<640x64xf32, #tpu.memory_space<vmem_shared>>
        tpu.wait_dma2 semaphore(%run_scoped3A : memref<!tpu.dma_semaphore, #tpu.memory_space<semaphore_mem>>) src(%dma_wait3A_104 : memref<640x64xf32, #tpu.memory_space<vmem_shared>>) dst(%dma_wait3A_102 : memref<640x64xf32, #tpu.memory_space<hbm>>)
        tpu.yield
      }) : () -> ()
    } else {
    }
    %eq3A = arith.constant 15 : i32
    %eq3A_87 = arith.cmpi eq, %arg1, %eq3A : i32
    %convert_element_type3A_88 = arith.extui %eq3A_87 : i1 to i32
    %cond3A_89 = arith.constant 0 : i32
    %cond3A_90 = arith.cmpi ne, %convert_element_type3A_88, %cond3A_89 : i32
    scf.if %cond3A_90 {
      "tpu.region"() ({
        %run_scoped3A = tpu.sem_alloc : memref<!tpu.dma_semaphore, #tpu.memory_space<semaphore_mem>>
        %dma_start3A_91 = arith.constant 9600 : i32
        %dma_start3A_92 = arith.constant 0 : i32
        %dma_start3A_93 = tpu.memref_slice %arg6[%arg0, %dma_start3A_91, %dma_start3A_92] : memref<2x10000x64xf32, #tpu.memory_space<hbm>> -> memref<1x400x64xf32, #tpu.memory_space<hbm>>
        %dma_start3A_94 = tpu.memref_squeeze %dma_start3A_93 : memref<1x400x64xf32, #tpu.memory_space<hbm>> -> memref<400x64xf32, #tpu.memory_space<hbm>>
        %dma_start3A_95 = arith.constant 9600 : i32
        %dma_start3A_96 = arith.constant 0 : i32
        %dma_start3A_97 = tpu.memref_slice %arg10[%dma_start3A_95, %dma_start3A_96] : memref<10240x64xf32, #tpu.memory_space<vmem_shared>> -> memref<400x64xf32, #tpu.memory_space<vmem_shared>>
        tpu.enqueue_dma source(%dma_start3A_97 : memref<400x64xf32, #tpu.memory_space<vmem_shared>>) target(%dma_start3A_94 : memref<400x64xf32, #tpu.memory_space<hbm>>) target_semaphore(%run_scoped3A : memref<!tpu.dma_semaphore, #tpu.memory_space<semaphore_mem>>)
        %dma_wait3A_98 = arith.constant 9600 : i32
        %dma_wait3A_99 = arith.constant 0 : i32
        %dma_wait3A_100 = tpu.memref_slice %arg6[%arg0, %dma_wait3A_98, %dma_wait3A_99] : memref<2x10000x64xf32, #tpu.memory_space<hbm>> -> memref<1x400x64xf32, #tpu.memory_space<hbm>>
        %dma_wait3A_101 = tpu.memref_squeeze %dma_wait3A_100 : memref<1x400x64xf32, #tpu.memory_space<hbm>> -> memref<400x64xf32, #tpu.memory_space<hbm>>
        %dma_wait3A_102 = arith.constant 9600 : i32
        %dma_wait3A_103 = arith.constant 0 : i32
        %dma_wait3A_104 = tpu.memref_slice %arg10[%dma_wait3A_102, %dma_wait3A_103] : memref<10240x64xf32, #tpu.memory_space<vmem_shared>> -> memref<400x64xf32, #tpu.memory_space<vmem_shared>>
        tpu.wait_dma2 semaphore(%run_scoped3A : memref<!tpu.dma_semaphore, #tpu.memory_space<semaphore_mem>>) src(%dma_wait3A_104 : memref<400x64xf32, #tpu.memory_space<vmem_shared>>) dst(%dma_wait3A_101 : memref<400x64xf32, #tpu.memory_space<hbm>>)
        tpu.yield
      }) : () -> ()
    } else {
    }
    return
  }
}

#map = affine_map<(d0, d1) -> (0, 0)>
#map1 = affine_map<(d0, d1) -> (0, 0, 0)>
module attributes {stable_mosaic.version = 14 : i64} {
  func.func @seg(%arg0: i32, %arg1: i32, %arg2: memref<10000x96xf32, #tpu.memory_space<hbm>>, %arg3: memref<1280x125xi32, #tpu.memory_space<hbm>>, %arg4: memref<1280x125xi32, #tpu.memory_space<hbm>>, %arg5: memref<10240x96xf32, #tpu.memory_space<hbm>>, %arg6: memref<2x10000x96xf32, #tpu.memory_space<hbm>>, %arg7: memref<40x125xi32, #tpu.memory_space<vmem>>, %arg8: memref<40x125xi32, #tpu.memory_space<vmem>>, %arg9: memref<4x125x96xf32, #tpu.memory_space<vmem>>, %arg10: memref<10240x96xf32, #tpu.memory_space<vmem_shared>>, %arg11: memref<!tpu.dma_semaphore, #tpu.memory_space<semaphore_mem>>, %arg12: memref<!tpu.dma_semaphore, #tpu.memory_space<semaphore_mem>>) attributes {dimension_semantics = [#tpu.dimension_semantics<core_parallel>, #tpu.dimension_semantics<subcore_parallel>], iteration_bounds = array<i64: 2, 16>, scalar_prefetch = 0 : i64, scratch_operands = 6 : i64, tpu.core_type = #tpu.core_type<sc_vector_subcore>, window_params = [{transform_indices = #map}, {transform_indices = #map}, {transform_indices = #map}, {transform_indices = #map}, {transform_indices = #map1}]} {
    %mul3A = arith.constant 2 : i32
    %mul3A_0 = arith.muli %arg1, %mul3A : i32
    %add3A = arith.addi %mul3A_0, %arg0 : i32
    %mul3A_1 = arith.constant 640 : i32
    %mul3A_2 = arith.muli %arg1, %mul3A_1 : i32
    %mul3A_3 = arith.constant 640 : i32
    %mul3A_4 = arith.muli %arg1, %mul3A_3 : i32
    %dma_start3A = arith.constant 0 : i32
    %dma_start3A_5 = tpu.memref_slice %arg10[%mul3A_4, %dma_start3A] : memref<10240x96xf32, #tpu.memory_space<vmem_shared>> -> memref<640x96xf32, #tpu.memory_space<vmem_shared>>
    %dma_start3A_6 = arith.constant 0 : i32
    %dma_start3A_7 = tpu.memref_slice %arg5[%mul3A_2, %dma_start3A_6] : memref<10240x96xf32, #tpu.memory_space<hbm>> -> memref<640x96xf32, #tpu.memory_space<hbm>>
    tpu.enqueue_dma source(%dma_start3A_7 : memref<640x96xf32, #tpu.memory_space<hbm>>) target(%dma_start3A_5 : memref<640x96xf32, #tpu.memory_space<vmem_shared>>) target_semaphore(%arg11 : memref<!tpu.dma_semaphore, #tpu.memory_space<semaphore_mem>>)
    %mul3A_8 = arith.constant 40 : i32
    %mul3A_9 = arith.muli %add3A, %mul3A_8 : i32
    %dma_start3A_10 = arith.constant 0 : i32
    %dma_start3A_11 = tpu.memref_slice %arg3[%mul3A_9, %dma_start3A_10] : memref<1280x125xi32, #tpu.memory_space<hbm>> -> memref<40x125xi32, #tpu.memory_space<hbm>>
    %dma_start3A_12 = arith.constant 0 : i32
    %dma_start3A_13 = tpu.memref_slice %arg3[%mul3A_9, %dma_start3A_12] : memref<1280x125xi32, #tpu.memory_space<hbm>> -> memref<40x125xi32, #tpu.memory_space<hbm>>
    tpu.enqueue_dma source(%dma_start3A_13 : memref<40x125xi32, #tpu.memory_space<hbm>>) target(%arg7 : memref<40x125xi32, #tpu.memory_space<vmem>>) target_semaphore(%arg11 : memref<!tpu.dma_semaphore, #tpu.memory_space<semaphore_mem>>)
    %mul3A_14 = arith.constant 40 : i32
    %mul3A_15 = arith.muli %add3A, %mul3A_14 : i32
    %dma_start3A_16 = arith.constant 0 : i32
    %dma_start3A_17 = tpu.memref_slice %arg4[%mul3A_15, %dma_start3A_16] : memref<1280x125xi32, #tpu.memory_space<hbm>> -> memref<40x125xi32, #tpu.memory_space<hbm>>
    %dma_start3A_18 = arith.constant 0 : i32
    %dma_start3A_19 = tpu.memref_slice %arg4[%mul3A_15, %dma_start3A_18] : memref<1280x125xi32, #tpu.memory_space<hbm>> -> memref<40x125xi32, #tpu.memory_space<hbm>>
    tpu.enqueue_dma source(%dma_start3A_19 : memref<40x125xi32, #tpu.memory_space<hbm>>) target(%arg8 : memref<40x125xi32, #tpu.memory_space<vmem>>) target_semaphore(%arg11 : memref<!tpu.dma_semaphore, #tpu.memory_space<semaphore_mem>>)
    %dma_wait3A = arith.constant 0 : i32
    %dma_wait3A_20 = tpu.memref_slice %arg10[%mul3A_4, %dma_wait3A] : memref<10240x96xf32, #tpu.memory_space<vmem_shared>> -> memref<640x96xf32, #tpu.memory_space<vmem_shared>>
    %dma_wait3A_21 = arith.constant 0 : i32
    %dma_wait3A_22 = tpu.memref_slice %arg5[%mul3A_2, %dma_wait3A_21] : memref<10240x96xf32, #tpu.memory_space<hbm>> -> memref<640x96xf32, #tpu.memory_space<hbm>>
    tpu.wait_dma2 semaphore(%arg11 : memref<!tpu.dma_semaphore, #tpu.memory_space<semaphore_mem>>) src(%dma_wait3A_22 : memref<640x96xf32, #tpu.memory_space<hbm>>) dst(%dma_wait3A_20 : memref<640x96xf32, #tpu.memory_space<vmem_shared>>)
    %dma_wait3A_23 = arith.constant 0 : i32
    %dma_wait3A_24 = tpu.memref_slice %arg3[%mul3A_9, %dma_wait3A_23] : memref<1280x125xi32, #tpu.memory_space<hbm>> -> memref<40x125xi32, #tpu.memory_space<hbm>>
    %dma_wait3A_25 = arith.constant 0 : i32
    %dma_wait3A_26 = tpu.memref_slice %arg3[%mul3A_9, %dma_wait3A_25] : memref<1280x125xi32, #tpu.memory_space<hbm>> -> memref<40x125xi32, #tpu.memory_space<hbm>>
    tpu.wait_dma2 semaphore(%arg11 : memref<!tpu.dma_semaphore, #tpu.memory_space<semaphore_mem>>) src(%dma_wait3A_26 : memref<40x125xi32, #tpu.memory_space<hbm>>) dst(%arg7 : memref<40x125xi32, #tpu.memory_space<vmem>>)
    %dma_wait3A_27 = arith.constant 0 : i32
    %dma_wait3A_28 = tpu.memref_slice %arg4[%mul3A_15, %dma_wait3A_27] : memref<1280x125xi32, #tpu.memory_space<hbm>> -> memref<40x125xi32, #tpu.memory_space<hbm>>
    %dma_wait3A_29 = arith.constant 0 : i32
    %dma_wait3A_30 = tpu.memref_slice %arg4[%mul3A_15, %dma_wait3A_29] : memref<1280x125xi32, #tpu.memory_space<hbm>> -> memref<40x125xi32, #tpu.memory_space<hbm>>
    tpu.wait_dma2 semaphore(%arg11 : memref<!tpu.dma_semaphore, #tpu.memory_space<semaphore_mem>>) src(%dma_wait3A_30 : memref<40x125xi32, #tpu.memory_space<hbm>>) dst(%arg8 : memref<40x125xi32, #tpu.memory_space<vmem>>)
    %barrier3A = arith.constant 0 : index
    tpu.barrier barrier_id(%barrier3A)
    %dma_start3A_31 = arith.constant 0 : i32
    %dma_start3A_32 = arith.constant 0 : i32
    %dma_start3A_33 = arith.constant 0 : i32
    %dma_start3A_34 = arith.constant 0 : i32
    %dma_start3A_35 = tpu.memref_slice %arg9[%dma_start3A_32, %dma_start3A_33, %dma_start3A_34] : memref<4x125x96xf32, #tpu.memory_space<vmem>> -> memref<1x125x96xf32, #tpu.memory_space<vmem>>
    %dma_start3A_36 = tpu.memref_squeeze %dma_start3A_35 : memref<1x125x96xf32, #tpu.memory_space<vmem>> -> memref<125x96xf32, #tpu.memory_space<vmem>>
    %dma_start3A_37 = arith.constant 0 : i32
    %dma_start3A_38 = tpu.memref_slice %arg7[%dma_start3A_31, %dma_start3A_37] : memref<40x125xi32, #tpu.memory_space<vmem>> -> memref<1x125xi32, #tpu.memory_space<vmem>>
    %dma_start3A_39 = tpu.memref_squeeze %dma_start3A_38 : memref<1x125xi32, #tpu.memory_space<vmem>> -> memref<125xi32, #tpu.memory_space<vmem>>
    %dma_start3A_40 = arith.constant 0 : i32
    %dma_start3A_41 = arith.constant 0 : i32
    %dma_start3A_42 = tpu.memref_slice %arg2[%dma_start3A_40, %dma_start3A_41] : memref<10000x96xf32, #tpu.memory_space<hbm>> -> memref<10000x96xf32, #tpu.memory_space<hbm>>
    tpu.enqueue_indirect_dma source(%dma_start3A_42 : memref<10000x96xf32, #tpu.memory_space<hbm>>) target(%dma_start3A_36 : memref<125x96xf32, #tpu.memory_space<vmem>>) offsets(%dma_start3A_39 : memref<125xi32, #tpu.memory_space<vmem>>) semaphore(%arg11 : memref<!tpu.dma_semaphore, #tpu.memory_space<semaphore_mem>>)
    %dma_start3A_43 = arith.constant 1 : i32
    %dma_start3A_44 = arith.constant 1 : i32
    %dma_start3A_45 = arith.constant 0 : i32
    %dma_start3A_46 = arith.constant 0 : i32
    %dma_start3A_47 = tpu.memref_slice %arg9[%dma_start3A_44, %dma_start3A_45, %dma_start3A_46] : memref<4x125x96xf32, #tpu.memory_space<vmem>> -> memref<1x125x96xf32, #tpu.memory_space<vmem>>
    %dma_start3A_48 = tpu.memref_squeeze %dma_start3A_47 : memref<1x125x96xf32, #tpu.memory_space<vmem>> -> memref<125x96xf32, #tpu.memory_space<vmem>>
    %dma_start3A_49 = arith.constant 0 : i32
    %dma_start3A_50 = tpu.memref_slice %arg7[%dma_start3A_43, %dma_start3A_49] : memref<40x125xi32, #tpu.memory_space<vmem>> -> memref<1x125xi32, #tpu.memory_space<vmem>>
    %dma_start3A_51 = tpu.memref_squeeze %dma_start3A_50 : memref<1x125xi32, #tpu.memory_space<vmem>> -> memref<125xi32, #tpu.memory_space<vmem>>
    %dma_start3A_52 = arith.constant 0 : i32
    %dma_start3A_53 = arith.constant 0 : i32
    %dma_start3A_54 = tpu.memref_slice %arg2[%dma_start3A_52, %dma_start3A_53] : memref<10000x96xf32, #tpu.memory_space<hbm>> -> memref<10000x96xf32, #tpu.memory_space<hbm>>
    tpu.enqueue_indirect_dma source(%dma_start3A_54 : memref<10000x96xf32, #tpu.memory_space<hbm>>) target(%dma_start3A_48 : memref<125x96xf32, #tpu.memory_space<vmem>>) offsets(%dma_start3A_51 : memref<125xi32, #tpu.memory_space<vmem>>) semaphore(%arg11 : memref<!tpu.dma_semaphore, #tpu.memory_space<semaphore_mem>>)
    %dma_start3A_55 = arith.constant 2 : i32
    %dma_start3A_56 = arith.constant 2 : i32
    %dma_start3A_57 = arith.constant 0 : i32
    %dma_start3A_58 = arith.constant 0 : i32
    %dma_start3A_59 = tpu.memref_slice %arg9[%dma_start3A_56, %dma_start3A_57, %dma_start3A_58] : memref<4x125x96xf32, #tpu.memory_space<vmem>> -> memref<1x125x96xf32, #tpu.memory_space<vmem>>
    %dma_start3A_60 = tpu.memref_squeeze %dma_start3A_59 : memref<1x125x96xf32, #tpu.memory_space<vmem>> -> memref<125x96xf32, #tpu.memory_space<vmem>>
    %dma_start3A_61 = arith.constant 0 : i32
    %dma_start3A_62 = tpu.memref_slice %arg7[%dma_start3A_55, %dma_start3A_61] : memref<40x125xi32, #tpu.memory_space<vmem>> -> memref<1x125xi32, #tpu.memory_space<vmem>>
    %dma_start3A_63 = tpu.memref_squeeze %dma_start3A_62 : memref<1x125xi32, #tpu.memory_space<vmem>> -> memref<125xi32, #tpu.memory_space<vmem>>
    %dma_start3A_64 = arith.constant 0 : i32
    %dma_start3A_65 = arith.constant 0 : i32
    %dma_start3A_66 = tpu.memref_slice %arg2[%dma_start3A_64, %dma_start3A_65] : memref<10000x96xf32, #tpu.memory_space<hbm>> -> memref<10000x96xf32, #tpu.memory_space<hbm>>
    tpu.enqueue_indirect_dma source(%dma_start3A_66 : memref<10000x96xf32, #tpu.memory_space<hbm>>) target(%dma_start3A_60 : memref<125x96xf32, #tpu.memory_space<vmem>>) offsets(%dma_start3A_63 : memref<125xi32, #tpu.memory_space<vmem>>) semaphore(%arg11 : memref<!tpu.dma_semaphore, #tpu.memory_space<semaphore_mem>>)
    %scan3A = arith.constant 0 : i32
    %scan3A_67 = arith.constant 0 : i32
    %scan3A_68 = arith.constant 40 : i32
    %scan3A_69 = arith.addi %scan3A_67, %scan3A_68 : i32
    %scan3A_70 = arith.constant 1 : i32
    scf.for %scan3A_91 = %scan3A_67 to %scan3A_69 step %scan3A_70  : i32 {
      %gt3A = arith.constant 0 : i32
      %gt3A_92 = arith.cmpi sgt, %scan3A_91, %gt3A : i32
      %convert_element_type3A_93 = arith.extui %gt3A_92 : i1 to i32
      %cond3A_94 = arith.constant 0 : i32
      %cond3A_95 = arith.cmpi ne, %convert_element_type3A_93, %cond3A_94 : i32
      scf.if %cond3A_95 {
        %sub3A_151 = arith.constant 1 : i32
        %sub3A_152 = arith.subi %scan3A_91, %sub3A_151 : i32
        %jit3A_153 = arith.constant 4 : i32
        %eq3A_154 = arith.constant 0 : i32
        %eq3A_155 = arith.cmpi eq, %jit3A_153, %eq3A_154 : i32
        %jit3A_156 = arith.constant 1 : i32
        %select_n3A_157 = arith.select %eq3A_155, %jit3A_156, %jit3A_153 : i32
        %rem3A_158 = arith.remsi %sub3A_152, %select_n3A_157 : i32
        %ne3A_159 = arith.constant 0 : i32
        %ne3A_160 = arith.cmpi ne, %rem3A_158, %ne3A_159 : i32
        %lt3A_161 = arith.constant 0 : i32
        %lt3A_162 = arith.cmpi slt, %rem3A_158, %lt3A_161 : i32
        %lt3A_163 = arith.constant 0 : i32
        %lt3A_164 = arith.cmpi slt, %select_n3A_157, %lt3A_163 : i32
        %ne3A_165 = arith.xori %lt3A_162, %lt3A_164 : i1
        %and3A_166 = arith.andi %ne3A_165, %ne3A_160 : i1
        %add3A_167 = arith.addi %rem3A_158, %select_n3A_157 : i32
        %select_n3A_168 = arith.select %and3A_166, %add3A_167, %rem3A_158 : i32
        %sub3A_169 = arith.constant 1 : i32
        %sub3A_170 = arith.subi %scan3A_91, %sub3A_169 : i32
        %dma_wait3A_171 = arith.constant 0 : i32
        %dma_wait3A_172 = arith.constant 0 : i32
        %dma_wait3A_173 = tpu.memref_slice %arg9[%select_n3A_168, %dma_wait3A_171, %dma_wait3A_172] : memref<4x125x96xf32, #tpu.memory_space<vmem>> -> memref<1x125x96xf32, #tpu.memory_space<vmem>>
        %dma_wait3A_174 = tpu.memref_squeeze %dma_wait3A_173 : memref<1x125x96xf32, #tpu.memory_space<vmem>> -> memref<125x96xf32, #tpu.memory_space<vmem>>
        %dma_wait3A_175 = arith.constant 0 : i32
        %dma_wait3A_176 = tpu.memref_slice %arg8[%sub3A_170, %dma_wait3A_175] : memref<40x125xi32, #tpu.memory_space<vmem>> -> memref<1x125xi32, #tpu.memory_space<vmem>>
        %dma_wait3A_177 = tpu.memref_squeeze %dma_wait3A_176 : memref<1x125xi32, #tpu.memory_space<vmem>> -> memref<125xi32, #tpu.memory_space<vmem>>
        %dma_wait3A_178 = arith.constant 0 : i32
        %dma_wait3A_179 = arith.constant 0 : i32
        %dma_wait3A_180 = tpu.memref_slice %arg10[%dma_wait3A_178, %dma_wait3A_179] : memref<10240x96xf32, #tpu.memory_space<vmem_shared>> -> memref<10240x96xf32, #tpu.memory_space<vmem_shared>>
        tpu.wait_indirect_dma semaphore(%arg12 : memref<!tpu.dma_semaphore, #tpu.memory_space<semaphore_mem>>) src(%dma_wait3A_174 : memref<125x96xf32, #tpu.memory_space<vmem>>) dst(%dma_wait3A_180 : memref<10240x96xf32, #tpu.memory_space<vmem_shared>>)
      } else {
      }
      %add3A_96 = arith.constant 4 : i32
      %add3A_97 = arith.addi %scan3A_91, %add3A_96 : i32
      %sub3A = arith.constant 1 : i32
      %sub3A_98 = arith.subi %add3A_97, %sub3A : i32
      %lt3A_99 = arith.constant 40 : i32
      %lt3A_100 = arith.cmpi slt, %sub3A_98, %lt3A_99 : i32
      %convert_element_type3A_101 = arith.extui %lt3A_100 : i1 to i32
      %cond3A_102 = arith.constant 0 : i32
      %cond3A_103 = arith.cmpi ne, %convert_element_type3A_101, %cond3A_102 : i32
      scf.if %cond3A_103 {
        %add3A_151 = arith.constant 4 : i32
        %add3A_152 = arith.addi %scan3A_91, %add3A_151 : i32
        %sub3A_153 = arith.constant 1 : i32
        %sub3A_154 = arith.subi %add3A_152, %sub3A_153 : i32
        %add3A_155 = arith.constant 4 : i32
        %add3A_156 = arith.addi %scan3A_91, %add3A_155 : i32
        %sub3A_157 = arith.constant 1 : i32
        %sub3A_158 = arith.subi %add3A_156, %sub3A_157 : i32
        %jit3A_159 = arith.constant 4 : i32
        %eq3A_160 = arith.constant 0 : i32
        %eq3A_161 = arith.cmpi eq, %jit3A_159, %eq3A_160 : i32
        %jit3A_162 = arith.constant 1 : i32
        %select_n3A_163 = arith.select %eq3A_161, %jit3A_162, %jit3A_159 : i32
        %rem3A_164 = arith.remsi %sub3A_158, %select_n3A_163 : i32
        %ne3A_165 = arith.constant 0 : i32
        %ne3A_166 = arith.cmpi ne, %rem3A_164, %ne3A_165 : i32
        %lt3A_167 = arith.constant 0 : i32
        %lt3A_168 = arith.cmpi slt, %rem3A_164, %lt3A_167 : i32
        %lt3A_169 = arith.constant 0 : i32
        %lt3A_170 = arith.cmpi slt, %select_n3A_163, %lt3A_169 : i32
        %ne3A_171 = arith.xori %lt3A_168, %lt3A_170 : i1
        %and3A_172 = arith.andi %ne3A_171, %ne3A_166 : i1
        %add3A_173 = arith.addi %rem3A_164, %select_n3A_163 : i32
        %select_n3A_174 = arith.select %and3A_172, %add3A_173, %rem3A_164 : i32
        %dma_start3A_175 = arith.constant 0 : i32
        %dma_start3A_176 = arith.constant 0 : i32
        %dma_start3A_177 = tpu.memref_slice %arg9[%select_n3A_174, %dma_start3A_175, %dma_start3A_176] : memref<4x125x96xf32, #tpu.memory_space<vmem>> -> memref<1x125x96xf32, #tpu.memory_space<vmem>>
        %dma_start3A_178 = tpu.memref_squeeze %dma_start3A_177 : memref<1x125x96xf32, #tpu.memory_space<vmem>> -> memref<125x96xf32, #tpu.memory_space<vmem>>
        %dma_start3A_179 = arith.constant 0 : i32
        %dma_start3A_180 = tpu.memref_slice %arg7[%sub3A_154, %dma_start3A_179] : memref<40x125xi32, #tpu.memory_space<vmem>> -> memref<1x125xi32, #tpu.memory_space<vmem>>
        %dma_start3A_181 = tpu.memref_squeeze %dma_start3A_180 : memref<1x125xi32, #tpu.memory_space<vmem>> -> memref<125xi32, #tpu.memory_space<vmem>>
        %dma_start3A_182 = arith.constant 0 : i32
        %dma_start3A_183 = arith.constant 0 : i32
        %dma_start3A_184 = tpu.memref_slice %arg2[%dma_start3A_182, %dma_start3A_183] : memref<10000x96xf32, #tpu.memory_space<hbm>> -> memref<10000x96xf32, #tpu.memory_space<hbm>>
        tpu.enqueue_indirect_dma source(%dma_start3A_184 : memref<10000x96xf32, #tpu.memory_space<hbm>>) target(%dma_start3A_178 : memref<125x96xf32, #tpu.memory_space<vmem>>) offsets(%dma_start3A_181 : memref<125xi32, #tpu.memory_space<vmem>>) semaphore(%arg11 : memref<!tpu.dma_semaphore, #tpu.memory_space<semaphore_mem>>)
      } else {
      }
      %jit3A = arith.constant 4 : i32
      %eq3A_104 = arith.constant 0 : i32
      %eq3A_105 = arith.cmpi eq, %jit3A, %eq3A_104 : i32
      %jit3A_106 = arith.constant 1 : i32
      %select_n3A = arith.select %eq3A_105, %jit3A_106, %jit3A : i32
      %rem3A = arith.remsi %scan3A_91, %select_n3A : i32
      %ne3A = arith.constant 0 : i32
      %ne3A_107 = arith.cmpi ne, %rem3A, %ne3A : i32
      %lt3A_108 = arith.constant 0 : i32
      %lt3A_109 = arith.cmpi slt, %rem3A, %lt3A_108 : i32
      %lt3A_110 = arith.constant 0 : i32
      %lt3A_111 = arith.cmpi slt, %select_n3A, %lt3A_110 : i32
      %ne3A_112 = arith.xori %lt3A_109, %lt3A_111 : i1
      %and3A = arith.andi %ne3A_112, %ne3A_107 : i1
      %add3A_113 = arith.addi %rem3A, %select_n3A : i32
      %select_n3A_114 = arith.select %and3A, %add3A_113, %rem3A : i32
      %dma_wait3A_115 = arith.constant 0 : i32
      %dma_wait3A_116 = arith.constant 0 : i32
      %dma_wait3A_117 = tpu.memref_slice %arg9[%select_n3A_114, %dma_wait3A_115, %dma_wait3A_116] : memref<4x125x96xf32, #tpu.memory_space<vmem>> -> memref<1x125x96xf32, #tpu.memory_space<vmem>>
      %dma_wait3A_118 = tpu.memref_squeeze %dma_wait3A_117 : memref<1x125x96xf32, #tpu.memory_space<vmem>> -> memref<125x96xf32, #tpu.memory_space<vmem>>
      %dma_wait3A_119 = arith.constant 0 : i32
      %dma_wait3A_120 = tpu.memref_slice %arg7[%scan3A_91, %dma_wait3A_119] : memref<40x125xi32, #tpu.memory_space<vmem>> -> memref<1x125xi32, #tpu.memory_space<vmem>>
      %dma_wait3A_121 = tpu.memref_squeeze %dma_wait3A_120 : memref<1x125xi32, #tpu.memory_space<vmem>> -> memref<125xi32, #tpu.memory_space<vmem>>
      %dma_wait3A_122 = arith.constant 0 : i32
      %dma_wait3A_123 = arith.constant 0 : i32
      %dma_wait3A_124 = tpu.memref_slice %arg2[%dma_wait3A_122, %dma_wait3A_123] : memref<10000x96xf32, #tpu.memory_space<hbm>> -> memref<10000x96xf32, #tpu.memory_space<hbm>>
      tpu.wait_indirect_dma semaphore(%arg11 : memref<!tpu.dma_semaphore, #tpu.memory_space<semaphore_mem>>) src(%dma_wait3A_124 : memref<10000x96xf32, #tpu.memory_space<hbm>>) dst(%dma_wait3A_118 : memref<125x96xf32, #tpu.memory_space<vmem>>)
      %jit3A_125 = arith.constant 4 : i32
      %eq3A_126 = arith.constant 0 : i32
      %eq3A_127 = arith.cmpi eq, %jit3A_125, %eq3A_126 : i32
      %jit3A_128 = arith.constant 1 : i32
      %select_n3A_129 = arith.select %eq3A_127, %jit3A_128, %jit3A_125 : i32
      %rem3A_130 = arith.remsi %scan3A_91, %select_n3A_129 : i32
      %ne3A_131 = arith.constant 0 : i32
      %ne3A_132 = arith.cmpi ne, %rem3A_130, %ne3A_131 : i32
      %lt3A_133 = arith.constant 0 : i32
      %lt3A_134 = arith.cmpi slt, %rem3A_130, %lt3A_133 : i32
      %lt3A_135 = arith.constant 0 : i32
      %lt3A_136 = arith.cmpi slt, %select_n3A_129, %lt3A_135 : i32
      %ne3A_137 = arith.xori %lt3A_134, %lt3A_136 : i1
      %and3A_138 = arith.andi %ne3A_137, %ne3A_132 : i1
      %add3A_139 = arith.addi %rem3A_130, %select_n3A_129 : i32
      %select_n3A_140 = arith.select %and3A_138, %add3A_139, %rem3A_130 : i32
      %dma_start3A_141 = arith.constant 0 : i32
      %dma_start3A_142 = arith.constant 0 : i32
      %dma_start3A_143 = tpu.memref_slice %arg9[%select_n3A_140, %dma_start3A_141, %dma_start3A_142] : memref<4x125x96xf32, #tpu.memory_space<vmem>> -> memref<1x125x96xf32, #tpu.memory_space<vmem>>
      %dma_start3A_144 = tpu.memref_squeeze %dma_start3A_143 : memref<1x125x96xf32, #tpu.memory_space<vmem>> -> memref<125x96xf32, #tpu.memory_space<vmem>>
      %dma_start3A_145 = arith.constant 0 : i32
      %dma_start3A_146 = tpu.memref_slice %arg8[%scan3A_91, %dma_start3A_145] : memref<40x125xi32, #tpu.memory_space<vmem>> -> memref<1x125xi32, #tpu.memory_space<vmem>>
      %dma_start3A_147 = tpu.memref_squeeze %dma_start3A_146 : memref<1x125xi32, #tpu.memory_space<vmem>> -> memref<125xi32, #tpu.memory_space<vmem>>
      %dma_start3A_148 = arith.constant 0 : i32
      %dma_start3A_149 = arith.constant 0 : i32
      %dma_start3A_150 = tpu.memref_slice %arg10[%dma_start3A_148, %dma_start3A_149] : memref<10240x96xf32, #tpu.memory_space<vmem_shared>> -> memref<10240x96xf32, #tpu.memory_space<vmem_shared>>
      tpu.enqueue_indirect_dma source(%dma_start3A_144 : memref<125x96xf32, #tpu.memory_space<vmem>>) target(%dma_start3A_150 : memref<10240x96xf32, #tpu.memory_space<vmem_shared>>) offsets(%dma_start3A_147 : memref<125xi32, #tpu.memory_space<vmem>>) semaphore(%arg12 : memref<!tpu.dma_semaphore, #tpu.memory_space<semaphore_mem>>) {add = true}
    }
    %scan3A_71 = arith.constant 40 : i32
    %dma_wait3A_72 = arith.constant 3 : i32
    %dma_wait3A_73 = arith.constant 39 : i32
    %dma_wait3A_74 = arith.constant 0 : i32
    %dma_wait3A_75 = arith.constant 0 : i32
    %dma_wait3A_76 = tpu.memref_slice %arg9[%dma_wait3A_72, %dma_wait3A_74, %dma_wait3A_75] : memref<4x125x96xf32, #tpu.memory_space<vmem>> -> memref<1x125x96xf32, #tpu.memory_space<vmem>>
    %dma_wait3A_77 = tpu.memref_squeeze %dma_wait3A_76 : memref<1x125x96xf32, #tpu.memory_space<vmem>> -> memref<125x96xf32, #tpu.memory_space<vmem>>
    %dma_wait3A_78 = arith.constant 0 : i32
    %dma_wait3A_79 = tpu.memref_slice %arg8[%dma_wait3A_73, %dma_wait3A_78] : memref<40x125xi32, #tpu.memory_space<vmem>> -> memref<1x125xi32, #tpu.memory_space<vmem>>
    %dma_wait3A_80 = tpu.memref_squeeze %dma_wait3A_79 : memref<1x125xi32, #tpu.memory_space<vmem>> -> memref<125xi32, #tpu.memory_space<vmem>>
    %dma_wait3A_81 = arith.constant 0 : i32
    %dma_wait3A_82 = arith.constant 0 : i32
    %dma_wait3A_83 = tpu.memref_slice %arg10[%dma_wait3A_81, %dma_wait3A_82] : memref<10240x96xf32, #tpu.memory_space<vmem_shared>> -> memref<10240x96xf32, #tpu.memory_space<vmem_shared>>
    tpu.wait_indirect_dma semaphore(%arg12 : memref<!tpu.dma_semaphore, #tpu.memory_space<semaphore_mem>>) src(%dma_wait3A_77 : memref<125x96xf32, #tpu.memory_space<vmem>>) dst(%dma_wait3A_83 : memref<10240x96xf32, #tpu.memory_space<vmem_shared>>)
    %barrier3A_84 = arith.constant 0 : index
    tpu.barrier barrier_id(%barrier3A_84)
    %lt3A = arith.constant 15 : i32
    %lt3A_85 = arith.cmpi slt, %arg1, %lt3A : i32
    %convert_element_type3A = arith.extui %lt3A_85 : i1 to i32
    %cond3A = arith.constant 0 : i32
    %cond3A_86 = arith.cmpi ne, %convert_element_type3A, %cond3A : i32
    scf.if %cond3A_86 {
      %mul3A_91 = arith.constant 640 : i32
      %mul3A_92 = arith.muli %arg1, %mul3A_91 : i32
      %mul3A_93 = arith.constant 640 : i32
      %mul3A_94 = arith.muli %arg1, %mul3A_93 : i32
      "tpu.region"() ({
        %run_scoped3A = tpu.sem_alloc : memref<!tpu.dma_semaphore, #tpu.memory_space<semaphore_mem>>
        %dma_start3A_95 = arith.constant 0 : i32
        %dma_start3A_96 = tpu.memref_slice %arg6[%arg0, %mul3A_94, %dma_start3A_95] : memref<2x10000x96xf32, #tpu.memory_space<hbm>> -> memref<1x640x96xf32, #tpu.memory_space<hbm>>
        %dma_start3A_97 = tpu.memref_squeeze %dma_start3A_96 : memref<1x640x96xf32, #tpu.memory_space<hbm>> -> memref<640x96xf32, #tpu.memory_space<hbm>>
        %dma_start3A_98 = arith.constant 0 : i32
        %dma_start3A_99 = tpu.memref_slice %arg10[%mul3A_92, %dma_start3A_98] : memref<10240x96xf32, #tpu.memory_space<vmem_shared>> -> memref<640x96xf32, #tpu.memory_space<vmem_shared>>
        tpu.enqueue_dma source(%dma_start3A_99 : memref<640x96xf32, #tpu.memory_space<vmem_shared>>) target(%dma_start3A_97 : memref<640x96xf32, #tpu.memory_space<hbm>>) target_semaphore(%run_scoped3A : memref<!tpu.dma_semaphore, #tpu.memory_space<semaphore_mem>>)
        %dma_wait3A_100 = arith.constant 0 : i32
        %dma_wait3A_101 = tpu.memref_slice %arg6[%arg0, %mul3A_94, %dma_wait3A_100] : memref<2x10000x96xf32, #tpu.memory_space<hbm>> -> memref<1x640x96xf32, #tpu.memory_space<hbm>>
        %dma_wait3A_102 = tpu.memref_squeeze %dma_wait3A_101 : memref<1x640x96xf32, #tpu.memory_space<hbm>> -> memref<640x96xf32, #tpu.memory_space<hbm>>
        %dma_wait3A_103 = arith.constant 0 : i32
        %dma_wait3A_104 = tpu.memref_slice %arg10[%mul3A_92, %dma_wait3A_103] : memref<10240x96xf32, #tpu.memory_space<vmem_shared>> -> memref<640x96xf32, #tpu.memory_space<vmem_shared>>
        tpu.wait_dma2 semaphore(%run_scoped3A : memref<!tpu.dma_semaphore, #tpu.memory_space<semaphore_mem>>) src(%dma_wait3A_104 : memref<640x96xf32, #tpu.memory_space<vmem_shared>>) dst(%dma_wait3A_102 : memref<640x96xf32, #tpu.memory_space<hbm>>)
        tpu.yield
      }) : () -> ()
    } else {
    }
    %eq3A = arith.constant 15 : i32
    %eq3A_87 = arith.cmpi eq, %arg1, %eq3A : i32
    %convert_element_type3A_88 = arith.extui %eq3A_87 : i1 to i32
    %cond3A_89 = arith.constant 0 : i32
    %cond3A_90 = arith.cmpi ne, %convert_element_type3A_88, %cond3A_89 : i32
    scf.if %cond3A_90 {
      "tpu.region"() ({
        %run_scoped3A = tpu.sem_alloc : memref<!tpu.dma_semaphore, #tpu.memory_space<semaphore_mem>>
        %dma_start3A_91 = arith.constant 9600 : i32
        %dma_start3A_92 = arith.constant 0 : i32
        %dma_start3A_93 = tpu.memref_slice %arg6[%arg0, %dma_start3A_91, %dma_start3A_92] : memref<2x10000x96xf32, #tpu.memory_space<hbm>> -> memref<1x400x96xf32, #tpu.memory_space<hbm>>
        %dma_start3A_94 = tpu.memref_squeeze %dma_start3A_93 : memref<1x400x96xf32, #tpu.memory_space<hbm>> -> memref<400x96xf32, #tpu.memory_space<hbm>>
        %dma_start3A_95 = arith.constant 9600 : i32
        %dma_start3A_96 = arith.constant 0 : i32
        %dma_start3A_97 = tpu.memref_slice %arg10[%dma_start3A_95, %dma_start3A_96] : memref<10240x96xf32, #tpu.memory_space<vmem_shared>> -> memref<400x96xf32, #tpu.memory_space<vmem_shared>>
        tpu.enqueue_dma source(%dma_start3A_97 : memref<400x96xf32, #tpu.memory_space<vmem_shared>>) target(%dma_start3A_94 : memref<400x96xf32, #tpu.memory_space<hbm>>) target_semaphore(%run_scoped3A : memref<!tpu.dma_semaphore, #tpu.memory_space<semaphore_mem>>)
        %dma_wait3A_98 = arith.constant 9600 : i32
        %dma_wait3A_99 = arith.constant 0 : i32
        %dma_wait3A_100 = tpu.memref_slice %arg6[%arg0, %dma_wait3A_98, %dma_wait3A_99] : memref<2x10000x96xf32, #tpu.memory_space<hbm>> -> memref<1x400x96xf32, #tpu.memory_space<hbm>>
        %dma_wait3A_101 = tpu.memref_squeeze %dma_wait3A_100 : memref<1x400x96xf32, #tpu.memory_space<hbm>> -> memref<400x96xf32, #tpu.memory_space<hbm>>
        %dma_wait3A_102 = arith.constant 9600 : i32
        %dma_wait3A_103 = arith.constant 0 : i32
        %dma_wait3A_104 = tpu.memref_slice %arg10[%dma_wait3A_102, %dma_wait3A_103] : memref<10240x96xf32, #tpu.memory_space<vmem_shared>> -> memref<400x96xf32, #tpu.memory_space<vmem_shared>>
        tpu.wait_dma2 semaphore(%run_scoped3A : memref<!tpu.dma_semaphore, #tpu.memory_space<semaphore_mem>>) src(%dma_wait3A_104 : memref<400x96xf32, #tpu.memory_space<vmem_shared>>) dst(%dma_wait3A_101 : memref<400x96xf32, #tpu.memory_space<hbm>>)
        tpu.yield
      }) : () -> ()
    } else {
    }
    return
  }
}

#map = affine_map<(d0, d1) -> (0, 0)>
#map1 = affine_map<(d0, d1) -> (0, 0, 0)>
module attributes {stable_mosaic.version = 14 : i64} {
  func.func @seg(%arg0: i32, %arg1: i32, %arg2: memref<10000x96xf32, #tpu.memory_space<hbm>>, %arg3: memref<1280x125xi32, #tpu.memory_space<hbm>>, %arg4: memref<1280x125xi32, #tpu.memory_space<hbm>>, %arg5: memref<10240x96xf32, #tpu.memory_space<hbm>>, %arg6: memref<2x10000x96xf32, #tpu.memory_space<hbm>>, %arg7: memref<40x125xi32, #tpu.memory_space<vmem>>, %arg8: memref<40x125xi32, #tpu.memory_space<vmem>>, %arg9: memref<4x125x96xf32, #tpu.memory_space<vmem>>, %arg10: memref<10240x96xf32, #tpu.memory_space<vmem_shared>>, %arg11: memref<!tpu.dma_semaphore, #tpu.memory_space<semaphore_mem>>, %arg12: memref<!tpu.dma_semaphore, #tpu.memory_space<semaphore_mem>>) attributes {dimension_semantics = [#tpu.dimension_semantics<core_parallel>, #tpu.dimension_semantics<subcore_parallel>], iteration_bounds = array<i64: 2, 16>, scalar_prefetch = 0 : i64, scratch_operands = 6 : i64, tpu.core_type = #tpu.core_type<sc_vector_subcore>, window_params = [{transform_indices = #map}, {transform_indices = #map}, {transform_indices = #map}, {transform_indices = #map}, {transform_indices = #map1}]} {
    %mul3A = arith.constant 2 : i32
    %mul3A_0 = arith.muli %arg1, %mul3A : i32
    %add3A = arith.addi %mul3A_0, %arg0 : i32
    %mul3A_1 = arith.constant 640 : i32
    %mul3A_2 = arith.muli %arg1, %mul3A_1 : i32
    %mul3A_3 = arith.constant 640 : i32
    %mul3A_4 = arith.muli %arg1, %mul3A_3 : i32
    %dma_start3A = arith.constant 0 : i32
    %dma_start3A_5 = tpu.memref_slice %arg10[%mul3A_4, %dma_start3A] : memref<10240x96xf32, #tpu.memory_space<vmem_shared>> -> memref<640x96xf32, #tpu.memory_space<vmem_shared>>
    %dma_start3A_6 = arith.constant 0 : i32
    %dma_start3A_7 = tpu.memref_slice %arg5[%mul3A_2, %dma_start3A_6] : memref<10240x96xf32, #tpu.memory_space<hbm>> -> memref<640x96xf32, #tpu.memory_space<hbm>>
    tpu.enqueue_dma source(%dma_start3A_7 : memref<640x96xf32, #tpu.memory_space<hbm>>) target(%dma_start3A_5 : memref<640x96xf32, #tpu.memory_space<vmem_shared>>) target_semaphore(%arg11 : memref<!tpu.dma_semaphore, #tpu.memory_space<semaphore_mem>>)
    %mul3A_8 = arith.constant 40 : i32
    %mul3A_9 = arith.muli %add3A, %mul3A_8 : i32
    %dma_start3A_10 = arith.constant 0 : i32
    %dma_start3A_11 = tpu.memref_slice %arg3[%mul3A_9, %dma_start3A_10] : memref<1280x125xi32, #tpu.memory_space<hbm>> -> memref<40x125xi32, #tpu.memory_space<hbm>>
    %dma_start3A_12 = arith.constant 0 : i32
    %dma_start3A_13 = tpu.memref_slice %arg3[%mul3A_9, %dma_start3A_12] : memref<1280x125xi32, #tpu.memory_space<hbm>> -> memref<40x125xi32, #tpu.memory_space<hbm>>
    tpu.enqueue_dma source(%dma_start3A_13 : memref<40x125xi32, #tpu.memory_space<hbm>>) target(%arg7 : memref<40x125xi32, #tpu.memory_space<vmem>>) target_semaphore(%arg11 : memref<!tpu.dma_semaphore, #tpu.memory_space<semaphore_mem>>)
    %mul3A_14 = arith.constant 40 : i32
    %mul3A_15 = arith.muli %add3A, %mul3A_14 : i32
    %dma_start3A_16 = arith.constant 0 : i32
    %dma_start3A_17 = tpu.memref_slice %arg4[%mul3A_15, %dma_start3A_16] : memref<1280x125xi32, #tpu.memory_space<hbm>> -> memref<40x125xi32, #tpu.memory_space<hbm>>
    %dma_start3A_18 = arith.constant 0 : i32
    %dma_start3A_19 = tpu.memref_slice %arg4[%mul3A_15, %dma_start3A_18] : memref<1280x125xi32, #tpu.memory_space<hbm>> -> memref<40x125xi32, #tpu.memory_space<hbm>>
    tpu.enqueue_dma source(%dma_start3A_19 : memref<40x125xi32, #tpu.memory_space<hbm>>) target(%arg8 : memref<40x125xi32, #tpu.memory_space<vmem>>) target_semaphore(%arg11 : memref<!tpu.dma_semaphore, #tpu.memory_space<semaphore_mem>>)
    %dma_wait3A = arith.constant 0 : i32
    %dma_wait3A_20 = tpu.memref_slice %arg10[%mul3A_4, %dma_wait3A] : memref<10240x96xf32, #tpu.memory_space<vmem_shared>> -> memref<640x96xf32, #tpu.memory_space<vmem_shared>>
    %dma_wait3A_21 = arith.constant 0 : i32
    %dma_wait3A_22 = tpu.memref_slice %arg5[%mul3A_2, %dma_wait3A_21] : memref<10240x96xf32, #tpu.memory_space<hbm>> -> memref<640x96xf32, #tpu.memory_space<hbm>>
    tpu.wait_dma2 semaphore(%arg11 : memref<!tpu.dma_semaphore, #tpu.memory_space<semaphore_mem>>) src(%dma_wait3A_22 : memref<640x96xf32, #tpu.memory_space<hbm>>) dst(%dma_wait3A_20 : memref<640x96xf32, #tpu.memory_space<vmem_shared>>)
    %dma_wait3A_23 = arith.constant 0 : i32
    %dma_wait3A_24 = tpu.memref_slice %arg3[%mul3A_9, %dma_wait3A_23] : memref<1280x125xi32, #tpu.memory_space<hbm>> -> memref<40x125xi32, #tpu.memory_space<hbm>>
    %dma_wait3A_25 = arith.constant 0 : i32
    %dma_wait3A_26 = tpu.memref_slice %arg3[%mul3A_9, %dma_wait3A_25] : memref<1280x125xi32, #tpu.memory_space<hbm>> -> memref<40x125xi32, #tpu.memory_space<hbm>>
    tpu.wait_dma2 semaphore(%arg11 : memref<!tpu.dma_semaphore, #tpu.memory_space<semaphore_mem>>) src(%dma_wait3A_26 : memref<40x125xi32, #tpu.memory_space<hbm>>) dst(%arg7 : memref<40x125xi32, #tpu.memory_space<vmem>>)
    %dma_wait3A_27 = arith.constant 0 : i32
    %dma_wait3A_28 = tpu.memref_slice %arg4[%mul3A_15, %dma_wait3A_27] : memref<1280x125xi32, #tpu.memory_space<hbm>> -> memref<40x125xi32, #tpu.memory_space<hbm>>
    %dma_wait3A_29 = arith.constant 0 : i32
    %dma_wait3A_30 = tpu.memref_slice %arg4[%mul3A_15, %dma_wait3A_29] : memref<1280x125xi32, #tpu.memory_space<hbm>> -> memref<40x125xi32, #tpu.memory_space<hbm>>
    tpu.wait_dma2 semaphore(%arg11 : memref<!tpu.dma_semaphore, #tpu.memory_space<semaphore_mem>>) src(%dma_wait3A_30 : memref<40x125xi32, #tpu.memory_space<hbm>>) dst(%arg8 : memref<40x125xi32, #tpu.memory_space<vmem>>)
    %barrier3A = arith.constant 0 : index
    tpu.barrier barrier_id(%barrier3A)
    %dma_start3A_31 = arith.constant 0 : i32
    %dma_start3A_32 = arith.constant 0 : i32
    %dma_start3A_33 = arith.constant 0 : i32
    %dma_start3A_34 = arith.constant 0 : i32
    %dma_start3A_35 = tpu.memref_slice %arg9[%dma_start3A_32, %dma_start3A_33, %dma_start3A_34] : memref<4x125x96xf32, #tpu.memory_space<vmem>> -> memref<1x125x96xf32, #tpu.memory_space<vmem>>
    %dma_start3A_36 = tpu.memref_squeeze %dma_start3A_35 : memref<1x125x96xf32, #tpu.memory_space<vmem>> -> memref<125x96xf32, #tpu.memory_space<vmem>>
    %dma_start3A_37 = arith.constant 0 : i32
    %dma_start3A_38 = tpu.memref_slice %arg7[%dma_start3A_31, %dma_start3A_37] : memref<40x125xi32, #tpu.memory_space<vmem>> -> memref<1x125xi32, #tpu.memory_space<vmem>>
    %dma_start3A_39 = tpu.memref_squeeze %dma_start3A_38 : memref<1x125xi32, #tpu.memory_space<vmem>> -> memref<125xi32, #tpu.memory_space<vmem>>
    %dma_start3A_40 = arith.constant 0 : i32
    %dma_start3A_41 = arith.constant 0 : i32
    %dma_start3A_42 = tpu.memref_slice %arg2[%dma_start3A_40, %dma_start3A_41] : memref<10000x96xf32, #tpu.memory_space<hbm>> -> memref<10000x96xf32, #tpu.memory_space<hbm>>
    tpu.enqueue_indirect_dma source(%dma_start3A_42 : memref<10000x96xf32, #tpu.memory_space<hbm>>) target(%dma_start3A_36 : memref<125x96xf32, #tpu.memory_space<vmem>>) offsets(%dma_start3A_39 : memref<125xi32, #tpu.memory_space<vmem>>) semaphore(%arg11 : memref<!tpu.dma_semaphore, #tpu.memory_space<semaphore_mem>>)
    %dma_start3A_43 = arith.constant 1 : i32
    %dma_start3A_44 = arith.constant 1 : i32
    %dma_start3A_45 = arith.constant 0 : i32
    %dma_start3A_46 = arith.constant 0 : i32
    %dma_start3A_47 = tpu.memref_slice %arg9[%dma_start3A_44, %dma_start3A_45, %dma_start3A_46] : memref<4x125x96xf32, #tpu.memory_space<vmem>> -> memref<1x125x96xf32, #tpu.memory_space<vmem>>
    %dma_start3A_48 = tpu.memref_squeeze %dma_start3A_47 : memref<1x125x96xf32, #tpu.memory_space<vmem>> -> memref<125x96xf32, #tpu.memory_space<vmem>>
    %dma_start3A_49 = arith.constant 0 : i32
    %dma_start3A_50 = tpu.memref_slice %arg7[%dma_start3A_43, %dma_start3A_49] : memref<40x125xi32, #tpu.memory_space<vmem>> -> memref<1x125xi32, #tpu.memory_space<vmem>>
    %dma_start3A_51 = tpu.memref_squeeze %dma_start3A_50 : memref<1x125xi32, #tpu.memory_space<vmem>> -> memref<125xi32, #tpu.memory_space<vmem>>
    %dma_start3A_52 = arith.constant 0 : i32
    %dma_start3A_53 = arith.constant 0 : i32
    %dma_start3A_54 = tpu.memref_slice %arg2[%dma_start3A_52, %dma_start3A_53] : memref<10000x96xf32, #tpu.memory_space<hbm>> -> memref<10000x96xf32, #tpu.memory_space<hbm>>
    tpu.enqueue_indirect_dma source(%dma_start3A_54 : memref<10000x96xf32, #tpu.memory_space<hbm>>) target(%dma_start3A_48 : memref<125x96xf32, #tpu.memory_space<vmem>>) offsets(%dma_start3A_51 : memref<125xi32, #tpu.memory_space<vmem>>) semaphore(%arg11 : memref<!tpu.dma_semaphore, #tpu.memory_space<semaphore_mem>>)
    %dma_start3A_55 = arith.constant 2 : i32
    %dma_start3A_56 = arith.constant 2 : i32
    %dma_start3A_57 = arith.constant 0 : i32
    %dma_start3A_58 = arith.constant 0 : i32
    %dma_start3A_59 = tpu.memref_slice %arg9[%dma_start3A_56, %dma_start3A_57, %dma_start3A_58] : memref<4x125x96xf32, #tpu.memory_space<vmem>> -> memref<1x125x96xf32, #tpu.memory_space<vmem>>
    %dma_start3A_60 = tpu.memref_squeeze %dma_start3A_59 : memref<1x125x96xf32, #tpu.memory_space<vmem>> -> memref<125x96xf32, #tpu.memory_space<vmem>>
    %dma_start3A_61 = arith.constant 0 : i32
    %dma_start3A_62 = tpu.memref_slice %arg7[%dma_start3A_55, %dma_start3A_61] : memref<40x125xi32, #tpu.memory_space<vmem>> -> memref<1x125xi32, #tpu.memory_space<vmem>>
    %dma_start3A_63 = tpu.memref_squeeze %dma_start3A_62 : memref<1x125xi32, #tpu.memory_space<vmem>> -> memref<125xi32, #tpu.memory_space<vmem>>
    %dma_start3A_64 = arith.constant 0 : i32
    %dma_start3A_65 = arith.constant 0 : i32
    %dma_start3A_66 = tpu.memref_slice %arg2[%dma_start3A_64, %dma_start3A_65] : memref<10000x96xf32, #tpu.memory_space<hbm>> -> memref<10000x96xf32, #tpu.memory_space<hbm>>
    tpu.enqueue_indirect_dma source(%dma_start3A_66 : memref<10000x96xf32, #tpu.memory_space<hbm>>) target(%dma_start3A_60 : memref<125x96xf32, #tpu.memory_space<vmem>>) offsets(%dma_start3A_63 : memref<125xi32, #tpu.memory_space<vmem>>) semaphore(%arg11 : memref<!tpu.dma_semaphore, #tpu.memory_space<semaphore_mem>>)
    %scan3A = arith.constant 0 : i32
    %scan3A_67 = arith.constant 0 : i32
    %scan3A_68 = arith.constant 40 : i32
    %scan3A_69 = arith.addi %scan3A_67, %scan3A_68 : i32
    %scan3A_70 = arith.constant 1 : i32
    scf.for %scan3A_91 = %scan3A_67 to %scan3A_69 step %scan3A_70  : i32 {
      %gt3A = arith.constant 0 : i32
      %gt3A_92 = arith.cmpi sgt, %scan3A_91, %gt3A : i32
      %convert_element_type3A_93 = arith.extui %gt3A_92 : i1 to i32
      %cond3A_94 = arith.constant 0 : i32
      %cond3A_95 = arith.cmpi ne, %convert_element_type3A_93, %cond3A_94 : i32
      scf.if %cond3A_95 {
        %sub3A_151 = arith.constant 1 : i32
        %sub3A_152 = arith.subi %scan3A_91, %sub3A_151 : i32
        %jit3A_153 = arith.constant 4 : i32
        %eq3A_154 = arith.constant 0 : i32
        %eq3A_155 = arith.cmpi eq, %jit3A_153, %eq3A_154 : i32
        %jit3A_156 = arith.constant 1 : i32
        %select_n3A_157 = arith.select %eq3A_155, %jit3A_156, %jit3A_153 : i32
        %rem3A_158 = arith.remsi %sub3A_152, %select_n3A_157 : i32
        %ne3A_159 = arith.constant 0 : i32
        %ne3A_160 = arith.cmpi ne, %rem3A_158, %ne3A_159 : i32
        %lt3A_161 = arith.constant 0 : i32
        %lt3A_162 = arith.cmpi slt, %rem3A_158, %lt3A_161 : i32
        %lt3A_163 = arith.constant 0 : i32
        %lt3A_164 = arith.cmpi slt, %select_n3A_157, %lt3A_163 : i32
        %ne3A_165 = arith.xori %lt3A_162, %lt3A_164 : i1
        %and3A_166 = arith.andi %ne3A_165, %ne3A_160 : i1
        %add3A_167 = arith.addi %rem3A_158, %select_n3A_157 : i32
        %select_n3A_168 = arith.select %and3A_166, %add3A_167, %rem3A_158 : i32
        %sub3A_169 = arith.constant 1 : i32
        %sub3A_170 = arith.subi %scan3A_91, %sub3A_169 : i32
        %dma_wait3A_171 = arith.constant 0 : i32
        %dma_wait3A_172 = arith.constant 0 : i32
        %dma_wait3A_173 = tpu.memref_slice %arg9[%select_n3A_168, %dma_wait3A_171, %dma_wait3A_172] : memref<4x125x96xf32, #tpu.memory_space<vmem>> -> memref<1x125x96xf32, #tpu.memory_space<vmem>>
        %dma_wait3A_174 = tpu.memref_squeeze %dma_wait3A_173 : memref<1x125x96xf32, #tpu.memory_space<vmem>> -> memref<125x96xf32, #tpu.memory_space<vmem>>
        %dma_wait3A_175 = arith.constant 0 : i32
        %dma_wait3A_176 = tpu.memref_slice %arg8[%sub3A_170, %dma_wait3A_175] : memref<40x125xi32, #tpu.memory_space<vmem>> -> memref<1x125xi32, #tpu.memory_space<vmem>>
        %dma_wait3A_177 = tpu.memref_squeeze %dma_wait3A_176 : memref<1x125xi32, #tpu.memory_space<vmem>> -> memref<125xi32, #tpu.memory_space<vmem>>
        %dma_wait3A_178 = arith.constant 0 : i32
        %dma_wait3A_179 = arith.constant 0 : i32
        %dma_wait3A_180 = tpu.memref_slice %arg10[%dma_wait3A_178, %dma_wait3A_179] : memref<10240x96xf32, #tpu.memory_space<vmem_shared>> -> memref<10240x96xf32, #tpu.memory_space<vmem_shared>>
        tpu.wait_indirect_dma semaphore(%arg12 : memref<!tpu.dma_semaphore, #tpu.memory_space<semaphore_mem>>) src(%dma_wait3A_174 : memref<125x96xf32, #tpu.memory_space<vmem>>) dst(%dma_wait3A_180 : memref<10240x96xf32, #tpu.memory_space<vmem_shared>>)
      } else {
      }
      %add3A_96 = arith.constant 4 : i32
      %add3A_97 = arith.addi %scan3A_91, %add3A_96 : i32
      %sub3A = arith.constant 1 : i32
      %sub3A_98 = arith.subi %add3A_97, %sub3A : i32
      %lt3A_99 = arith.constant 40 : i32
      %lt3A_100 = arith.cmpi slt, %sub3A_98, %lt3A_99 : i32
      %convert_element_type3A_101 = arith.extui %lt3A_100 : i1 to i32
      %cond3A_102 = arith.constant 0 : i32
      %cond3A_103 = arith.cmpi ne, %convert_element_type3A_101, %cond3A_102 : i32
      scf.if %cond3A_103 {
        %add3A_151 = arith.constant 4 : i32
        %add3A_152 = arith.addi %scan3A_91, %add3A_151 : i32
        %sub3A_153 = arith.constant 1 : i32
        %sub3A_154 = arith.subi %add3A_152, %sub3A_153 : i32
        %add3A_155 = arith.constant 4 : i32
        %add3A_156 = arith.addi %scan3A_91, %add3A_155 : i32
        %sub3A_157 = arith.constant 1 : i32
        %sub3A_158 = arith.subi %add3A_156, %sub3A_157 : i32
        %jit3A_159 = arith.constant 4 : i32
        %eq3A_160 = arith.constant 0 : i32
        %eq3A_161 = arith.cmpi eq, %jit3A_159, %eq3A_160 : i32
        %jit3A_162 = arith.constant 1 : i32
        %select_n3A_163 = arith.select %eq3A_161, %jit3A_162, %jit3A_159 : i32
        %rem3A_164 = arith.remsi %sub3A_158, %select_n3A_163 : i32
        %ne3A_165 = arith.constant 0 : i32
        %ne3A_166 = arith.cmpi ne, %rem3A_164, %ne3A_165 : i32
        %lt3A_167 = arith.constant 0 : i32
        %lt3A_168 = arith.cmpi slt, %rem3A_164, %lt3A_167 : i32
        %lt3A_169 = arith.constant 0 : i32
        %lt3A_170 = arith.cmpi slt, %select_n3A_163, %lt3A_169 : i32
        %ne3A_171 = arith.xori %lt3A_168, %lt3A_170 : i1
        %and3A_172 = arith.andi %ne3A_171, %ne3A_166 : i1
        %add3A_173 = arith.addi %rem3A_164, %select_n3A_163 : i32
        %select_n3A_174 = arith.select %and3A_172, %add3A_173, %rem3A_164 : i32
        %dma_start3A_175 = arith.constant 0 : i32
        %dma_start3A_176 = arith.constant 0 : i32
        %dma_start3A_177 = tpu.memref_slice %arg9[%select_n3A_174, %dma_start3A_175, %dma_start3A_176] : memref<4x125x96xf32, #tpu.memory_space<vmem>> -> memref<1x125x96xf32, #tpu.memory_space<vmem>>
        %dma_start3A_178 = tpu.memref_squeeze %dma_start3A_177 : memref<1x125x96xf32, #tpu.memory_space<vmem>> -> memref<125x96xf32, #tpu.memory_space<vmem>>
        %dma_start3A_179 = arith.constant 0 : i32
        %dma_start3A_180 = tpu.memref_slice %arg7[%sub3A_154, %dma_start3A_179] : memref<40x125xi32, #tpu.memory_space<vmem>> -> memref<1x125xi32, #tpu.memory_space<vmem>>
        %dma_start3A_181 = tpu.memref_squeeze %dma_start3A_180 : memref<1x125xi32, #tpu.memory_space<vmem>> -> memref<125xi32, #tpu.memory_space<vmem>>
        %dma_start3A_182 = arith.constant 0 : i32
        %dma_start3A_183 = arith.constant 0 : i32
        %dma_start3A_184 = tpu.memref_slice %arg2[%dma_start3A_182, %dma_start3A_183] : memref<10000x96xf32, #tpu.memory_space<hbm>> -> memref<10000x96xf32, #tpu.memory_space<hbm>>
        tpu.enqueue_indirect_dma source(%dma_start3A_184 : memref<10000x96xf32, #tpu.memory_space<hbm>>) target(%dma_start3A_178 : memref<125x96xf32, #tpu.memory_space<vmem>>) offsets(%dma_start3A_181 : memref<125xi32, #tpu.memory_space<vmem>>) semaphore(%arg11 : memref<!tpu.dma_semaphore, #tpu.memory_space<semaphore_mem>>)
      } else {
      }
      %jit3A = arith.constant 4 : i32
      %eq3A_104 = arith.constant 0 : i32
      %eq3A_105 = arith.cmpi eq, %jit3A, %eq3A_104 : i32
      %jit3A_106 = arith.constant 1 : i32
      %select_n3A = arith.select %eq3A_105, %jit3A_106, %jit3A : i32
      %rem3A = arith.remsi %scan3A_91, %select_n3A : i32
      %ne3A = arith.constant 0 : i32
      %ne3A_107 = arith.cmpi ne, %rem3A, %ne3A : i32
      %lt3A_108 = arith.constant 0 : i32
      %lt3A_109 = arith.cmpi slt, %rem3A, %lt3A_108 : i32
      %lt3A_110 = arith.constant 0 : i32
      %lt3A_111 = arith.cmpi slt, %select_n3A, %lt3A_110 : i32
      %ne3A_112 = arith.xori %lt3A_109, %lt3A_111 : i1
      %and3A = arith.andi %ne3A_112, %ne3A_107 : i1
      %add3A_113 = arith.addi %rem3A, %select_n3A : i32
      %select_n3A_114 = arith.select %and3A, %add3A_113, %rem3A : i32
      %dma_wait3A_115 = arith.constant 0 : i32
      %dma_wait3A_116 = arith.constant 0 : i32
      %dma_wait3A_117 = tpu.memref_slice %arg9[%select_n3A_114, %dma_wait3A_115, %dma_wait3A_116] : memref<4x125x96xf32, #tpu.memory_space<vmem>> -> memref<1x125x96xf32, #tpu.memory_space<vmem>>
      %dma_wait3A_118 = tpu.memref_squeeze %dma_wait3A_117 : memref<1x125x96xf32, #tpu.memory_space<vmem>> -> memref<125x96xf32, #tpu.memory_space<vmem>>
      %dma_wait3A_119 = arith.constant 0 : i32
      %dma_wait3A_120 = tpu.memref_slice %arg7[%scan3A_91, %dma_wait3A_119] : memref<40x125xi32, #tpu.memory_space<vmem>> -> memref<1x125xi32, #tpu.memory_space<vmem>>
      %dma_wait3A_121 = tpu.memref_squeeze %dma_wait3A_120 : memref<1x125xi32, #tpu.memory_space<vmem>> -> memref<125xi32, #tpu.memory_space<vmem>>
      %dma_wait3A_122 = arith.constant 0 : i32
      %dma_wait3A_123 = arith.constant 0 : i32
      %dma_wait3A_124 = tpu.memref_slice %arg2[%dma_wait3A_122, %dma_wait3A_123] : memref<10000x96xf32, #tpu.memory_space<hbm>> -> memref<10000x96xf32, #tpu.memory_space<hbm>>
      tpu.wait_indirect_dma semaphore(%arg11 : memref<!tpu.dma_semaphore, #tpu.memory_space<semaphore_mem>>) src(%dma_wait3A_124 : memref<10000x96xf32, #tpu.memory_space<hbm>>) dst(%dma_wait3A_118 : memref<125x96xf32, #tpu.memory_space<vmem>>)
      %jit3A_125 = arith.constant 4 : i32
      %eq3A_126 = arith.constant 0 : i32
      %eq3A_127 = arith.cmpi eq, %jit3A_125, %eq3A_126 : i32
      %jit3A_128 = arith.constant 1 : i32
      %select_n3A_129 = arith.select %eq3A_127, %jit3A_128, %jit3A_125 : i32
      %rem3A_130 = arith.remsi %scan3A_91, %select_n3A_129 : i32
      %ne3A_131 = arith.constant 0 : i32
      %ne3A_132 = arith.cmpi ne, %rem3A_130, %ne3A_131 : i32
      %lt3A_133 = arith.constant 0 : i32
      %lt3A_134 = arith.cmpi slt, %rem3A_130, %lt3A_133 : i32
      %lt3A_135 = arith.constant 0 : i32
      %lt3A_136 = arith.cmpi slt, %select_n3A_129, %lt3A_135 : i32
      %ne3A_137 = arith.xori %lt3A_134, %lt3A_136 : i1
      %and3A_138 = arith.andi %ne3A_137, %ne3A_132 : i1
      %add3A_139 = arith.addi %rem3A_130, %select_n3A_129 : i32
      %select_n3A_140 = arith.select %and3A_138, %add3A_139, %rem3A_130 : i32
      %dma_start3A_141 = arith.constant 0 : i32
      %dma_start3A_142 = arith.constant 0 : i32
      %dma_start3A_143 = tpu.memref_slice %arg9[%select_n3A_140, %dma_start3A_141, %dma_start3A_142] : memref<4x125x96xf32, #tpu.memory_space<vmem>> -> memref<1x125x96xf32, #tpu.memory_space<vmem>>
      %dma_start3A_144 = tpu.memref_squeeze %dma_start3A_143 : memref<1x125x96xf32, #tpu.memory_space<vmem>> -> memref<125x96xf32, #tpu.memory_space<vmem>>
      %dma_start3A_145 = arith.constant 0 : i32
      %dma_start3A_146 = tpu.memref_slice %arg8[%scan3A_91, %dma_start3A_145] : memref<40x125xi32, #tpu.memory_space<vmem>> -> memref<1x125xi32, #tpu.memory_space<vmem>>
      %dma_start3A_147 = tpu.memref_squeeze %dma_start3A_146 : memref<1x125xi32, #tpu.memory_space<vmem>> -> memref<125xi32, #tpu.memory_space<vmem>>
      %dma_start3A_148 = arith.constant 0 : i32
      %dma_start3A_149 = arith.constant 0 : i32
      %dma_start3A_150 = tpu.memref_slice %arg10[%dma_start3A_148, %dma_start3A_149] : memref<10240x96xf32, #tpu.memory_space<vmem_shared>> -> memref<10240x96xf32, #tpu.memory_space<vmem_shared>>
      tpu.enqueue_indirect_dma source(%dma_start3A_144 : memref<125x96xf32, #tpu.memory_space<vmem>>) target(%dma_start3A_150 : memref<10240x96xf32, #tpu.memory_space<vmem_shared>>) offsets(%dma_start3A_147 : memref<125xi32, #tpu.memory_space<vmem>>) semaphore(%arg12 : memref<!tpu.dma_semaphore, #tpu.memory_space<semaphore_mem>>) {add = true}
    }
    %scan3A_71 = arith.constant 40 : i32
    %dma_wait3A_72 = arith.constant 3 : i32
    %dma_wait3A_73 = arith.constant 39 : i32
    %dma_wait3A_74 = arith.constant 0 : i32
    %dma_wait3A_75 = arith.constant 0 : i32
    %dma_wait3A_76 = tpu.memref_slice %arg9[%dma_wait3A_72, %dma_wait3A_74, %dma_wait3A_75] : memref<4x125x96xf32, #tpu.memory_space<vmem>> -> memref<1x125x96xf32, #tpu.memory_space<vmem>>
    %dma_wait3A_77 = tpu.memref_squeeze %dma_wait3A_76 : memref<1x125x96xf32, #tpu.memory_space<vmem>> -> memref<125x96xf32, #tpu.memory_space<vmem>>
    %dma_wait3A_78 = arith.constant 0 : i32
    %dma_wait3A_79 = tpu.memref_slice %arg8[%dma_wait3A_73, %dma_wait3A_78] : memref<40x125xi32, #tpu.memory_space<vmem>> -> memref<1x125xi32, #tpu.memory_space<vmem>>
    %dma_wait3A_80 = tpu.memref_squeeze %dma_wait3A_79 : memref<1x125xi32, #tpu.memory_space<vmem>> -> memref<125xi32, #tpu.memory_space<vmem>>
    %dma_wait3A_81 = arith.constant 0 : i32
    %dma_wait3A_82 = arith.constant 0 : i32
    %dma_wait3A_83 = tpu.memref_slice %arg10[%dma_wait3A_81, %dma_wait3A_82] : memref<10240x96xf32, #tpu.memory_space<vmem_shared>> -> memref<10240x96xf32, #tpu.memory_space<vmem_shared>>
    tpu.wait_indirect_dma semaphore(%arg12 : memref<!tpu.dma_semaphore, #tpu.memory_space<semaphore_mem>>) src(%dma_wait3A_77 : memref<125x96xf32, #tpu.memory_space<vmem>>) dst(%dma_wait3A_83 : memref<10240x96xf32, #tpu.memory_space<vmem_shared>>)
    %barrier3A_84 = arith.constant 0 : index
    tpu.barrier barrier_id(%barrier3A_84)
    %lt3A = arith.constant 15 : i32
    %lt3A_85 = arith.cmpi slt, %arg1, %lt3A : i32
    %convert_element_type3A = arith.extui %lt3A_85 : i1 to i32
    %cond3A = arith.constant 0 : i32
    %cond3A_86 = arith.cmpi ne, %convert_element_type3A, %cond3A : i32
    scf.if %cond3A_86 {
      %mul3A_91 = arith.constant 640 : i32
      %mul3A_92 = arith.muli %arg1, %mul3A_91 : i32
      %mul3A_93 = arith.constant 640 : i32
      %mul3A_94 = arith.muli %arg1, %mul3A_93 : i32
      "tpu.region"() ({
        %run_scoped3A = tpu.sem_alloc : memref<!tpu.dma_semaphore, #tpu.memory_space<semaphore_mem>>
        %dma_start3A_95 = arith.constant 0 : i32
        %dma_start3A_96 = tpu.memref_slice %arg6[%arg0, %mul3A_94, %dma_start3A_95] : memref<2x10000x96xf32, #tpu.memory_space<hbm>> -> memref<1x640x96xf32, #tpu.memory_space<hbm>>
        %dma_start3A_97 = tpu.memref_squeeze %dma_start3A_96 : memref<1x640x96xf32, #tpu.memory_space<hbm>> -> memref<640x96xf32, #tpu.memory_space<hbm>>
        %dma_start3A_98 = arith.constant 0 : i32
        %dma_start3A_99 = tpu.memref_slice %arg10[%mul3A_92, %dma_start3A_98] : memref<10240x96xf32, #tpu.memory_space<vmem_shared>> -> memref<640x96xf32, #tpu.memory_space<vmem_shared>>
        tpu.enqueue_dma source(%dma_start3A_99 : memref<640x96xf32, #tpu.memory_space<vmem_shared>>) target(%dma_start3A_97 : memref<640x96xf32, #tpu.memory_space<hbm>>) target_semaphore(%run_scoped3A : memref<!tpu.dma_semaphore, #tpu.memory_space<semaphore_mem>>)
        %dma_wait3A_100 = arith.constant 0 : i32
        %dma_wait3A_101 = tpu.memref_slice %arg6[%arg0, %mul3A_94, %dma_wait3A_100] : memref<2x10000x96xf32, #tpu.memory_space<hbm>> -> memref<1x640x96xf32, #tpu.memory_space<hbm>>
        %dma_wait3A_102 = tpu.memref_squeeze %dma_wait3A_101 : memref<1x640x96xf32, #tpu.memory_space<hbm>> -> memref<640x96xf32, #tpu.memory_space<hbm>>
        %dma_wait3A_103 = arith.constant 0 : i32
        %dma_wait3A_104 = tpu.memref_slice %arg10[%mul3A_92, %dma_wait3A_103] : memref<10240x96xf32, #tpu.memory_space<vmem_shared>> -> memref<640x96xf32, #tpu.memory_space<vmem_shared>>
        tpu.wait_dma2 semaphore(%run_scoped3A : memref<!tpu.dma_semaphore, #tpu.memory_space<semaphore_mem>>) src(%dma_wait3A_104 : memref<640x96xf32, #tpu.memory_space<vmem_shared>>) dst(%dma_wait3A_102 : memref<640x96xf32, #tpu.memory_space<hbm>>)
        tpu.yield
      }) : () -> ()
    } else {
    }
    %eq3A = arith.constant 15 : i32
    %eq3A_87 = arith.cmpi eq, %arg1, %eq3A : i32
    %convert_element_type3A_88 = arith.extui %eq3A_87 : i1 to i32
    %cond3A_89 = arith.constant 0 : i32
    %cond3A_90 = arith.cmpi ne, %convert_element_type3A_88, %cond3A_89 : i32
    scf.if %cond3A_90 {
      "tpu.region"() ({
        %run_scoped3A = tpu.sem_alloc : memref<!tpu.dma_semaphore, #tpu.memory_space<semaphore_mem>>
        %dma_start3A_91 = arith.constant 9600 : i32
        %dma_start3A_92 = arith.constant 0 : i32
        %dma_start3A_93 = tpu.memref_slice %arg6[%arg0, %dma_start3A_91, %dma_start3A_92] : memref<2x10000x96xf32, #tpu.memory_space<hbm>> -> memref<1x400x96xf32, #tpu.memory_space<hbm>>
        %dma_start3A_94 = tpu.memref_squeeze %dma_start3A_93 : memref<1x400x96xf32, #tpu.memory_space<hbm>> -> memref<400x96xf32, #tpu.memory_space<hbm>>
        %dma_start3A_95 = arith.constant 9600 : i32
        %dma_start3A_96 = arith.constant 0 : i32
        %dma_start3A_97 = tpu.memref_slice %arg10[%dma_start3A_95, %dma_start3A_96] : memref<10240x96xf32, #tpu.memory_space<vmem_shared>> -> memref<400x96xf32, #tpu.memory_space<vmem_shared>>
        tpu.enqueue_dma source(%dma_start3A_97 : memref<400x96xf32, #tpu.memory_space<vmem_shared>>) target(%dma_start3A_94 : memref<400x96xf32, #tpu.memory_space<hbm>>) target_semaphore(%run_scoped3A : memref<!tpu.dma_semaphore, #tpu.memory_space<semaphore_mem>>)
        %dma_wait3A_98 = arith.constant 9600 : i32
        %dma_wait3A_99 = arith.constant 0 : i32
        %dma_wait3A_100 = tpu.memref_slice %arg6[%arg0, %dma_wait3A_98, %dma_wait3A_99] : memref<2x10000x96xf32, #tpu.memory_space<hbm>> -> memref<1x400x96xf32, #tpu.memory_space<hbm>>
        %dma_wait3A_101 = tpu.memref_squeeze %dma_wait3A_100 : memref<1x400x96xf32, #tpu.memory_space<hbm>> -> memref<400x96xf32, #tpu.memory_space<hbm>>
        %dma_wait3A_102 = arith.constant 9600 : i32
        %dma_wait3A_103 = arith.constant 0 : i32
        %dma_wait3A_104 = tpu.memref_slice %arg10[%dma_wait3A_102, %dma_wait3A_103] : memref<10240x96xf32, #tpu.memory_space<vmem_shared>> -> memref<400x96xf32, #tpu.memory_space<vmem_shared>>
        tpu.wait_dma2 semaphore(%run_scoped3A : memref<!tpu.dma_semaphore, #tpu.memory_space<semaphore_mem>>) src(%dma_wait3A_104 : memref<400x96xf32, #tpu.memory_space<vmem_shared>>) dst(%dma_wait3A_101 : memref<400x96xf32, #tpu.memory_space<hbm>>)
        tpu.yield
      }) : () -> ()
    } else {
    }
    return
  }
}

module attributes {stable_mosaic.version = 14 : i64} {
  func.func @body(%arg0: i32, %arg1: memref<2000x256xf32, #tpu.memory_space<vmem>>, %arg2: memref<256x32xf32, #tpu.memory_space<vmem>>, %arg3: memref<1x32xf32, #tpu.memory_space<vmem>>, %arg4: memref<2000x32xf32, #tpu.memory_space<vmem>>) attributes {dimension_semantics = [#tpu.dimension_semantics<arbitrary>], iteration_bounds = array<i64: 5>, scalar_prefetch = 0 : i64, scratch_operands = 0 : i64, tpu.core_type = #tpu.core_type<tc>, window_params = [{transform_indices = @transform_0, window_bounds = array<i64: 2000, 256>}, {pipeline_mode = #tpu.pipeline_mode<synchronous>, transform_indices = @transform_1, window_bounds = array<i64: 256, 32>}, {pipeline_mode = #tpu.pipeline_mode<synchronous>, transform_indices = @transform_2, window_bounds = array<i64: 1, 32>}, {transform_indices = @transform_3, window_bounds = array<i64: 2000, 32>}]} {
    %get3A = arith.constant 0 : index
    %get3A_0 = arith.constant 0 : index
    %get3A_1 = vector.load %arg1[%get3A, %get3A_0] : memref<2000x256xf32, #tpu.memory_space<vmem>>, vector<2000x256xf32>
    %get3A_2 = arith.constant 0 : index
    %get3A_3 = arith.constant 0 : index
    %get3A_4 = vector.load %arg2[%get3A_2, %get3A_3] : memref<256x32xf32, #tpu.memory_space<vmem>>, vector<256x32xf32>
    %dot_general3A = arith.constant dense<0.000000e+00> : vector<2000x32xf32>
    %dot_general3A_5 = tpu.matmul %get3A_1, %get3A_4, %dot_general3A {dimension_numbers = #tpu.dot_dimension_numbers<[1], [0], [0], [1], [0, 0, 1, 1], [], []>, transpose_lhs_hint = false} : vector<2000x256xf32>, vector<256x32xf32>, vector<2000x32xf32> -> vector<2000x32xf32>
    %get3A_6 = arith.constant 0 : index
    %get3A_7 = arith.constant 0 : index
    %get3A_8 = vector.load %arg3[%get3A_6, %get3A_7] : memref<1x32xf32, #tpu.memory_space<vmem>>, vector<1x32xf32>
    %add3A = vector.broadcast %get3A_8 : vector<1x32xf32> to vector<2000x32xf32>
    %add3A_9 = arith.addf %dot_general3A_5, %add3A : vector<2000x32xf32>
    %max3A = arith.constant 0.000000e+00 : f32
    %max3A_10 = vector.broadcast %max3A : f32 to vector<2000x32xf32>
    %max3A_11 = arith.maximumf %add3A_9, %max3A_10 : vector<2000x32xf32>
    %swap3A = arith.constant 0 : index
    %swap3A_12 = arith.constant 0 : index
    %swap3A_13 = vector.load %arg4[%swap3A, %swap3A_12] : memref<2000x32xf32, #tpu.memory_space<vmem>>, vector<2000x32xf32>
    tpu.vector_store %arg4[%swap3A, %swap3A_12], %max3A_11 {strides = array<i32>} : memref<2000x32xf32, #tpu.memory_space<vmem>>, vector<2000x32xf32>,
    return
  }
  func.func @transform_0(%arg0: i32) -> (i32, i32) {
    %c0_i32 = arith.constant 0 : i32
    %c0_i32_0 = arith.constant 0 : i32
    return %arg0, %c0_i32 : i32, i32
  }
  func.func @transform_1(%arg0: i32) -> (i32, i32) {
    %c0_i32 = arith.constant 0 : i32
    %c0_i32_0 = arith.constant 0 : i32
    %c0_i32_1 = arith.constant 0 : i32
    return %c0_i32, %c0_i32_0 : i32, i32
  }
  func.func @transform_2(%arg0: i32) -> (i32, i32) {
    %c0_i32 = arith.constant 0 : i32
    %c0_i32_0 = arith.constant 0 : i32
    %c0_i32_1 = arith.constant 0 : i32
    return %c0_i32, %c0_i32_0 : i32, i32
  }
  func.func @transform_3(%arg0: i32) -> (i32, i32) {
    %c0_i32 = arith.constant 0 : i32
    %c0_i32_0 = arith.constant 0 : i32
    return %arg0, %c0_i32 : i32, i32
  }
}

module attributes {stable_mosaic.version = 14 : i64} {
  func.func @body(%arg0: i32, %arg1: memref<2000x32xf32, #tpu.memory_space<vmem>>, %arg2: memref<32x64xf32, #tpu.memory_space<vmem>>, %arg3: memref<1x64xf32, #tpu.memory_space<vmem>>, %arg4: memref<2000x64xf32, #tpu.memory_space<vmem>>) attributes {dimension_semantics = [#tpu.dimension_semantics<arbitrary>], iteration_bounds = array<i64: 5>, scalar_prefetch = 0 : i64, scratch_operands = 0 : i64, tpu.core_type = #tpu.core_type<tc>, window_params = [{transform_indices = @transform_0, window_bounds = array<i64: 2000, 32>}, {pipeline_mode = #tpu.pipeline_mode<synchronous>, transform_indices = @transform_1, window_bounds = array<i64: 32, 64>}, {pipeline_mode = #tpu.pipeline_mode<synchronous>, transform_indices = @transform_2, window_bounds = array<i64: 1, 64>}, {transform_indices = @transform_3, window_bounds = array<i64: 2000, 64>}]} {
    %get3A = arith.constant 0 : index
    %get3A_0 = arith.constant 0 : index
    %get3A_1 = vector.load %arg1[%get3A, %get3A_0] : memref<2000x32xf32, #tpu.memory_space<vmem>>, vector<2000x32xf32>
    %get3A_2 = arith.constant 0 : index
    %get3A_3 = arith.constant 0 : index
    %get3A_4 = vector.load %arg2[%get3A_2, %get3A_3] : memref<32x64xf32, #tpu.memory_space<vmem>>, vector<32x64xf32>
    %dot_general3A = arith.constant dense<0.000000e+00> : vector<2000x64xf32>
    %dot_general3A_5 = tpu.matmul %get3A_1, %get3A_4, %dot_general3A {dimension_numbers = #tpu.dot_dimension_numbers<[1], [0], [0], [1], [0, 0, 1, 1], [], []>, transpose_lhs_hint = false} : vector<2000x32xf32>, vector<32x64xf32>, vector<2000x64xf32> -> vector<2000x64xf32>
    %get3A_6 = arith.constant 0 : index
    %get3A_7 = arith.constant 0 : index
    %get3A_8 = vector.load %arg3[%get3A_6, %get3A_7] : memref<1x64xf32, #tpu.memory_space<vmem>>, vector<1x64xf32>
    %add3A = vector.broadcast %get3A_8 : vector<1x64xf32> to vector<2000x64xf32>
    %add3A_9 = arith.addf %dot_general3A_5, %add3A : vector<2000x64xf32>
    %swap3A = arith.constant 0 : index
    %swap3A_10 = arith.constant 0 : index
    %swap3A_11 = vector.load %arg4[%swap3A, %swap3A_10] : memref<2000x64xf32, #tpu.memory_space<vmem>>, vector<2000x64xf32>
    tpu.vector_store %arg4[%swap3A, %swap3A_10], %add3A_9 {strides = array<i32>} : memref<2000x64xf32, #tpu.memory_space<vmem>>, vector<2000x64xf32>,
    return
  }
  func.func @transform_0(%arg0: i32) -> (i32, i32) {
    %c0_i32 = arith.constant 0 : i32
    %c0_i32_0 = arith.constant 0 : i32
    return %arg0, %c0_i32 : i32, i32
  }
  func.func @transform_1(%arg0: i32) -> (i32, i32) {
    %c0_i32 = arith.constant 0 : i32
    %c0_i32_0 = arith.constant 0 : i32
    %c0_i32_1 = arith.constant 0 : i32
    return %c0_i32, %c0_i32_0 : i32, i32
  }
  func.func @transform_2(%arg0: i32) -> (i32, i32) {
    %c0_i32 = arith.constant 0 : i32
    %c0_i32_0 = arith.constant 0 : i32
    %c0_i32_1 = arith.constant 0 : i32
    return %c0_i32, %c0_i32_0 : i32, i32
  }
  func.func @transform_3(%arg0: i32) -> (i32, i32) {
    %c0_i32 = arith.constant 0 : i32
    %c0_i32_0 = arith.constant 0 : i32
    return %arg0, %c0_i32 : i32, i32
  }
}

module attributes {stable_mosaic.version = 14 : i64} {
  func.func @body(%arg0: i32, %arg1: memref<2000x64xf32, #tpu.memory_space<vmem>>, %arg2: memref<1x64xf32, #tpu.memory_space<vmem>>, %arg3: memref<2x2000x32xf32, #tpu.memory_space<vmem>>, %arg4: memref<32x64xf32, #tpu.memory_space<vmem>>, %arg5: memref<2000x64xf32, #tpu.memory_space<vmem>>) attributes {dimension_semantics = [#tpu.dimension_semantics<arbitrary>], iteration_bounds = array<i64: 5>, scalar_prefetch = 0 : i64, scratch_operands = 0 : i64, tpu.core_type = #tpu.core_type<tc>, window_params = [{transform_indices = @transform_0, window_bounds = array<i64: 2000, 64>}, {pipeline_mode = #tpu.pipeline_mode<synchronous>, transform_indices = @transform_1, window_bounds = array<i64: 1, 64>}, {transform_indices = @transform_2, window_bounds = array<i64: 2, 2000, 32>}, {pipeline_mode = #tpu.pipeline_mode<synchronous>, transform_indices = @transform_3, window_bounds = array<i64: 32, 64>}, {transform_indices = @transform_4, window_bounds = array<i64: 2000, 64>}]} {
    %get3A = arith.constant 0 : index
    %get3A_0 = arith.constant 0 : index
    %get3A_1 = vector.load %arg1[%get3A, %get3A_0] : memref<2000x64xf32, #tpu.memory_space<vmem>>, vector<2000x64xf32>
    %get3A_2 = arith.constant 0 : index
    %get3A_3 = arith.constant 0 : index
    %get3A_4 = arith.constant 0 : index
    %get3A_5 = vector.load %arg3[%get3A_2, %get3A_3, %get3A_4] : memref<2x2000x32xf32, #tpu.memory_space<vmem>>, vector<1x2000x32xf32>
    %get3A_6 = vector.shape_cast %get3A_5 : vector<1x2000x32xf32> to vector<2000x32xf32>
    %get3A_7 = arith.constant 1 : index
    %get3A_8 = arith.constant 0 : index
    %get3A_9 = arith.constant 0 : index
    %get3A_10 = vector.load %arg3[%get3A_7, %get3A_8, %get3A_9] : memref<2x2000x32xf32, #tpu.memory_space<vmem>>, vector<1x2000x32xf32>
    %get3A_11 = vector.shape_cast %get3A_10 : vector<1x2000x32xf32> to vector<2000x32xf32>
    %add3A = arith.addf %get3A_6, %get3A_11 : vector<2000x32xf32>
    %get3A_12 = arith.constant 0 : index
    %get3A_13 = arith.constant 0 : index
    %get3A_14 = vector.load %arg4[%get3A_12, %get3A_13] : memref<32x64xf32, #tpu.memory_space<vmem>>, vector<32x64xf32>
    %dot_general3A = arith.constant dense<0.000000e+00> : vector<2000x64xf32>
    %dot_general3A_15 = tpu.matmul %add3A, %get3A_14, %dot_general3A {dimension_numbers = #tpu.dot_dimension_numbers<[1], [0], [0], [1], [0, 0, 1, 1], [], []>, transpose_lhs_hint = false} : vector<2000x32xf32>, vector<32x64xf32>, vector<2000x64xf32> -> vector<2000x64xf32>
    %add3A_16 = arith.addf %get3A_1, %dot_general3A_15 : vector<2000x64xf32>
    %get3A_17 = arith.constant 0 : index
    %get3A_18 = arith.constant 0 : index
    %get3A_19 = vector.load %arg2[%get3A_17, %get3A_18] : memref<1x64xf32, #tpu.memory_space<vmem>>, vector<1x64xf32>
    %add3A_20 = vector.broadcast %get3A_19 : vector<1x64xf32> to vector<2000x64xf32>
    %add3A_21 = arith.addf %add3A_16, %add3A_20 : vector<2000x64xf32>
    %max3A = arith.constant 0.000000e+00 : f32
    %max3A_22 = vector.broadcast %max3A : f32 to vector<2000x64xf32>
    %max3A_23 = arith.maximumf %add3A_21, %max3A_22 : vector<2000x64xf32>
    %swap3A = arith.constant 0 : index
    %swap3A_24 = arith.constant 0 : index
    %swap3A_25 = vector.load %arg5[%swap3A, %swap3A_24] : memref<2000x64xf32, #tpu.memory_space<vmem>>, vector<2000x64xf32>
    tpu.vector_store %arg5[%swap3A, %swap3A_24], %max3A_23 {strides = array<i32>} : memref<2000x64xf32, #tpu.memory_space<vmem>>, vector<2000x64xf32>,
    return
  }
  func.func @transform_0(%arg0: i32) -> (i32, i32) {
    %c0_i32 = arith.constant 0 : i32
    %c0_i32_0 = arith.constant 0 : i32
    return %arg0, %c0_i32 : i32, i32
  }
  func.func @transform_1(%arg0: i32) -> (i32, i32) {
    %c0_i32 = arith.constant 0 : i32
    %c0_i32_0 = arith.constant 0 : i32
    %c0_i32_1 = arith.constant 0 : i32
    return %c0_i32, %c0_i32_0 : i32, i32
  }
  func.func @transform_2(%arg0: i32) -> (i32, i32, i32) {
    %c0_i32 = arith.constant 0 : i32
    %c0_i32_0 = arith.constant 0 : i32
    %c0_i32_1 = arith.constant 0 : i32
    return %c0_i32, %arg0, %c0_i32_0 : i32, i32, i32
  }
  func.func @transform_3(%arg0: i32) -> (i32, i32) {
    %c0_i32 = arith.constant 0 : i32
    %c0_i32_0 = arith.constant 0 : i32
    %c0_i32_1 = arith.constant 0 : i32
    return %c0_i32, %c0_i32_0 : i32, i32
  }
  func.func @transform_4(%arg0: i32) -> (i32, i32) {
    %c0_i32 = arith.constant 0 : i32
    %c0_i32_0 = arith.constant 0 : i32
    return %arg0, %c0_i32 : i32, i32
  }
}

module attributes {stable_mosaic.version = 14 : i64} {
  func.func @body(%arg0: i32, %arg1: memref<2000x64xf32, #tpu.memory_space<vmem>>, %arg2: memref<64x128xf32, #tpu.memory_space<vmem>>, %arg3: memref<1x128xf32, #tpu.memory_space<vmem>>, %arg4: memref<2000x128xf32, #tpu.memory_space<vmem>>) attributes {dimension_semantics = [#tpu.dimension_semantics<arbitrary>], iteration_bounds = array<i64: 5>, scalar_prefetch = 0 : i64, scratch_operands = 0 : i64, tpu.core_type = #tpu.core_type<tc>, window_params = [{transform_indices = @transform_0, window_bounds = array<i64: 2000, 64>}, {pipeline_mode = #tpu.pipeline_mode<synchronous>, transform_indices = @transform_1, window_bounds = array<i64: 64, 128>}, {pipeline_mode = #tpu.pipeline_mode<synchronous>, transform_indices = @transform_2, window_bounds = array<i64: 1, 128>}, {transform_indices = @transform_3, window_bounds = array<i64: 2000, 128>}]} {
    %get3A = arith.constant 0 : index
    %get3A_0 = arith.constant 0 : index
    %get3A_1 = vector.load %arg1[%get3A, %get3A_0] : memref<2000x64xf32, #tpu.memory_space<vmem>>, vector<2000x64xf32>
    %get3A_2 = arith.constant 0 : index
    %get3A_3 = arith.constant 0 : index
    %get3A_4 = vector.load %arg2[%get3A_2, %get3A_3] : memref<64x128xf32, #tpu.memory_space<vmem>>, vector<64x128xf32>
    %dot_general3A = arith.constant dense<0.000000e+00> : vector<2000x128xf32>
    %dot_general3A_5 = tpu.matmul %get3A_1, %get3A_4, %dot_general3A {dimension_numbers = #tpu.dot_dimension_numbers<[1], [0], [0], [1], [0, 0, 1, 1], [], []>, transpose_lhs_hint = false} : vector<2000x64xf32>, vector<64x128xf32>, vector<2000x128xf32> -> vector<2000x128xf32>
    %get3A_6 = arith.constant 0 : index
    %get3A_7 = arith.constant 0 : index
    %get3A_8 = vector.load %arg3[%get3A_6, %get3A_7] : memref<1x128xf32, #tpu.memory_space<vmem>>, vector<1x128xf32>
    %add3A = vector.broadcast %get3A_8 : vector<1x128xf32> to vector<2000x128xf32>
    %add3A_9 = arith.addf %dot_general3A_5, %add3A : vector<2000x128xf32>
    %swap3A = arith.constant 0 : index
    %swap3A_10 = arith.constant 0 : index
    %swap3A_11 = vector.load %arg4[%swap3A, %swap3A_10] : memref<2000x128xf32, #tpu.memory_space<vmem>>, vector<2000x128xf32>
    tpu.vector_store %arg4[%swap3A, %swap3A_10], %add3A_9 {strides = array<i32>} : memref<2000x128xf32, #tpu.memory_space<vmem>>, vector<2000x128xf32>,
    return
  }
  func.func @transform_0(%arg0: i32) -> (i32, i32) {
    %c0_i32 = arith.constant 0 : i32
    %c0_i32_0 = arith.constant 0 : i32
    return %arg0, %c0_i32 : i32, i32
  }
  func.func @transform_1(%arg0: i32) -> (i32, i32) {
    %c0_i32 = arith.constant 0 : i32
    %c0_i32_0 = arith.constant 0 : i32
    %c0_i32_1 = arith.constant 0 : i32
    return %c0_i32, %c0_i32_0 : i32, i32
  }
  func.func @transform_2(%arg0: i32) -> (i32, i32) {
    %c0_i32 = arith.constant 0 : i32
    %c0_i32_0 = arith.constant 0 : i32
    %c0_i32_1 = arith.constant 0 : i32
    return %c0_i32, %c0_i32_0 : i32, i32
  }
  func.func @transform_3(%arg0: i32) -> (i32, i32) {
    %c0_i32 = arith.constant 0 : i32
    %c0_i32_0 = arith.constant 0 : i32
    return %arg0, %c0_i32 : i32, i32
  }
}

module attributes {stable_mosaic.version = 14 : i64} {
  func.func @body(%arg0: i32, %arg1: memref<2000x128xf32, #tpu.memory_space<vmem>>, %arg2: memref<1x128xf32, #tpu.memory_space<vmem>>, %arg3: memref<2x2000x64xf32, #tpu.memory_space<vmem>>, %arg4: memref<64x128xf32, #tpu.memory_space<vmem>>, %arg5: memref<2000x128xf32, #tpu.memory_space<vmem>>) attributes {dimension_semantics = [#tpu.dimension_semantics<arbitrary>], iteration_bounds = array<i64: 5>, scalar_prefetch = 0 : i64, scratch_operands = 0 : i64, tpu.core_type = #tpu.core_type<tc>, window_params = [{transform_indices = @transform_0, window_bounds = array<i64: 2000, 128>}, {pipeline_mode = #tpu.pipeline_mode<synchronous>, transform_indices = @transform_1, window_bounds = array<i64: 1, 128>}, {transform_indices = @transform_2, window_bounds = array<i64: 2, 2000, 64>}, {pipeline_mode = #tpu.pipeline_mode<synchronous>, transform_indices = @transform_3, window_bounds = array<i64: 64, 128>}, {transform_indices = @transform_4, window_bounds = array<i64: 2000, 128>}]} {
    %get3A = arith.constant 0 : index
    %get3A_0 = arith.constant 0 : index
    %get3A_1 = vector.load %arg1[%get3A, %get3A_0] : memref<2000x128xf32, #tpu.memory_space<vmem>>, vector<2000x128xf32>
    %get3A_2 = arith.constant 0 : index
    %get3A_3 = arith.constant 0 : index
    %get3A_4 = arith.constant 0 : index
    %get3A_5 = vector.load %arg3[%get3A_2, %get3A_3, %get3A_4] : memref<2x2000x64xf32, #tpu.memory_space<vmem>>, vector<1x2000x64xf32>
    %get3A_6 = vector.shape_cast %get3A_5 : vector<1x2000x64xf32> to vector<2000x64xf32>
    %get3A_7 = arith.constant 1 : index
    %get3A_8 = arith.constant 0 : index
    %get3A_9 = arith.constant 0 : index
    %get3A_10 = vector.load %arg3[%get3A_7, %get3A_8, %get3A_9] : memref<2x2000x64xf32, #tpu.memory_space<vmem>>, vector<1x2000x64xf32>
    %get3A_11 = vector.shape_cast %get3A_10 : vector<1x2000x64xf32> to vector<2000x64xf32>
    %add3A = arith.addf %get3A_6, %get3A_11 : vector<2000x64xf32>
    %get3A_12 = arith.constant 0 : index
    %get3A_13 = arith.constant 0 : index
    %get3A_14 = vector.load %arg4[%get3A_12, %get3A_13] : memref<64x128xf32, #tpu.memory_space<vmem>>, vector<64x128xf32>
    %dot_general3A = arith.constant dense<0.000000e+00> : vector<2000x128xf32>
    %dot_general3A_15 = tpu.matmul %add3A, %get3A_14, %dot_general3A {dimension_numbers = #tpu.dot_dimension_numbers<[1], [0], [0], [1], [0, 0, 1, 1], [], []>, transpose_lhs_hint = false} : vector<2000x64xf32>, vector<64x128xf32>, vector<2000x128xf32> -> vector<2000x128xf32>
    %add3A_16 = arith.addf %get3A_1, %dot_general3A_15 : vector<2000x128xf32>
    %get3A_17 = arith.constant 0 : index
    %get3A_18 = arith.constant 0 : index
    %get3A_19 = vector.load %arg2[%get3A_17, %get3A_18] : memref<1x128xf32, #tpu.memory_space<vmem>>, vector<1x128xf32>
    %add3A_20 = vector.broadcast %get3A_19 : vector<1x128xf32> to vector<2000x128xf32>
    %add3A_21 = arith.addf %add3A_16, %add3A_20 : vector<2000x128xf32>
    %max3A = arith.constant 0.000000e+00 : f32
    %max3A_22 = vector.broadcast %max3A : f32 to vector<2000x128xf32>
    %max3A_23 = arith.maximumf %add3A_21, %max3A_22 : vector<2000x128xf32>
    %swap3A = arith.constant 0 : index
    %swap3A_24 = arith.constant 0 : index
    %swap3A_25 = vector.load %arg5[%swap3A, %swap3A_24] : memref<2000x128xf32, #tpu.memory_space<vmem>>, vector<2000x128xf32>
    tpu.vector_store %arg5[%swap3A, %swap3A_24], %max3A_23 {strides = array<i32>} : memref<2000x128xf32, #tpu.memory_space<vmem>>, vector<2000x128xf32>,
    return
  }
  func.func @transform_0(%arg0: i32) -> (i32, i32) {
    %c0_i32 = arith.constant 0 : i32
    %c0_i32_0 = arith.constant 0 : i32
    return %arg0, %c0_i32 : i32, i32
  }
  func.func @transform_1(%arg0: i32) -> (i32, i32) {
    %c0_i32 = arith.constant 0 : i32
    %c0_i32_0 = arith.constant 0 : i32
    %c0_i32_1 = arith.constant 0 : i32
    return %c0_i32, %c0_i32_0 : i32, i32
  }
  func.func @transform_2(%arg0: i32) -> (i32, i32, i32) {
    %c0_i32 = arith.constant 0 : i32
    %c0_i32_0 = arith.constant 0 : i32
    %c0_i32_1 = arith.constant 0 : i32
    return %c0_i32, %arg0, %c0_i32_0 : i32, i32, i32
  }
  func.func @transform_3(%arg0: i32) -> (i32, i32) {
    %c0_i32 = arith.constant 0 : i32
    %c0_i32_0 = arith.constant 0 : i32
    %c0_i32_1 = arith.constant 0 : i32
    return %c0_i32, %c0_i32_0 : i32, i32
  }
  func.func @transform_4(%arg0: i32) -> (i32, i32) {
    %c0_i32 = arith.constant 0 : i32
    %c0_i32_0 = arith.constant 0 : i32
    return %arg0, %c0_i32 : i32, i32
  }
}

module attributes {stable_mosaic.version = 14 : i64} {
  func.func @body(%arg0: i32, %arg1: memref<2000x256xf32, #tpu.memory_space<vmem>>, %arg2: memref<2x2000x128xf32, #tpu.memory_space<vmem>>, %arg3: memref<128x256xf32, #tpu.memory_space<vmem>>, %arg4: memref<1x256xf32, #tpu.memory_space<vmem>>, %arg5: memref<8x128xf32, #tpu.memory_space<vmem>>, %arg6: memref<128x256xf32, #tpu.memory_space<vmem>>, %arg7: memref<1x256xf32, #tpu.memory_space<vmem>>, %arg8: memref<256x128xf32, #tpu.memory_space<vmem>>, %arg9: memref<2000x256xf32, #tpu.memory_space<vmem>>, %arg10: memref<2000x128xf32, #tpu.memory_space<vmem>>) attributes {dimension_semantics = [#tpu.dimension_semantics<arbitrary>], iteration_bounds = array<i64: 5>, scalar_prefetch = 0 : i64, scratch_operands = 0 : i64, tpu.core_type = #tpu.core_type<tc>, window_params = [{transform_indices = @transform_0, window_bounds = array<i64: 2000, 256>}, {transform_indices = @transform_1, window_bounds = array<i64: 2, 2000, 128>}, {pipeline_mode = #tpu.pipeline_mode<synchronous>, transform_indices = @transform_2, window_bounds = array<i64: 128, 256>}, {pipeline_mode = #tpu.pipeline_mode<synchronous>, transform_indices = @transform_3, window_bounds = array<i64: 1, 256>}, {pipeline_mode = #tpu.pipeline_mode<synchronous>, transform_indices = @transform_4, window_bounds = array<i64: 8, 128>}, {pipeline_mode = #tpu.pipeline_mode<synchronous>, transform_indices = @transform_5, window_bounds = array<i64: 128, 256>}, {pipeline_mode = #tpu.pipeline_mode<synchronous>, transform_indices = @transform_6, window_bounds = array<i64: 1, 256>}, {pipeline_mode = #tpu.pipeline_mode<synchronous>, transform_indices = @transform_7, window_bounds = array<i64: 256, 128>}, {transform_indices = @transform_8, window_bounds = array<i64: 2000, 256>}, {transform_indices = @transform_9, window_bounds = array<i64: 2000, 128>}]} {
    %get3A = arith.constant 0 : index
    %get3A_0 = arith.constant 0 : index
    %get3A_1 = vector.load %arg1[%get3A, %get3A_0] : memref<2000x256xf32, #tpu.memory_space<vmem>>, vector<2000x256xf32>
    %get3A_2 = arith.constant 0 : index
    %get3A_3 = arith.constant 0 : index
    %get3A_4 = arith.constant 0 : index
    %get3A_5 = vector.load %arg2[%get3A_2, %get3A_3, %get3A_4] : memref<2x2000x128xf32, #tpu.memory_space<vmem>>, vector<1x2000x128xf32>
    %get3A_6 = vector.shape_cast %get3A_5 : vector<1x2000x128xf32> to vector<2000x128xf32>
    %get3A_7 = arith.constant 1 : index
    %get3A_8 = arith.constant 0 : index
    %get3A_9 = arith.constant 0 : index
    %get3A_10 = vector.load %arg2[%get3A_7, %get3A_8, %get3A_9] : memref<2x2000x128xf32, #tpu.memory_space<vmem>>, vector<1x2000x128xf32>
    %get3A_11 = vector.shape_cast %get3A_10 : vector<1x2000x128xf32> to vector<2000x128xf32>
    %add3A = arith.addf %get3A_6, %get3A_11 : vector<2000x128xf32>
    %get3A_12 = arith.constant 0 : index
    %get3A_13 = arith.constant 0 : index
    %get3A_14 = vector.load %arg3[%get3A_12, %get3A_13] : memref<128x256xf32, #tpu.memory_space<vmem>>, vector<128x256xf32>
    %dot_general3A = arith.constant dense<0.000000e+00> : vector<2000x256xf32>
    %dot_general3A_15 = tpu.matmul %add3A, %get3A_14, %dot_general3A {dimension_numbers = #tpu.dot_dimension_numbers<[1], [0], [0], [1], [0, 0, 1, 1], [], []>, transpose_lhs_hint = false} : vector<2000x128xf32>, vector<128x256xf32>, vector<2000x256xf32> -> vector<2000x256xf32>
    %add3A_16 = arith.addf %get3A_1, %dot_general3A_15 : vector<2000x256xf32>
    %get3A_17 = arith.constant 0 : index
    %get3A_18 = arith.constant 0 : index
    %get3A_19 = vector.load %arg4[%get3A_17, %get3A_18] : memref<1x256xf32, #tpu.memory_space<vmem>>, vector<1x256xf32>
    %add3A_20 = vector.broadcast %get3A_19 : vector<1x256xf32> to vector<2000x256xf32>
    %add3A_21 = arith.addf %add3A_16, %add3A_20 : vector<2000x256xf32>
    %max3A = arith.constant 0.000000e+00 : f32
    %max3A_22 = vector.broadcast %max3A : f32 to vector<2000x256xf32>
    %max3A_23 = arith.maximumf %add3A_21, %max3A_22 : vector<2000x256xf32>
    %get3A_24 = arith.constant 0 : index
    %get3A_25 = arith.constant 0 : index
    %get3A_26 = vector.load %arg5[%get3A_24, %get3A_25] : memref<8x128xf32, #tpu.memory_space<vmem>>, vector<8x128xf32>
    %get3A_27 = arith.constant 0 : index
    %get3A_28 = arith.constant 0 : index
    %get3A_29 = vector.load %arg6[%get3A_27, %get3A_28] : memref<128x256xf32, #tpu.memory_space<vmem>>, vector<128x256xf32>
    %dot_general3A_30 = arith.constant dense<0.000000e+00> : vector<8x256xf32>
    %dot_general3A_31 = tpu.matmul %get3A_26, %get3A_29, %dot_general3A_30 {dimension_numbers = #tpu.dot_dimension_numbers<[1], [0], [0], [1], [0, 0, 1, 1], [], []>, transpose_lhs_hint = false} : vector<8x128xf32>, vector<128x256xf32>, vector<8x256xf32> -> vector<8x256xf32>
    %slice3A = vector.extract_strided_slice %dot_general3A_31 {offsets = [0, 0], sizes = [1, 256], strides = [1, 1]} : vector<8x256xf32> to vector<1x256xf32>
    %add3A_32 = vector.broadcast %slice3A : vector<1x256xf32> to vector<2000x256xf32>
    %add3A_33 = arith.addf %max3A_23, %add3A_32 : vector<2000x256xf32>
    %get3A_34 = arith.constant 0 : index
    %get3A_35 = arith.constant 0 : index
    %get3A_36 = vector.load %arg7[%get3A_34, %get3A_35] : memref<1x256xf32, #tpu.memory_space<vmem>>, vector<1x256xf32>
    %add3A_37 = vector.broadcast %get3A_36 : vector<1x256xf32> to vector<2000x256xf32>
    %add3A_38 = arith.addf %add3A_33, %add3A_37 : vector<2000x256xf32>
    %swap3A = arith.constant 0 : index
    %swap3A_39 = arith.constant 0 : index
    %swap3A_40 = vector.load %arg9[%swap3A, %swap3A_39] : memref<2000x256xf32, #tpu.memory_space<vmem>>, vector<2000x256xf32>
    tpu.vector_store %arg9[%swap3A, %swap3A_39], %add3A_38 {strides = array<i32>} : memref<2000x256xf32, #tpu.memory_space<vmem>>, vector<2000x256xf32>,
    %get3A_41 = arith.constant 0 : index
    %get3A_42 = arith.constant 0 : index
    %get3A_43 = vector.load %arg8[%get3A_41, %get3A_42] : memref<256x128xf32, #tpu.memory_space<vmem>>, vector<256x128xf32>
    %dot_general3A_44 = arith.constant dense<0.000000e+00> : vector<2000x128xf32>
    %dot_general3A_45 = tpu.matmul %add3A_38, %get3A_43, %dot_general3A_44 {dimension_numbers = #tpu.dot_dimension_numbers<[1], [0], [0], [1], [0, 0, 1, 1], [], []>, transpose_lhs_hint = false} : vector<2000x256xf32>, vector<256x128xf32>, vector<2000x128xf32> -> vector<2000x128xf32>
    %swap3A_46 = arith.constant 0 : index
    %swap3A_47 = arith.constant 0 : index
    %swap3A_48 = vector.load %arg10[%swap3A_46, %swap3A_47] : memref<2000x128xf32, #tpu.memory_space<vmem>>, vector<2000x128xf32>
    tpu.vector_store %arg10[%swap3A_46, %swap3A_47], %dot_general3A_45 {strides = array<i32>} : memref<2000x128xf32, #tpu.memory_space<vmem>>, vector<2000x128xf32>,
    return
  }
  func.func @transform_0(%arg0: i32) -> (i32, i32) {
    %c0_i32 = arith.constant 0 : i32
    %c0_i32_0 = arith.constant 0 : i32
    return %arg0, %c0_i32 : i32, i32
  }
  func.func @transform_1(%arg0: i32) -> (i32, i32, i32) {
    %c0_i32 = arith.constant 0 : i32
    %c0_i32_0 = arith.constant 0 : i32
    %c0_i32_1 = arith.constant 0 : i32
    return %c0_i32, %arg0, %c0_i32_0 : i32, i32, i32
  }
  func.func @transform_2(%arg0: i32) -> (i32, i32) {
    %c0_i32 = arith.constant 0 : i32
    %c0_i32_0 = arith.constant 0 : i32
    %c0_i32_1 = arith.constant 0 : i32
    return %c0_i32, %c0_i32_0 : i32, i32
  }
  func.func @transform_3(%arg0: i32) -> (i32, i32) {
    %c0_i32 = arith.constant 0 : i32
    %c0_i32_0 = arith.constant 0 : i32
    %c0_i32_1 = arith.constant 0 : i32
    return %c0_i32, %c0_i32_0 : i32, i32
  }
  func.func @transform_4(%arg0: i32) -> (i32, i32) {
    %c0_i32 = arith.constant 0 : i32
    %c0_i32_0 = arith.constant 0 : i32
    %c0_i32_1 = arith.constant 0 : i32
    return %c0_i32, %c0_i32_0 : i32, i32
  }
  func.func @transform_5(%arg0: i32) -> (i32, i32) {
    %c0_i32 = arith.constant 0 : i32
    %c0_i32_0 = arith.constant 0 : i32
    %c0_i32_1 = arith.constant 0 : i32
    return %c0_i32, %c0_i32_0 : i32, i32
  }
  func.func @transform_6(%arg0: i32) -> (i32, i32) {
    %c0_i32 = arith.constant 0 : i32
    %c0_i32_0 = arith.constant 0 : i32
    %c0_i32_1 = arith.constant 0 : i32
    return %c0_i32, %c0_i32_0 : i32, i32
  }
  func.func @transform_7(%arg0: i32) -> (i32, i32) {
    %c0_i32 = arith.constant 0 : i32
    %c0_i32_0 = arith.constant 0 : i32
    %c0_i32_1 = arith.constant 0 : i32
    return %c0_i32, %c0_i32_0 : i32, i32
  }
  func.func @transform_8(%arg0: i32) -> (i32, i32) {
    %c0_i32 = arith.constant 0 : i32
    %c0_i32_0 = arith.constant 0 : i32
    return %arg0, %c0_i32 : i32, i32
  }
  func.func @transform_9(%arg0: i32) -> (i32, i32) {
    %c0_i32 = arith.constant 0 : i32
    %c0_i32_0 = arith.constant 0 : i32
    return %arg0, %c0_i32 : i32, i32
  }
}

module attributes {stable_mosaic.version = 14 : i64} {
  func.func @body(%arg0: i32, %arg1: memref<2000x128xf32, #tpu.memory_space<vmem>>, %arg2: memref<128x256xf32, #tpu.memory_space<vmem>>, %arg3: memref<1x256xf32, #tpu.memory_space<vmem>>, %arg4: memref<2000x256xf32, #tpu.memory_space<vmem>>) attributes {dimension_semantics = [#tpu.dimension_semantics<arbitrary>], iteration_bounds = array<i64: 5>, scalar_prefetch = 0 : i64, scratch_operands = 0 : i64, tpu.core_type = #tpu.core_type<tc>, window_params = [{transform_indices = @transform_0, window_bounds = array<i64: 2000, 128>}, {pipeline_mode = #tpu.pipeline_mode<synchronous>, transform_indices = @transform_1, window_bounds = array<i64: 128, 256>}, {pipeline_mode = #tpu.pipeline_mode<synchronous>, transform_indices = @transform_2, window_bounds = array<i64: 1, 256>}, {transform_indices = @transform_3, window_bounds = array<i64: 2000, 256>}]} {
    %get3A = arith.constant 0 : index
    %get3A_0 = arith.constant 0 : index
    %get3A_1 = vector.load %arg1[%get3A, %get3A_0] : memref<2000x128xf32, #tpu.memory_space<vmem>>, vector<2000x128xf32>
    %get3A_2 = arith.constant 0 : index
    %get3A_3 = arith.constant 0 : index
    %get3A_4 = vector.load %arg2[%get3A_2, %get3A_3] : memref<128x256xf32, #tpu.memory_space<vmem>>, vector<128x256xf32>
    %dot_general3A = arith.constant dense<0.000000e+00> : vector<2000x256xf32>
    %dot_general3A_5 = tpu.matmul %get3A_1, %get3A_4, %dot_general3A {dimension_numbers = #tpu.dot_dimension_numbers<[1], [0], [0], [1], [0, 0, 1, 1], [], []>, transpose_lhs_hint = false} : vector<2000x128xf32>, vector<128x256xf32>, vector<2000x256xf32> -> vector<2000x256xf32>
    %get3A_6 = arith.constant 0 : index
    %get3A_7 = arith.constant 0 : index
    %get3A_8 = vector.load %arg3[%get3A_6, %get3A_7] : memref<1x256xf32, #tpu.memory_space<vmem>>, vector<1x256xf32>
    %add3A = vector.broadcast %get3A_8 : vector<1x256xf32> to vector<2000x256xf32>
    %add3A_9 = arith.addf %dot_general3A_5, %add3A : vector<2000x256xf32>
    %swap3A = arith.constant 0 : index
    %swap3A_10 = arith.constant 0 : index
    %swap3A_11 = vector.load %arg4[%swap3A, %swap3A_10] : memref<2000x256xf32, #tpu.memory_space<vmem>>, vector<2000x256xf32>
    tpu.vector_store %arg4[%swap3A, %swap3A_10], %add3A_9 {strides = array<i32>} : memref<2000x256xf32, #tpu.memory_space<vmem>>, vector<2000x256xf32>,
    return
  }
  func.func @transform_0(%arg0: i32) -> (i32, i32) {
    %c0_i32 = arith.constant 0 : i32
    %c0_i32_0 = arith.constant 0 : i32
    return %arg0, %c0_i32 : i32, i32
  }
  func.func @transform_1(%arg0: i32) -> (i32, i32) {
    %c0_i32 = arith.constant 0 : i32
    %c0_i32_0 = arith.constant 0 : i32
    %c0_i32_1 = arith.constant 0 : i32
    return %c0_i32, %c0_i32_0 : i32, i32
  }
  func.func @transform_2(%arg0: i32) -> (i32, i32) {
    %c0_i32 = arith.constant 0 : i32
    %c0_i32_0 = arith.constant 0 : i32
    %c0_i32_1 = arith.constant 0 : i32
    return %c0_i32, %c0_i32_0 : i32, i32
  }
  func.func @transform_3(%arg0: i32) -> (i32, i32) {
    %c0_i32 = arith.constant 0 : i32
    %c0_i32_0 = arith.constant 0 : i32
    return %arg0, %c0_i32 : i32, i32
  }
}

module attributes {stable_mosaic.version = 14 : i64} {
  func.func @body(%arg0: i32, %arg1: memref<2000x256xf32, #tpu.memory_space<vmem>>, %arg2: memref<256x128xf32, #tpu.memory_space<vmem>>, %arg3: memref<1x128xf32, #tpu.memory_space<vmem>>, %arg4: memref<2000x128xf32, #tpu.memory_space<vmem>>) attributes {dimension_semantics = [#tpu.dimension_semantics<arbitrary>], iteration_bounds = array<i64: 5>, scalar_prefetch = 0 : i64, scratch_operands = 0 : i64, tpu.core_type = #tpu.core_type<tc>, window_params = [{transform_indices = @transform_0, window_bounds = array<i64: 2000, 256>}, {pipeline_mode = #tpu.pipeline_mode<synchronous>, transform_indices = @transform_1, window_bounds = array<i64: 256, 128>}, {pipeline_mode = #tpu.pipeline_mode<synchronous>, transform_indices = @transform_2, window_bounds = array<i64: 1, 128>}, {transform_indices = @transform_3, window_bounds = array<i64: 2000, 128>}]} {
    %get3A = arith.constant 0 : index
    %get3A_0 = arith.constant 0 : index
    %get3A_1 = vector.load %arg1[%get3A, %get3A_0] : memref<2000x256xf32, #tpu.memory_space<vmem>>, vector<2000x256xf32>
    %get3A_2 = arith.constant 0 : index
    %get3A_3 = arith.constant 0 : index
    %get3A_4 = vector.load %arg2[%get3A_2, %get3A_3] : memref<256x128xf32, #tpu.memory_space<vmem>>, vector<256x128xf32>
    %dot_general3A = arith.constant dense<0.000000e+00> : vector<2000x128xf32>
    %dot_general3A_5 = tpu.matmul %get3A_1, %get3A_4, %dot_general3A {dimension_numbers = #tpu.dot_dimension_numbers<[1], [0], [0], [1], [0, 0, 1, 1], [], []>, transpose_lhs_hint = false} : vector<2000x256xf32>, vector<256x128xf32>, vector<2000x128xf32> -> vector<2000x128xf32>
    %get3A_6 = arith.constant 0 : index
    %get3A_7 = arith.constant 0 : index
    %get3A_8 = vector.load %arg3[%get3A_6, %get3A_7] : memref<1x128xf32, #tpu.memory_space<vmem>>, vector<1x128xf32>
    %add3A = vector.broadcast %get3A_8 : vector<1x128xf32> to vector<2000x128xf32>
    %add3A_9 = arith.addf %dot_general3A_5, %add3A : vector<2000x128xf32>
    %swap3A = arith.constant 0 : index
    %swap3A_10 = arith.constant 0 : index
    %swap3A_11 = vector.load %arg4[%swap3A, %swap3A_10] : memref<2000x128xf32, #tpu.memory_space<vmem>>, vector<2000x128xf32>
    tpu.vector_store %arg4[%swap3A, %swap3A_10], %add3A_9 {strides = array<i32>} : memref<2000x128xf32, #tpu.memory_space<vmem>>, vector<2000x128xf32>,
    return
  }
  func.func @transform_0(%arg0: i32) -> (i32, i32) {
    %c0_i32 = arith.constant 0 : i32
    %c0_i32_0 = arith.constant 0 : i32
    return %arg0, %c0_i32 : i32, i32
  }
  func.func @transform_1(%arg0: i32) -> (i32, i32) {
    %c0_i32 = arith.constant 0 : i32
    %c0_i32_0 = arith.constant 0 : i32
    %c0_i32_1 = arith.constant 0 : i32
    return %c0_i32, %c0_i32_0 : i32, i32
  }
  func.func @transform_2(%arg0: i32) -> (i32, i32) {
    %c0_i32 = arith.constant 0 : i32
    %c0_i32_0 = arith.constant 0 : i32
    %c0_i32_1 = arith.constant 0 : i32
    return %c0_i32, %c0_i32_0 : i32, i32
  }
  func.func @transform_3(%arg0: i32) -> (i32, i32) {
    %c0_i32 = arith.constant 0 : i32
    %c0_i32_0 = arith.constant 0 : i32
    return %arg0, %c0_i32 : i32, i32
  }
}

module attributes {stable_mosaic.version = 14 : i64} {
  func.func @body(%arg0: i32, %arg1: memref<2000x128xf32, #tpu.memory_space<vmem>>, %arg2: memref<2x2000x128xf32, #tpu.memory_space<vmem>>, %arg3: memref<1x128xf32, #tpu.memory_space<vmem>>, %arg4: memref<128x128xf32, #tpu.memory_space<vmem>>, %arg5: memref<2000x128xf32, #tpu.memory_space<vmem>>, %arg6: memref<128x128xf32, #tpu.memory_space<vmem>>, %arg7: memref<1x128xf32, #tpu.memory_space<vmem>>, %arg8: memref<128x96xf32, #tpu.memory_space<vmem>>, %arg9: memref<2000x128xf32, #tpu.memory_space<vmem>>, %arg10: memref<2000x96xf32, #tpu.memory_space<vmem>>) attributes {dimension_semantics = [#tpu.dimension_semantics<arbitrary>], iteration_bounds = array<i64: 5>, scalar_prefetch = 0 : i64, scratch_operands = 0 : i64, tpu.core_type = #tpu.core_type<tc>, window_params = [{transform_indices = @transform_0, window_bounds = array<i64: 2000, 128>}, {transform_indices = @transform_1, window_bounds = array<i64: 2, 2000, 128>}, {pipeline_mode = #tpu.pipeline_mode<synchronous>, transform_indices = @transform_2, window_bounds = array<i64: 1, 128>}, {pipeline_mode = #tpu.pipeline_mode<synchronous>, transform_indices = @transform_3, window_bounds = array<i64: 128, 128>}, {transform_indices = @transform_4, window_bounds = array<i64: 2000, 128>}, {pipeline_mode = #tpu.pipeline_mode<synchronous>, transform_indices = @transform_5, window_bounds = array<i64: 128, 128>}, {pipeline_mode = #tpu.pipeline_mode<synchronous>, transform_indices = @transform_6, window_bounds = array<i64: 1, 128>}, {pipeline_mode = #tpu.pipeline_mode<synchronous>, transform_indices = @transform_7, window_bounds = array<i64: 128, 96>}, {transform_indices = @transform_8, window_bounds = array<i64: 2000, 128>}, {transform_indices = @transform_9, window_bounds = array<i64: 2000, 96>}]} {
    %get3A = arith.constant 0 : index
    %get3A_0 = arith.constant 0 : index
    %get3A_1 = vector.load %arg1[%get3A, %get3A_0] : memref<2000x128xf32, #tpu.memory_space<vmem>>, vector<2000x128xf32>
    %get3A_2 = arith.constant 0 : index
    %get3A_3 = arith.constant 0 : index
    %get3A_4 = arith.constant 0 : index
    %get3A_5 = vector.load %arg2[%get3A_2, %get3A_3, %get3A_4] : memref<2x2000x128xf32, #tpu.memory_space<vmem>>, vector<1x2000x128xf32>
    %get3A_6 = vector.shape_cast %get3A_5 : vector<1x2000x128xf32> to vector<2000x128xf32>
    %get3A_7 = arith.constant 1 : index
    %get3A_8 = arith.constant 0 : index
    %get3A_9 = arith.constant 0 : index
    %get3A_10 = vector.load %arg2[%get3A_7, %get3A_8, %get3A_9] : memref<2x2000x128xf32, #tpu.memory_space<vmem>>, vector<1x2000x128xf32>
    %get3A_11 = vector.shape_cast %get3A_10 : vector<1x2000x128xf32> to vector<2000x128xf32>
    %add3A = arith.addf %get3A_6, %get3A_11 : vector<2000x128xf32>
    %add3A_12 = arith.addf %get3A_1, %add3A : vector<2000x128xf32>
    %get3A_13 = arith.constant 0 : index
    %get3A_14 = arith.constant 0 : index
    %get3A_15 = vector.load %arg3[%get3A_13, %get3A_14] : memref<1x128xf32, #tpu.memory_space<vmem>>, vector<1x128xf32>
    %add3A_16 = vector.broadcast %get3A_15 : vector<1x128xf32> to vector<2000x128xf32>
    %add3A_17 = arith.addf %add3A_12, %add3A_16 : vector<2000x128xf32>
    %max3A = arith.constant 0.000000e+00 : f32
    %max3A_18 = vector.broadcast %max3A : f32 to vector<2000x128xf32>
    %max3A_19 = arith.maximumf %add3A_17, %max3A_18 : vector<2000x128xf32>
    %get3A_20 = arith.constant 0 : index
    %get3A_21 = arith.constant 0 : index
    %get3A_22 = vector.load %arg4[%get3A_20, %get3A_21] : memref<128x128xf32, #tpu.memory_space<vmem>>, vector<128x128xf32>
    %dot_general3A = arith.constant dense<0.000000e+00> : vector<2000x128xf32>
    %dot_general3A_23 = tpu.matmul %max3A_19, %get3A_22, %dot_general3A {dimension_numbers = #tpu.dot_dimension_numbers<[1], [0], [0], [1], [0, 0, 1, 1], [], []>, transpose_lhs_hint = false} : vector<2000x128xf32>, vector<128x128xf32>, vector<2000x128xf32> -> vector<2000x128xf32>
    %get3A_24 = arith.constant 0 : index
    %get3A_25 = arith.constant 0 : index
    %get3A_26 = vector.load %arg5[%get3A_24, %get3A_25] : memref<2000x128xf32, #tpu.memory_space<vmem>>, vector<2000x128xf32>
    %get3A_27 = arith.constant 0 : index
    %get3A_28 = arith.constant 0 : index
    %get3A_29 = vector.load %arg6[%get3A_27, %get3A_28] : memref<128x128xf32, #tpu.memory_space<vmem>>, vector<128x128xf32>
    %dot_general3A_30 = arith.constant dense<0.000000e+00> : vector<2000x128xf32>
    %dot_general3A_31 = tpu.matmul %get3A_26, %get3A_29, %dot_general3A_30 {dimension_numbers = #tpu.dot_dimension_numbers<[1], [0], [0], [1], [0, 0, 1, 1], [], []>, transpose_lhs_hint = false} : vector<2000x128xf32>, vector<128x128xf32>, vector<2000x128xf32> -> vector<2000x128xf32>
    %add3A_32 = arith.addf %dot_general3A_23, %dot_general3A_31 : vector<2000x128xf32>
    %get3A_33 = arith.constant 0 : index
    %get3A_34 = arith.constant 0 : index
    %get3A_35 = vector.load %arg7[%get3A_33, %get3A_34] : memref<1x128xf32, #tpu.memory_space<vmem>>, vector<1x128xf32>
    %add3A_36 = vector.broadcast %get3A_35 : vector<1x128xf32> to vector<2000x128xf32>
    %add3A_37 = arith.addf %add3A_32, %add3A_36 : vector<2000x128xf32>
    %max3A_38 = arith.constant 0.000000e+00 : f32
    %max3A_39 = vector.broadcast %max3A_38 : f32 to vector<2000x128xf32>
    %max3A_40 = arith.maximumf %add3A_37, %max3A_39 : vector<2000x128xf32>
    %swap3A = arith.constant 0 : index
    %swap3A_41 = arith.constant 0 : index
    %swap3A_42 = vector.load %arg9[%swap3A, %swap3A_41] : memref<2000x128xf32, #tpu.memory_space<vmem>>, vector<2000x128xf32>
    tpu.vector_store %arg9[%swap3A, %swap3A_41], %max3A_40 {strides = array<i32>} : memref<2000x128xf32, #tpu.memory_space<vmem>>, vector<2000x128xf32>,
    %get3A_43 = arith.constant 0 : index
    %get3A_44 = arith.constant 0 : index
    %get3A_45 = vector.load %arg8[%get3A_43, %get3A_44] : memref<128x96xf32, #tpu.memory_space<vmem>>, vector<128x96xf32>
    %dot_general3A_46 = arith.constant dense<0.000000e+00> : vector<2000x96xf32>
    %dot_general3A_47 = tpu.matmul %max3A_40, %get3A_45, %dot_general3A_46 {dimension_numbers = #tpu.dot_dimension_numbers<[1], [0], [0], [1], [0, 0, 1, 1], [], []>, transpose_lhs_hint = false} : vector<2000x128xf32>, vector<128x96xf32>, vector<2000x96xf32> -> vector<2000x96xf32>
    %swap3A_48 = arith.constant 0 : index
    %swap3A_49 = arith.constant 0 : index
    %swap3A_50 = vector.load %arg10[%swap3A_48, %swap3A_49] : memref<2000x96xf32, #tpu.memory_space<vmem>>, vector<2000x96xf32>
    tpu.vector_store %arg10[%swap3A_48, %swap3A_49], %dot_general3A_47 {strides = array<i32>} : memref<2000x96xf32, #tpu.memory_space<vmem>>, vector<2000x96xf32>,
    return
  }
  func.func @transform_0(%arg0: i32) -> (i32, i32) {
    %c0_i32 = arith.constant 0 : i32
    %c0_i32_0 = arith.constant 0 : i32
    return %arg0, %c0_i32 : i32, i32
  }
  func.func @transform_1(%arg0: i32) -> (i32, i32, i32) {
    %c0_i32 = arith.constant 0 : i32
    %c0_i32_0 = arith.constant 0 : i32
    %c0_i32_1 = arith.constant 0 : i32
    return %c0_i32, %arg0, %c0_i32_0 : i32, i32, i32
  }
  func.func @transform_2(%arg0: i32) -> (i32, i32) {
    %c0_i32 = arith.constant 0 : i32
    %c0_i32_0 = arith.constant 0 : i32
    %c0_i32_1 = arith.constant 0 : i32
    return %c0_i32, %c0_i32_0 : i32, i32
  }
  func.func @transform_3(%arg0: i32) -> (i32, i32) {
    %c0_i32 = arith.constant 0 : i32
    %c0_i32_0 = arith.constant 0 : i32
    %c0_i32_1 = arith.constant 0 : i32
    return %c0_i32, %c0_i32_0 : i32, i32
  }
  func.func @transform_4(%arg0: i32) -> (i32, i32) {
    %c0_i32 = arith.constant 0 : i32
    %c0_i32_0 = arith.constant 0 : i32
    return %arg0, %c0_i32 : i32, i32
  }
  func.func @transform_5(%arg0: i32) -> (i32, i32) {
    %c0_i32 = arith.constant 0 : i32
    %c0_i32_0 = arith.constant 0 : i32
    %c0_i32_1 = arith.constant 0 : i32
    return %c0_i32, %c0_i32_0 : i32, i32
  }
  func.func @transform_6(%arg0: i32) -> (i32, i32) {
    %c0_i32 = arith.constant 0 : i32
    %c0_i32_0 = arith.constant 0 : i32
    %c0_i32_1 = arith.constant 0 : i32
    return %c0_i32, %c0_i32_0 : i32, i32
  }
  func.func @transform_7(%arg0: i32) -> (i32, i32) {
    %c0_i32 = arith.constant 0 : i32
    %c0_i32_0 = arith.constant 0 : i32
    %c0_i32_1 = arith.constant 0 : i32
    return %c0_i32, %c0_i32_0 : i32, i32
  }
  func.func @transform_8(%arg0: i32) -> (i32, i32) {
    %c0_i32 = arith.constant 0 : i32
    %c0_i32_0 = arith.constant 0 : i32
    return %arg0, %c0_i32 : i32, i32
  }
  func.func @transform_9(%arg0: i32) -> (i32, i32) {
    %c0_i32 = arith.constant 0 : i32
    %c0_i32_0 = arith.constant 0 : i32
    return %arg0, %c0_i32 : i32, i32
  }
}

module attributes {stable_mosaic.version = 14 : i64} {
  func.func @body(%arg0: i32, %arg1: memref<2000x128xf32, #tpu.memory_space<vmem>>, %arg2: memref<128x96xf32, #tpu.memory_space<vmem>>, %arg3: memref<1x96xf32, #tpu.memory_space<vmem>>, %arg4: memref<2000x96xf32, #tpu.memory_space<vmem>>) attributes {dimension_semantics = [#tpu.dimension_semantics<arbitrary>], iteration_bounds = array<i64: 5>, scalar_prefetch = 0 : i64, scratch_operands = 0 : i64, tpu.core_type = #tpu.core_type<tc>, window_params = [{transform_indices = @transform_0, window_bounds = array<i64: 2000, 128>}, {pipeline_mode = #tpu.pipeline_mode<synchronous>, transform_indices = @transform_1, window_bounds = array<i64: 128, 96>}, {pipeline_mode = #tpu.pipeline_mode<synchronous>, transform_indices = @transform_2, window_bounds = array<i64: 1, 96>}, {transform_indices = @transform_3, window_bounds = array<i64: 2000, 96>}]} {
    %get3A = arith.constant 0 : index
    %get3A_0 = arith.constant 0 : index
    %get3A_1 = vector.load %arg1[%get3A, %get3A_0] : memref<2000x128xf32, #tpu.memory_space<vmem>>, vector<2000x128xf32>
    %get3A_2 = arith.constant 0 : index
    %get3A_3 = arith.constant 0 : index
    %get3A_4 = vector.load %arg2[%get3A_2, %get3A_3] : memref<128x96xf32, #tpu.memory_space<vmem>>, vector<128x96xf32>
    %dot_general3A = arith.constant dense<0.000000e+00> : vector<2000x96xf32>
    %dot_general3A_5 = tpu.matmul %get3A_1, %get3A_4, %dot_general3A {dimension_numbers = #tpu.dot_dimension_numbers<[1], [0], [0], [1], [0, 0, 1, 1], [], []>, transpose_lhs_hint = false} : vector<2000x128xf32>, vector<128x96xf32>, vector<2000x96xf32> -> vector<2000x96xf32>
    %get3A_6 = arith.constant 0 : index
    %get3A_7 = arith.constant 0 : index
    %get3A_8 = vector.load %arg3[%get3A_6, %get3A_7] : memref<1x96xf32, #tpu.memory_space<vmem>>, vector<1x96xf32>
    %add3A = vector.broadcast %get3A_8 : vector<1x96xf32> to vector<2000x96xf32>
    %add3A_9 = arith.addf %dot_general3A_5, %add3A : vector<2000x96xf32>
    %swap3A = arith.constant 0 : index
    %swap3A_10 = arith.constant 0 : index
    %swap3A_11 = vector.load %arg4[%swap3A, %swap3A_10] : memref<2000x96xf32, #tpu.memory_space<vmem>>, vector<2000x96xf32>
    tpu.vector_store %arg4[%swap3A, %swap3A_10], %add3A_9 {strides = array<i32>} : memref<2000x96xf32, #tpu.memory_space<vmem>>, vector<2000x96xf32>,
    return
  }
  func.func @transform_0(%arg0: i32) -> (i32, i32) {
    %c0_i32 = arith.constant 0 : i32
    %c0_i32_0 = arith.constant 0 : i32
    return %arg0, %c0_i32 : i32, i32
  }
  func.func @transform_1(%arg0: i32) -> (i32, i32) {
    %c0_i32 = arith.constant 0 : i32
    %c0_i32_0 = arith.constant 0 : i32
    %c0_i32_1 = arith.constant 0 : i32
    return %c0_i32, %c0_i32_0 : i32, i32
  }
  func.func @transform_2(%arg0: i32) -> (i32, i32) {
    %c0_i32 = arith.constant 0 : i32
    %c0_i32_0 = arith.constant 0 : i32
    %c0_i32_1 = arith.constant 0 : i32
    return %c0_i32, %c0_i32_0 : i32, i32
  }
  func.func @transform_3(%arg0: i32) -> (i32, i32) {
    %c0_i32 = arith.constant 0 : i32
    %c0_i32_0 = arith.constant 0 : i32
    return %arg0, %c0_i32 : i32, i32
  }
}

module attributes {stable_mosaic.version = 14 : i64} {
  func.func @body(%arg0: i32, %arg1: memref<2000x96xf32, #tpu.memory_space<vmem>>, %arg2: memref<2x2000x96xf32, #tpu.memory_space<vmem>>, %arg3: memref<1x96xf32, #tpu.memory_space<vmem>>, %arg4: memref<96x96xf32, #tpu.memory_space<vmem>>, %arg5: memref<2000x64xf32, #tpu.memory_space<vmem>>, %arg6: memref<64x96xf32, #tpu.memory_space<vmem>>, %arg7: memref<1x96xf32, #tpu.memory_space<vmem>>, %arg8: memref<2000x96xf32, #tpu.memory_space<vmem>>) attributes {dimension_semantics = [#tpu.dimension_semantics<arbitrary>], iteration_bounds = array<i64: 5>, scalar_prefetch = 0 : i64, scratch_operands = 0 : i64, tpu.core_type = #tpu.core_type<tc>, window_params = [{transform_indices = @transform_0, window_bounds = array<i64: 2000, 96>}, {transform_indices = @transform_1, window_bounds = array<i64: 2, 2000, 96>}, {pipeline_mode = #tpu.pipeline_mode<synchronous>, transform_indices = @transform_2, window_bounds = array<i64: 1, 96>}, {pipeline_mode = #tpu.pipeline_mode<synchronous>, transform_indices = @transform_3, window_bounds = array<i64: 96, 96>}, {transform_indices = @transform_4, window_bounds = array<i64: 2000, 64>}, {pipeline_mode = #tpu.pipeline_mode<synchronous>, transform_indices = @transform_5, window_bounds = array<i64: 64, 96>}, {pipeline_mode = #tpu.pipeline_mode<synchronous>, transform_indices = @transform_6, window_bounds = array<i64: 1, 96>}, {transform_indices = @transform_7, window_bounds = array<i64: 2000, 96>}]} {
    %get3A = arith.constant 0 : index
    %get3A_0 = arith.constant 0 : index
    %get3A_1 = vector.load %arg1[%get3A, %get3A_0] : memref<2000x96xf32, #tpu.memory_space<vmem>>, vector<2000x96xf32>
    %get3A_2 = arith.constant 0 : index
    %get3A_3 = arith.constant 0 : index
    %get3A_4 = arith.constant 0 : index
    %get3A_5 = vector.load %arg2[%get3A_2, %get3A_3, %get3A_4] : memref<2x2000x96xf32, #tpu.memory_space<vmem>>, vector<1x2000x96xf32>
    %get3A_6 = vector.shape_cast %get3A_5 : vector<1x2000x96xf32> to vector<2000x96xf32>
    %get3A_7 = arith.constant 1 : index
    %get3A_8 = arith.constant 0 : index
    %get3A_9 = arith.constant 0 : index
    %get3A_10 = vector.load %arg2[%get3A_7, %get3A_8, %get3A_9] : memref<2x2000x96xf32, #tpu.memory_space<vmem>>, vector<1x2000x96xf32>
    %get3A_11 = vector.shape_cast %get3A_10 : vector<1x2000x96xf32> to vector<2000x96xf32>
    %add3A = arith.addf %get3A_6, %get3A_11 : vector<2000x96xf32>
    %add3A_12 = arith.addf %get3A_1, %add3A : vector<2000x96xf32>
    %get3A_13 = arith.constant 0 : index
    %get3A_14 = arith.constant 0 : index
    %get3A_15 = vector.load %arg3[%get3A_13, %get3A_14] : memref<1x96xf32, #tpu.memory_space<vmem>>, vector<1x96xf32>
    %add3A_16 = vector.broadcast %get3A_15 : vector<1x96xf32> to vector<2000x96xf32>
    %add3A_17 = arith.addf %add3A_12, %add3A_16 : vector<2000x96xf32>
    %max3A = arith.constant 0.000000e+00 : f32
    %max3A_18 = vector.broadcast %max3A : f32 to vector<2000x96xf32>
    %max3A_19 = arith.maximumf %add3A_17, %max3A_18 : vector<2000x96xf32>
    %get3A_20 = arith.constant 0 : index
    %get3A_21 = arith.constant 0 : index
    %get3A_22 = vector.load %arg4[%get3A_20, %get3A_21] : memref<96x96xf32, #tpu.memory_space<vmem>>, vector<96x96xf32>
    %dot_general3A = arith.constant dense<0.000000e+00> : vector<2000x96xf32>
    %dot_general3A_23 = tpu.matmul %max3A_19, %get3A_22, %dot_general3A {dimension_numbers = #tpu.dot_dimension_numbers<[1], [0], [0], [1], [0, 0, 1, 1], [], []>, transpose_lhs_hint = false} : vector<2000x96xf32>, vector<96x96xf32>, vector<2000x96xf32> -> vector<2000x96xf32>
    %get3A_24 = arith.constant 0 : index
    %get3A_25 = arith.constant 0 : index
    %get3A_26 = vector.load %arg5[%get3A_24, %get3A_25] : memref<2000x64xf32, #tpu.memory_space<vmem>>, vector<2000x64xf32>
    %get3A_27 = arith.constant 0 : index
    %get3A_28 = arith.constant 0 : index
    %get3A_29 = vector.load %arg6[%get3A_27, %get3A_28] : memref<64x96xf32, #tpu.memory_space<vmem>>, vector<64x96xf32>
    %dot_general3A_30 = arith.constant dense<0.000000e+00> : vector<2000x96xf32>
    %dot_general3A_31 = tpu.matmul %get3A_26, %get3A_29, %dot_general3A_30 {dimension_numbers = #tpu.dot_dimension_numbers<[1], [0], [0], [1], [0, 0, 1, 1], [], []>, transpose_lhs_hint = false} : vector<2000x64xf32>, vector<64x96xf32>, vector<2000x96xf32> -> vector<2000x96xf32>
    %add3A_32 = arith.addf %dot_general3A_23, %dot_general3A_31 : vector<2000x96xf32>
    %get3A_33 = arith.constant 0 : index
    %get3A_34 = arith.constant 0 : index
    %get3A_35 = vector.load %arg7[%get3A_33, %get3A_34] : memref<1x96xf32, #tpu.memory_space<vmem>>, vector<1x96xf32>
    %add3A_36 = vector.broadcast %get3A_35 : vector<1x96xf32> to vector<2000x96xf32>
    %add3A_37 = arith.addf %add3A_32, %add3A_36 : vector<2000x96xf32>
    %max3A_38 = arith.constant 0.000000e+00 : f32
    %max3A_39 = vector.broadcast %max3A_38 : f32 to vector<2000x96xf32>
    %max3A_40 = arith.maximumf %add3A_37, %max3A_39 : vector<2000x96xf32>
    %swap3A = arith.constant 0 : index
    %swap3A_41 = arith.constant 0 : index
    %swap3A_42 = vector.load %arg8[%swap3A, %swap3A_41] : memref<2000x96xf32, #tpu.memory_space<vmem>>, vector<2000x96xf32>
    tpu.vector_store %arg8[%swap3A, %swap3A_41], %max3A_40 {strides = array<i32>} : memref<2000x96xf32, #tpu.memory_space<vmem>>, vector<2000x96xf32>,
    return
  }
  func.func @transform_0(%arg0: i32) -> (i32, i32) {
    %c0_i32 = arith.constant 0 : i32
    %c0_i32_0 = arith.constant 0 : i32
    return %arg0, %c0_i32 : i32, i32
  }
  func.func @transform_1(%arg0: i32) -> (i32, i32, i32) {
    %c0_i32 = arith.constant 0 : i32
    %c0_i32_0 = arith.constant 0 : i32
    %c0_i32_1 = arith.constant 0 : i32
    return %c0_i32, %arg0, %c0_i32_0 : i32, i32, i32
  }
  func.func @transform_2(%arg0: i32) -> (i32, i32) {
    %c0_i32 = arith.constant 0 : i32
    %c0_i32_0 = arith.constant 0 : i32
    %c0_i32_1 = arith.constant 0 : i32
    return %c0_i32, %c0_i32_0 : i32, i32
  }
  func.func @transform_3(%arg0: i32) -> (i32, i32) {
    %c0_i32 = arith.constant 0 : i32
    %c0_i32_0 = arith.constant 0 : i32
    %c0_i32_1 = arith.constant 0 : i32
    return %c0_i32, %c0_i32_0 : i32, i32
  }
  func.func @transform_4(%arg0: i32) -> (i32, i32) {
    %c0_i32 = arith.constant 0 : i32
    %c0_i32_0 = arith.constant 0 : i32
    return %arg0, %c0_i32 : i32, i32
  }
  func.func @transform_5(%arg0: i32) -> (i32, i32) {
    %c0_i32 = arith.constant 0 : i32
    %c0_i32_0 = arith.constant 0 : i32
    %c0_i32_1 = arith.constant 0 : i32
    return %c0_i32, %c0_i32_0 : i32, i32
  }
  func.func @transform_6(%arg0: i32) -> (i32, i32) {
    %c0_i32 = arith.constant 0 : i32
    %c0_i32_0 = arith.constant 0 : i32
    %c0_i32_1 = arith.constant 0 : i32
    return %c0_i32, %c0_i32_0 : i32, i32
  }
  func.func @transform_7(%arg0: i32) -> (i32, i32) {
    %c0_i32 = arith.constant 0 : i32
    %c0_i32_0 = arith.constant 0 : i32
    return %arg0, %c0_i32 : i32, i32
  }
}

module attributes {stable_mosaic.version = 14 : i64} {
  func.func @body(%arg0: i32, %arg1: memref<2000x96xf32, #tpu.memory_space<vmem>>, %arg2: memref<96x96xf32, #tpu.memory_space<vmem>>, %arg3: memref<1x96xf32, #tpu.memory_space<vmem>>, %arg4: memref<2000x96xf32, #tpu.memory_space<vmem>>) attributes {dimension_semantics = [#tpu.dimension_semantics<arbitrary>], iteration_bounds = array<i64: 5>, scalar_prefetch = 0 : i64, scratch_operands = 0 : i64, tpu.core_type = #tpu.core_type<tc>, window_params = [{transform_indices = @transform_0, window_bounds = array<i64: 2000, 96>}, {pipeline_mode = #tpu.pipeline_mode<synchronous>, transform_indices = @transform_1, window_bounds = array<i64: 96, 96>}, {pipeline_mode = #tpu.pipeline_mode<synchronous>, transform_indices = @transform_2, window_bounds = array<i64: 1, 96>}, {transform_indices = @transform_3, window_bounds = array<i64: 2000, 96>}]} {
    %get3A = arith.constant 0 : index
    %get3A_0 = arith.constant 0 : index
    %get3A_1 = vector.load %arg1[%get3A, %get3A_0] : memref<2000x96xf32, #tpu.memory_space<vmem>>, vector<2000x96xf32>
    %get3A_2 = arith.constant 0 : index
    %get3A_3 = arith.constant 0 : index
    %get3A_4 = vector.load %arg2[%get3A_2, %get3A_3] : memref<96x96xf32, #tpu.memory_space<vmem>>, vector<96x96xf32>
    %dot_general3A = arith.constant dense<0.000000e+00> : vector<2000x96xf32>
    %dot_general3A_5 = tpu.matmul %get3A_1, %get3A_4, %dot_general3A {dimension_numbers = #tpu.dot_dimension_numbers<[1], [0], [0], [1], [0, 0, 1, 1], [], []>, transpose_lhs_hint = false} : vector<2000x96xf32>, vector<96x96xf32>, vector<2000x96xf32> -> vector<2000x96xf32>
    %get3A_6 = arith.constant 0 : index
    %get3A_7 = arith.constant 0 : index
    %get3A_8 = vector.load %arg3[%get3A_6, %get3A_7] : memref<1x96xf32, #tpu.memory_space<vmem>>, vector<1x96xf32>
    %add3A = vector.broadcast %get3A_8 : vector<1x96xf32> to vector<2000x96xf32>
    %add3A_9 = arith.addf %dot_general3A_5, %add3A : vector<2000x96xf32>
    %swap3A = arith.constant 0 : index
    %swap3A_10 = arith.constant 0 : index
    %swap3A_11 = vector.load %arg4[%swap3A, %swap3A_10] : memref<2000x96xf32, #tpu.memory_space<vmem>>, vector<2000x96xf32>
    tpu.vector_store %arg4[%swap3A, %swap3A_10], %add3A_9 {strides = array<i32>} : memref<2000x96xf32, #tpu.memory_space<vmem>>, vector<2000x96xf32>,
    return
  }
  func.func @transform_0(%arg0: i32) -> (i32, i32) {
    %c0_i32 = arith.constant 0 : i32
    %c0_i32_0 = arith.constant 0 : i32
    return %arg0, %c0_i32 : i32, i32
  }
  func.func @transform_1(%arg0: i32) -> (i32, i32) {
    %c0_i32 = arith.constant 0 : i32
    %c0_i32_0 = arith.constant 0 : i32
    %c0_i32_1 = arith.constant 0 : i32
    return %c0_i32, %c0_i32_0 : i32, i32
  }
  func.func @transform_2(%arg0: i32) -> (i32, i32) {
    %c0_i32 = arith.constant 0 : i32
    %c0_i32_0 = arith.constant 0 : i32
    %c0_i32_1 = arith.constant 0 : i32
    return %c0_i32, %c0_i32_0 : i32, i32
  }
  func.func @transform_3(%arg0: i32) -> (i32, i32) {
    %c0_i32 = arith.constant 0 : i32
    %c0_i32_0 = arith.constant 0 : i32
    return %arg0, %c0_i32 : i32, i32
  }
}

module attributes {stable_mosaic.version = 14 : i64} {
  func.func @body(%arg0: i32, %arg1: memref<2000x96xf32, #tpu.memory_space<vmem>>, %arg2: memref<2x2000x96xf32, #tpu.memory_space<vmem>>, %arg3: memref<96x96xf32, #tpu.memory_space<vmem>>, %arg4: memref<1x96xf32, #tpu.memory_space<vmem>>, %arg5: memref<96x96xf32, #tpu.memory_space<vmem>>, %arg6: memref<2000x32xf32, #tpu.memory_space<vmem>>, %arg7: memref<32x96xf32, #tpu.memory_space<vmem>>, %arg8: memref<1x96xf32, #tpu.memory_space<vmem>>, %arg9: memref<96x256xf32, #tpu.memory_space<vmem>>, %arg10: memref<1x256xf32, #tpu.memory_space<vmem>>, %arg11: memref<2000x256xf32, #tpu.memory_space<vmem>>) attributes {dimension_semantics = [#tpu.dimension_semantics<arbitrary>], iteration_bounds = array<i64: 5>, scalar_prefetch = 0 : i64, scratch_operands = 0 : i64, tpu.core_type = #tpu.core_type<tc>, window_params = [{transform_indices = @transform_0, window_bounds = array<i64: 2000, 96>}, {transform_indices = @transform_1, window_bounds = array<i64: 2, 2000, 96>}, {pipeline_mode = #tpu.pipeline_mode<synchronous>, transform_indices = @transform_2, window_bounds = array<i64: 96, 96>}, {pipeline_mode = #tpu.pipeline_mode<synchronous>, transform_indices = @transform_3, window_bounds = array<i64: 1, 96>}, {pipeline_mode = #tpu.pipeline_mode<synchronous>, transform_indices = @transform_4, window_bounds = array<i64: 96, 96>}, {transform_indices = @transform_5, window_bounds = array<i64: 2000, 32>}, {pipeline_mode = #tpu.pipeline_mode<synchronous>, transform_indices = @transform_6, window_bounds = array<i64: 32, 96>}, {pipeline_mode = #tpu.pipeline_mode<synchronous>, transform_indices = @transform_7, window_bounds = array<i64: 1, 96>}, {pipeline_mode = #tpu.pipeline_mode<synchronous>, transform_indices = @transform_8, window_bounds = array<i64: 96, 256>}, {pipeline_mode = #tpu.pipeline_mode<synchronous>, transform_indices = @transform_9, window_bounds = array<i64: 1, 256>}, {transform_indices = @transform_10, window_bounds = array<i64: 2000, 256>}]} {
    %get3A = arith.constant 0 : index
    %get3A_0 = arith.constant 0 : index
    %get3A_1 = vector.load %arg1[%get3A, %get3A_0] : memref<2000x96xf32, #tpu.memory_space<vmem>>, vector<2000x96xf32>
    %get3A_2 = arith.constant 0 : index
    %get3A_3 = arith.constant 0 : index
    %get3A_4 = arith.constant 0 : index
    %get3A_5 = vector.load %arg2[%get3A_2, %get3A_3, %get3A_4] : memref<2x2000x96xf32, #tpu.memory_space<vmem>>, vector<1x2000x96xf32>
    %get3A_6 = vector.shape_cast %get3A_5 : vector<1x2000x96xf32> to vector<2000x96xf32>
    %get3A_7 = arith.constant 1 : index
    %get3A_8 = arith.constant 0 : index
    %get3A_9 = arith.constant 0 : index
    %get3A_10 = vector.load %arg2[%get3A_7, %get3A_8, %get3A_9] : memref<2x2000x96xf32, #tpu.memory_space<vmem>>, vector<1x2000x96xf32>
    %get3A_11 = vector.shape_cast %get3A_10 : vector<1x2000x96xf32> to vector<2000x96xf32>
    %add3A = arith.addf %get3A_6, %get3A_11 : vector<2000x96xf32>
    %get3A_12 = arith.constant 0 : index
    %get3A_13 = arith.constant 0 : index
    %get3A_14 = vector.load %arg3[%get3A_12, %get3A_13] : memref<96x96xf32, #tpu.memory_space<vmem>>, vector<96x96xf32>
    %dot_general3A = arith.constant dense<0.000000e+00> : vector<2000x96xf32>
    %dot_general3A_15 = tpu.matmul %add3A, %get3A_14, %dot_general3A {dimension_numbers = #tpu.dot_dimension_numbers<[1], [0], [0], [1], [0, 0, 1, 1], [], []>, transpose_lhs_hint = false} : vector<2000x96xf32>, vector<96x96xf32>, vector<2000x96xf32> -> vector<2000x96xf32>
    %add3A_16 = arith.addf %get3A_1, %dot_general3A_15 : vector<2000x96xf32>
    %get3A_17 = arith.constant 0 : index
    %get3A_18 = arith.constant 0 : index
    %get3A_19 = vector.load %arg4[%get3A_17, %get3A_18] : memref<1x96xf32, #tpu.memory_space<vmem>>, vector<1x96xf32>
    %add3A_20 = vector.broadcast %get3A_19 : vector<1x96xf32> to vector<2000x96xf32>
    %add3A_21 = arith.addf %add3A_16, %add3A_20 : vector<2000x96xf32>
    %max3A = arith.constant 0.000000e+00 : f32
    %max3A_22 = vector.broadcast %max3A : f32 to vector<2000x96xf32>
    %max3A_23 = arith.maximumf %add3A_21, %max3A_22 : vector<2000x96xf32>
    %get3A_24 = arith.constant 0 : index
    %get3A_25 = arith.constant 0 : index
    %get3A_26 = vector.load %arg5[%get3A_24, %get3A_25] : memref<96x96xf32, #tpu.memory_space<vmem>>, vector<96x96xf32>
    %dot_general3A_27 = arith.constant dense<0.000000e+00> : vector<2000x96xf32>
    %dot_general3A_28 = tpu.matmul %max3A_23, %get3A_26, %dot_general3A_27 {dimension_numbers = #tpu.dot_dimension_numbers<[1], [0], [0], [1], [0, 0, 1, 1], [], []>, transpose_lhs_hint = false} : vector<2000x96xf32>, vector<96x96xf32>, vector<2000x96xf32> -> vector<2000x96xf32>
    %get3A_29 = arith.constant 0 : index
    %get3A_30 = arith.constant 0 : index
    %get3A_31 = vector.load %arg6[%get3A_29, %get3A_30] : memref<2000x32xf32, #tpu.memory_space<vmem>>, vector<2000x32xf32>
    %get3A_32 = arith.constant 0 : index
    %get3A_33 = arith.constant 0 : index
    %get3A_34 = vector.load %arg7[%get3A_32, %get3A_33] : memref<32x96xf32, #tpu.memory_space<vmem>>, vector<32x96xf32>
    %dot_general3A_35 = arith.constant dense<0.000000e+00> : vector<2000x96xf32>
    %dot_general3A_36 = tpu.matmul %get3A_31, %get3A_34, %dot_general3A_35 {dimension_numbers = #tpu.dot_dimension_numbers<[1], [0], [0], [1], [0, 0, 1, 1], [], []>, transpose_lhs_hint = false} : vector<2000x32xf32>, vector<32x96xf32>, vector<2000x96xf32> -> vector<2000x96xf32>
    %add3A_37 = arith.addf %dot_general3A_28, %dot_general3A_36 : vector<2000x96xf32>
    %get3A_38 = arith.constant 0 : index
    %get3A_39 = arith.constant 0 : index
    %get3A_40 = vector.load %arg8[%get3A_38, %get3A_39] : memref<1x96xf32, #tpu.memory_space<vmem>>, vector<1x96xf32>
    %add3A_41 = vector.broadcast %get3A_40 : vector<1x96xf32> to vector<2000x96xf32>
    %add3A_42 = arith.addf %add3A_37, %add3A_41 : vector<2000x96xf32>
    %max3A_43 = arith.constant 0.000000e+00 : f32
    %max3A_44 = vector.broadcast %max3A_43 : f32 to vector<2000x96xf32>
    %max3A_45 = arith.maximumf %add3A_42, %max3A_44 : vector<2000x96xf32>
    %get3A_46 = arith.constant 0 : index
    %get3A_47 = arith.constant 0 : index
    %get3A_48 = vector.load %arg9[%get3A_46, %get3A_47] : memref<96x256xf32, #tpu.memory_space<vmem>>, vector<96x256xf32>
    %dot_general3A_49 = arith.constant dense<0.000000e+00> : vector<2000x256xf32>
    %dot_general3A_50 = tpu.matmul %max3A_45, %get3A_48, %dot_general3A_49 {dimension_numbers = #tpu.dot_dimension_numbers<[1], [0], [0], [1], [0, 0, 1, 1], [], []>, transpose_lhs_hint = false} : vector<2000x96xf32>, vector<96x256xf32>, vector<2000x256xf32> -> vector<2000x256xf32>
    %get3A_51 = arith.constant 0 : index
    %get3A_52 = arith.constant 0 : index
    %get3A_53 = vector.load %arg10[%get3A_51, %get3A_52] : memref<1x256xf32, #tpu.memory_space<vmem>>, vector<1x256xf32>
    %add3A_54 = vector.broadcast %get3A_53 : vector<1x256xf32> to vector<2000x256xf32>
    %add3A_55 = arith.addf %dot_general3A_50, %add3A_54 : vector<2000x256xf32>
    %swap3A = arith.constant 0 : index
    %swap3A_56 = arith.constant 0 : index
    %swap3A_57 = vector.load %arg11[%swap3A, %swap3A_56] : memref<2000x256xf32, #tpu.memory_space<vmem>>, vector<2000x256xf32>
    tpu.vector_store %arg11[%swap3A, %swap3A_56], %add3A_55 {strides = array<i32>} : memref<2000x256xf32, #tpu.memory_space<vmem>>, vector<2000x256xf32>,
    return
  }
  func.func @transform_0(%arg0: i32) -> (i32, i32) {
    %c0_i32 = arith.constant 0 : i32
    %c0_i32_0 = arith.constant 0 : i32
    return %arg0, %c0_i32 : i32, i32
  }
  func.func @transform_1(%arg0: i32) -> (i32, i32, i32) {
    %c0_i32 = arith.constant 0 : i32
    %c0_i32_0 = arith.constant 0 : i32
    %c0_i32_1 = arith.constant 0 : i32
    return %c0_i32, %arg0, %c0_i32_0 : i32, i32, i32
  }
  func.func @transform_2(%arg0: i32) -> (i32, i32) {
    %c0_i32 = arith.constant 0 : i32
    %c0_i32_0 = arith.constant 0 : i32
    %c0_i32_1 = arith.constant 0 : i32
    return %c0_i32, %c0_i32_0 : i32, i32
  }
  func.func @transform_3(%arg0: i32) -> (i32, i32) {
    %c0_i32 = arith.constant 0 : i32
    %c0_i32_0 = arith.constant 0 : i32
    %c0_i32_1 = arith.constant 0 : i32
    return %c0_i32, %c0_i32_0 : i32, i32
  }
  func.func @transform_4(%arg0: i32) -> (i32, i32) {
    %c0_i32 = arith.constant 0 : i32
    %c0_i32_0 = arith.constant 0 : i32
    %c0_i32_1 = arith.constant 0 : i32
    return %c0_i32, %c0_i32_0 : i32, i32
  }
  func.func @transform_5(%arg0: i32) -> (i32, i32) {
    %c0_i32 = arith.constant 0 : i32
    %c0_i32_0 = arith.constant 0 : i32
    return %arg0, %c0_i32 : i32, i32
  }
  func.func @transform_6(%arg0: i32) -> (i32, i32) {
    %c0_i32 = arith.constant 0 : i32
    %c0_i32_0 = arith.constant 0 : i32
    %c0_i32_1 = arith.constant 0 : i32
    return %c0_i32, %c0_i32_0 : i32, i32
  }
  func.func @transform_7(%arg0: i32) -> (i32, i32) {
    %c0_i32 = arith.constant 0 : i32
    %c0_i32_0 = arith.constant 0 : i32
    %c0_i32_1 = arith.constant 0 : i32
    return %c0_i32, %c0_i32_0 : i32, i32
  }
  func.func @transform_8(%arg0: i32) -> (i32, i32) {
    %c0_i32 = arith.constant 0 : i32
    %c0_i32_0 = arith.constant 0 : i32
    %c0_i32_1 = arith.constant 0 : i32
    return %c0_i32, %c0_i32_0 : i32, i32
  }
  func.func @transform_9(%arg0: i32) -> (i32, i32) {
    %c0_i32 = arith.constant 0 : i32
    %c0_i32_0 = arith.constant 0 : i32
    %c0_i32_1 = arith.constant 0 : i32
    return %c0_i32, %c0_i32_0 : i32, i32
  }
  func.func @transform_10(%arg0: i32) -> (i32, i32) {
    %c0_i32 = arith.constant 0 : i32
    %c0_i32_0 = arith.constant 0 : i32
    return %arg0, %c0_i32 : i32, i32
  }
}

</mosaic_0001>

<sc_bundles>
// kernel: kernel.21.cloned.1.call-start
scs
__scs_entry_jumppad:
0x0: {  	(pc) =	sbr.rel $0x88, $3  }
0x1: {  	(tag) =	ssettag $0x0;
	lr =	simm.s32 $0x1  }
0x2: {  	[smem:$0x3F80] =	sst lr;
	_ =	strace $0xD0000000  }
0x3: {  	_ = 	snop  }
0x4: {  	_ = 	snop  }
0x5: {  	_ = 	snop  }
0x6: {  	_ = 	snop  }
0x7: {  	_ = 	snop  }
__scs_overlays_trampoline_lowered:
0x8: {  	[smem:$0x3F8F] =	sst s0  }
0x9: {  	[smem:$0x3F90] =	sst s1  }
0xa: {  	[smem:$0x3F91] =	sst s2  }
0xb: {  	[smem:$0x3F92] =	sst s3  }
0xc: {  	[smem:$0x3F93] =	sst s4  }
0xd: {  	[smem:$0x3F94] =	sst s5  }
0xe: {  	[smem:$0x3F95] =	sst s6  }
0xf: {  	[smem:$0x3F96] =	sst s7  }
0x10: {  	[smem:$0x3F97] =	sst s8  }
0x11: {  	[smem:$0x3F98] =	sst s9;
	s0 =	simm.s32 @!p0 $0x0  }
0x12: {  	s1 =	sld [smem:$0x3F7E];
	s0 =	simm.s32 @p0 $0x1  }
0x13: {  	[smem:$0x3F99] =	sst s0;
	s0 =	simm.s32 @!p1 $0x0  }
0x14: {  	s2 =	sld [smem:$0x3F7D];
	s0 =	simm.s32 @p1 $0x1  }
0x15: {  	[smem:$0x3F9A] =	sst s0;
	s0 =	simm.s32 @!p2 $0x0  }
0x16: {  	s3 =	sld [smem:$0x3FDB];
	s0 =	simm.s32 @p2 $0x1  }
0x17: {  	s4 =	simm.s32 $0x1BF5;
	[smem:$0x3F9C] =	sst s0  }
0x18: {  	s0 =	sld [smem:$0x3F7F];
	_ =	swait.ge [sflag:s4], $0x0  }
0x19: {  	s7 =	sld [smem:$0x3F80]  }
0x1a: {  	s8 =	sadd.s32 $0xFFFFE003, lr  }
0x1b: {  	s9 =	sadd.s32 $0xFFFFFEF7, lr;
	s5 =	simm.s32 $0xFFFFFFFF;
	p2 =	slt.u32 s8, $0xFFFFF086  }
0x1c: {  	p1 =	slt.u32 s9, $0xF7A;
	s5 =	simm.s32 @!p2 $0x0  }
0x1d: {  	s5 =	simm.s32 @p1 $0x1;
	p0 =	seq.s32 s7, s2  }
0x1e: {  	s7 =	smul.u32 @!p0 $0xF7A, s2;
	p2 =	seq.s32 @!p0 s5, $0x0  }
0x1f: {  	s9 =	smul.u32 $0xF7A, s1;
	s8 =	simm.s32 @!p0 $0x1BF5;
	p2 =	por !p2, p0  }
0x20: {  	[sflag:s8] =	ssyncset.s32 @!p0 $0xFFFFF086;
	s6 =	sadd.s32 @!p0 s3, s7;
	s7 =	simm.s32 @!p0 $0x108  }
0x21: {  	s3 =	sadd.s32 s3, s9;
	s6 =	sadd.s32 @!p0 $0x88, s6;
	s7 =	simm.s32 @p2 $0x1082  }
0x22: {  	[simem:s7], [sflag:s8] =	dma.local @!p0 [hbm:s6], $0xF7A  }
0x23: {  	s9 =	sor.u32 $0xD0000000, s2;
	s6 =	simm.s32 $0x108;
	_ =	swait.ge @!p0 [sflag:s8], $0x0  }
0x24: {  	s3 =	sadd.s32 $0x88, s3;
	s6 =	simm.s32 @!p1 $0x1082;
	[sflag:s4] =	ssyncset.s32 $0xFFFFF086  }
0x25: {  	[simem:s6], [sflag:s4] =	dma.local [hbm:s3], $0xF7A  }
0x26: {  	[smem:$0x3F80] =	sst s1;
	(tag) =	ssettag s2;
	_ =	strace s9  }
0x27: {  	s1 =	sld [smem:$0x3F90]  }
0x28: {  	s2 =	sld [smem:$0x3F91]  }
0x29: {  	s4 =	sld [smem:$0x3F93]  }
0x2a: {  	p0 =	seq.s32 s5, $0x0;
	s5 =	sld [smem:$0x3F94]  }
0x2b: {  	s6 =	sld [smem:$0x3F95]  }
0x2c: {  	s7 =	sld [smem:$0x3F96]  }
0x2d: {  	s3 =	simm.s32 $0x108;
	s8 =	sld [smem:$0x3F97]  }
0x2e: {  	s3 =	simm.s32 @!p0 $0x1082;
	s9 =	sld [smem:$0x3F98]  }
0x2f: {  	lr =	sadd.s32 s0, s3;
	s0 =	sld [smem:$0x3F8F]  }
0x30: {  	s3 =	sld [smem:$0x3F92]  }
0x31: {  	[smem:$0x3F9B] =	sst s10  }
0x32: {  	s10 =	sld [smem:$0x3F99];
	_ =	sdelay $0x3  }
0x33: {  	p0 =	seq.s32 s10, $0x1;
	s10 =	sld [smem:$0x3F9B];
	_ =	sdelay $0x3  }
0x34: {  	[smem:$0x3F9B] =	sst s10  }
0x35: {  	s10 =	sld [smem:$0x3F9A];
	_ =	sdelay $0x3  }
0x36: {  	p1 =	seq.s32 s10, $0x1;
	s10 =	sld [smem:$0x3F9B];
	_ =	sdelay $0x3  }
0x37: {  	[smem:$0x3F9B] =	sst s10  }
0x38: {  	s10 =	sld [smem:$0x3F9C]  }
0x39: {  	_ = 	snop;
	(pc) =	sbr.ind lr, $3  }
0x3a: {  	_ = 	snop  }
0x3b: {  	_ = 	snop  }
0x3c: {  	p2 =	seq.s32 s10, $0x1;
	s10 =	sld [smem:$0x3F9B]  }
0x3d: {  	_ =	shalt  }
0x3e: {  	_ =	shalt  }
0x3f: {  	_ =	shalt  }
0x40: {  	_ =	shalt  }
0x41: {  	_ =	shalt  }
0x42: {  	_ =	shalt  }
0x43: {  	_ =	shalt  }
0x44: {  	_ =	shalt  }
0x45: {  	_ =	shalt  }
0x46: {  	_ =	shalt  }
0x47: {  	_ =	shalt  }
0x48: {  	_ =	shalt  }
0x49: {  	_ =	shalt  }
0x4a: {  	_ =	shalt  }
0x4b: {  	_ =	shalt  }
0x4c: {  	_ =	shalt  }
0x4d: {  	_ =	shalt  }
0x4e: {  	_ =	shalt  }
0x4f: {  	_ =	shalt  }
0x50: {  	_ =	shalt  }
0x51: {  	_ =	shalt  }
0x52: {  	_ =	shalt  }
0x53: {  	_ =	shalt  }
0x54: {  	_ =	shalt  }
0x55: {  	_ =	shalt  }
0x56: {  	_ =	shalt  }
0x57: {  	_ =	shalt  }
0x58: {  	_ =	shalt  }
0x59: {  	_ =	shalt  }
0x5a: {  	_ =	shalt  }
0x5b: {  	_ =	shalt  }
0x5c: {  	_ =	shalt  }
0x5d: {  	_ =	shalt  }
0x5e: {  	_ =	shalt  }
0x5f: {  	_ =	shalt  }
0x60: {  	_ =	shalt  }
0x61: {  	_ =	shalt  }
0x62: {  	_ =	shalt  }
0x63: {  	_ =	shalt  }
0x64: {  	_ =	shalt  }
0x65: {  	_ =	shalt  }
0x66: {  	_ =	shalt  }
0x67: {  	_ =	shalt  }
0x68: {  	_ =	shalt  }
0x69: {  	_ =	shalt  }
0x6a: {  	_ =	shalt  }
0x6b: {  	_ =	shalt  }
0x6c: {  	_ =	shalt  }
0x6d: {  	_ =	shalt  }
0x6e: {  	_ =	shalt  }
0x6f: {  	_ =	shalt  }
0x70: {  	_ =	shalt  }
0x71: {  	_ =	shalt  }
0x72: {  	_ =	shalt  }
0x73: {  	_ =	shalt  }
0x74: {  	_ =	shalt  }
0x75: {  	_ =	shalt  }
0x76: {  	_ =	shalt  }
0x77: {  	_ =	shalt  }
0x78: {  	_ =	shalt  }
0x79: {  	_ =	shalt  }
0x7a: {  	_ =	shalt  }
0x7b: {  	_ =	shalt  }
0x7c: {  	_ =	shalt  }
0x7d: {  	_ =	shalt  }
0x7e: {  	_ =	shalt  }
0x7f: {  	_ =	shalt  }
0x80: {  	_ =	shalt  }
0x81: {  	_ =	shalt  }
0x82: {  	_ =	shalt  }
0x83: {  	_ =	shalt  }
0x84: {  	_ =	shalt  }
0x85: {  	_ =	shalt  }
0x86: {  	_ =	shalt  }
0x87: {  	_ =	shalt  }
.Lfunc_end0:
.L_simem_size_0:
called_computation_lowered:
.L_overlay_start_0:
0x88: {  	s2 =	sld [smem:$0x3FD9]  }
0x89: {  	s3 =	sld [smem:$0x3FFE];
	_ =	sdelay $0x1  }
0x8a: {  	s1 =	srdreg.scid  }
0x8b: {  	s0 =	sand.u32 $0x1, s1  }
0x8c: {  	s17 =	sshll.u32 s0, $0xA;
	s2 =	sadd.s32 s3, s2  }
0x8d: {  	s2 =	sadd.s32 s2, s17  }
0x8e: {  	[smem:$0x3FA7] =	sst s2  }
0x8f: {  	_ = 	snop  }
0x90: {  	s2 =	sld [smem:$0x3FD0];
	(tm) =	ssettm $0x1  }
0x91: {  	s18 =	sld [smem:$0x3FFB];
	_ =	sdelay $0x3  }
0x92: {  	_ =	strace s18  }
0x93: {  	s3 =	sld [smem:$0x3FFC];
	_ =	sdelay $0x3  }
0x94: {  	_ =	strace s3  }
0x95: {  	s3 =	sld [smem:$0x3FFD];
	_ =	sdelay $0x3  }
0x96: {  	_ =	strace s3  }
0x97: {  	_ =	strace $0x8FFFFFFF  }
0x98: {  	s19 =	sld [smem:$0x3FDB];
	_ =	sdelay $0x1  }
0x99: {  	s4 =	simm.s32 $_scs_section_size  }
0x9a: {  	s5 =	simm.s32 $_size__tile_overlayer_lowered;
	s6 =	simm.s32 $_tile_overlayer_lowered  }
0x9b: {  	s22 =	simm.s32 $0x1BFF;
	s21 =	sshll.u32 s6, $0x1;
	s3 =	sadd.s32 s4, s19  }
0x9c: {  	s7 =	simm.s32 $0x0;
	s20 =	sshll.u32 s5, $0x1;
	s5 =	sadd.s32 s21, s3  }
0x9d: {  	[timem:s7], [sflag:s22] =	dma.local [hbm:s5], s20  }
0x9e: {  	_ =	swait.ge [sflag:s22], s20  }
0x9f: {  	s4 =	ssub.s32 $0x0, s20;
	[sflag:s22] =	ssyncset.done $0x0  }
0xa0: {  	[sflag:s22] =	ssyncadd.s32 s4;
	_ =	sdelay $0x1  }
0xa1: {  	s23 =	simm.s32 $0x1B8B  }
0xa2: {  	_ =	swait.ge [sflag:s23], $0x1  }
0xa3: {  	[sflag:s23] =	ssyncset.done $0x0  }
0xa4: {  	s25 =	simm.s32 $0x1B8E;
	s24 =	sld [smem:$0x3FFE];
	[sflag:s23] =	ssyncadd.s32 $0xFFFFFFFF  }
0xa5: {  	s26 =	simm.s32 $execute0_lowered;
	[smem:$0x3FD2] =	sst s25  }
0xa6: {  	s5 =	sshll.u32 s26, $0x1;
	_ =	strace $0x80000046;
	[dreg:$0x1] =	wrdreg $0xFFFFFFFF  }
0xa7: {  	s28 =	simm.s32 $_size_execute0_lowered;
	s3 =	sadd.s32 s3, s5;
	[dreg:$0x0] =	wrdreg $0x0  }
0xa8: {  	s5 =	sshll.u32 s28, $0x1;
	[dreg:$0x2] =	wrdreg s3  }
0xa9: {  	[dreg:$0x3] =	wrdreg s5  }
0xaa: {  	[dreg:$0x4] =	wrdreg $0xC0  }
0xab: {  	_ =	task [dreg:s7], $0x5FFFF  }
0xac: {  	[dreg:$0x1] =	wrdreg $0xFFFFFFFF  }
0xad: {  	[dreg:$0x0] =	wrdreg $0x60  }
0xae: {  	[dreg:$0x2] =	wrdreg s24  }
0xaf: {  	[dreg:$0x3] =	wrdreg s2  }
0xb0: {  	[dreg:$0x4] =	wrdreg $0x66800  }
0xb1: {  	[dreg:$0x5] =	wrdreg $0x9  }
0xb2: {  	_ =	task.clear_ibuf [dreg:s7], $0x6FFFF;
	_ =	strace $0x90000046  }
0xb3: {  	s29 =	simm.s32 $0x9;
	_ =	strace $0x80000048  }
0xb4: {  	_ =	swait.ge [sflag:s29], $0x1  }
0xb5: {  	[sflag:s29] =	ssyncadd.s32 $0xFFFFFFFF  }
0xb6: {  	_ =	strace $0x90000048  }
0xb7: {  	_ =	sfence  }
0xb8: {  	s30 =	sld [smem:$0x0];
	_ =	sdelay $0x2  }
0xb9: {  	s31 =	sshll.u32 s1, $0xD;
	s1 =	sshrl.u32 s1, $0x2  }
0xba: {  	s3 =	sand.u32 $0x4000, s31;
	s1 =	sadd.s32 s1, s30  }
0xbb: {  	s0 =	sor.u32 s3, s0;
	s1 =	sshll.u32 s1, $0x11  }
0xbc: {  	s0 =	sor.u32 s1, s0  }
0xbd: {  	s0 =	sadd.s32 $0x8F2B, s0  }
0xbe: {  	[sflag:s0] =	ssyncadd.remote.s32 $0x1  }
0xbf: {  	_ =	sfence.sel $0xFFFF  }
0xc0: {  	[dreg:$0x0] =	wrdreg $0xFFFFFFFF;
	(pc) =	sbr.abs _section_cstart, $3  }
0xc1: {  	[dreg:$0x1] =	wrdreg $0xFFFFFFFF  }
0xc2: {  	_ =	task.clear_ibuf [dreg:s7], $0x2FFFF;
	_ =	strace $0x9FFFFFFF  }
0xc3: {  	(tm) =	ssettm $0x7FFFFFFF  }
tec
execute0_lowered:
.L_overlay_start_1:
0x0: {  	(tag) =	ssettag $0x1  }
0x1: {  	s0 =	rddreg [dreg:$0x0]  }
0x2: {  	s1 =	srdreg.scid;
	s11 =	rddreg [dreg:$0x1]  }
0x3: {  	s18 =	stileid.u32;
	s2 =	rddreg [dreg:$0x2]  }
0x4: {  	s14 =	simm.s32 $0x1400;
	s15 =	simm.s32 $0x1;
	s16 =	simm.s32 $0x7D  }
0x5: {  	s17 =	simm.s32 $0x2800;
	s22 =	simm.s32 $0x180;
	s23 =	simm.s32 $0x56E0  }
0x6: {  	s21 =	stileid.u32;
	s24 =	simm.s32 $0x2;
	s26 =	simm.s32 $0x0  }
0x7: {  	s1 =	sand.u32 $0x1, s1;
	s3 =	sshll.u32 s18, $0x1;
	s8 =	smul.u32 $0x5000, s18  }
0x8: {  	s7 =	sshll.u32 s18, $0x6;
	p0 =	seq.s32 s18, $0xF;
	s4 =	sor.u32 s1, s3  }
0x9: {  	s3 =	simm.s32 $0x0;
	s6 =	ssub.s32 $0x2, s1;
	s1 =	smul.u32 $0x4E200, s1  }
0xa: {  	s7 =	sor.u32 $0x1C01, s7;
	s5 =	smul.u32 $0x280, s4;
	[smem:$0x7FF] =	sst s3  }
0xb: {  	s4 =	sadd.s32 $0x42A00, s0;
	s28 =	sshrl.u32 s8, $0x3;
	s29 =	sshrl.u32 s6, $0x1  }
0xc: {  	_ =	strace $0x80000047;
	s12 =	ssub.s32 s6, s29;
	s30 =	sadd.s32 s8, s1  }
0xd: {  	s1 =	sshrl.u32 s1, $0x3;
	s9 =	sadd.s32 s5, s0;
	s0 =	sadd.s32 s28, s0  }
0xe: {  	s5 =	sadd.s32 s8, s2;
	s31 =	sadd.s32 s11, s1;
	s12 =	smax.u32 s12, $0x1  }
0xf: {  	s6 =	sadd.s32 $0x4C800, s0;
	s8 =	sadd.s32 $0x16800, s9;
	s0 =	sshrl.u32 s30, $0x3  }
0x10: {  	s9 =	sadd.s32 $0x11800, s9;
	s10 =	sadd.s32 s11, s0;
	s0 =	sadd.s32 $0x4B000, s2  }
0x11: {  	s13 =	sshrl.u32 s5, $0x3;
	s11 =	sadd.s32 $0x9600, s31;
	s25 =	sshrl.u32 @p0 s0, $0x3  }
.LBB2_1:
0x12: {  	[spmem:s13], [sflag:s7] =	dma.local [hbm:s6], $0xA00  }
0x13: {  	[tilespmem:s3], [sflag:$0x1] =	stream.linear.gather [hbm4b:s8+s3], $0x1400, $0x38;
	[tilespmem:$0xB680] =	vst v63  }
0x14: {  	_ = 	snop  }
0x15: {  	[tilespmem:s14], [sflag:$0x1] =	stream.linear.gather [hbm4b:s9+s3], $0x1400, $0x38;
	[tilespmem:$0xB680] =	vst v63  }
0x16: {  	_ =	swait.ge [sflag:s15], $0xA00  }
0x17: {  	[sflag:s15] =	ssyncset.done $0x0  }
0x18: {  	[sflag:s15] =	ssyncadd.s32 $0xFFFFF600  }
0x19: {  	_ =	swait.ge [sflag:s15], $0x1400  }
0x1a: {  	[sflag:s15] =	ssyncset.done $0x0  }
0x1b: {  	[sflag:s15] =	ssyncadd.s32 $0xFFFFEC00  }
0x1c: {  	_ =	swait.ge [sflag:s15], $0x1400  }
0x1d: {  	[sflag:s15] =	ssyncset.done $0x0  }
0x1e: {  	[sflag:s15] =	ssyncadd.s32 $0xFFFFEC00  }
0x1f: {  	[bflag:$0x0] =	sbarrier.arrive $0xFFFF  }
0x20: {  	[tilespmem:s17], [sflag:$0x1] =	stream.indirect.gather [hbm4b:s4+s16], $0x20, s3, s16, $0xb8;
	[tilespmem:$0xB680] =	vst v63  }
0x21: {  	s0 =	simm.s32 $0x80;
	s1 =	simm.s32 $0x37A0  }
0x22: {  	[tilespmem:s1], [sflag:$0x1] =	stream.indirect.gather [hbm4b:s4+s16], $0x20, s0, s16, $0xb8;
	[tilespmem:$0xB680] =	vst v63  }
0x23: {  	s19 =	simm.s32 $0x100;
	s20 =	simm.s32 $0x4740  }
0x24: {  	[tilespmem:s20], [sflag:$0x1] =	stream.indirect.gather [hbm4b:s4+s16], $0x20, s19, s16, $0xb8;
	[tilespmem:$0xB680] =	vst v63  }
0x25: {  	p1 =	por $0x0, $0x0  }
0x26: {  	[tilespmem:s23], [sflag:$0x1] =	stream.indirect.gather [hbm4b:s4+s16], $0x20, s22, s16, $0xb8;
	[tilespmem:$0xB680] =	vst v63  }
0x27: {  	s29 =	simm.s32 $0x1480;
	s0 =	simm.s32 $0x4;
	_ =	swait.ge [sflag:s15], $0xFA0  }
0x28: {  	s18 =	simm.s32 $0x200;
	s0 =	sand.u32 @!p1 $0x3, s0;
	[sflag:s15] =	ssyncset.done $0x0  }
0x29: {  	s31 =	simm.s32 $0x5;
	s0 =	smul.u32 @!p1 $0x3E80, s0;
	[sflag:s15] =	ssyncadd.s32 $0xFFFFF060  }
0x2a: {  	[spmem:s2] =	stream.indirect.scatter.add.f32 [tilespmem:s17], [sflag:$0x2], $0x20, s14, s16, $0xb8;
	[tilespmem:$0xB680] =	vst v63  }
0x2b: {  	s28 =	simm.s32 $0x1;
	s30 =	simm.s32 @!p1 $0x7D;
	_ =	swait.ge [sflag:s24], $0xFA0  }
0x2c: {  	s28 =	sand.u32 $0x3, s28;
	s0 =	sshrl.u32 @!p1 s0, $0x2;
	[sflag:s24] =	ssyncset.done $0x0  }
0x2d: {  	s1 =	simm.s32 $0x6;
	s0 =	sadd.s32 @!p1 $0x2800, s0;
	[sflag:s24] =	ssyncadd.s32 $0xFFFFF060  }
0x2e: {  	[tilespmem:s0], [sflag:$0x1] =	stream.indirect.gather @!p1 [hbm4b:s4+s30], $0x20, s18, s30, $0xb8;
	[tilespmem:$0xB680] =	vst v63  }
0x2f: {  	s18 =	smul.u32 $0x3E80, s28;
	s30 =	simm.s32 $0x280;
	_ =	swait.ge [sflag:s15], $0xFA0  }
0x30: {  	s0 =	simm.s32 $0x2;
	s28 =	simm.s32 $0x1500;
	[sflag:s15] =	ssyncset.done $0x0  }
.LBB2_2:
0x31: {  	p2 =	sgt.u32 s0, $0x24  }
0x32: {  	s18 =	sshrl.u32 s18, $0x2;
	s19 =	smov.u32 s1;
	s1 =	sadd.s32 $0x1, s1  }
0x33: {  	p1 =	sne.s32 s1, $0x2B;
	s31 =	sand.u32 @!p2 $0x3, s31;
	s18 =	sadd.s32 $0x2800, s18  }
0x34: {  	s20 =	smul.u32 @!p2 $0x3E80, s31;
	[sflag:s15] =	ssyncadd.s32 $0xFFFFF060;
	s31 =	smov.u32 s19  }
0x35: {  	[spmem:s2] =	stream.indirect.scatter.add.f32 [tilespmem:s18], [sflag:$0x2], $0x20, s29, s16, $0xb8;
	[tilespmem:$0xB680] =	vst v63  }
0x36: {  	s29 =	smov.u32 s28;
	_ =	swait.ge [sflag:s24], $0xFA0;
	s18 =	sshrl.u32 @!p2 s20, $0x2  }
.Ltmp0:
0x37: {  	[sflag:s24] =	ssyncset.done $0x0;
	s18 =	sadd.s32 @!p2 $0x2800, s18;
	(pc) =	sbr.rel @p1 .LBB2_2-.Ltmp0, $4  }
0x38: {  	s0 =	sand.u32 $0x3, s0;
	s19 =	simm.s32 @!p2 $0x7D;
	[sflag:s24] =	ssyncadd.s32 $0xFFFFF060  }
0x39: {  	[tilespmem:s18], [sflag:$0x1] =	stream.indirect.gather @!p2 [hbm4b:s4+s19], $0x20, s30, s19, $0xb8;
	[tilespmem:$0xB680] =	vst v63  }
0x3a: {  	s18 =	smul.u32 $0x3E80, s0;
	s30 =	sadd.s32 $0x80, s30;
	_ =	swait.ge [sflag:s15], $0xFA0  }
0x3b: {  	s28 =	sadd.s32 $0x80, s28;
	s0 =	sadd.s32 $0xFFFFFFFD, s31;
	[sflag:s15] =	ssyncset.done $0x0  }
0x3c: {  	p1 =	sgt.u32 s0, $0x24  }
0x3d: {  	s1 =	sshrl.u32 s18, $0x2;
	s18 =	sand.u32 @!p1 $0x3, s31  }
0x3e: {  	[sflag:s15] =	ssyncadd.s32 $0xFFFFF060;
	s1 =	sadd.s32 $0x2800, s1;
	s18 =	smul.u32 @!p1 $0x3E80, s18  }
0x3f: {  	[spmem:s2] =	stream.indirect.scatter.add.f32 [tilespmem:s1], [sflag:$0x2], $0x20, s29, s16, $0xb8;
	[tilespmem:$0xB680] =	vst v63  }
0x40: {  	s31 =	sand.u32 $0x3, s0;
	_ =	swait.ge [sflag:s24], $0xFA0  }
0x41: {  	s0 =	smul.u32 $0x3E80, s31;
	s1 =	sshrl.u32 @!p1 s18, $0x2;
	[sflag:s24] =	ssyncset.done $0x0  }
0x42: {  	s18 =	simm.s32 @!p1 $0x7D;
	s1 =	sadd.s32 @!p1 $0x2800, s1;
	[sflag:s24] =	ssyncadd.s32 $0xFFFFF060  }
0x43: {  	[tilespmem:s1], [sflag:$0x1] =	stream.indirect.gather @!p1 [hbm4b:s4+s18], $0x20, s30, s18, $0xb8;
	[tilespmem:$0xB680] =	vst v63  }
0x44: {  	_ =	swait.ge [sflag:s15], $0xFA0  }
0x45: {  	s0 =	sshrl.u32 s0, $0x2;
	[sflag:s15] =	ssyncset.done $0x0  }
0x46: {  	s0 =	sadd.s32 $0x2800, s0;
	[sflag:s15] =	ssyncadd.s32 $0xFFFFF060  }
0x47: {  	[spmem:s2] =	stream.indirect.scatter.add.f32 [tilespmem:s0], [sflag:$0x2], $0x20, s28, s16, $0xb8;
	[tilespmem:$0xB680] =	vst v63  }
0x48: {  	_ =	swait.ge [sflag:s24], $0xFA0  }
0x49: {  	[sflag:s24] =	ssyncset.done $0x0  }
0x4a: {  	[sflag:s24] =	ssyncadd.s32 $0xFFFFF060  }
0x4b: {  	s0 =	simm.s32 @p0 $0x1FC3;
	[bflag:$0x0] =	sbarrier.arrive $0xFFFF  }
0x4c: {  	[hbm:s11], [sflag:s0] =	dma.local @p0 [spmem:s25], $0x640  }
0x4d: {  	s0 =	simm.s32 @p0 $0x3  }
0x4e: {  	s26 =	sadd.s32 $0x1, s26;
	_ =	swait.ge @p0 [sflag:s0], $0x640  }
0x4f: {  	s1 =	sshll.u32 @!p0 s21, $0x6;
	p1 =	sne.s32 s26, s12;
	[sflag:s0] =	ssyncset.done @p0 $0x0  }
0x50: {  	[sflag:s0] =	ssyncadd.s32 @p0 $0xFFFFF9C0;
	s0 =	sor.u32 @!p0 $0x1C03, s1;
	s1 =	sshrl.u32 @!p0 s5, $0x3  }
0x51: {  	[hbm:s10], [sflag:s0] =	dma.local @!p0 [spmem:s1], $0xA00  }
.Ltmp1:
0x52: {  	_ = 	snop;
	(pc) =	sbr.rel @p1 .LBB2_1-.Ltmp1, $4  }
0x53: {  	s0 =	simm.s32 @!p0 $0x3  }
0x54: {  	_ =	swait.ge @!p0 [sflag:s0], $0xA00  }
0x55: {  	[sflag:s0] =	ssyncset.done @!p0 $0x0  }
0x56: {  	[sflag:s0] =	ssyncadd.s32 @!p0 $0xFFFFF600  }
0x57: {  	_ =	sfence.sel $0x180000  }
0x58: {  	[bflag:$0x0] =	sbarrier.arrive $0xFFFF  }
0x59: {  	_ =	strace $0x90000047  }
0x5a: {  	[bflag:$0x2] =	sbarrier.arrive $0xFFFF  }
0x5b: {  	p0 =	sne.s32 s21, $0x0;
	s0 =	rddreg [dreg:$0x3]  }
0x5c: {  	s0 =	sadd.s32 @!p0 $0x100000, s0  }
0x5d: {  	[sflag:s0] =	ssyncadd.tile.s32 @!p0 $0x1;
	_ =	shalt  }
.Lfunc_end2:
_tile_overlayer_lowered:
.L_overlay_start_2:
0x5e: {  	(tag) =	ssettag $0x2  }
0x5f: {  	s0 =	rddreg [dreg:$0x0];
	s2 =	stileid.u32  }
0x60: {  	s1 =	rddreg [dreg:$0x1];
	p0 =	sne.s32 s2, $0x0  }
0x61: {  	s3 =	rddreg [dreg:$0x2];
	[bflag:$0x3] =	sbarrier.arrive $0xFFFF;
	s2 =	simm.s32 @!p0 $0x1C03  }
0x62: {  	[timem:s3], [sflag:s2] =	dma.local @!p0 [hbm:s0], s1  }
0x63: {  	s0 =	simm.s32 @!p0 $0x3  }
0x64: {  	_ =	swait.ge @!p0 [sflag:s0], s1  }
0x65: {  	s1 =	ssub.s32 @!p0 $0x0, s1;
	[sflag:s0] =	ssyncset.done @!p0 $0x0  }
0x66: {  	[sflag:s0] =	ssyncadd.s32 @!p0 s1  }
0x67: {  	[bflag:$0x3] =	sbarrier.arrive $0xFFFF  }
0x68: {  	_ =	shalt  }

// kernel: kernel.24.cloned.1.call-start
scs
__scs_entry_jumppad:
0x0: {  	(pc) =	sbr.rel $0x88, $3  }
0x1: {  	(tag) =	ssettag $0x0;
	lr =	simm.s32 $0x1  }
0x2: {  	[smem:$0x3F80] =	sst lr;
	_ =	strace $0xD0000000  }
0x3: {  	_ = 	snop  }
0x4: {  	_ = 	snop  }
0x5: {  	_ = 	snop  }
0x6: {  	_ = 	snop  }
0x7: {  	_ = 	snop  }
__scs_overlays_trampoline_lowered:
0x8: {  	[smem:$0x3F8F] =	sst s0  }
0x9: {  	[smem:$0x3F90] =	sst s1  }
0xa: {  	[smem:$0x3F91] =	sst s2  }
0xb: {  	[smem:$0x3F92] =	sst s3  }
0xc: {  	[smem:$0x3F93] =	sst s4  }
0xd: {  	[smem:$0x3F94] =	sst s5  }
0xe: {  	[smem:$0x3F95] =	sst s6  }
0xf: {  	[smem:$0x3F96] =	sst s7  }
0x10: {  	[smem:$0x3F97] =	sst s8  }
0x11: {  	[smem:$0x3F98] =	sst s9;
	s0 =	simm.s32 @!p0 $0x0  }
0x12: {  	s1 =	sld [smem:$0x3F7E];
	s0 =	simm.s32 @p0 $0x1  }
0x13: {  	[smem:$0x3F99] =	sst s0;
	s0 =	simm.s32 @!p1 $0x0  }
0x14: {  	s2 =	sld [smem:$0x3F7D];
	s0 =	simm.s32 @p1 $0x1  }
0x15: {  	[smem:$0x3F9A] =	sst s0;
	s0 =	simm.s32 @!p2 $0x0  }
0x16: {  	s3 =	sld [smem:$0x3FDB];
	s0 =	simm.s32 @p2 $0x1  }
0x17: {  	s4 =	simm.s32 $0x1BF5;
	[smem:$0x3F9C] =	sst s0  }
0x18: {  	s0 =	sld [smem:$0x3F7F];
	_ =	swait.ge [sflag:s4], $0x0  }
0x19: {  	s7 =	sld [smem:$0x3F80]  }
0x1a: {  	s8 =	sadd.s32 $0xFFFFE003, lr  }
0x1b: {  	s9 =	sadd.s32 $0xFFFFFEF7, lr;
	s5 =	simm.s32 $0xFFFFFFFF;
	p2 =	slt.u32 s8, $0xFFFFF086  }
0x1c: {  	p1 =	slt.u32 s9, $0xF7A;
	s5 =	simm.s32 @!p2 $0x0  }
0x1d: {  	s5 =	simm.s32 @p1 $0x1;
	p0 =	seq.s32 s7, s2  }
0x1e: {  	s7 =	smul.u32 @!p0 $0xF7A, s2;
	p2 =	seq.s32 @!p0 s5, $0x0  }
0x1f: {  	s9 =	smul.u32 $0xF7A, s1;
	s8 =	simm.s32 @!p0 $0x1BF5;
	p2 =	por !p2, p0  }
0x20: {  	[sflag:s8] =	ssyncset.s32 @!p0 $0xFFFFF086;
	s6 =	sadd.s32 @!p0 s3, s7;
	s7 =	simm.s32 @!p0 $0x108  }
0x21: {  	s3 =	sadd.s32 s3, s9;
	s6 =	sadd.s32 @!p0 $0x88, s6;
	s7 =	simm.s32 @p2 $0x1082  }
0x22: {  	[simem:s7], [sflag:s8] =	dma.local @!p0 [hbm:s6], $0xF7A  }
0x23: {  	s9 =	sor.u32 $0xD0000000, s2;
	s6 =	simm.s32 $0x108;
	_ =	swait.ge @!p0 [sflag:s8], $0x0  }
0x24: {  	s3 =	sadd.s32 $0x88, s3;
	s6 =	simm.s32 @!p1 $0x1082;
	[sflag:s4] =	ssyncset.s32 $0xFFFFF086  }
0x25: {  	[simem:s6], [sflag:s4] =	dma.local [hbm:s3], $0xF7A  }
0x26: {  	[smem:$0x3F80] =	sst s1;
	(tag) =	ssettag s2;
	_ =	strace s9  }
0x27: {  	s1 =	sld [smem:$0x3F90]  }
0x28: {  	s2 =	sld [smem:$0x3F91]  }
0x29: {  	s4 =	sld [smem:$0x3F93]  }
0x2a: {  	p0 =	seq.s32 s5, $0x0;
	s5 =	sld [smem:$0x3F94]  }
0x2b: {  	s6 =	sld [smem:$0x3F95]  }
0x2c: {  	s7 =	sld [smem:$0x3F96]  }
0x2d: {  	s3 =	simm.s32 $0x108;
	s8 =	sld [smem:$0x3F97]  }
0x2e: {  	s3 =	simm.s32 @!p0 $0x1082;
	s9 =	sld [smem:$0x3F98]  }
0x2f: {  	lr =	sadd.s32 s0, s3;
	s0 =	sld [smem:$0x3F8F]  }
0x30: {  	s3 =	sld [smem:$0x3F92]  }
0x31: {  	[smem:$0x3F9B] =	sst s10  }
0x32: {  	s10 =	sld [smem:$0x3F99];
	_ =	sdelay $0x3  }
0x33: {  	p0 =	seq.s32 s10, $0x1;
	s10 =	sld [smem:$0x3F9B];
	_ =	sdelay $0x3  }
0x34: {  	[smem:$0x3F9B] =	sst s10  }
0x35: {  	s10 =	sld [smem:$0x3F9A];
	_ =	sdelay $0x3  }
0x36: {  	p1 =	seq.s32 s10, $0x1;
	s10 =	sld [smem:$0x3F9B];
	_ =	sdelay $0x3  }
0x37: {  	[smem:$0x3F9B] =	sst s10  }
0x38: {  	s10 =	sld [smem:$0x3F9C]  }
0x39: {  	_ = 	snop;
	(pc) =	sbr.ind lr, $3  }
0x3a: {  	_ = 	snop  }
0x3b: {  	_ = 	snop  }
0x3c: {  	p2 =	seq.s32 s10, $0x1;
	s10 =	sld [smem:$0x3F9B]  }
0x3d: {  	_ =	shalt  }
0x3e: {  	_ =	shalt  }
0x3f: {  	_ =	shalt  }
0x40: {  	_ =	shalt  }
0x41: {  	_ =	shalt  }
0x42: {  	_ =	shalt  }
0x43: {  	_ =	shalt  }
0x44: {  	_ =	shalt  }
0x45: {  	_ =	shalt  }
0x46: {  	_ =	shalt  }
0x47: {  	_ =	shalt  }
0x48: {  	_ =	shalt  }
0x49: {  	_ =	shalt  }
0x4a: {  	_ =	shalt  }
0x4b: {  	_ =	shalt  }
0x4c: {  	_ =	shalt  }
0x4d: {  	_ =	shalt  }
0x4e: {  	_ =	shalt  }
0x4f: {  	_ =	shalt  }
0x50: {  	_ =	shalt  }
0x51: {  	_ =	shalt  }
0x52: {  	_ =	shalt  }
0x53: {  	_ =	shalt  }
0x54: {  	_ =	shalt  }
0x55: {  	_ =	shalt  }
0x56: {  	_ =	shalt  }
0x57: {  	_ =	shalt  }
0x58: {  	_ =	shalt  }
0x59: {  	_ =	shalt  }
0x5a: {  	_ =	shalt  }
0x5b: {  	_ =	shalt  }
0x5c: {  	_ =	shalt  }
0x5d: {  	_ =	shalt  }
0x5e: {  	_ =	shalt  }
0x5f: {  	_ =	shalt  }
0x60: {  	_ =	shalt  }
0x61: {  	_ =	shalt  }
0x62: {  	_ =	shalt  }
0x63: {  	_ =	shalt  }
0x64: {  	_ =	shalt  }
0x65: {  	_ =	shalt  }
0x66: {  	_ =	shalt  }
0x67: {  	_ =	shalt  }
0x68: {  	_ =	shalt  }
0x69: {  	_ =	shalt  }
0x6a: {  	_ =	shalt  }
0x6b: {  	_ =	shalt  }
0x6c: {  	_ =	shalt  }
0x6d: {  	_ =	shalt  }
0x6e: {  	_ =	shalt  }
0x6f: {  	_ =	shalt  }
0x70: {  	_ =	shalt  }
0x71: {  	_ =	shalt  }
0x72: {  	_ =	shalt  }
0x73: {  	_ =	shalt  }
0x74: {  	_ =	shalt  }
0x75: {  	_ =	shalt  }
0x76: {  	_ =	shalt  }
0x77: {  	_ =	shalt  }
0x78: {  	_ =	shalt  }
0x79: {  	_ =	shalt  }
0x7a: {  	_ =	shalt  }
0x7b: {  	_ =	shalt  }
0x7c: {  	_ =	shalt  }
0x7d: {  	_ =	shalt  }
0x7e: {  	_ =	shalt  }
0x7f: {  	_ =	shalt  }
0x80: {  	_ =	shalt  }
0x81: {  	_ =	shalt  }
0x82: {  	_ =	shalt  }
0x83: {  	_ =	shalt  }
0x84: {  	_ =	shalt  }
0x85: {  	_ =	shalt  }
0x86: {  	_ =	shalt  }
0x87: {  	_ =	shalt  }
.Lfunc_end0:
.L_simem_size_0:
called_computation.1_lowered:
.L_overlay_start_0:
0x88: {  	s2 =	sld [smem:$0x3FD9]  }
0x89: {  	s3 =	sld [smem:$0x3FFE];
	_ =	sdelay $0x1  }
0x8a: {  	s1 =	srdreg.scid  }
0x8b: {  	s0 =	sand.u32 $0x1, s1  }
0x8c: {  	s17 =	sshll.u32 s0, $0xA;
	s2 =	sadd.s32 s3, s2  }
0x8d: {  	s2 =	sadd.s32 s2, s17  }
0x8e: {  	[smem:$0x3FA7] =	sst s2  }
0x8f: {  	_ = 	snop  }
0x90: {  	s2 =	sld [smem:$0x3FD0];
	(tm) =	ssettm $0x1  }
0x91: {  	s18 =	sld [smem:$0x3FFB];
	_ =	sdelay $0x3  }
0x92: {  	_ =	strace s18  }
0x93: {  	s3 =	sld [smem:$0x3FFC];
	_ =	sdelay $0x3  }
0x94: {  	_ =	strace s3  }
0x95: {  	s3 =	sld [smem:$0x3FFD];
	_ =	sdelay $0x3  }
0x96: {  	_ =	strace s3  }
0x97: {  	_ =	strace $0x8FFFFFFF  }
0x98: {  	s19 =	sld [smem:$0x3FDB];
	_ =	sdelay $0x1  }
0x99: {  	s4 =	simm.s32 $_scs_section_size  }
0x9a: {  	s5 =	simm.s32 $_size__tile_overlayer_lowered;
	s6 =	simm.s32 $_tile_overlayer_lowered  }
0x9b: {  	s22 =	simm.s32 $0x1BFF;
	s21 =	sshll.u32 s6, $0x1;
	s3 =	sadd.s32 s4, s19  }
0x9c: {  	s7 =	simm.s32 $0x0;
	s20 =	sshll.u32 s5, $0x1;
	s5 =	sadd.s32 s21, s3  }
0x9d: {  	[timem:s7], [sflag:s22] =	dma.local [hbm:s5], s20  }
0x9e: {  	_ =	swait.ge [sflag:s22], s20  }
0x9f: {  	s4 =	ssub.s32 $0x0, s20;
	[sflag:s22] =	ssyncset.done $0x0  }
0xa0: {  	[sflag:s22] =	ssyncadd.s32 s4;
	_ =	sdelay $0x1  }
0xa1: {  	s23 =	simm.s32 $0x1B8B  }
0xa2: {  	_ =	swait.ge [sflag:s23], $0x1  }
0xa3: {  	[sflag:s23] =	ssyncset.done $0x0  }
0xa4: {  	s25 =	simm.s32 $0x1B8E;
	s24 =	sld [smem:$0x3FFE];
	[sflag:s23] =	ssyncadd.s32 $0xFFFFFFFF  }
0xa5: {  	s26 =	simm.s32 $execute0_lowered;
	[smem:$0x3FD2] =	sst s25  }
0xa6: {  	s5 =	sshll.u32 s26, $0x1;
	_ =	strace $0x80000049;
	[dreg:$0x1] =	wrdreg $0xFFFFFFFF  }
0xa7: {  	s28 =	simm.s32 $_size_execute0_lowered;
	s3 =	sadd.s32 s3, s5;
	[dreg:$0x0] =	wrdreg $0x0  }
0xa8: {  	s5 =	sshll.u32 s28, $0x1;
	[dreg:$0x2] =	wrdreg s3  }
0xa9: {  	[dreg:$0x3] =	wrdreg s5  }
0xaa: {  	[dreg:$0x4] =	wrdreg $0xC0  }
0xab: {  	_ =	task [dreg:s7], $0x5FFFF  }
0xac: {  	[dreg:$0x1] =	wrdreg $0xFFFFFFFF  }
0xad: {  	[dreg:$0x0] =	wrdreg $0x60  }
0xae: {  	[dreg:$0x2] =	wrdreg s24  }
0xaf: {  	[dreg:$0x3] =	wrdreg s2  }
0xb0: {  	[dreg:$0x4] =	wrdreg $0xA5000  }
0xb1: {  	[dreg:$0x5] =	wrdreg $0x9  }
0xb2: {  	_ =	task.clear_ibuf [dreg:s7], $0x6FFFF;
	_ =	strace $0x90000049  }
0xb3: {  	s29 =	simm.s32 $0x9;
	_ =	strace $0x8000004B  }
0xb4: {  	_ =	swait.ge [sflag:s29], $0x1  }
0xb5: {  	[sflag:s29] =	ssyncadd.s32 $0xFFFFFFFF  }
0xb6: {  	_ =	strace $0x9000004B  }
0xb7: {  	_ =	sfence  }
0xb8: {  	s30 =	sld [smem:$0x0];
	_ =	sdelay $0x2  }
0xb9: {  	s31 =	sshll.u32 s1, $0xD;
	s1 =	sshrl.u32 s1, $0x2  }
0xba: {  	s3 =	sand.u32 $0x4000, s31;
	s1 =	sadd.s32 s1, s30  }
0xbb: {  	s0 =	sor.u32 s3, s0;
	s1 =	sshll.u32 s1, $0x11  }
0xbc: {  	s0 =	sor.u32 s1, s0  }
0xbd: {  	s0 =	sadd.s32 $0x8F2B, s0  }
0xbe: {  	[sflag:s0] =	ssyncadd.remote.s32 $0x1  }
0xbf: {  	_ =	sfence.sel $0xFFFF  }
0xc0: {  	[dreg:$0x0] =	wrdreg $0xFFFFFFFF;
	(pc) =	sbr.abs _section_cstart, $3  }
0xc1: {  	[dreg:$0x1] =	wrdreg $0xFFFFFFFF  }
0xc2: {  	_ =	task.clear_ibuf [dreg:s7], $0x2FFFF;
	_ =	strace $0x9FFFFFFF  }
0xc3: {  	(tm) =	ssettm $0x7FFFFFFF  }
tec
execute0_lowered:
.L_overlay_start_1:
0x0: {  	(tag) =	ssettag $0x1  }
0x1: {  	s0 =	rddreg [dreg:$0x0]  }
0x2: {  	s1 =	srdreg.scid;
	s11 =	rddreg [dreg:$0x1]  }
0x3: {  	s18 =	stileid.u32;
	s2 =	rddreg [dreg:$0x2]  }
0x4: {  	s14 =	simm.s32 $0x1400;
	s15 =	simm.s32 $0x1;
	s16 =	simm.s32 $0x7D  }
0x5: {  	s17 =	simm.s32 $0x2800;
	s22 =	simm.s32 $0x180;
	s23 =	simm.s32 $0x85C0  }
0x6: {  	s21 =	stileid.u32;
	s24 =	simm.s32 $0x2;
	s26 =	simm.s32 $0x0  }
0x7: {  	s1 =	sand.u32 $0x1, s1;
	s3 =	sshll.u32 s18, $0x1;
	s8 =	smul.u32 $0xA000, s18  }
0x8: {  	s7 =	sshll.u32 s18, $0x6;
	p0 =	seq.s32 s18, $0xF;
	s4 =	sor.u32 s1, s3  }
0x9: {  	s3 =	simm.s32 $0x0;
	s6 =	ssub.s32 $0x2, s1;
	s1 =	smul.u32 $0x9C400, s1  }
0xa: {  	s7 =	sor.u32 $0x1C01, s7;
	s5 =	smul.u32 $0x280, s4;
	[smem:$0x7FF] =	sst s3  }
0xb: {  	s4 =	sadd.s32 $0x42A00, s0;
	s28 =	sshrl.u32 s8, $0x3;
	s29 =	sshrl.u32 s6, $0x1  }
0xc: {  	_ =	strace $0x8000004A;
	s12 =	ssub.s32 s6, s29;
	s30 =	sadd.s32 s8, s1  }
0xd: {  	s1 =	sshrl.u32 s1, $0x3;
	s9 =	sadd.s32 s5, s0;
	s0 =	sadd.s32 s28, s0  }
0xe: {  	s5 =	sadd.s32 s8, s2;
	s31 =	sadd.s32 s11, s1;
	s12 =	smax.u32 s12, $0x1  }
0xf: {  	s6 =	sadd.s32 $0x56400, s0;
	s8 =	sadd.s32 $0x16800, s9;
	s0 =	sshrl.u32 s30, $0x3  }
0x10: {  	s9 =	sadd.s32 $0x11800, s9;
	s10 =	sadd.s32 s11, s0;
	s0 =	sadd.s32 $0x96000, s2  }
0x11: {  	s13 =	sshrl.u32 s5, $0x3;
	s11 =	sadd.s32 $0x12C00, s31;
	s25 =	sshrl.u32 @p0 s0, $0x3  }
.LBB2_1:
0x12: {  	[spmem:s13], [sflag:s7] =	dma.local [hbm:s6], $0x1400  }
0x13: {  	[tilespmem:s3], [sflag:$0x1] =	stream.linear.gather [hbm4b:s8+s3], $0x1400, $0x38;
	[tilespmem:$0x14500] =	vst v63  }
0x14: {  	_ = 	snop  }
0x15: {  	[tilespmem:s14], [sflag:$0x1] =	stream.linear.gather [hbm4b:s9+s3], $0x1400, $0x38;
	[tilespmem:$0x14500] =	vst v63  }
0x16: {  	_ =	swait.ge [sflag:s15], $0x1400  }
0x17: {  	[sflag:s15] =	ssyncset.done $0x0  }
0x18: {  	[sflag:s15] =	ssyncadd.s32 $0xFFFFEC00  }
0x19: {  	_ =	swait.ge [sflag:s15], $0x1400  }
0x1a: {  	[sflag:s15] =	ssyncset.done $0x0  }
0x1b: {  	[sflag:s15] =	ssyncadd.s32 $0xFFFFEC00  }
0x1c: {  	_ =	swait.ge [sflag:s15], $0x1400  }
0x1d: {  	[sflag:s15] =	ssyncset.done $0x0  }
0x1e: {  	[sflag:s15] =	ssyncadd.s32 $0xFFFFEC00  }
0x1f: {  	[bflag:$0x0] =	sbarrier.arrive $0xFFFF  }
0x20: {  	[tilespmem:s17], [sflag:$0x1] =	stream.indirect.gather [hbm4b:s4+s16], $0x40, s3, s16, $0xb8;
	[tilespmem:$0x14500] =	vst v63  }
0x21: {  	s0 =	simm.s32 $0x80;
	s1 =	simm.s32 $0x4740  }
0x22: {  	[tilespmem:s1], [sflag:$0x1] =	stream.indirect.gather [hbm4b:s4+s16], $0x40, s0, s16, $0xb8;
	[tilespmem:$0x14500] =	vst v63  }
0x23: {  	s19 =	simm.s32 $0x100;
	s20 =	simm.s32 $0x6680  }
0x24: {  	[tilespmem:s20], [sflag:$0x1] =	stream.indirect.gather [hbm4b:s4+s16], $0x40, s19, s16, $0xb8;
	[tilespmem:$0x14500] =	vst v63  }
0x25: {  	p1 =	por $0x0, $0x0  }
0x26: {  	[tilespmem:s23], [sflag:$0x1] =	stream.indirect.gather [hbm4b:s4+s16], $0x40, s22, s16, $0xb8;
	[tilespmem:$0x14500] =	vst v63  }
0x27: {  	s29 =	simm.s32 $0x1480;
	s0 =	simm.s32 $0x4;
	_ =	swait.ge [sflag:s15], $0x1F40  }
0x28: {  	s18 =	simm.s32 $0x200;
	s0 =	sand.u32 @!p1 $0x3, s0;
	[sflag:s15] =	ssyncset.done $0x0  }
0x29: {  	s31 =	simm.s32 $0x5;
	s0 =	smul.u32 @!p1 $0x7D00, s0;
	[sflag:s15] =	ssyncadd.s32 $0xFFFFE0C0  }
0x2a: {  	[spmem:s2] =	stream.indirect.scatter.add.f32 [tilespmem:s17], [sflag:$0x2], $0x40, s14, s16, $0xb8;
	[tilespmem:$0x14500] =	vst v63  }
0x2b: {  	s28 =	simm.s32 $0x1;
	s30 =	simm.s32 @!p1 $0x7D;
	_ =	swait.ge [sflag:s24], $0x1F40  }
0x2c: {  	s28 =	sand.u32 $0x3, s28;
	s0 =	sshrl.u32 @!p1 s0, $0x2;
	[sflag:s24] =	ssyncset.done $0x0  }
0x2d: {  	s1 =	simm.s32 $0x6;
	s0 =	sadd.s32 @!p1 $0x2800, s0;
	[sflag:s24] =	ssyncadd.s32 $0xFFFFE0C0  }
0x2e: {  	[tilespmem:s0], [sflag:$0x1] =	stream.indirect.gather @!p1 [hbm4b:s4+s30], $0x40, s18, s30, $0xb8;
	[tilespmem:$0x14500] =	vst v63  }
0x2f: {  	s18 =	smul.u32 $0x7D00, s28;
	s30 =	simm.s32 $0x280;
	_ =	swait.ge [sflag:s15], $0x1F40  }
0x30: {  	s0 =	simm.s32 $0x2;
	s28 =	simm.s32 $0x1500;
	[sflag:s15] =	ssyncset.done $0x0  }
.LBB2_2:
0x31: {  	p2 =	sgt.u32 s0, $0x24  }
0x32: {  	s18 =	sshrl.u32 s18, $0x2;
	s19 =	smov.u32 s1;
	s1 =	sadd.s32 $0x1, s1  }
0x33: {  	p1 =	sne.s32 s1, $0x2B;
	s31 =	sand.u32 @!p2 $0x3, s31;
	s18 =	sadd.s32 $0x2800, s18  }
0x34: {  	s20 =	smul.u32 @!p2 $0x7D00, s31;
	[sflag:s15] =	ssyncadd.s32 $0xFFFFE0C0;
	s31 =	smov.u32 s19  }
0x35: {  	[spmem:s2] =	stream.indirect.scatter.add.f32 [tilespmem:s18], [sflag:$0x2], $0x40, s29, s16, $0xb8;
	[tilespmem:$0x14500] =	vst v63  }
0x36: {  	s29 =	smov.u32 s28;
	_ =	swait.ge [sflag:s24], $0x1F40;
	s18 =	sshrl.u32 @!p2 s20, $0x2  }
.Ltmp0:
0x37: {  	[sflag:s24] =	ssyncset.done $0x0;
	s18 =	sadd.s32 @!p2 $0x2800, s18;
	(pc) =	sbr.rel @p1 .LBB2_2-.Ltmp0, $4  }
0x38: {  	s0 =	sand.u32 $0x3, s0;
	s19 =	simm.s32 @!p2 $0x7D;
	[sflag:s24] =	ssyncadd.s32 $0xFFFFE0C0  }
0x39: {  	[tilespmem:s18], [sflag:$0x1] =	stream.indirect.gather @!p2 [hbm4b:s4+s19], $0x40, s30, s19, $0xb8;
	[tilespmem:$0x14500] =	vst v63  }
0x3a: {  	s18 =	smul.u32 $0x7D00, s0;
	s30 =	sadd.s32 $0x80, s30;
	_ =	swait.ge [sflag:s15], $0x1F40  }
0x3b: {  	s28 =	sadd.s32 $0x80, s28;
	s0 =	sadd.s32 $0xFFFFFFFD, s31;
	[sflag:s15] =	ssyncset.done $0x0  }
0x3c: {  	p1 =	sgt.u32 s0, $0x24  }
0x3d: {  	s1 =	sshrl.u32 s18, $0x2;
	s18 =	sand.u32 @!p1 $0x3, s31  }
0x3e: {  	[sflag:s15] =	ssyncadd.s32 $0xFFFFE0C0;
	s1 =	sadd.s32 $0x2800, s1;
	s18 =	smul.u32 @!p1 $0x7D00, s18  }
0x3f: {  	[spmem:s2] =	stream.indirect.scatter.add.f32 [tilespmem:s1], [sflag:$0x2], $0x40, s29, s16, $0xb8;
	[tilespmem:$0x14500] =	vst v63  }
0x40: {  	s31 =	sand.u32 $0x3, s0;
	_ =	swait.ge [sflag:s24], $0x1F40  }
0x41: {  	s0 =	smul.u32 $0x7D00, s31;
	s1 =	sshrl.u32 @!p1 s18, $0x2;
	[sflag:s24] =	ssyncset.done $0x0  }
0x42: {  	s18 =	simm.s32 @!p1 $0x7D;
	s1 =	sadd.s32 @!p1 $0x2800, s1;
	[sflag:s24] =	ssyncadd.s32 $0xFFFFE0C0  }
0x43: {  	[tilespmem:s1], [sflag:$0x1] =	stream.indirect.gather @!p1 [hbm4b:s4+s18], $0x40, s30, s18, $0xb8;
	[tilespmem:$0x14500] =	vst v63  }
0x44: {  	_ =	swait.ge [sflag:s15], $0x1F40  }
0x45: {  	s0 =	sshrl.u32 s0, $0x2;
	[sflag:s15] =	ssyncset.done $0x0  }
0x46: {  	s0 =	sadd.s32 $0x2800, s0;
	[sflag:s15] =	ssyncadd.s32 $0xFFFFE0C0  }
0x47: {  	[spmem:s2] =	stream.indirect.scatter.add.f32 [tilespmem:s0], [sflag:$0x2], $0x40, s28, s16, $0xb8;
	[tilespmem:$0x14500] =	vst v63  }
0x48: {  	_ =	swait.ge [sflag:s24], $0x1F40  }
0x49: {  	[sflag:s24] =	ssyncset.done $0x0  }
0x4a: {  	[sflag:s24] =	ssyncadd.s32 $0xFFFFE0C0  }
0x4b: {  	s0 =	simm.s32 @p0 $0x1FC3;
	[bflag:$0x0] =	sbarrier.arrive $0xFFFF  }
0x4c: {  	[hbm:s11], [sflag:s0] =	dma.local @p0 [spmem:s25], $0xC80  }
0x4d: {  	s0 =	simm.s32 @p0 $0x3  }
0x4e: {  	s26 =	sadd.s32 $0x1, s26;
	_ =	swait.ge @p0 [sflag:s0], $0xC80  }
0x4f: {  	s1 =	sshll.u32 @!p0 s21, $0x6;
	p1 =	sne.s32 s26, s12;
	[sflag:s0] =	ssyncset.done @p0 $0x0  }
0x50: {  	[sflag:s0] =	ssyncadd.s32 @p0 $0xFFFFF380;
	s0 =	sor.u32 @!p0 $0x1C03, s1;
	s1 =	sshrl.u32 @!p0 s5, $0x3  }
0x51: {  	[hbm:s10], [sflag:s0] =	dma.local @!p0 [spmem:s1], $0x1400  }
.Ltmp1:
0x52: {  	_ = 	snop;
	(pc) =	sbr.rel @p1 .LBB2_1-.Ltmp1, $4  }
0x53: {  	s0 =	simm.s32 @!p0 $0x3  }
0x54: {  	_ =	swait.ge @!p0 [sflag:s0], $0x1400  }
0x55: {  	[sflag:s0] =	ssyncset.done @!p0 $0x0  }
0x56: {  	[sflag:s0] =	ssyncadd.s32 @!p0 $0xFFFFEC00  }
0x57: {  	_ =	sfence.sel $0x180000  }
0x58: {  	[bflag:$0x0] =	sbarrier.arrive $0xFFFF  }
0x59: {  	_ =	strace $0x9000004A  }
0x5a: {  	[bflag:$0x2] =	sbarrier.arrive $0xFFFF  }
0x5b: {  	p0 =	sne.s32 s21, $0x0;
	s0 =	rddreg [dreg:$0x3]  }
0x5c: {  	s0 =	sadd.s32 @!p0 $0x100000, s0  }
0x5d: {  	[sflag:s0] =	ssyncadd.tile.s32 @!p0 $0x1;
	_ =	shalt  }
.Lfunc_end2:
_tile_overlayer_lowered:
.L_overlay_start_2:
0x5e: {  	(tag) =	ssettag $0x2  }
0x5f: {  	s0 =	rddreg [dreg:$0x0];
	s2 =	stileid.u32  }
0x60: {  	s1 =	rddreg [dreg:$0x1];
	p0 =	sne.s32 s2, $0x0  }
0x61: {  	s3 =	rddreg [dreg:$0x2];
	[bflag:$0x3] =	sbarrier.arrive $0xFFFF;
	s2 =	simm.s32 @!p0 $0x1C03  }
0x62: {  	[timem:s3], [sflag:s2] =	dma.local @!p0 [hbm:s0], s1  }
0x63: {  	s0 =	simm.s32 @!p0 $0x3  }
0x64: {  	_ =	swait.ge @!p0 [sflag:s0], s1  }
0x65: {  	s1 =	ssub.s32 @!p0 $0x0, s1;
	[sflag:s0] =	ssyncset.done @!p0 $0x0  }
0x66: {  	[sflag:s0] =	ssyncadd.s32 @!p0 s1  }
0x67: {  	[bflag:$0x3] =	sbarrier.arrive $0xFFFF  }
0x68: {  	_ =	shalt  }

// kernel: kernel.27.cloned.1.call-start
scs
__scs_entry_jumppad:
0x0: {  	(pc) =	sbr.rel $0x88, $3  }
0x1: {  	(tag) =	ssettag $0x0;
	lr =	simm.s32 $0x1  }
0x2: {  	[smem:$0x3F80] =	sst lr;
	_ =	strace $0xD0000000  }
0x3: {  	_ = 	snop  }
0x4: {  	_ = 	snop  }
0x5: {  	_ = 	snop  }
0x6: {  	_ = 	snop  }
0x7: {  	_ = 	snop  }
__scs_overlays_trampoline_lowered:
0x8: {  	[smem:$0x3F8F] =	sst s0  }
0x9: {  	[smem:$0x3F90] =	sst s1  }
0xa: {  	[smem:$0x3F91] =	sst s2  }
0xb: {  	[smem:$0x3F92] =	sst s3  }
0xc: {  	[smem:$0x3F93] =	sst s4  }
0xd: {  	[smem:$0x3F94] =	sst s5  }
0xe: {  	[smem:$0x3F95] =	sst s6  }
0xf: {  	[smem:$0x3F96] =	sst s7  }
0x10: {  	[smem:$0x3F97] =	sst s8  }
0x11: {  	[smem:$0x3F98] =	sst s9;
	s0 =	simm.s32 @!p0 $0x0  }
0x12: {  	s1 =	sld [smem:$0x3F7E];
	s0 =	simm.s32 @p0 $0x1  }
0x13: {  	[smem:$0x3F99] =	sst s0;
	s0 =	simm.s32 @!p1 $0x0  }
0x14: {  	s2 =	sld [smem:$0x3F7D];
	s0 =	simm.s32 @p1 $0x1  }
0x15: {  	[smem:$0x3F9A] =	sst s0;
	s0 =	simm.s32 @!p2 $0x0  }
0x16: {  	s3 =	sld [smem:$0x3FDB];
	s0 =	simm.s32 @p2 $0x1  }
0x17: {  	s4 =	simm.s32 $0x1BF5;
	[smem:$0x3F9C] =	sst s0  }
0x18: {  	s0 =	sld [smem:$0x3F7F];
	_ =	swait.ge [sflag:s4], $0x0  }
0x19: {  	s7 =	sld [smem:$0x3F80]  }
0x1a: {  	s8 =	sadd.s32 $0xFFFFE003, lr  }
0x1b: {  	s9 =	sadd.s32 $0xFFFFFEF7, lr;
	s5 =	simm.s32 $0xFFFFFFFF;
	p2 =	slt.u32 s8, $0xFFFFF086  }
0x1c: {  	p1 =	slt.u32 s9, $0xF7A;
	s5 =	simm.s32 @!p2 $0x0  }
0x1d: {  	s5 =	simm.s32 @p1 $0x1;
	p0 =	seq.s32 s7, s2  }
0x1e: {  	s7 =	smul.u32 @!p0 $0xF7A, s2;
	p2 =	seq.s32 @!p0 s5, $0x0  }
0x1f: {  	s9 =	smul.u32 $0xF7A, s1;
	s8 =	simm.s32 @!p0 $0x1BF5;
	p2 =	por !p2, p0  }
0x20: {  	[sflag:s8] =	ssyncset.s32 @!p0 $0xFFFFF086;
	s6 =	sadd.s32 @!p0 s3, s7;
	s7 =	simm.s32 @!p0 $0x108  }
0x21: {  	s3 =	sadd.s32 s3, s9;
	s6 =	sadd.s32 @!p0 $0x88, s6;
	s7 =	simm.s32 @p2 $0x1082  }
0x22: {  	[simem:s7], [sflag:s8] =	dma.local @!p0 [hbm:s6], $0xF7A  }
0x23: {  	s9 =	sor.u32 $0xD0000000, s2;
	s6 =	simm.s32 $0x108;
	_ =	swait.ge @!p0 [sflag:s8], $0x0  }
0x24: {  	s3 =	sadd.s32 $0x88, s3;
	s6 =	simm.s32 @!p1 $0x1082;
	[sflag:s4] =	ssyncset.s32 $0xFFFFF086  }
0x25: {  	[simem:s6], [sflag:s4] =	dma.local [hbm:s3], $0xF7A  }
0x26: {  	[smem:$0x3F80] =	sst s1;
	(tag) =	ssettag s2;
	_ =	strace s9  }
0x27: {  	s1 =	sld [smem:$0x3F90]  }
0x28: {  	s2 =	sld [smem:$0x3F91]  }
0x29: {  	s4 =	sld [smem:$0x3F93]  }
0x2a: {  	p0 =	seq.s32 s5, $0x0;
	s5 =	sld [smem:$0x3F94]  }
0x2b: {  	s6 =	sld [smem:$0x3F95]  }
0x2c: {  	s7 =	sld [smem:$0x3F96]  }
0x2d: {  	s3 =	simm.s32 $0x108;
	s8 =	sld [smem:$0x3F97]  }
0x2e: {  	s3 =	simm.s32 @!p0 $0x1082;
	s9 =	sld [smem:$0x3F98]  }
0x2f: {  	lr =	sadd.s32 s0, s3;
	s0 =	sld [smem:$0x3F8F]  }
0x30: {  	s3 =	sld [smem:$0x3F92]  }
0x31: {  	[smem:$0x3F9B] =	sst s10  }
0x32: {  	s10 =	sld [smem:$0x3F99];
	_ =	sdelay $0x3  }
0x33: {  	p0 =	seq.s32 s10, $0x1;
	s10 =	sld [smem:$0x3F9B];
	_ =	sdelay $0x3  }
0x34: {  	[smem:$0x3F9B] =	sst s10  }
0x35: {  	s10 =	sld [smem:$0x3F9A];
	_ =	sdelay $0x3  }
0x36: {  	p1 =	seq.s32 s10, $0x1;
	s10 =	sld [smem:$0x3F9B];
	_ =	sdelay $0x3  }
0x37: {  	[smem:$0x3F9B] =	sst s10  }
0x38: {  	s10 =	sld [smem:$0x3F9C]  }
0x39: {  	_ = 	snop;
	(pc) =	sbr.ind lr, $3  }
0x3a: {  	_ = 	snop  }
0x3b: {  	_ = 	snop  }
0x3c: {  	p2 =	seq.s32 s10, $0x1;
	s10 =	sld [smem:$0x3F9B]  }
0x3d: {  	_ =	shalt  }
0x3e: {  	_ =	shalt  }
0x3f: {  	_ =	shalt  }
0x40: {  	_ =	shalt  }
0x41: {  	_ =	shalt  }
0x42: {  	_ =	shalt  }
0x43: {  	_ =	shalt  }
0x44: {  	_ =	shalt  }
0x45: {  	_ =	shalt  }
0x46: {  	_ =	shalt  }
0x47: {  	_ =	shalt  }
0x48: {  	_ =	shalt  }
0x49: {  	_ =	shalt  }
0x4a: {  	_ =	shalt  }
0x4b: {  	_ =	shalt  }
0x4c: {  	_ =	shalt  }
0x4d: {  	_ =	shalt  }
0x4e: {  	_ =	shalt  }
0x4f: {  	_ =	shalt  }
0x50: {  	_ =	shalt  }
0x51: {  	_ =	shalt  }
0x52: {  	_ =	shalt  }
0x53: {  	_ =	shalt  }
0x54: {  	_ =	shalt  }
0x55: {  	_ =	shalt  }
0x56: {  	_ =	shalt  }
0x57: {  	_ =	shalt  }
0x58: {  	_ =	shalt  }
0x59: {  	_ =	shalt  }
0x5a: {  	_ =	shalt  }
0x5b: {  	_ =	shalt  }
0x5c: {  	_ =	shalt  }
0x5d: {  	_ =	shalt  }
0x5e: {  	_ =	shalt  }
0x5f: {  	_ =	shalt  }
0x60: {  	_ =	shalt  }
0x61: {  	_ =	shalt  }
0x62: {  	_ =	shalt  }
0x63: {  	_ =	shalt  }
0x64: {  	_ =	shalt  }
0x65: {  	_ =	shalt  }
0x66: {  	_ =	shalt  }
0x67: {  	_ =	shalt  }
0x68: {  	_ =	shalt  }
0x69: {  	_ =	shalt  }
0x6a: {  	_ =	shalt  }
0x6b: {  	_ =	shalt  }
0x6c: {  	_ =	shalt  }
0x6d: {  	_ =	shalt  }
0x6e: {  	_ =	shalt  }
0x6f: {  	_ =	shalt  }
0x70: {  	_ =	shalt  }
0x71: {  	_ =	shalt  }
0x72: {  	_ =	shalt  }
0x73: {  	_ =	shalt  }
0x74: {  	_ =	shalt  }
0x75: {  	_ =	shalt  }
0x76: {  	_ =	shalt  }
0x77: {  	_ =	shalt  }
0x78: {  	_ =	shalt  }
0x79: {  	_ =	shalt  }
0x7a: {  	_ =	shalt  }
0x7b: {  	_ =	shalt  }
0x7c: {  	_ =	shalt  }
0x7d: {  	_ =	shalt  }
0x7e: {  	_ =	shalt  }
0x7f: {  	_ =	shalt  }
0x80: {  	_ =	shalt  }
0x81: {  	_ =	shalt  }
0x82: {  	_ =	shalt  }
0x83: {  	_ =	shalt  }
0x84: {  	_ =	shalt  }
0x85: {  	_ =	shalt  }
0x86: {  	_ =	shalt  }
0x87: {  	_ =	shalt  }
.Lfunc_end0:
.L_simem_size_0:
called_computation.2_lowered:
.L_overlay_start_0:
0x88: {  	s2 =	sld [smem:$0x3FD9]  }
0x89: {  	s3 =	sld [smem:$0x3FFE];
	_ =	sdelay $0x1  }
0x8a: {  	s1 =	srdreg.scid  }
0x8b: {  	s0 =	sand.u32 $0x1, s1  }
0x8c: {  	s16 =	sshll.u32 s0, $0xA;
	s2 =	sadd.s32 s3, s2  }
0x8d: {  	s2 =	sadd.s32 s2, s16  }
0x8e: {  	[smem:$0x3FA7] =	sst s2  }
0x8f: {  	_ = 	snop  }
0x90: {  	(tm) =	ssettm $0x1  }
0x91: {  	s17 =	sld [smem:$0x3FFB];
	_ =	sdelay $0x3  }
0x92: {  	_ =	strace s17  }
0x93: {  	s2 =	sld [smem:$0x3FFC];
	_ =	sdelay $0x3  }
0x94: {  	_ =	strace s2  }
0x95: {  	s2 =	sld [smem:$0x3FFD];
	_ =	sdelay $0x3  }
0x96: {  	_ =	strace s2  }
0x97: {  	_ =	strace $0x8FFFFFFF  }
0x98: {  	s18 =	sld [smem:$0x3FDB];
	_ =	sdelay $0x1  }
0x99: {  	s19 =	simm.s32 $_scs_section_size  }
0x9a: {  	s4 =	simm.s32 $_size__tile_overlayer_lowered;
	s5 =	simm.s32 $_tile_overlayer_lowered  }
0x9b: {  	s22 =	simm.s32 $0x1BFF;
	s21 =	sshll.u32 s5, $0x1;
	s2 =	sadd.s32 s19, s18  }
0x9c: {  	s6 =	simm.s32 $0x0;
	s20 =	sshll.u32 s4, $0x1;
	s4 =	sadd.s32 s21, s2  }
0x9d: {  	[timem:s6], [sflag:s22] =	dma.local [hbm:s4], s20  }
0x9e: {  	_ =	swait.ge [sflag:s22], s20  }
0x9f: {  	s3 =	ssub.s32 $0x0, s20;
	[sflag:s22] =	ssyncset.done $0x0  }
0xa0: {  	[sflag:s22] =	ssyncadd.s32 s3;
	_ =	sdelay $0x1  }
0xa1: {  	s23 =	simm.s32 $0x1B8B  }
0xa2: {  	_ =	swait.ge [sflag:s23], $0x1  }
0xa3: {  	[sflag:s23] =	ssyncset.done $0x0  }
0xa4: {  	s25 =	simm.s32 $0x1B8E;
	s24 =	sld [smem:$0x3FFE];
	[sflag:s23] =	ssyncadd.s32 $0xFFFFFFFF  }
0xa5: {  	s26 =	simm.s32 $execute0_lowered;
	[smem:$0x3FD2] =	sst s25  }
0xa6: {  	s4 =	sshll.u32 s26, $0x1;
	_ =	strace $0x8000004C;
	[dreg:$0x1] =	wrdreg $0xFFFFFFFF  }
0xa7: {  	s28 =	simm.s32 $_size_execute0_lowered;
	s2 =	sadd.s32 s2, s4;
	[dreg:$0x0] =	wrdreg $0x0  }
0xa8: {  	s4 =	sshll.u32 s28, $0x1;
	[dreg:$0x2] =	wrdreg s2  }
0xa9: {  	[dreg:$0x3] =	wrdreg s4  }
0xaa: {  	[dreg:$0x4] =	wrdreg $0xC0  }
0xab: {  	_ =	task [dreg:s6], $0x5FFFF  }
0xac: {  	[dreg:$0x1] =	wrdreg $0xFFFFFFFF  }
0xad: {  	[dreg:$0x0] =	wrdreg $0x60  }
0xae: {  	[dreg:$0x2] =	wrdreg s24  }
0xaf: {  	[dreg:$0x3] =	wrdreg $0xA8000  }
0xb0: {  	[dreg:$0x4] =	wrdreg $0x9  }
0xb1: {  	_ =	task.clear_ibuf [dreg:s6], $0x5FFFF;
	_ =	strace $0x9000004C  }
0xb2: {  	s29 =	simm.s32 $0x9;
	_ =	strace $0x8000004E  }
0xb3: {  	_ =	swait.ge [sflag:s29], $0x1  }
0xb4: {  	[sflag:s29] =	ssyncadd.s32 $0xFFFFFFFF  }
0xb5: {  	_ =	strace $0x9000004E  }
0xb6: {  	_ =	sfence  }
0xb7: {  	s30 =	sld [smem:$0x0];
	_ =	sdelay $0x2  }
0xb8: {  	s31 =	sshll.u32 s1, $0xD;
	s1 =	sshrl.u32 s1, $0x2  }
0xb9: {  	s3 =	sand.u32 $0x4000, s31;
	s1 =	sadd.s32 s1, s30  }
0xba: {  	s0 =	sor.u32 s3, s0;
	s1 =	sshll.u32 s1, $0x11  }
0xbb: {  	s0 =	sor.u32 s1, s0  }
0xbc: {  	s0 =	sadd.s32 $0x8F2B, s0  }
0xbd: {  	[sflag:s0] =	ssyncadd.remote.s32 $0x1  }
0xbe: {  	_ =	sfence.sel $0xFFFF  }
0xbf: {  	[dreg:$0x0] =	wrdreg $0xFFFFFFFF;
	(pc) =	sbr.abs _section_cstart, $3  }
0xc0: {  	[dreg:$0x1] =	wrdreg $0xFFFFFFFF  }
0xc1: {  	_ =	task.clear_ibuf [dreg:s6], $0x2FFFF;
	_ =	strace $0x9FFFFFFF  }
0xc2: {  	(tm) =	ssettm $0x7FFFFFFF  }
0xc3: {  	_ =	shalt  }
tec
execute0_lowered:
.L_overlay_start_1:
0x0: {  	(tag) =	ssettag $0x1  }
0x1: {  	s1 =	srdreg.scid  }
0x2: {  	s0 =	stileid.u32;
	s5 =	rddreg [dreg:$0x0]  }
0x3: {  	s2 =	rddreg [dreg:$0x1];
	s3 =	simm.s32 $0x0;
	s14 =	simm.s32 $0x1  }
0x4: {  	s15 =	simm.s32 $0x7D;
	s16 =	simm.s32 $0x2800;
	s17 =	simm.s32 $0x2  }
0x5: {  	s21 =	simm.s32 $0x0;
	s6 =	sand.u32 $0x1, s1;
	s1 =	rddreg [dreg:$0x2]  }
0x6: {  	s25 =	sshll.u32 s0, $0x1;
	[smem:$0x7FF] =	sst s3;
	s8 =	smul.u32 $0x14000, s0  }
0x7: {  	s10 =	smul.u32 $0x50000, s0;
	s11 =	sadd.s32 $0x91C00, s5;
	s29 =	sshll.u32 s0, $0x6  }
0x8: {  	s18 =	sadd.s32 $0x12C000, s2;
	p0 =	seq.s32 s0, $0xF;
	s4 =	sor.u32 s6, s25  }
0x9: {  	_ =	strace $0x8000004D;
	s28 =	ssub.s32 $0x2, s6;
	s13 =	smul.u32 $0x138800, s6  }
0xa: {  	s6 =	sor.u32 $0x1C01, s29;
	s18 =	sshrl.u32 @p0 s18, $0x3;
	s19 =	sshll.u32 @!p0 s0, $0x6  }
0xb: {  	s7 =	smul.u32 $0x280, s4;
	s4 =	sadd.s32 $0x42A00, s5;
	s26 =	sshrl.u32 s8, $0x3  }
0xc: {  	s12 =	sshrl.u32 s28, $0x1;
	s10 =	sshrl.u32 s10, $0x2;
	s19 =	sor.u32 @!p0 $0x1C03, s19  }
0xd: {  	s12 =	ssub.s32 s28, s12;
	s20 =	sadd.s32 s10, s2;
	s8 =	sadd.s32 s8, s13  }
.Ltmp0:
0xe: {  	s13 =	sshrl.u32 s13, $0x3;
	s9 =	sadd.s32 s7, s5;
	(pc) =	sbr.rel .LBB2_1-.Ltmp0, $4  }
0xf: {  	s7 =	sadd.s32 s26, s5;
	s30 =	sshrl.u32 s8, $0x3;
	s31 =	sadd.s32 s11, s13  }
0x10: {  	s13 =	simm.s32 $0x1400;
	s5 =	sadd.s32 $0x69C00, s7;
	s7 =	sadd.s32 $0xC800, s9  }
0x11: {  	s8 =	sadd.s32 $0x7800, s9;
	s9 =	sadd.s32 s11, s30;
	s10 =	sadd.s32 $0x25800, s31  }
0x12: {  	s11 =	smax.u32 s12, $0x1;
	s12 =	sshrl.u32 s20, $0x3;
	s20 =	sshrl.u32 @!p0 s20, $0x3  }
.LBB2_5:
0x13: {  	_ =	swait.ge [sflag:s17], $0x3E80  }
0x14: {  	[sflag:s17] =	ssyncset.done $0x0  }
0x15: {  	[sflag:s17] =	ssyncadd.s32 $0xFFFFC180  }
0x16: {  	s22 =	simm.s32 @p0 $0x1FC3;
	[bflag:$0x0] =	sbarrier.arrive $0xFFFF  }
0x17: {  	[hbm:s10], [sflag:s22] =	dma.local @p0 [spmem:s18], $0x1900  }
0x18: {  	s22 =	simm.s32 @p0 $0x3  }
0x19: {  	s21 =	sadd.s32 $0x1, s21;
	_ =	swait.ge @p0 [sflag:s22], $0x1900  }
0x1a: {  	p1 =	sne.s32 s21, s11;
	[sflag:s22] =	ssyncset.done @p0 $0x0  }
.Ltmp1:
0x1b: {  	[sflag:s22] =	ssyncadd.s32 @p0 $0xFFFFE700;
	s22 =	simm.s32 @!p0 $0x3;
	(pc) =	sbr.rel @!p1 .LBB2_6-.Ltmp1, $4  }
0x1c: {  	[hbm:s9], [sflag:s19] =	dma.local @!p0 [spmem:s20], $0x2800  }
0x1d: {  	_ =	swait.ge @!p0 [sflag:s22], $0x2800  }
0x1e: {  	[sflag:s22] =	ssyncset.done @!p0 $0x0  }
0x1f: {  	[sflag:s22] =	ssyncadd.s32 @!p0 $0xFFFFD800  }
.LBB2_1:
0x20: {  	[spmem:s12], [sflag:s6] =	dma.local [hbm:s5], $0x2800  }
0x21: {  	[tilespmem:s3], [sflag:$0x1] =	stream.linear.gather [hbm4b:s7+s3], $0x1400, $0x38;
	[tilespmem:$0x1E800] =	vst v63  }
0x22: {  	_ = 	snop  }
0x23: {  	[tilespmem:s13], [sflag:$0x1] =	stream.linear.gather [hbm4b:s8+s3], $0x1400, $0x38;
	[tilespmem:$0x1E800] =	vst v63  }
0x24: {  	_ =	swait.ge [sflag:s14], $0x2800  }
0x25: {  	[sflag:s14] =	ssyncset.done $0x0  }
0x26: {  	[sflag:s14] =	ssyncadd.s32 $0xFFFFD800  }
0x27: {  	_ =	swait.ge [sflag:s14], $0x1400  }
0x28: {  	[sflag:s14] =	ssyncset.done $0x0  }
0x29: {  	[sflag:s14] =	ssyncadd.s32 $0xFFFFEC00  }
.Ltmp2:
0x2a: {  	_ =	swait.ge [sflag:s14], $0x1400;
	(pc) =	sbr.rel .LBB2_2-.Ltmp2, $4  }
0x2b: {  	[sflag:s14] =	ssyncset.done $0x0  }
0x2c: {  	[sflag:s14] =	ssyncadd.s32 $0xFFFFEC00  }
0x2d: {  	s22 =	simm.s32 $0x0;
	[bflag:$0x0] =	sbarrier.arrive $0xFFFF  }
0x2e: {  	[tilespmem:s16], [sflag:$0x1] =	stream.indirect.gather [hbm4b:s4+s15], $0x80, s3, s15, $0xb8;
	[tilespmem:$0x1E800] =	vst v63  }
.LBB2_4:
0x2f: {  	s24 =	sshll.u32 s22, $0xE;
	p1 =	slt.u32 s23, $0x28  }
.Ltmp3:
0x30: {  	_ =	swait.ge [sflag:s14], $0x3E80;
	s31 =	sshll.u32 s22, $0x7;
	(pc) =	sbr.rel @!p1 .LBB2_5-.Ltmp3, $4  }
0x31: {  	s24 =	sand.u32 $0x4000, s24;
	[sflag:s14] =	ssyncset.done $0x0;
	s22 =	sand.u32 $0x3FFFFF80, s31  }
0x32: {  	s24 =	sor.u32 $0x2800, s24;
	[sflag:s14] =	ssyncadd.s32 $0xFFFFC180;
	s22 =	sadd.s32 $0x1400, s22  }
0x33: {  	[spmem:s2] =	stream.indirect.scatter.add.f32 [tilespmem:s24], [sflag:$0x2], $0x80, s22, s15, $0xb8;
	[tilespmem:$0x1E800] =	vst v63  }
0x34: {  	s22 =	smov.u32 s23  }
.LBB2_2:
0x35: {  	p1 =	seq.s32 s22, $0x0  }
0x36: {  	p2 =	seq.s32 @!p1 s22, $0x27  }
0x37: {  	p2 =	por p1, !p2  }
.Ltmp4:
0x38: {  	_ = 	snop;
	(pc) =	sbr.rel @!p2 .LBB2_4-.Ltmp4, $4  }
0x39: {  	s23 =	simm.s32 @!p1 $0x2  }
0x3a: {  	_ =	swait.ge @!p1 [sflag:s23], $0x3E80  }
0x3b: {  	[sflag:s23] =	ssyncset.done @!p1 $0x0  }
0x3c: {  	[sflag:s23] =	ssyncadd.s32 @!p1 $0xFFFFC180;
	s23 =	simm.s32 @!p1 $0x28  }
0x3d: {  	s23 =	sadd.s32 @!p1 $0x1, s22  }
.Ltmp5:
0x3e: {  	s23 =	simm.s32 @p1 $0x1;
	(pc) =	sbr.rel .LBB2_4-.Ltmp5, $4  }
0x3f: {  	s24 =	sshll.u32 s23, $0xE  }
0x40: {  	s25 =	sshll.u32 s23, $0x7;
	s24 =	sand.u32 $0x4000, s24  }
0x41: {  	s25 =	sand.u32 $0x3FFFFF80, s25;
	s24 =	sor.u32 $0x2800, s24  }
0x42: {  	[tilespmem:s24], [sflag:$0x1] =	stream.indirect.gather [hbm4b:s4+s15], $0x80, s25, s15, $0xb8;
	[tilespmem:$0x1E800] =	vst v63  }
.LBB2_6:
0x43: {  	_ =	sfence.sel $0x180000  }
0x44: {  	[bflag:$0x0] =	sbarrier.arrive $0xFFFF  }
0x45: {  	p0 =	sne.s32 s0, $0x0;
	_ =	strace $0x9000004D  }
0x46: {  	s0 =	sadd.s32 @!p0 $0x100000, s1;
	[bflag:$0x2] =	sbarrier.arrive $0xFFFF  }
0x47: {  	[sflag:s0] =	ssyncadd.tile.s32 @!p0 $0x1;
	_ =	shalt  }
.Lfunc_end2:
_tile_overlayer_lowered:
.L_overlay_start_2:
0x48: {  	(tag) =	ssettag $0x2  }
0x49: {  	s0 =	rddreg [dreg:$0x0];
	s2 =	stileid.u32  }
0x4a: {  	s1 =	rddreg [dreg:$0x1];
	p0 =	sne.s32 s2, $0x0  }
0x4b: {  	s3 =	rddreg [dreg:$0x2];
	[bflag:$0x3] =	sbarrier.arrive $0xFFFF;
	s2 =	simm.s32 @!p0 $0x1C03  }
0x4c: {  	[timem:s3], [sflag:s2] =	dma.local @!p0 [hbm:s0], s1  }
0x4d: {  	s0 =	simm.s32 @!p0 $0x3  }
0x4e: {  	_ =	swait.ge @!p0 [sflag:s0], s1  }
0x4f: {  	s1 =	ssub.s32 @!p0 $0x0, s1;
	[sflag:s0] =	ssyncset.done @!p0 $0x0  }
0x50: {  	[sflag:s0] =	ssyncadd.s32 @!p0 s1  }
0x51: {  	[bflag:$0x3] =	sbarrier.arrive $0xFFFF  }
0x52: {  	_ =	shalt  }

// kernel: kernel.30.cloned.1.call-start
scs
__scs_entry_jumppad:
0x0: {  	(pc) =	sbr.rel $0x88, $3  }
0x1: {  	(tag) =	ssettag $0x0;
	lr =	simm.s32 $0x1  }
0x2: {  	[smem:$0x3F80] =	sst lr;
	_ =	strace $0xD0000000  }
0x3: {  	_ = 	snop  }
0x4: {  	_ = 	snop  }
0x5: {  	_ = 	snop  }
0x6: {  	_ = 	snop  }
0x7: {  	_ = 	snop  }
__scs_overlays_trampoline_lowered:
0x8: {  	[smem:$0x3F8F] =	sst s0  }
0x9: {  	[smem:$0x3F90] =	sst s1  }
0xa: {  	[smem:$0x3F91] =	sst s2  }
0xb: {  	[smem:$0x3F92] =	sst s3  }
0xc: {  	[smem:$0x3F93] =	sst s4  }
0xd: {  	[smem:$0x3F94] =	sst s5  }
0xe: {  	[smem:$0x3F95] =	sst s6  }
0xf: {  	[smem:$0x3F96] =	sst s7  }
0x10: {  	[smem:$0x3F97] =	sst s8  }
0x11: {  	[smem:$0x3F98] =	sst s9;
	s0 =	simm.s32 @!p0 $0x0  }
0x12: {  	s1 =	sld [smem:$0x3F7E];
	s0 =	simm.s32 @p0 $0x1  }
0x13: {  	[smem:$0x3F99] =	sst s0;
	s0 =	simm.s32 @!p1 $0x0  }
0x14: {  	s2 =	sld [smem:$0x3F7D];
	s0 =	simm.s32 @p1 $0x1  }
0x15: {  	[smem:$0x3F9A] =	sst s0;
	s0 =	simm.s32 @!p2 $0x0  }
0x16: {  	s3 =	sld [smem:$0x3FDB];
	s0 =	simm.s32 @p2 $0x1  }
0x17: {  	s4 =	simm.s32 $0x1BF5;
	[smem:$0x3F9C] =	sst s0  }
0x18: {  	s0 =	sld [smem:$0x3F7F];
	_ =	swait.ge [sflag:s4], $0x0  }
0x19: {  	s7 =	sld [smem:$0x3F80]  }
0x1a: {  	s8 =	sadd.s32 $0xFFFFE003, lr  }
0x1b: {  	s9 =	sadd.s32 $0xFFFFFEF7, lr;
	s5 =	simm.s32 $0xFFFFFFFF;
	p2 =	slt.u32 s8, $0xFFFFF086  }
0x1c: {  	p1 =	slt.u32 s9, $0xF7A;
	s5 =	simm.s32 @!p2 $0x0  }
0x1d: {  	s5 =	simm.s32 @p1 $0x1;
	p0 =	seq.s32 s7, s2  }
0x1e: {  	s7 =	smul.u32 @!p0 $0xF7A, s2;
	p2 =	seq.s32 @!p0 s5, $0x0  }
0x1f: {  	s9 =	smul.u32 $0xF7A, s1;
	s8 =	simm.s32 @!p0 $0x1BF5;
	p2 =	por !p2, p0  }
0x20: {  	[sflag:s8] =	ssyncset.s32 @!p0 $0xFFFFF086;
	s6 =	sadd.s32 @!p0 s3, s7;
	s7 =	simm.s32 @!p0 $0x108  }
0x21: {  	s3 =	sadd.s32 s3, s9;
	s6 =	sadd.s32 @!p0 $0x88, s6;
	s7 =	simm.s32 @p2 $0x1082  }
0x22: {  	[simem:s7], [sflag:s8] =	dma.local @!p0 [hbm:s6], $0xF7A  }
0x23: {  	s9 =	sor.u32 $0xD0000000, s2;
	s6 =	simm.s32 $0x108;
	_ =	swait.ge @!p0 [sflag:s8], $0x0  }
0x24: {  	s3 =	sadd.s32 $0x88, s3;
	s6 =	simm.s32 @!p1 $0x1082;
	[sflag:s4] =	ssyncset.s32 $0xFFFFF086  }
0x25: {  	[simem:s6], [sflag:s4] =	dma.local [hbm:s3], $0xF7A  }
0x26: {  	[smem:$0x3F80] =	sst s1;
	(tag) =	ssettag s2;
	_ =	strace s9  }
0x27: {  	s1 =	sld [smem:$0x3F90]  }
0x28: {  	s2 =	sld [smem:$0x3F91]  }
0x29: {  	s4 =	sld [smem:$0x3F93]  }
0x2a: {  	p0 =	seq.s32 s5, $0x0;
	s5 =	sld [smem:$0x3F94]  }
0x2b: {  	s6 =	sld [smem:$0x3F95]  }
0x2c: {  	s7 =	sld [smem:$0x3F96]  }
0x2d: {  	s3 =	simm.s32 $0x108;
	s8 =	sld [smem:$0x3F97]  }
0x2e: {  	s3 =	simm.s32 @!p0 $0x1082;
	s9 =	sld [smem:$0x3F98]  }
0x2f: {  	lr =	sadd.s32 s0, s3;
	s0 =	sld [smem:$0x3F8F]  }
0x30: {  	s3 =	sld [smem:$0x3F92]  }
0x31: {  	[smem:$0x3F9B] =	sst s10  }
0x32: {  	s10 =	sld [smem:$0x3F99];
	_ =	sdelay $0x3  }
0x33: {  	p0 =	seq.s32 s10, $0x1;
	s10 =	sld [smem:$0x3F9B];
	_ =	sdelay $0x3  }
0x34: {  	[smem:$0x3F9B] =	sst s10  }
0x35: {  	s10 =	sld [smem:$0x3F9A];
	_ =	sdelay $0x3  }
0x36: {  	p1 =	seq.s32 s10, $0x1;
	s10 =	sld [smem:$0x3F9B];
	_ =	sdelay $0x3  }
0x37: {  	[smem:$0x3F9B] =	sst s10  }
0x38: {  	s10 =	sld [smem:$0x3F9C]  }
0x39: {  	_ = 	snop;
	(pc) =	sbr.ind lr, $3  }
0x3a: {  	_ = 	snop  }
0x3b: {  	_ = 	snop  }
0x3c: {  	p2 =	seq.s32 s10, $0x1;
	s10 =	sld [smem:$0x3F9B]  }
0x3d: {  	_ =	shalt  }
0x3e: {  	_ =	shalt  }
0x3f: {  	_ =	shalt  }
0x40: {  	_ =	shalt  }
0x41: {  	_ =	shalt  }
0x42: {  	_ =	shalt  }
0x43: {  	_ =	shalt  }
0x44: {  	_ =	shalt  }
0x45: {  	_ =	shalt  }
0x46: {  	_ =	shalt  }
0x47: {  	_ =	shalt  }
0x48: {  	_ =	shalt  }
0x49: {  	_ =	shalt  }
0x4a: {  	_ =	shalt  }
0x4b: {  	_ =	shalt  }
0x4c: {  	_ =	shalt  }
0x4d: {  	_ =	shalt  }
0x4e: {  	_ =	shalt  }
0x4f: {  	_ =	shalt  }
0x50: {  	_ =	shalt  }
0x51: {  	_ =	shalt  }
0x52: {  	_ =	shalt  }
0x53: {  	_ =	shalt  }
0x54: {  	_ =	shalt  }
0x55: {  	_ =	shalt  }
0x56: {  	_ =	shalt  }
0x57: {  	_ =	shalt  }
0x58: {  	_ =	shalt  }
0x59: {  	_ =	shalt  }
0x5a: {  	_ =	shalt  }
0x5b: {  	_ =	shalt  }
0x5c: {  	_ =	shalt  }
0x5d: {  	_ =	shalt  }
0x5e: {  	_ =	shalt  }
0x5f: {  	_ =	shalt  }
0x60: {  	_ =	shalt  }
0x61: {  	_ =	shalt  }
0x62: {  	_ =	shalt  }
0x63: {  	_ =	shalt  }
0x64: {  	_ =	shalt  }
0x65: {  	_ =	shalt  }
0x66: {  	_ =	shalt  }
0x67: {  	_ =	shalt  }
0x68: {  	_ =	shalt  }
0x69: {  	_ =	shalt  }
0x6a: {  	_ =	shalt  }
0x6b: {  	_ =	shalt  }
0x6c: {  	_ =	shalt  }
0x6d: {  	_ =	shalt  }
0x6e: {  	_ =	shalt  }
0x6f: {  	_ =	shalt  }
0x70: {  	_ =	shalt  }
0x71: {  	_ =	shalt  }
0x72: {  	_ =	shalt  }
0x73: {  	_ =	shalt  }
0x74: {  	_ =	shalt  }
0x75: {  	_ =	shalt  }
0x76: {  	_ =	shalt  }
0x77: {  	_ =	shalt  }
0x78: {  	_ =	shalt  }
0x79: {  	_ =	shalt  }
0x7a: {  	_ =	shalt  }
0x7b: {  	_ =	shalt  }
0x7c: {  	_ =	shalt  }
0x7d: {  	_ =	shalt  }
0x7e: {  	_ =	shalt  }
0x7f: {  	_ =	shalt  }
0x80: {  	_ =	shalt  }
0x81: {  	_ =	shalt  }
0x82: {  	_ =	shalt  }
0x83: {  	_ =	shalt  }
0x84: {  	_ =	shalt  }
0x85: {  	_ =	shalt  }
0x86: {  	_ =	shalt  }
0x87: {  	_ =	shalt  }
.Lfunc_end0:
.L_simem_size_0:
called_computation.3_lowered:
.L_overlay_start_0:
0x88: {  	s2 =	sld [smem:$0x3FD9]  }
0x89: {  	s3 =	sld [smem:$0x3FFE];
	_ =	sdelay $0x1  }
0x8a: {  	s1 =	srdreg.scid  }
0x8b: {  	s0 =	sand.u32 $0x1, s1  }
0x8c: {  	s16 =	sshll.u32 s0, $0xA;
	s2 =	sadd.s32 s3, s2  }
0x8d: {  	s2 =	sadd.s32 s2, s16  }
0x8e: {  	[smem:$0x3FA7] =	sst s2  }
0x8f: {  	_ = 	snop  }
0x90: {  	(tm) =	ssettm $0x1  }
0x91: {  	s17 =	sld [smem:$0x3FFB];
	_ =	sdelay $0x3  }
0x92: {  	_ =	strace s17  }
0x93: {  	s2 =	sld [smem:$0x3FFC];
	_ =	sdelay $0x3  }
0x94: {  	_ =	strace s2  }
0x95: {  	s2 =	sld [smem:$0x3FFD];
	_ =	sdelay $0x3  }
0x96: {  	_ =	strace s2  }
0x97: {  	_ =	strace $0x8FFFFFFF  }
0x98: {  	s18 =	sld [smem:$0x3FDB];
	_ =	sdelay $0x1  }
0x99: {  	s19 =	simm.s32 $_scs_section_size  }
0x9a: {  	s4 =	simm.s32 $_size__tile_overlayer_lowered;
	s5 =	simm.s32 $_tile_overlayer_lowered  }
0x9b: {  	s22 =	simm.s32 $0x1BFF;
	s21 =	sshll.u32 s5, $0x1;
	s2 =	sadd.s32 s19, s18  }
0x9c: {  	s6 =	simm.s32 $0x0;
	s20 =	sshll.u32 s4, $0x1;
	s4 =	sadd.s32 s21, s2  }
0x9d: {  	[timem:s6], [sflag:s22] =	dma.local [hbm:s4], s20  }
0x9e: {  	_ =	swait.ge [sflag:s22], s20  }
0x9f: {  	s3 =	ssub.s32 $0x0, s20;
	[sflag:s22] =	ssyncset.done $0x0  }
0xa0: {  	[sflag:s22] =	ssyncadd.s32 s3;
	_ =	sdelay $0x1  }
0xa1: {  	s23 =	simm.s32 $0x1B8B  }
0xa2: {  	_ =	swait.ge [sflag:s23], $0x1  }
0xa3: {  	[sflag:s23] =	ssyncset.done $0x0  }
0xa4: {  	s25 =	simm.s32 $0x1B8E;
	s24 =	sld [smem:$0x3FFE];
	[sflag:s23] =	ssyncadd.s32 $0xFFFFFFFF  }
0xa5: {  	s26 =	simm.s32 $execute0_lowered;
	[smem:$0x3FD2] =	sst s25  }
0xa6: {  	s4 =	sshll.u32 s26, $0x1;
	_ =	strace $0x8000004F;
	[dreg:$0x1] =	wrdreg $0xFFFFFFFF  }
0xa7: {  	s28 =	simm.s32 $_size_execute0_lowered;
	s2 =	sadd.s32 s2, s4;
	[dreg:$0x0] =	wrdreg $0x0  }
0xa8: {  	s4 =	sshll.u32 s28, $0x1;
	[dreg:$0x2] =	wrdreg s2  }
0xa9: {  	[dreg:$0x3] =	wrdreg s4  }
0xaa: {  	[dreg:$0x4] =	wrdreg $0xC0  }
0xab: {  	_ =	task [dreg:s6], $0x5FFFF  }
0xac: {  	[dreg:$0x1] =	wrdreg $0xFFFFFFFF  }
0xad: {  	[dreg:$0x0] =	wrdreg $0x60  }
0xae: {  	[dreg:$0x2] =	wrdreg s24  }
0xaf: {  	[dreg:$0x3] =	wrdreg $0xA8000  }
0xb0: {  	[dreg:$0x4] =	wrdreg $0x9  }
0xb1: {  	_ =	task.clear_ibuf [dreg:s6], $0x5FFFF;
	_ =	strace $0x9000004F  }
0xb2: {  	s29 =	simm.s32 $0x9;
	_ =	strace $0x80000051  }
0xb3: {  	_ =	swait.ge [sflag:s29], $0x1  }
0xb4: {  	[sflag:s29] =	ssyncadd.s32 $0xFFFFFFFF  }
0xb5: {  	_ =	strace $0x90000051  }
0xb6: {  	_ =	sfence  }
0xb7: {  	s30 =	sld [smem:$0x0];
	_ =	sdelay $0x2  }
0xb8: {  	s31 =	sshll.u32 s1, $0xD;
	s1 =	sshrl.u32 s1, $0x2  }
0xb9: {  	s3 =	sand.u32 $0x4000, s31;
	s1 =	sadd.s32 s1, s30  }
0xba: {  	s0 =	sor.u32 s3, s0;
	s1 =	sshll.u32 s1, $0x11  }
0xbb: {  	s0 =	sor.u32 s1, s0  }
0xbc: {  	s0 =	sadd.s32 $0x8F2B, s0  }
0xbd: {  	[sflag:s0] =	ssyncadd.remote.s32 $0x1  }
0xbe: {  	_ =	sfence.sel $0xFFFF  }
0xbf: {  	[dreg:$0x0] =	wrdreg $0xFFFFFFFF;
	(pc) =	sbr.abs _section_cstart, $3  }
0xc0: {  	[dreg:$0x1] =	wrdreg $0xFFFFFFFF  }
0xc1: {  	_ =	task.clear_ibuf [dreg:s6], $0x2FFFF;
	_ =	strace $0x9FFFFFFF  }
0xc2: {  	(tm) =	ssettm $0x7FFFFFFF  }
0xc3: {  	_ =	shalt  }
tec
execute0_lowered:
.L_overlay_start_1:
0x0: {  	(tag) =	ssettag $0x1  }
0x1: {  	s1 =	srdreg.scid  }
0x2: {  	s0 =	stileid.u32;
	s5 =	rddreg [dreg:$0x0]  }
0x3: {  	s2 =	rddreg [dreg:$0x1];
	s3 =	simm.s32 $0x0;
	s14 =	simm.s32 $0x1  }
0x4: {  	s15 =	simm.s32 $0x7D;
	s16 =	simm.s32 $0x2800;
	s17 =	simm.s32 $0x2  }
0x5: {  	s21 =	simm.s32 $0x0;
	s6 =	sand.u32 $0x1, s1;
	s1 =	rddreg [dreg:$0x2]  }
0x6: {  	s25 =	sshll.u32 s0, $0x1;
	[smem:$0x7FF] =	sst s3;
	s8 =	smul.u32 $0x14000, s0  }
0x7: {  	s10 =	smul.u32 $0x50000, s0;
	s11 =	sadd.s32 $0x91C00, s5;
	s29 =	sshll.u32 s0, $0x6  }
0x8: {  	s18 =	sadd.s32 $0x12C000, s2;
	p0 =	seq.s32 s0, $0xF;
	s4 =	sor.u32 s6, s25  }
0x9: {  	_ =	strace $0x80000050;
	s28 =	ssub.s32 $0x2, s6;
	s13 =	smul.u32 $0x138800, s6  }
0xa: {  	s6 =	sor.u32 $0x1C01, s29;
	s18 =	sshrl.u32 @p0 s18, $0x3;
	s19 =	sshll.u32 @!p0 s0, $0x6  }
0xb: {  	s7 =	smul.u32 $0x280, s4;
	s4 =	sadd.s32 $0x42A00, s5;
	s26 =	sshrl.u32 s8, $0x3  }
0xc: {  	s12 =	sshrl.u32 s28, $0x1;
	s10 =	sshrl.u32 s10, $0x2;
	s19 =	sor.u32 @!p0 $0x1C03, s19  }
0xd: {  	s12 =	ssub.s32 s28, s12;
	s20 =	sadd.s32 s10, s2;
	s8 =	sadd.s32 s8, s13  }
.Ltmp0:
0xe: {  	s13 =	sshrl.u32 s13, $0x3;
	s9 =	sadd.s32 s7, s5;
	(pc) =	sbr.rel .LBB2_1-.Ltmp0, $4  }
0xf: {  	s7 =	sadd.s32 s26, s5;
	s30 =	sshrl.u32 s8, $0x3;
	s31 =	sadd.s32 s11, s13  }
0x10: {  	s13 =	simm.s32 $0x1400;
	s5 =	sadd.s32 $0x69C00, s7;
	s7 =	sadd.s32 $0xC800, s9  }
0x11: {  	s8 =	sadd.s32 $0x7800, s9;
	s9 =	sadd.s32 s11, s30;
	s10 =	sadd.s32 $0x25800, s31  }
0x12: {  	s11 =	smax.u32 s12, $0x1;
	s12 =	sshrl.u32 s20, $0x3;
	s20 =	sshrl.u32 @!p0 s20, $0x3  }
.LBB2_5:
0x13: {  	_ =	swait.ge [sflag:s17], $0x3E80  }
0x14: {  	[sflag:s17] =	ssyncset.done $0x0  }
0x15: {  	[sflag:s17] =	ssyncadd.s32 $0xFFFFC180  }
0x16: {  	s22 =	simm.s32 @p0 $0x1FC3;
	[bflag:$0x0] =	sbarrier.arrive $0xFFFF  }
0x17: {  	[hbm:s10], [sflag:s22] =	dma.local @p0 [spmem:s18], $0x1900  }
0x18: {  	s22 =	simm.s32 @p0 $0x3  }
0x19: {  	s21 =	sadd.s32 $0x1, s21;
	_ =	swait.ge @p0 [sflag:s22], $0x1900  }
0x1a: {  	p1 =	sne.s32 s21, s11;
	[sflag:s22] =	ssyncset.done @p0 $0x0  }
.Ltmp1:
0x1b: {  	[sflag:s22] =	ssyncadd.s32 @p0 $0xFFFFE700;
	s22 =	simm.s32 @!p0 $0x3;
	(pc) =	sbr.rel @!p1 .LBB2_6-.Ltmp1, $4  }
0x1c: {  	[hbm:s9], [sflag:s19] =	dma.local @!p0 [spmem:s20], $0x2800  }
0x1d: {  	_ =	swait.ge @!p0 [sflag:s22], $0x2800  }
0x1e: {  	[sflag:s22] =	ssyncset.done @!p0 $0x0  }
0x1f: {  	[sflag:s22] =	ssyncadd.s32 @!p0 $0xFFFFD800  }
.LBB2_1:
0x20: {  	[spmem:s12], [sflag:s6] =	dma.local [hbm:s5], $0x2800  }
0x21: {  	[tilespmem:s3], [sflag:$0x1] =	stream.linear.gather [hbm4b:s7+s3], $0x1400, $0x38;
	[tilespmem:$0x1E800] =	vst v63  }
0x22: {  	_ = 	snop  }
0x23: {  	[tilespmem:s13], [sflag:$0x1] =	stream.linear.gather [hbm4b:s8+s3], $0x1400, $0x38;
	[tilespmem:$0x1E800] =	vst v63  }
0x24: {  	_ =	swait.ge [sflag:s14], $0x2800  }
0x25: {  	[sflag:s14] =	ssyncset.done $0x0  }
0x26: {  	[sflag:s14] =	ssyncadd.s32 $0xFFFFD800  }
0x27: {  	_ =	swait.ge [sflag:s14], $0x1400  }
0x28: {  	[sflag:s14] =	ssyncset.done $0x0  }
0x29: {  	[sflag:s14] =	ssyncadd.s32 $0xFFFFEC00  }
.Ltmp2:
0x2a: {  	_ =	swait.ge [sflag:s14], $0x1400;
	(pc) =	sbr.rel .LBB2_2-.Ltmp2, $4  }
0x2b: {  	[sflag:s14] =	ssyncset.done $0x0  }
0x2c: {  	[sflag:s14] =	ssyncadd.s32 $0xFFFFEC00  }
0x2d: {  	s22 =	simm.s32 $0x0;
	[bflag:$0x0] =	sbarrier.arrive $0xFFFF  }
0x2e: {  	[tilespmem:s16], [sflag:$0x1] =	stream.indirect.gather [hbm4b:s4+s15], $0x80, s3, s15, $0xb8;
	[tilespmem:$0x1E800] =	vst v63  }
.LBB2_4:
0x2f: {  	s24 =	sshll.u32 s22, $0xE;
	p1 =	slt.u32 s23, $0x28  }
.Ltmp3:
0x30: {  	_ =	swait.ge [sflag:s14], $0x3E80;
	s31 =	sshll.u32 s22, $0x7;
	(pc) =	sbr.rel @!p1 .LBB2_5-.Ltmp3, $4  }
0x31: {  	s24 =	sand.u32 $0x4000, s24;
	[sflag:s14] =	ssyncset.done $0x0;
	s22 =	sand.u32 $0x3FFFFF80, s31  }
0x32: {  	s24 =	sor.u32 $0x2800, s24;
	[sflag:s14] =	ssyncadd.s32 $0xFFFFC180;
	s22 =	sadd.s32 $0x1400, s22  }
0x33: {  	[spmem:s2] =	stream.indirect.scatter.add.f32 [tilespmem:s24], [sflag:$0x2], $0x80, s22, s15, $0xb8;
	[tilespmem:$0x1E800] =	vst v63  }
0x34: {  	s22 =	smov.u32 s23  }
.LBB2_2:
0x35: {  	p1 =	seq.s32 s22, $0x0  }
0x36: {  	p2 =	seq.s32 @!p1 s22, $0x27  }
0x37: {  	p2 =	por p1, !p2  }
.Ltmp4:
0x38: {  	_ = 	snop;
	(pc) =	sbr.rel @!p2 .LBB2_4-.Ltmp4, $4  }
0x39: {  	s23 =	simm.s32 @!p1 $0x2  }
0x3a: {  	_ =	swait.ge @!p1 [sflag:s23], $0x3E80  }
0x3b: {  	[sflag:s23] =	ssyncset.done @!p1 $0x0  }
0x3c: {  	[sflag:s23] =	ssyncadd.s32 @!p1 $0xFFFFC180;
	s23 =	simm.s32 @!p1 $0x28  }
0x3d: {  	s23 =	sadd.s32 @!p1 $0x1, s22  }
.Ltmp5:
0x3e: {  	s23 =	simm.s32 @p1 $0x1;
	(pc) =	sbr.rel .LBB2_4-.Ltmp5, $4  }
0x3f: {  	s24 =	sshll.u32 s23, $0xE  }
0x40: {  	s25 =	sshll.u32 s23, $0x7;
	s24 =	sand.u32 $0x4000, s24  }
0x41: {  	s25 =	sand.u32 $0x3FFFFF80, s25;
	s24 =	sor.u32 $0x2800, s24  }
0x42: {  	[tilespmem:s24], [sflag:$0x1] =	stream.indirect.gather [hbm4b:s4+s15], $0x80, s25, s15, $0xb8;
	[tilespmem:$0x1E800] =	vst v63  }
.LBB2_6:
0x43: {  	_ =	sfence.sel $0x180000  }
0x44: {  	[bflag:$0x0] =	sbarrier.arrive $0xFFFF  }
0x45: {  	p0 =	sne.s32 s0, $0x0;
	_ =	strace $0x90000050  }
0x46: {  	s0 =	sadd.s32 @!p0 $0x100000, s1;
	[bflag:$0x2] =	sbarrier.arrive $0xFFFF  }
0x47: {  	[sflag:s0] =	ssyncadd.tile.s32 @!p0 $0x1;
	_ =	shalt  }
.Lfunc_end2:
_tile_overlayer_lowered:
.L_overlay_start_2:
0x48: {  	(tag) =	ssettag $0x2  }
0x49: {  	s0 =	rddreg [dreg:$0x0];
	s2 =	stileid.u32  }
0x4a: {  	s1 =	rddreg [dreg:$0x1];
	p0 =	sne.s32 s2, $0x0  }
0x4b: {  	s3 =	rddreg [dreg:$0x2];
	[bflag:$0x3] =	sbarrier.arrive $0xFFFF;
	s2 =	simm.s32 @!p0 $0x1C03  }
0x4c: {  	[timem:s3], [sflag:s2] =	dma.local @!p0 [hbm:s0], s1  }
0x4d: {  	s0 =	simm.s32 @!p0 $0x3  }
0x4e: {  	_ =	swait.ge @!p0 [sflag:s0], s1  }
0x4f: {  	s1 =	ssub.s32 @!p0 $0x0, s1;
	[sflag:s0] =	ssyncset.done @!p0 $0x0  }
0x50: {  	[sflag:s0] =	ssyncadd.s32 @!p0 s1  }
0x51: {  	[bflag:$0x3] =	sbarrier.arrive $0xFFFF  }
0x52: {  	_ =	shalt  }

// kernel: kernel.33.cloned.1.call-start
scs
__scs_entry_jumppad:
0x0: {  	(pc) =	sbr.rel $0x88, $3  }
0x1: {  	(tag) =	ssettag $0x0;
	lr =	simm.s32 $0x1  }
0x2: {  	[smem:$0x3F80] =	sst lr;
	_ =	strace $0xD0000000  }
0x3: {  	_ = 	snop  }
0x4: {  	_ = 	snop  }
0x5: {  	_ = 	snop  }
0x6: {  	_ = 	snop  }
0x7: {  	_ = 	snop  }
__scs_overlays_trampoline_lowered:
0x8: {  	[smem:$0x3F8F] =	sst s0  }
0x9: {  	[smem:$0x3F90] =	sst s1  }
0xa: {  	[smem:$0x3F91] =	sst s2  }
0xb: {  	[smem:$0x3F92] =	sst s3  }
0xc: {  	[smem:$0x3F93] =	sst s4  }
0xd: {  	[smem:$0x3F94] =	sst s5  }
0xe: {  	[smem:$0x3F95] =	sst s6  }
0xf: {  	[smem:$0x3F96] =	sst s7  }
0x10: {  	[smem:$0x3F97] =	sst s8  }
0x11: {  	[smem:$0x3F98] =	sst s9;
	s0 =	simm.s32 @!p0 $0x0  }
0x12: {  	s1 =	sld [smem:$0x3F7E];
	s0 =	simm.s32 @p0 $0x1  }
0x13: {  	[smem:$0x3F99] =	sst s0;
	s0 =	simm.s32 @!p1 $0x0  }
0x14: {  	s2 =	sld [smem:$0x3F7D];
	s0 =	simm.s32 @p1 $0x1  }
0x15: {  	[smem:$0x3F9A] =	sst s0;
	s0 =	simm.s32 @!p2 $0x0  }
0x16: {  	s3 =	sld [smem:$0x3FDB];
	s0 =	simm.s32 @p2 $0x1  }
0x17: {  	s4 =	simm.s32 $0x1BF5;
	[smem:$0x3F9C] =	sst s0  }
0x18: {  	s0 =	sld [smem:$0x3F7F];
	_ =	swait.ge [sflag:s4], $0x0  }
0x19: {  	s7 =	sld [smem:$0x3F80]  }
0x1a: {  	s8 =	sadd.s32 $0xFFFFE003, lr  }
0x1b: {  	s9 =	sadd.s32 $0xFFFFFEF7, lr;
	s5 =	simm.s32 $0xFFFFFFFF;
	p2 =	slt.u32 s8, $0xFFFFF086  }
0x1c: {  	p1 =	slt.u32 s9, $0xF7A;
	s5 =	simm.s32 @!p2 $0x0  }
0x1d: {  	s5 =	simm.s32 @p1 $0x1;
	p0 =	seq.s32 s7, s2  }
0x1e: {  	s7 =	smul.u32 @!p0 $0xF7A, s2;
	p2 =	seq.s32 @!p0 s5, $0x0  }
0x1f: {  	s9 =	smul.u32 $0xF7A, s1;
	s8 =	simm.s32 @!p0 $0x1BF5;
	p2 =	por !p2, p0  }
0x20: {  	[sflag:s8] =	ssyncset.s32 @!p0 $0xFFFFF086;
	s6 =	sadd.s32 @!p0 s3, s7;
	s7 =	simm.s32 @!p0 $0x108  }
0x21: {  	s3 =	sadd.s32 s3, s9;
	s6 =	sadd.s32 @!p0 $0x88, s6;
	s7 =	simm.s32 @p2 $0x1082  }
0x22: {  	[simem:s7], [sflag:s8] =	dma.local @!p0 [hbm:s6], $0xF7A  }
0x23: {  	s9 =	sor.u32 $0xD0000000, s2;
	s6 =	simm.s32 $0x108;
	_ =	swait.ge @!p0 [sflag:s8], $0x0  }
0x24: {  	s3 =	sadd.s32 $0x88, s3;
	s6 =	simm.s32 @!p1 $0x1082;
	[sflag:s4] =	ssyncset.s32 $0xFFFFF086  }
0x25: {  	[simem:s6], [sflag:s4] =	dma.local [hbm:s3], $0xF7A  }
0x26: {  	[smem:$0x3F80] =	sst s1;
	(tag) =	ssettag s2;
	_ =	strace s9  }
0x27: {  	s1 =	sld [smem:$0x3F90]  }
0x28: {  	s2 =	sld [smem:$0x3F91]  }
0x29: {  	s4 =	sld [smem:$0x3F93]  }
0x2a: {  	p0 =	seq.s32 s5, $0x0;
	s5 =	sld [smem:$0x3F94]  }
0x2b: {  	s6 =	sld [smem:$0x3F95]  }
0x2c: {  	s7 =	sld [smem:$0x3F96]  }
0x2d: {  	s3 =	simm.s32 $0x108;
	s8 =	sld [smem:$0x3F97]  }
0x2e: {  	s3 =	simm.s32 @!p0 $0x1082;
	s9 =	sld [smem:$0x3F98]  }
0x2f: {  	lr =	sadd.s32 s0, s3;
	s0 =	sld [smem:$0x3F8F]  }
0x30: {  	s3 =	sld [smem:$0x3F92]  }
0x31: {  	[smem:$0x3F9B] =	sst s10  }
0x32: {  	s10 =	sld [smem:$0x3F99];
	_ =	sdelay $0x3  }
0x33: {  	p0 =	seq.s32 s10, $0x1;
	s10 =	sld [smem:$0x3F9B];
	_ =	sdelay $0x3  }
0x34: {  	[smem:$0x3F9B] =	sst s10  }
0x35: {  	s10 =	sld [smem:$0x3F9A];
	_ =	sdelay $0x3  }
0x36: {  	p1 =	seq.s32 s10, $0x1;
	s10 =	sld [smem:$0x3F9B];
	_ =	sdelay $0x3  }
0x37: {  	[smem:$0x3F9B] =	sst s10  }
0x38: {  	s10 =	sld [smem:$0x3F9C]  }
0x39: {  	_ = 	snop;
	(pc) =	sbr.ind lr, $3  }
0x3a: {  	_ = 	snop  }
0x3b: {  	_ = 	snop  }
0x3c: {  	p2 =	seq.s32 s10, $0x1;
	s10 =	sld [smem:$0x3F9B]  }
0x3d: {  	_ =	shalt  }
0x3e: {  	_ =	shalt  }
0x3f: {  	_ =	shalt  }
0x40: {  	_ =	shalt  }
0x41: {  	_ =	shalt  }
0x42: {  	_ =	shalt  }
0x43: {  	_ =	shalt  }
0x44: {  	_ =	shalt  }
0x45: {  	_ =	shalt  }
0x46: {  	_ =	shalt  }
0x47: {  	_ =	shalt  }
0x48: {  	_ =	shalt  }
0x49: {  	_ =	shalt  }
0x4a: {  	_ =	shalt  }
0x4b: {  	_ =	shalt  }
0x4c: {  	_ =	shalt  }
0x4d: {  	_ =	shalt  }
0x4e: {  	_ =	shalt  }
0x4f: {  	_ =	shalt  }
0x50: {  	_ =	shalt  }
0x51: {  	_ =	shalt  }
0x52: {  	_ =	shalt  }
0x53: {  	_ =	shalt  }
0x54: {  	_ =	shalt  }
0x55: {  	_ =	shalt  }
0x56: {  	_ =	shalt  }
0x57: {  	_ =	shalt  }
0x58: {  	_ =	shalt  }
0x59: {  	_ =	shalt  }
0x5a: {  	_ =	shalt  }
0x5b: {  	_ =	shalt  }
0x5c: {  	_ =	shalt  }
0x5d: {  	_ =	shalt  }
0x5e: {  	_ =	shalt  }
0x5f: {  	_ =	shalt  }
0x60: {  	_ =	shalt  }
0x61: {  	_ =	shalt  }
0x62: {  	_ =	shalt  }
0x63: {  	_ =	shalt  }
0x64: {  	_ =	shalt  }
0x65: {  	_ =	shalt  }
0x66: {  	_ =	shalt  }
0x67: {  	_ =	shalt  }
0x68: {  	_ =	shalt  }
0x69: {  	_ =	shalt  }
0x6a: {  	_ =	shalt  }
0x6b: {  	_ =	shalt  }
0x6c: {  	_ =	shalt  }
0x6d: {  	_ =	shalt  }
0x6e: {  	_ =	shalt  }
0x6f: {  	_ =	shalt  }
0x70: {  	_ =	shalt  }
0x71: {  	_ =	shalt  }
0x72: {  	_ =	shalt  }
0x73: {  	_ =	shalt  }
0x74: {  	_ =	shalt  }
0x75: {  	_ =	shalt  }
0x76: {  	_ =	shalt  }
0x77: {  	_ =	shalt  }
0x78: {  	_ =	shalt  }
0x79: {  	_ =	shalt  }
0x7a: {  	_ =	shalt  }
0x7b: {  	_ =	shalt  }
0x7c: {  	_ =	shalt  }
0x7d: {  	_ =	shalt  }
0x7e: {  	_ =	shalt  }
0x7f: {  	_ =	shalt  }
0x80: {  	_ =	shalt  }
0x81: {  	_ =	shalt  }
0x82: {  	_ =	shalt  }
0x83: {  	_ =	shalt  }
0x84: {  	_ =	shalt  }
0x85: {  	_ =	shalt  }
0x86: {  	_ =	shalt  }
0x87: {  	_ =	shalt  }
.Lfunc_end0:
.L_simem_size_0:
called_computation.4_lowered:
.L_overlay_start_0:
0x88: {  	s2 =	sld [smem:$0x3FD9]  }
0x89: {  	s3 =	sld [smem:$0x3FFE];
	_ =	sdelay $0x1  }
0x8a: {  	s1 =	srdreg.scid  }
0x8b: {  	s0 =	sand.u32 $0x1, s1  }
0x8c: {  	s16 =	sshll.u32 s0, $0xA;
	s2 =	sadd.s32 s3, s2  }
0x8d: {  	s2 =	sadd.s32 s2, s16  }
0x8e: {  	[smem:$0x3FA7] =	sst s2  }
0x8f: {  	_ = 	snop  }
0x90: {  	(tm) =	ssettm $0x1  }
0x91: {  	s17 =	sld [smem:$0x3FFB];
	_ =	sdelay $0x3  }
0x92: {  	_ =	strace s17  }
0x93: {  	s2 =	sld [smem:$0x3FFC];
	_ =	sdelay $0x3  }
0x94: {  	_ =	strace s2  }
0x95: {  	s2 =	sld [smem:$0x3FFD];
	_ =	sdelay $0x3  }
0x96: {  	_ =	strace s2  }
0x97: {  	_ =	strace $0x8FFFFFFF  }
0x98: {  	s18 =	sld [smem:$0x3FDB];
	_ =	sdelay $0x1  }
0x99: {  	s19 =	simm.s32 $_scs_section_size  }
0x9a: {  	s4 =	simm.s32 $_size__tile_overlayer_lowered;
	s5 =	simm.s32 $_tile_overlayer_lowered  }
0x9b: {  	s22 =	simm.s32 $0x1BFF;
	s21 =	sshll.u32 s5, $0x1;
	s2 =	sadd.s32 s19, s18  }
0x9c: {  	s6 =	simm.s32 $0x0;
	s20 =	sshll.u32 s4, $0x1;
	s4 =	sadd.s32 s21, s2  }
0x9d: {  	[timem:s6], [sflag:s22] =	dma.local [hbm:s4], s20  }
0x9e: {  	_ =	swait.ge [sflag:s22], s20  }
0x9f: {  	s3 =	ssub.s32 $0x0, s20;
	[sflag:s22] =	ssyncset.done $0x0  }
0xa0: {  	[sflag:s22] =	ssyncadd.s32 s3;
	_ =	sdelay $0x1  }
0xa1: {  	s23 =	simm.s32 $0x1B8B  }
0xa2: {  	_ =	swait.ge [sflag:s23], $0x1  }
0xa3: {  	[sflag:s23] =	ssyncset.done $0x0  }
0xa4: {  	s25 =	simm.s32 $0x1B8E;
	s24 =	sld [smem:$0x3FFE];
	[sflag:s23] =	ssyncadd.s32 $0xFFFFFFFF  }
0xa5: {  	s26 =	simm.s32 $execute0_lowered;
	[smem:$0x3FD2] =	sst s25  }
0xa6: {  	s4 =	sshll.u32 s26, $0x1;
	_ =	strace $0x80000052;
	[dreg:$0x1] =	wrdreg $0xFFFFFFFF  }
0xa7: {  	s28 =	simm.s32 $_size_execute0_lowered;
	s2 =	sadd.s32 s2, s4;
	[dreg:$0x0] =	wrdreg $0x0  }
0xa8: {  	s4 =	sshll.u32 s28, $0x1;
	[dreg:$0x2] =	wrdreg s2  }
0xa9: {  	[dreg:$0x3] =	wrdreg s4  }
0xaa: {  	[dreg:$0x4] =	wrdreg $0xC0  }
0xab: {  	_ =	task [dreg:s6], $0x5FFFF  }
0xac: {  	[dreg:$0x1] =	wrdreg $0xFFFFFFFF  }
0xad: {  	[dreg:$0x0] =	wrdreg $0x60  }
0xae: {  	[dreg:$0x2] =	wrdreg s24  }
0xaf: {  	[dreg:$0x3] =	wrdreg $0xE3800  }
0xb0: {  	[dreg:$0x4] =	wrdreg $0x9  }
0xb1: {  	_ =	task.clear_ibuf [dreg:s6], $0x5FFFF;
	_ =	strace $0x90000052  }
0xb2: {  	s29 =	simm.s32 $0x9;
	_ =	strace $0x80000054  }
0xb3: {  	_ =	swait.ge [sflag:s29], $0x1  }
0xb4: {  	[sflag:s29] =	ssyncadd.s32 $0xFFFFFFFF  }
0xb5: {  	_ =	strace $0x90000054  }
0xb6: {  	_ =	sfence  }
0xb7: {  	s30 =	sld [smem:$0x0];
	_ =	sdelay $0x2  }
0xb8: {  	s31 =	sshll.u32 s1, $0xD;
	s1 =	sshrl.u32 s1, $0x2  }
0xb9: {  	s3 =	sand.u32 $0x4000, s31;
	s1 =	sadd.s32 s1, s30  }
0xba: {  	s0 =	sor.u32 s3, s0;
	s1 =	sshll.u32 s1, $0x11  }
0xbb: {  	s0 =	sor.u32 s1, s0  }
0xbc: {  	s0 =	sadd.s32 $0x8F2B, s0  }
0xbd: {  	[sflag:s0] =	ssyncadd.remote.s32 $0x1  }
0xbe: {  	_ =	sfence.sel $0xFFFF  }
0xbf: {  	[dreg:$0x0] =	wrdreg $0xFFFFFFFF;
	(pc) =	sbr.abs _section_cstart, $3  }
0xc0: {  	[dreg:$0x1] =	wrdreg $0xFFFFFFFF  }
0xc1: {  	_ =	task.clear_ibuf [dreg:s6], $0x2FFFF;
	_ =	strace $0x9FFFFFFF  }
0xc2: {  	(tm) =	ssettm $0x7FFFFFFF  }
0xc3: {  	_ =	shalt  }
tec
execute0_lowered:
.L_overlay_start_1:
0x0: {  	(tag) =	ssettag $0x1  }
0x1: {  	s0 =	rddreg [dreg:$0x0]  }
0x2: {  	s2 =	rddreg [dreg:$0x1]  }
0x3: {  	s1 =	srdreg.scid;
	s18 =	stileid.u32;
	s3 =	simm.s32 $0x0  }
0x4: {  	s14 =	simm.s32 $0x1400;
	s15 =	simm.s32 $0x1;
	s16 =	simm.s32 $0x7D  }
0x5: {  	s17 =	simm.s32 $0x2800;
	s22 =	simm.s32 $0x180;
	s23 =	simm.s32 $0xB4A0  }
0x6: {  	s21 =	stileid.u32;
	s24 =	simm.s32 $0x2;
	s26 =	simm.s32 $0x0  }
0x7: {  	s1 =	sand.u32 $0x1, s1;
	s4 =	sshll.u32 s18, $0x1;
	s8 =	smul.u32 $0xF000, s18  }
0x8: {  	[smem:$0x7FF] =	sst s3;
	s31 =	sshll.u32 s18, $0x6;
	p0 =	seq.s32 s18, $0xF  }
0x9: {  	s4 =	sor.u32 s1, s4;
	s30 =	ssub.s32 $0x2, s1;
	s1 =	smul.u32 $0xEA600, s1  }
0xa: {  	_ =	strace $0x80000053;
	s5 =	smul.u32 $0x280, s4;
	s6 =	sshrl.u32 s8, $0x3  }
0xb: {  	s4 =	sadd.s32 $0x42A00, s0;
	s7 =	sshrl.u32 s30, $0x1;
	s6 =	sadd.s32 s6, s0  }
0xc: {  	s12 =	ssub.s32 s30, s7;
	s7 =	sor.u32 $0x1C01, s31;
	s10 =	sadd.s32 s8, s1  }
0xd: {  	s1 =	sshrl.u32 s1, $0x3;
	s9 =	sadd.s32 s5, s0;
	s0 =	sadd.s32 $0x7E000, s0  }
0xe: {  	s5 =	sadd.s32 s8, s2;
	s6 =	sadd.s32 $0x60000, s6;
	s10 =	sshrl.u32 s10, $0x3  }
0xf: {  	s12 =	smax.u32 s12, $0x1;
	s10 =	sadd.s32 s0, s10;
	s0 =	sadd.s32 s0, s1  }
0x10: {  	s8 =	sadd.s32 $0x16800, s9;
	s11 =	sadd.s32 $0x1C200, s0;
	s0 =	sadd.s32 $0xE1000, s2  }
0x11: {  	s9 =	sadd.s32 $0x11800, s9;
	s13 =	sshrl.u32 s5, $0x3;
	s25 =	sshrl.u32 @p0 s0, $0x3  }
.LBB2_1:
0x12: {  	[spmem:s13], [sflag:s7] =	dma.local [hbm:s6], $0x1E00  }
0x13: {  	[tilespmem:s3], [sflag:$0x1] =	stream.linear.gather [hbm4b:s8+s3], $0x1400, $0x38;
	[tilespmem:$0x1D380] =	vst v63  }
0x14: {  	_ = 	snop  }
0x15: {  	[tilespmem:s14], [sflag:$0x1] =	stream.linear.gather [hbm4b:s9+s3], $0x1400, $0x38;
	[tilespmem:$0x1D380] =	vst v63  }
0x16: {  	_ =	swait.ge [sflag:s15], $0x1E00  }
0x17: {  	[sflag:s15] =	ssyncset.done $0x0  }
0x18: {  	[sflag:s15] =	ssyncadd.s32 $0xFFFFE200  }
0x19: {  	_ =	swait.ge [sflag:s15], $0x1400  }
0x1a: {  	[sflag:s15] =	ssyncset.done $0x0  }
0x1b: {  	[sflag:s15] =	ssyncadd.s32 $0xFFFFEC00  }
0x1c: {  	_ =	swait.ge [sflag:s15], $0x1400  }
0x1d: {  	[sflag:s15] =	ssyncset.done $0x0  }
0x1e: {  	[sflag:s15] =	ssyncadd.s32 $0xFFFFEC00  }
0x1f: {  	[bflag:$0x0] =	sbarrier.arrive $0xFFFF  }
0x20: {  	[tilespmem:s17], [sflag:$0x1] =	stream.indirect.gather [hbm4b:s4+s16], $0x60, s3, s16, $0xb8;
	[tilespmem:$0x1D380] =	vst v63  }
0x21: {  	s0 =	simm.s32 $0x80;
	s1 =	simm.s32 $0x56E0  }
0x22: {  	[tilespmem:s1], [sflag:$0x1] =	stream.indirect.gather [hbm4b:s4+s16], $0x60, s0, s16, $0xb8;
	[tilespmem:$0x1D380] =	vst v63  }
0x23: {  	s19 =	simm.s32 $0x100;
	s20 =	simm.s32 $0x85C0  }
0x24: {  	[tilespmem:s20], [sflag:$0x1] =	stream.indirect.gather [hbm4b:s4+s16], $0x60, s19, s16, $0xb8;
	[tilespmem:$0x1D380] =	vst v63  }
0x25: {  	p1 =	por $0x0, $0x0  }
0x26: {  	[tilespmem:s23], [sflag:$0x1] =	stream.indirect.gather [hbm4b:s4+s16], $0x60, s22, s16, $0xb8;
	[tilespmem:$0x1D380] =	vst v63  }
0x27: {  	s29 =	simm.s32 $0x1480;
	s0 =	simm.s32 $0x4;
	_ =	swait.ge [sflag:s15], $0x2EE0  }
0x28: {  	s31 =	simm.s32 $0x5;
	s0 =	sand.u32 @!p1 $0x3, s0;
	[sflag:s15] =	ssyncset.done $0x0  }
0x29: {  	s18 =	simm.s32 $0x1;
	s0 =	smul.u32 @!p1 $0xBB80, s0;
	[sflag:s15] =	ssyncadd.s32 $0xFFFFD120  }
0x2a: {  	[spmem:s2] =	stream.indirect.scatter.add.f32 [tilespmem:s17], [sflag:$0x2], $0x60, s14, s16, $0xb8;
	[tilespmem:$0x1D380] =	vst v63  }
0x2b: {  	s30 =	simm.s32 @!p1 $0x7D;
	s18 =	sand.u32 $0x3, s18;
	_ =	swait.ge [sflag:s24], $0x2EE0  }
0x2c: {  	s18 =	smul.u32 $0xBB80, s18;
	s28 =	sshrl.u32 @!p1 s0, $0x2;
	[sflag:s24] =	ssyncset.done $0x0  }
0x2d: {  	s1 =	simm.s32 $0x200;
	s28 =	sadd.s32 @!p1 $0x2800, s28;
	[sflag:s24] =	ssyncadd.s32 $0xFFFFD120  }
0x2e: {  	[tilespmem:s28], [sflag:$0x1] =	stream.indirect.gather @!p1 [hbm4b:s4+s30], $0x60, s1, s30, $0xb8;
	[tilespmem:$0x1D380] =	vst v63  }
0x2f: {  	s0 =	simm.s32 $0x6;
	s30 =	simm.s32 $0x280;
	_ =	swait.ge [sflag:s15], $0x2EE0  }
0x30: {  	s1 =	simm.s32 $0x2;
	s28 =	simm.s32 $0x1500;
	[sflag:s15] =	ssyncset.done $0x0  }
.LBB2_2:
0x31: {  	p2 =	sgt.u32 s1, $0x24  }
0x32: {  	s18 =	sshrl.u32 s18, $0x2;
	s19 =	smov.u32 s0;
	s0 =	sadd.s32 $0x1, s0  }
0x33: {  	p1 =	sne.s32 s0, $0x2B;
	s31 =	sand.u32 @!p2 $0x3, s31;
	s18 =	sadd.s32 $0x2800, s18  }
0x34: {  	s20 =	smul.u32 @!p2 $0xBB80, s31;
	[sflag:s15] =	ssyncadd.s32 $0xFFFFD120;
	s31 =	smov.u32 s19  }
0x35: {  	[spmem:s2] =	stream.indirect.scatter.add.f32 [tilespmem:s18], [sflag:$0x2], $0x60, s29, s16, $0xb8;
	[tilespmem:$0x1D380] =	vst v63  }
0x36: {  	s29 =	smov.u32 s28;
	_ =	swait.ge [sflag:s24], $0x2EE0;
	s18 =	sshrl.u32 @!p2 s20, $0x2  }
.Ltmp0:
0x37: {  	[sflag:s24] =	ssyncset.done $0x0;
	s18 =	sadd.s32 @!p2 $0x2800, s18;
	(pc) =	sbr.rel @p1 .LBB2_2-.Ltmp0, $4  }
0x38: {  	s1 =	sand.u32 $0x3, s1;
	s19 =	simm.s32 @!p2 $0x7D;
	[sflag:s24] =	ssyncadd.s32 $0xFFFFD120  }
0x39: {  	[tilespmem:s18], [sflag:$0x1] =	stream.indirect.gather @!p2 [hbm4b:s4+s19], $0x60, s30, s19, $0xb8;
	[tilespmem:$0x1D380] =	vst v63  }
0x3a: {  	s18 =	smul.u32 $0xBB80, s1;
	s30 =	sadd.s32 $0x80, s30;
	_ =	swait.ge [sflag:s15], $0x2EE0  }
0x3b: {  	s28 =	sadd.s32 $0x80, s28;
	s1 =	sadd.s32 $0xFFFFFFFD, s31;
	[sflag:s15] =	ssyncset.done $0x0  }
0x3c: {  	p1 =	sgt.u32 s1, $0x24  }
0x3d: {  	s0 =	sshrl.u32 s18, $0x2;
	s18 =	sand.u32 @!p1 $0x3, s31  }
0x3e: {  	[sflag:s15] =	ssyncadd.s32 $0xFFFFD120;
	s0 =	sadd.s32 $0x2800, s0;
	s18 =	smul.u32 @!p1 $0xBB80, s18  }
0x3f: {  	[spmem:s2] =	stream.indirect.scatter.add.f32 [tilespmem:s0], [sflag:$0x2], $0x60, s29, s16, $0xb8;
	[tilespmem:$0x1D380] =	vst v63  }
0x40: {  	s29 =	sand.u32 $0x3, s1;
	_ =	swait.ge [sflag:s24], $0x2EE0  }
0x41: {  	s31 =	smul.u32 $0xBB80, s29;
	s0 =	sshrl.u32 @!p1 s18, $0x2;
	[sflag:s24] =	ssyncset.done $0x0  }
0x42: {  	s18 =	simm.s32 @!p1 $0x7D;
	s0 =	sadd.s32 @!p1 $0x2800, s0;
	[sflag:s24] =	ssyncadd.s32 $0xFFFFD120  }
0x43: {  	[tilespmem:s0], [sflag:$0x1] =	stream.indirect.gather @!p1 [hbm4b:s4+s18], $0x60, s30, s18, $0xb8;
	[tilespmem:$0x1D380] =	vst v63  }
0x44: {  	_ =	swait.ge [sflag:s15], $0x2EE0  }
0x45: {  	s0 =	sshrl.u32 s31, $0x2;
	[sflag:s15] =	ssyncset.done $0x0  }
0x46: {  	s0 =	sadd.s32 $0x2800, s0;
	[sflag:s15] =	ssyncadd.s32 $0xFFFFD120  }
0x47: {  	[spmem:s2] =	stream.indirect.scatter.add.f32 [tilespmem:s0], [sflag:$0x2], $0x60, s28, s16, $0xb8;
	[tilespmem:$0x1D380] =	vst v63  }
0x48: {  	_ =	swait.ge [sflag:s24], $0x2EE0  }
0x49: {  	[sflag:s24] =	ssyncset.done $0x0  }
0x4a: {  	[sflag:s24] =	ssyncadd.s32 $0xFFFFD120  }
0x4b: {  	s0 =	simm.s32 @p0 $0x1FC3;
	[bflag:$0x0] =	sbarrier.arrive $0xFFFF  }
0x4c: {  	[hbm:s11], [sflag:s0] =	dma.local @p0 [spmem:s25], $0x12C0  }
0x4d: {  	s0 =	simm.s32 @p0 $0x3  }
0x4e: {  	s26 =	sadd.s32 $0x1, s26;
	_ =	swait.ge @p0 [sflag:s0], $0x12C0  }
0x4f: {  	s1 =	sshll.u32 @!p0 s21, $0x6;
	p1 =	sne.s32 s26, s12;
	[sflag:s0] =	ssyncset.done @p0 $0x0  }
0x50: {  	[sflag:s0] =	ssyncadd.s32 @p0 $0xFFFFED40;
	s0 =	sor.u32 @!p0 $0x1C03, s1;
	s1 =	sshrl.u32 @!p0 s5, $0x3  }
0x51: {  	[hbm:s10], [sflag:s0] =	dma.local @!p0 [spmem:s1], $0x1E00  }
.Ltmp1:
0x52: {  	_ = 	snop;
	(pc) =	sbr.rel @p1 .LBB2_1-.Ltmp1, $4  }
0x53: {  	s0 =	simm.s32 @!p0 $0x3  }
0x54: {  	_ =	swait.ge @!p0 [sflag:s0], $0x1E00  }
0x55: {  	[sflag:s0] =	ssyncset.done @!p0 $0x0  }
0x56: {  	[sflag:s0] =	ssyncadd.s32 @!p0 $0xFFFFE200  }
0x57: {  	_ =	sfence.sel $0x180000  }
0x58: {  	[bflag:$0x0] =	sbarrier.arrive $0xFFFF  }
0x59: {  	_ =	strace $0x90000053  }
0x5a: {  	[bflag:$0x2] =	sbarrier.arrive $0xFFFF  }
0x5b: {  	p0 =	sne.s32 s21, $0x0;
	s0 =	rddreg [dreg:$0x2]  }
0x5c: {  	s0 =	sadd.s32 @!p0 $0x100000, s0  }
0x5d: {  	[sflag:s0] =	ssyncadd.tile.s32 @!p0 $0x1;
	_ =	shalt  }
.Lfunc_end2:
_tile_overlayer_lowered:
.L_overlay_start_2:
0x5e: {  	(tag) =	ssettag $0x2  }
0x5f: {  	s0 =	rddreg [dreg:$0x0];
	s2 =	stileid.u32  }
0x60: {  	s1 =	rddreg [dreg:$0x1];
	p0 =	sne.s32 s2, $0x0  }
0x61: {  	s3 =	rddreg [dreg:$0x2];
	[bflag:$0x3] =	sbarrier.arrive $0xFFFF;
	s2 =	simm.s32 @!p0 $0x1C03  }
0x62: {  	[timem:s3], [sflag:s2] =	dma.local @!p0 [hbm:s0], s1  }
0x63: {  	s0 =	simm.s32 @!p0 $0x3  }
0x64: {  	_ =	swait.ge @!p0 [sflag:s0], s1  }
0x65: {  	s1 =	ssub.s32 @!p0 $0x0, s1;
	[sflag:s0] =	ssyncset.done @!p0 $0x0  }
0x66: {  	[sflag:s0] =	ssyncadd.s32 @!p0 s1  }
0x67: {  	[bflag:$0x3] =	sbarrier.arrive $0xFFFF  }
0x68: {  	_ =	shalt  }

// kernel: kernel.36.cloned.1.call-start
scs
__scs_entry_jumppad:
0x0: {  	(pc) =	sbr.rel $0x88, $3  }
0x1: {  	(tag) =	ssettag $0x0;
	lr =	simm.s32 $0x1  }
0x2: {  	[smem:$0x3F80] =	sst lr;
	_ =	strace $0xD0000000  }
0x3: {  	_ = 	snop  }
0x4: {  	_ = 	snop  }
0x5: {  	_ = 	snop  }
0x6: {  	_ = 	snop  }
0x7: {  	_ = 	snop  }
__scs_overlays_trampoline_lowered:
0x8: {  	[smem:$0x3F8F] =	sst s0  }
0x9: {  	[smem:$0x3F90] =	sst s1  }
0xa: {  	[smem:$0x3F91] =	sst s2  }
0xb: {  	[smem:$0x3F92] =	sst s3  }
0xc: {  	[smem:$0x3F93] =	sst s4  }
0xd: {  	[smem:$0x3F94] =	sst s5  }
0xe: {  	[smem:$0x3F95] =	sst s6  }
0xf: {  	[smem:$0x3F96] =	sst s7  }
0x10: {  	[smem:$0x3F97] =	sst s8  }
0x11: {  	[smem:$0x3F98] =	sst s9;
	s0 =	simm.s32 @!p0 $0x0  }
0x12: {  	s1 =	sld [smem:$0x3F7E];
	s0 =	simm.s32 @p0 $0x1  }
0x13: {  	[smem:$0x3F99] =	sst s0;
	s0 =	simm.s32 @!p1 $0x0  }
0x14: {  	s2 =	sld [smem:$0x3F7D];
	s0 =	simm.s32 @p1 $0x1  }
0x15: {  	[smem:$0x3F9A] =	sst s0;
	s0 =	simm.s32 @!p2 $0x0  }
0x16: {  	s3 =	sld [smem:$0x3FDB];
	s0 =	simm.s32 @p2 $0x1  }
0x17: {  	s4 =	simm.s32 $0x1BF5;
	[smem:$0x3F9C] =	sst s0  }
0x18: {  	s0 =	sld [smem:$0x3F7F];
	_ =	swait.ge [sflag:s4], $0x0  }
0x19: {  	s7 =	sld [smem:$0x3F80]  }
0x1a: {  	s8 =	sadd.s32 $0xFFFFE003, lr  }
0x1b: {  	s9 =	sadd.s32 $0xFFFFFEF7, lr;
	s5 =	simm.s32 $0xFFFFFFFF;
	p2 =	slt.u32 s8, $0xFFFFF086  }
0x1c: {  	p1 =	slt.u32 s9, $0xF7A;
	s5 =	simm.s32 @!p2 $0x0  }
0x1d: {  	s5 =	simm.s32 @p1 $0x1;
	p0 =	seq.s32 s7, s2  }
0x1e: {  	s7 =	smul.u32 @!p0 $0xF7A, s2;
	p2 =	seq.s32 @!p0 s5, $0x0  }
0x1f: {  	s9 =	smul.u32 $0xF7A, s1;
	s8 =	simm.s32 @!p0 $0x1BF5;
	p2 =	por !p2, p0  }
0x20: {  	[sflag:s8] =	ssyncset.s32 @!p0 $0xFFFFF086;
	s6 =	sadd.s32 @!p0 s3, s7;
	s7 =	simm.s32 @!p0 $0x108  }
0x21: {  	s3 =	sadd.s32 s3, s9;
	s6 =	sadd.s32 @!p0 $0x88, s6;
	s7 =	simm.s32 @p2 $0x1082  }
0x22: {  	[simem:s7], [sflag:s8] =	dma.local @!p0 [hbm:s6], $0xF7A  }
0x23: {  	s9 =	sor.u32 $0xD0000000, s2;
	s6 =	simm.s32 $0x108;
	_ =	swait.ge @!p0 [sflag:s8], $0x0  }
0x24: {  	s3 =	sadd.s32 $0x88, s3;
	s6 =	simm.s32 @!p1 $0x1082;
	[sflag:s4] =	ssyncset.s32 $0xFFFFF086  }
0x25: {  	[simem:s6], [sflag:s4] =	dma.local [hbm:s3], $0xF7A  }
0x26: {  	[smem:$0x3F80] =	sst s1;
	(tag) =	ssettag s2;
	_ =	strace s9  }
0x27: {  	s1 =	sld [smem:$0x3F90]  }
0x28: {  	s2 =	sld [smem:$0x3F91]  }
0x29: {  	s4 =	sld [smem:$0x3F93]  }
0x2a: {  	p0 =	seq.s32 s5, $0x0;
	s5 =	sld [smem:$0x3F94]  }
0x2b: {  	s6 =	sld [smem:$0x3F95]  }
0x2c: {  	s7 =	sld [smem:$0x3F96]  }
0x2d: {  	s3 =	simm.s32 $0x108;
	s8 =	sld [smem:$0x3F97]  }
0x2e: {  	s3 =	simm.s32 @!p0 $0x1082;
	s9 =	sld [smem:$0x3F98]  }
0x2f: {  	lr =	sadd.s32 s0, s3;
	s0 =	sld [smem:$0x3F8F]  }
0x30: {  	s3 =	sld [smem:$0x3F92]  }
0x31: {  	[smem:$0x3F9B] =	sst s10  }
0x32: {  	s10 =	sld [smem:$0x3F99];
	_ =	sdelay $0x3  }
0x33: {  	p0 =	seq.s32 s10, $0x1;
	s10 =	sld [smem:$0x3F9B];
	_ =	sdelay $0x3  }
0x34: {  	[smem:$0x3F9B] =	sst s10  }
0x35: {  	s10 =	sld [smem:$0x3F9A];
	_ =	sdelay $0x3  }
0x36: {  	p1 =	seq.s32 s10, $0x1;
	s10 =	sld [smem:$0x3F9B];
	_ =	sdelay $0x3  }
0x37: {  	[smem:$0x3F9B] =	sst s10  }
0x38: {  	s10 =	sld [smem:$0x3F9C]  }
0x39: {  	_ = 	snop;
	(pc) =	sbr.ind lr, $3  }
0x3a: {  	_ = 	snop  }
0x3b: {  	_ = 	snop  }
0x3c: {  	p2 =	seq.s32 s10, $0x1;
	s10 =	sld [smem:$0x3F9B]  }
0x3d: {  	_ =	shalt  }
0x3e: {  	_ =	shalt  }
0x3f: {  	_ =	shalt  }
0x40: {  	_ =	shalt  }
0x41: {  	_ =	shalt  }
0x42: {  	_ =	shalt  }
0x43: {  	_ =	shalt  }
0x44: {  	_ =	shalt  }
0x45: {  	_ =	shalt  }
0x46: {  	_ =	shalt  }
0x47: {  	_ =	shalt  }
0x48: {  	_ =	shalt  }
0x49: {  	_ =	shalt  }
0x4a: {  	_ =	shalt  }
0x4b: {  	_ =	shalt  }
0x4c: {  	_ =	shalt  }
0x4d: {  	_ =	shalt  }
0x4e: {  	_ =	shalt  }
0x4f: {  	_ =	shalt  }
0x50: {  	_ =	shalt  }
0x51: {  	_ =	shalt  }
0x52: {  	_ =	shalt  }
0x53: {  	_ =	shalt  }
0x54: {  	_ =	shalt  }
0x55: {  	_ =	shalt  }
0x56: {  	_ =	shalt  }
0x57: {  	_ =	shalt  }
0x58: {  	_ =	shalt  }
0x59: {  	_ =	shalt  }
0x5a: {  	_ =	shalt  }
0x5b: {  	_ =	shalt  }
0x5c: {  	_ =	shalt  }
0x5d: {  	_ =	shalt  }
0x5e: {  	_ =	shalt  }
0x5f: {  	_ =	shalt  }
0x60: {  	_ =	shalt  }
0x61: {  	_ =	shalt  }
0x62: {  	_ =	shalt  }
0x63: {  	_ =	shalt  }
0x64: {  	_ =	shalt  }
0x65: {  	_ =	shalt  }
0x66: {  	_ =	shalt  }
0x67: {  	_ =	shalt  }
0x68: {  	_ =	shalt  }
0x69: {  	_ =	shalt  }
0x6a: {  	_ =	shalt  }
0x6b: {  	_ =	shalt  }
0x6c: {  	_ =	shalt  }
0x6d: {  	_ =	shalt  }
0x6e: {  	_ =	shalt  }
0x6f: {  	_ =	shalt  }
0x70: {  	_ =	shalt  }
0x71: {  	_ =	shalt  }
0x72: {  	_ =	shalt  }
0x73: {  	_ =	shalt  }
0x74: {  	_ =	shalt  }
0x75: {  	_ =	shalt  }
0x76: {  	_ =	shalt  }
0x77: {  	_ =	shalt  }
0x78: {  	_ =	shalt  }
0x79: {  	_ =	shalt  }
0x7a: {  	_ =	shalt  }
0x7b: {  	_ =	shalt  }
0x7c: {  	_ =	shalt  }
0x7d: {  	_ =	shalt  }
0x7e: {  	_ =	shalt  }
0x7f: {  	_ =	shalt  }
0x80: {  	_ =	shalt  }
0x81: {  	_ =	shalt  }
0x82: {  	_ =	shalt  }
0x83: {  	_ =	shalt  }
0x84: {  	_ =	shalt  }
0x85: {  	_ =	shalt  }
0x86: {  	_ =	shalt  }
0x87: {  	_ =	shalt  }
.Lfunc_end0:
.L_simem_size_0:
called_computation.5_lowered:
.L_overlay_start_0:
0x88: {  	s2 =	sld [smem:$0x3FD9]  }
0x89: {  	s3 =	sld [smem:$0x3FFE];
	_ =	sdelay $0x1  }
0x8a: {  	s1 =	srdreg.scid  }
0x8b: {  	s0 =	sand.u32 $0x1, s1  }
0x8c: {  	s17 =	sshll.u32 s0, $0xA;
	s2 =	sadd.s32 s3, s2  }
0x8d: {  	s2 =	sadd.s32 s2, s17  }
0x8e: {  	[smem:$0x3FA7] =	sst s2  }
0x8f: {  	_ = 	snop  }
0x90: {  	s2 =	sld [smem:$0x3FD0];
	(tm) =	ssettm $0x1  }
0x91: {  	s18 =	sld [smem:$0x3FFB];
	_ =	sdelay $0x3  }
0x92: {  	_ =	strace s18  }
0x93: {  	s3 =	sld [smem:$0x3FFC];
	_ =	sdelay $0x3  }
0x94: {  	_ =	strace s3  }
0x95: {  	s3 =	sld [smem:$0x3FFD];
	_ =	sdelay $0x3  }
0x96: {  	_ =	strace s3  }
0x97: {  	_ =	strace $0x8FFFFFFF  }
0x98: {  	s19 =	sld [smem:$0x3FDB];
	_ =	sdelay $0x1  }
0x99: {  	s4 =	simm.s32 $_scs_section_size  }
0x9a: {  	s5 =	simm.s32 $_size__tile_overlayer_lowered;
	s6 =	simm.s32 $_tile_overlayer_lowered  }
0x9b: {  	s22 =	simm.s32 $0x1BFF;
	s21 =	sshll.u32 s6, $0x1;
	s3 =	sadd.s32 s4, s19  }
0x9c: {  	s7 =	simm.s32 $0x0;
	s20 =	sshll.u32 s5, $0x1;
	s5 =	sadd.s32 s21, s3  }
0x9d: {  	[timem:s7], [sflag:s22] =	dma.local [hbm:s5], s20  }
0x9e: {  	_ =	swait.ge [sflag:s22], s20  }
0x9f: {  	s4 =	ssub.s32 $0x0, s20;
	[sflag:s22] =	ssyncset.done $0x0  }
0xa0: {  	[sflag:s22] =	ssyncadd.s32 s4;
	_ =	sdelay $0x1  }
0xa1: {  	s23 =	simm.s32 $0x1B8B  }
0xa2: {  	_ =	swait.ge [sflag:s23], $0x1  }
0xa3: {  	[sflag:s23] =	ssyncset.done $0x0  }
0xa4: {  	s25 =	simm.s32 $0x1B8E;
	s24 =	sld [smem:$0x3FFE];
	[sflag:s23] =	ssyncadd.s32 $0xFFFFFFFF  }
0xa5: {  	s26 =	simm.s32 $execute0_lowered;
	[smem:$0x3FD2] =	sst s25  }
0xa6: {  	s5 =	sshll.u32 s26, $0x1;
	_ =	strace $0x80000055;
	[dreg:$0x1] =	wrdreg $0xFFFFFFFF  }
0xa7: {  	s28 =	simm.s32 $_size_execute0_lowered;
	s3 =	sadd.s32 s3, s5;
	[dreg:$0x0] =	wrdreg $0x0  }
0xa8: {  	s5 =	sshll.u32 s28, $0x1;
	[dreg:$0x2] =	wrdreg s3  }
0xa9: {  	[dreg:$0x3] =	wrdreg s5  }
0xaa: {  	[dreg:$0x4] =	wrdreg $0xC0  }
0xab: {  	_ =	task [dreg:s7], $0x5FFFF  }
0xac: {  	[dreg:$0x1] =	wrdreg $0xFFFFFFFF  }
0xad: {  	[dreg:$0x0] =	wrdreg $0x60  }
0xae: {  	[dreg:$0x2] =	wrdreg s24  }
0xaf: {  	[dreg:$0x3] =	wrdreg s2  }
0xb0: {  	[dreg:$0x4] =	wrdreg $0xE3800  }
0xb1: {  	[dreg:$0x5] =	wrdreg $0x9  }
0xb2: {  	_ =	task.clear_ibuf [dreg:s7], $0x6FFFF;
	_ =	strace $0x90000055  }
0xb3: {  	s29 =	simm.s32 $0x9;
	_ =	strace $0x80000057  }
0xb4: {  	_ =	swait.ge [sflag:s29], $0x1  }
0xb5: {  	[sflag:s29] =	ssyncadd.s32 $0xFFFFFFFF  }
0xb6: {  	_ =	strace $0x90000057  }
0xb7: {  	_ =	sfence  }
0xb8: {  	s30 =	sld [smem:$0x0];
	_ =	sdelay $0x2  }
0xb9: {  	s31 =	sshll.u32 s1, $0xD;
	s1 =	sshrl.u32 s1, $0x2  }
0xba: {  	s3 =	sand.u32 $0x4000, s31;
	s1 =	sadd.s32 s1, s30  }
0xbb: {  	s0 =	sor.u32 s3, s0;
	s1 =	sshll.u32 s1, $0x11  }
0xbc: {  	s0 =	sor.u32 s1, s0  }
0xbd: {  	s0 =	sadd.s32 $0x8F2B, s0  }
0xbe: {  	[sflag:s0] =	ssyncadd.remote.s32 $0x1  }
0xbf: {  	_ =	sfence.sel $0xFFFF  }
0xc0: {  	[dreg:$0x0] =	wrdreg $0xFFFFFFFF;
	(pc) =	sbr.abs _section_cstart, $3  }
0xc1: {  	[dreg:$0x1] =	wrdreg $0xFFFFFFFF  }
0xc2: {  	_ =	task.clear_ibuf [dreg:s7], $0x2FFFF;
	_ =	strace $0x9FFFFFFF  }
0xc3: {  	(tm) =	ssettm $0x7FFFFFFF  }
tec
execute0_lowered:
.L_overlay_start_1:
0x0: {  	(tag) =	ssettag $0x1  }
0x1: {  	s0 =	rddreg [dreg:$0x0]  }
0x2: {  	s1 =	srdreg.scid;
	s11 =	rddreg [dreg:$0x1]  }
0x3: {  	s18 =	stileid.u32;
	s2 =	rddreg [dreg:$0x2]  }
0x4: {  	s14 =	simm.s32 $0x1400;
	s15 =	simm.s32 $0x1;
	s16 =	simm.s32 $0x7D  }
0x5: {  	s17 =	simm.s32 $0x2800;
	s22 =	simm.s32 $0x180;
	s23 =	simm.s32 $0xB4A0  }
0x6: {  	s21 =	stileid.u32;
	s24 =	simm.s32 $0x2;
	s26 =	simm.s32 $0x0  }
0x7: {  	s1 =	sand.u32 $0x1, s1;
	s3 =	sshll.u32 s18, $0x1;
	s8 =	smul.u32 $0xF000, s18  }
0x8: {  	s7 =	sshll.u32 s18, $0x6;
	p0 =	seq.s32 s18, $0xF;
	s4 =	sor.u32 s1, s3  }
0x9: {  	s3 =	simm.s32 $0x0;
	s6 =	ssub.s32 $0x2, s1;
	s1 =	smul.u32 $0xEA600, s1  }
0xa: {  	s7 =	sor.u32 $0x1C01, s7;
	s5 =	smul.u32 $0x280, s4;
	[smem:$0x7FF] =	sst s3  }
0xb: {  	s4 =	sadd.s32 $0x42A00, s0;
	s28 =	sshrl.u32 s8, $0x3;
	s29 =	sshrl.u32 s6, $0x1  }
0xc: {  	_ =	strace $0x80000056;
	s12 =	ssub.s32 s6, s29;
	s30 =	sadd.s32 s8, s1  }
0xd: {  	s1 =	sshrl.u32 s1, $0x3;
	s9 =	sadd.s32 s5, s0;
	s0 =	sadd.s32 s28, s0  }
0xe: {  	s5 =	sadd.s32 s8, s2;
	s31 =	sadd.s32 s11, s1;
	s12 =	smax.u32 s12, $0x1  }
0xf: {  	s6 =	sadd.s32 $0x60000, s0;
	s8 =	sadd.s32 $0x16800, s9;
	s0 =	sshrl.u32 s30, $0x3  }
0x10: {  	s9 =	sadd.s32 $0x11800, s9;
	s10 =	sadd.s32 s11, s0;
	s0 =	sadd.s32 $0xE1000, s2  }
0x11: {  	s13 =	sshrl.u32 s5, $0x3;
	s11 =	sadd.s32 $0x1C200, s31;
	s25 =	sshrl.u32 @p0 s0, $0x3  }
.LBB2_1:
0x12: {  	[spmem:s13], [sflag:s7] =	dma.local [hbm:s6], $0x1E00  }
0x13: {  	[tilespmem:s3], [sflag:$0x1] =	stream.linear.gather [hbm4b:s8+s3], $0x1400, $0x38;
	[tilespmem:$0x1D380] =	vst v63  }
0x14: {  	_ = 	snop  }
0x15: {  	[tilespmem:s14], [sflag:$0x1] =	stream.linear.gather [hbm4b:s9+s3], $0x1400, $0x38;
	[tilespmem:$0x1D380] =	vst v63  }
0x16: {  	_ =	swait.ge [sflag:s15], $0x1E00  }
0x17: {  	[sflag:s15] =	ssyncset.done $0x0  }
0x18: {  	[sflag:s15] =	ssyncadd.s32 $0xFFFFE200  }
0x19: {  	_ =	swait.ge [sflag:s15], $0x1400  }
0x1a: {  	[sflag:s15] =	ssyncset.done $0x0  }
0x1b: {  	[sflag:s15] =	ssyncadd.s32 $0xFFFFEC00  }
0x1c: {  	_ =	swait.ge [sflag:s15], $0x1400  }
0x1d: {  	[sflag:s15] =	ssyncset.done $0x0  }
0x1e: {  	[sflag:s15] =	ssyncadd.s32 $0xFFFFEC00  }
0x1f: {  	[bflag:$0x0] =	sbarrier.arrive $0xFFFF  }
0x20: {  	[tilespmem:s17], [sflag:$0x1] =	stream.indirect.gather [hbm4b:s4+s16], $0x60, s3, s16, $0xb8;
	[tilespmem:$0x1D380] =	vst v63  }
0x21: {  	s0 =	simm.s32 $0x80;
	s1 =	simm.s32 $0x56E0  }
0x22: {  	[tilespmem:s1], [sflag:$0x1] =	stream.indirect.gather [hbm4b:s4+s16], $0x60, s0, s16, $0xb8;
	[tilespmem:$0x1D380] =	vst v63  }
0x23: {  	s19 =	simm.s32 $0x100;
	s20 =	simm.s32 $0x85C0  }
0x24: {  	[tilespmem:s20], [sflag:$0x1] =	stream.indirect.gather [hbm4b:s4+s16], $0x60, s19, s16, $0xb8;
	[tilespmem:$0x1D380] =	vst v63  }
0x25: {  	p1 =	por $0x0, $0x0  }
0x26: {  	[tilespmem:s23], [sflag:$0x1] =	stream.indirect.gather [hbm4b:s4+s16], $0x60, s22, s16, $0xb8;
	[tilespmem:$0x1D380] =	vst v63  }
0x27: {  	s29 =	simm.s32 $0x1480;
	s0 =	simm.s32 $0x4;
	_ =	swait.ge [sflag:s15], $0x2EE0  }
0x28: {  	s18 =	simm.s32 $0x200;
	s0 =	sand.u32 @!p1 $0x3, s0;
	[sflag:s15] =	ssyncset.done $0x0  }
0x29: {  	s31 =	simm.s32 $0x5;
	s0 =	smul.u32 @!p1 $0xBB80, s0;
	[sflag:s15] =	ssyncadd.s32 $0xFFFFD120  }
0x2a: {  	[spmem:s2] =	stream.indirect.scatter.add.f32 [tilespmem:s17], [sflag:$0x2], $0x60, s14, s16, $0xb8;
	[tilespmem:$0x1D380] =	vst v63  }
0x2b: {  	s28 =	simm.s32 $0x1;
	s30 =	simm.s32 @!p1 $0x7D;
	_ =	swait.ge [sflag:s24], $0x2EE0  }
0x2c: {  	s28 =	sand.u32 $0x3, s28;
	s0 =	sshrl.u32 @!p1 s0, $0x2;
	[sflag:s24] =	ssyncset.done $0x0  }
0x2d: {  	s1 =	simm.s32 $0x6;
	s0 =	sadd.s32 @!p1 $0x2800, s0;
	[sflag:s24] =	ssyncadd.s32 $0xFFFFD120  }
0x2e: {  	[tilespmem:s0], [sflag:$0x1] =	stream.indirect.gather @!p1 [hbm4b:s4+s30], $0x60, s18, s30, $0xb8;
	[tilespmem:$0x1D380] =	vst v63  }
0x2f: {  	s18 =	smul.u32 $0xBB80, s28;
	s30 =	simm.s32 $0x280;
	_ =	swait.ge [sflag:s15], $0x2EE0  }
0x30: {  	s0 =	simm.s32 $0x2;
	s28 =	simm.s32 $0x1500;
	[sflag:s15] =	ssyncset.done $0x0  }
.LBB2_2:
0x31: {  	p2 =	sgt.u32 s0, $0x24  }
0x32: {  	s18 =	sshrl.u32 s18, $0x2;
	s19 =	smov.u32 s1;
	s1 =	sadd.s32 $0x1, s1  }
0x33: {  	p1 =	sne.s32 s1, $0x2B;
	s31 =	sand.u32 @!p2 $0x3, s31;
	s18 =	sadd.s32 $0x2800, s18  }
0x34: {  	s20 =	smul.u32 @!p2 $0xBB80, s31;
	[sflag:s15] =	ssyncadd.s32 $0xFFFFD120;
	s31 =	smov.u32 s19  }
0x35: {  	[spmem:s2] =	stream.indirect.scatter.add.f32 [tilespmem:s18], [sflag:$0x2], $0x60, s29, s16, $0xb8;
	[tilespmem:$0x1D380] =	vst v63  }
0x36: {  	s29 =	smov.u32 s28;
	_ =	swait.ge [sflag:s24], $0x2EE0;
	s18 =	sshrl.u32 @!p2 s20, $0x2  }
.Ltmp0:
0x37: {  	[sflag:s24] =	ssyncset.done $0x0;
	s18 =	sadd.s32 @!p2 $0x2800, s18;
	(pc) =	sbr.rel @p1 .LBB2_2-.Ltmp0, $4  }
0x38: {  	s0 =	sand.u32 $0x3, s0;
	s19 =	simm.s32 @!p2 $0x7D;
	[sflag:s24] =	ssyncadd.s32 $0xFFFFD120  }
0x39: {  	[tilespmem:s18], [sflag:$0x1] =	stream.indirect.gather @!p2 [hbm4b:s4+s19], $0x60, s30, s19, $0xb8;
	[tilespmem:$0x1D380] =	vst v63  }
0x3a: {  	s18 =	smul.u32 $0xBB80, s0;
	s30 =	sadd.s32 $0x80, s30;
	_ =	swait.ge [sflag:s15], $0x2EE0  }
0x3b: {  	s28 =	sadd.s32 $0x80, s28;
	s0 =	sadd.s32 $0xFFFFFFFD, s31;
	[sflag:s15] =	ssyncset.done $0x0  }
0x3c: {  	p1 =	sgt.u32 s0, $0x24  }
0x3d: {  	s1 =	sshrl.u32 s18, $0x2;
	s18 =	sand.u32 @!p1 $0x3, s31  }
0x3e: {  	[sflag:s15] =	ssyncadd.s32 $0xFFFFD120;
	s1 =	sadd.s32 $0x2800, s1;
	s18 =	smul.u32 @!p1 $0xBB80, s18  }
0x3f: {  	[spmem:s2] =	stream.indirect.scatter.add.f32 [tilespmem:s1], [sflag:$0x2], $0x60, s29, s16, $0xb8;
	[tilespmem:$0x1D380] =	vst v63  }
0x40: {  	s31 =	sand.u32 $0x3, s0;
	_ =	swait.ge [sflag:s24], $0x2EE0  }
0x41: {  	s0 =	smul.u32 $0xBB80, s31;
	s1 =	sshrl.u32 @!p1 s18, $0x2;
	[sflag:s24] =	ssyncset.done $0x0  }
0x42: {  	s18 =	simm.s32 @!p1 $0x7D;
	s1 =	sadd.s32 @!p1 $0x2800, s1;
	[sflag:s24] =	ssyncadd.s32 $0xFFFFD120  }
0x43: {  	[tilespmem:s1], [sflag:$0x1] =	stream.indirect.gather @!p1 [hbm4b:s4+s18], $0x60, s30, s18, $0xb8;
	[tilespmem:$0x1D380] =	vst v63  }
0x44: {  	_ =	swait.ge [sflag:s15], $0x2EE0  }
0x45: {  	s0 =	sshrl.u32 s0, $0x2;
	[sflag:s15] =	ssyncset.done $0x0  }
0x46: {  	s0 =	sadd.s32 $0x2800, s0;
	[sflag:s15] =	ssyncadd.s32 $0xFFFFD120  }
0x47: {  	[spmem:s2] =	stream.indirect.scatter.add.f32 [tilespmem:s0], [sflag:$0x2], $0x60, s28, s16, $0xb8;
	[tilespmem:$0x1D380] =	vst v63  }
0x48: {  	_ =	swait.ge [sflag:s24], $0x2EE0  }
0x49: {  	[sflag:s24] =	ssyncset.done $0x0  }
0x4a: {  	[sflag:s24] =	ssyncadd.s32 $0xFFFFD120  }
0x4b: {  	s0 =	simm.s32 @p0 $0x1FC3;
	[bflag:$0x0] =	sbarrier.arrive $0xFFFF  }
0x4c: {  	[hbm:s11], [sflag:s0] =	dma.local @p0 [spmem:s25], $0x12C0  }
0x4d: {  	s0 =	simm.s32 @p0 $0x3  }
0x4e: {  	s26 =	sadd.s32 $0x1, s26;
	_ =	swait.ge @p0 [sflag:s0], $0x12C0  }
0x4f: {  	s1 =	sshll.u32 @!p0 s21, $0x6;
	p1 =	sne.s32 s26, s12;
	[sflag:s0] =	ssyncset.done @p0 $0x0  }
0x50: {  	[sflag:s0] =	ssyncadd.s32 @p0 $0xFFFFED40;
	s0 =	sor.u32 @!p0 $0x1C03, s1;
	s1 =	sshrl.u32 @!p0 s5, $0x3  }
0x51: {  	[hbm:s10], [sflag:s0] =	dma.local @!p0 [spmem:s1], $0x1E00  }
.Ltmp1:
0x52: {  	_ = 	snop;
	(pc) =	sbr.rel @p1 .LBB2_1-.Ltmp1, $4  }
0x53: {  	s0 =	simm.s32 @!p0 $0x3  }
0x54: {  	_ =	swait.ge @!p0 [sflag:s0], $0x1E00  }
0x55: {  	[sflag:s0] =	ssyncset.done @!p0 $0x0  }
0x56: {  	[sflag:s0] =	ssyncadd.s32 @!p0 $0xFFFFE200  }
0x57: {  	_ =	sfence.sel $0x180000  }
0x58: {  	[bflag:$0x0] =	sbarrier.arrive $0xFFFF  }
0x59: {  	_ =	strace $0x90000056  }
0x5a: {  	[bflag:$0x2] =	sbarrier.arrive $0xFFFF  }
0x5b: {  	p0 =	sne.s32 s21, $0x0;
	s0 =	rddreg [dreg:$0x3]  }
0x5c: {  	s0 =	sadd.s32 @!p0 $0x100000, s0  }
0x5d: {  	[sflag:s0] =	ssyncadd.tile.s32 @!p0 $0x1;
	_ =	shalt  }
.Lfunc_end2:
_tile_overlayer_lowered:
.L_overlay_start_2:
0x5e: {  	(tag) =	ssettag $0x2  }
0x5f: {  	s0 =	rddreg [dreg:$0x0];
	s2 =	stileid.u32  }
0x60: {  	s1 =	rddreg [dreg:$0x1];
	p0 =	sne.s32 s2, $0x0  }
0x61: {  	s3 =	rddreg [dreg:$0x2];
	[bflag:$0x3] =	sbarrier.arrive $0xFFFF;
	s2 =	simm.s32 @!p0 $0x1C03  }
0x62: {  	[timem:s3], [sflag:s2] =	dma.local @!p0 [hbm:s0], s1  }
0x63: {  	s0 =	simm.s32 @!p0 $0x3  }
0x64: {  	_ =	swait.ge @!p0 [sflag:s0], s1  }
0x65: {  	s1 =	ssub.s32 @!p0 $0x0, s1;
	[sflag:s0] =	ssyncset.done @!p0 $0x0  }
0x66: {  	[sflag:s0] =	ssyncadd.s32 @!p0 s1  }
0x67: {  	[bflag:$0x3] =	sbarrier.arrive $0xFFFF  }
0x68: {  	_ =	shalt  }

</sc_bundles>
